<compile_context>
chip_gen: v7x
topology: tpu7x:2x2x1
jax: 0.10.2.dev20260603
libtpu: 0.0.44.dev20260713+nightly
codegen_flags: <defaults>
</compile_context>

<pallas_src>
import functools

import jax
import jax.numpy as jnp
from jax import lax
from jax.experimental import pallas as pl
from jax.experimental.pallas import tpu as pltpu
from jax.experimental.pallas import tpu_sc as plsc

N = 10000
E = 320000
HID = 128
NL = 5
K = 20

EB = 2560
RB = 2000

NW = 32
GC = 128
G_PER_TILE = 160
G_CHUNKS = NW * G_PER_TILE
EPAD = 327680
S_PER_TILE = (EPAD // GC) // NW
NA = 10112

_INTERPRET = False


def _dot(a, b):
    return jnp.dot(a, b, preferred_element_type=jnp.float32)


def _enc_body(x_ref, w_ref, b_ref, o_ref):
    o_ref[...] = _dot(x_ref[...], w_ref[...]) + b_ref[...]


def _encode(x, ne_W, ne_b):
    return pl.pallas_call(
        _enc_body,
        out_shape=jax.ShapeDtypeStruct((N, HID), jnp.float32),
        interpret=_INTERPRET,
    )(x, ne_W, ne_b.reshape(1, HID))


def _gather_sc_body(table_hbm, idx_hbm, out_hbm, idx_v, rows_v, sem):
    wid = lax.axis_index("s") * 2 + lax.axis_index("c")
    pltpu.sync_copy(idx_hbm.at[pl.ds(wid * G_PER_TILE, G_PER_TILE)], idx_v)

    def group(g, carry):
        base = wid * G_PER_TILE + g * 4
        cps = [pltpu.async_copy(table_hbm.at[idx_v.at[g * 4 + b]],
                                rows_v.at[b], sem)
               for b in range(4)]
        for b in range(4):
            cps[b].wait()
            pltpu.sync_copy(rows_v.at[b], out_hbm.at[pl.ds((base + b) * GC, GC)])
        return carry

    lax.fori_loop(0, G_PER_TILE // 4, group, 0)


def _gather(h_v, idx2d):
    return pl.kernel(
        _gather_sc_body,
        out_type=jax.ShapeDtypeStruct((G_CHUNKS * GC, HID), jnp.float32),
        mesh=plsc.VectorSubcoreMesh(core_axis_name="c", subcore_axis_name="s"),
        scratch_types=[
            pltpu.VMEM((G_PER_TILE, GC), jnp.int32),
            pltpu.VMEM((4, GC, HID), jnp.float32),
            pltpu.SemaphoreType.DMA,
        ],
    )(h_v, idx2d)


def _scatter_sc_body(contrib_hbm, didx_hbm, zeros_hbm, out_hbm,
                     didx_v, buf_v, acc_shr):
    c = lax.axis_index("c")
    s = lax.axis_index("s")
    wid = s * 2 + c
    pltpu.sync_copy(zeros_hbm.at[pl.ds(s * 632, 632)],
                    acc_shr.at[pl.ds(s * 632, 632)])
    pltpu.sync_copy(didx_hbm.at[pl.ds(wid * S_PER_TILE, S_PER_TILE)], didx_v)
    plsc.subcore_barrier()

    def chunk(g, carry):
        cid = wid * S_PER_TILE + g
        pltpu.sync_copy(contrib_hbm.at[pl.ds(cid * GC, GC)], buf_v)
        pltpu.sync_copy(buf_v, acc_shr.at[didx_v.at[g]], add=True)
        return carry

    lax.fori_loop(0, S_PER_TILE, chunk, 0)
    plsc.subcore_barrier()
    pltpu.sync_copy(acc_shr.at[pl.ds(s * 632, 632)],
                    out_hbm.at[c, pl.ds(s * 632, 632)])


def _scatter(contrib, didx2d, zeros_na):
    return pl.kernel(
        _scatter_sc_body,
        out_type=jax.ShapeDtypeStruct((2, NA, HID), jnp.float32),
        mesh=plsc.VectorSubcoreMesh(core_axis_name="c", subcore_axis_name="s"),
        scratch_types=[
            pltpu.VMEM((S_PER_TILE, GC), jnp.int32),
            pltpu.VMEM((GC, HID), jnp.float32),
            pltpu.VMEM_SHARED((NA, HID), jnp.float32),
        ],
    )(contrib, didx2d, zeros_na)


def _edge_body(xd_ref, xs_ref, ea_ref, eew_ref, eeb_ref,
               f1_ref, f1b_ref, f2_ref, f2b_ref,
               g1_ref, g1b_ref, g2_ref, g2b_ref, o_ref):
    xd = xd_ref[...]
    xs = xs_ref[...]
    ea = ea_ref[...]
    eew = eew_ref[...]
    eeb = eeb_ref[...]

    he = ea * eew + eeb
    cat = jnp.concatenate([xd, xs, he], axis=1)

    def branch(w1_ref, b1_ref, w2_ref, b2_ref):
        pre = _dot(cat, w1_ref[...]) + b1_ref[...]
        h = jnp.maximum(pre, 0.0)
        return _dot(h, w2_ref[...]) + b2_ref[...]

    m = branch(f1_ref, f1b_ref, f2_ref, f2b_ref)
    a = branch(g1_ref, g1b_ref, g2_ref, g2b_ref)
    o_ref[...] = m * a


def _edge_mlp(xd, xs, ea2, eew, eeb, f1, f1b, f2, f2b, g1, g1b, g2, g2b):
    ne = xd.shape[0]
    nb = ne // EB
    blk = lambda i: (i, 0)
    w0 = lambda i: (0, 0)
    return pl.pallas_call(
        _edge_body,
        grid=(nb,),
        in_specs=[
            pl.BlockSpec((EB, HID), blk),
            pl.BlockSpec((EB, HID), blk),
            pl.BlockSpec((EB, 1), blk),
            pl.BlockSpec((1, HID), w0),
            pl.BlockSpec((1, HID), w0),
            pl.BlockSpec((3 * HID, HID), w0),
            pl.BlockSpec((1, HID), w0),
            pl.BlockSpec((HID, HID), w0),
            pl.BlockSpec((1, HID), w0),
            pl.BlockSpec((3 * HID, HID), w0),
            pl.BlockSpec((1, HID), w0),
            pl.BlockSpec((HID, HID), w0),
            pl.BlockSpec((1, HID), w0),
        ],
        out_specs=pl.BlockSpec((EB, HID), blk),
        out_shape=jax.ShapeDtypeStruct((ne, HID), jnp.float32),
        interpret=_INTERPRET,
    )(xd, xs, ea2, eew, eeb, f1, f1b.reshape(1, HID), f2, f2b.reshape(1, HID),
      g1, g1b.reshape(1, HID), g2, g2b.reshape(1, HID))


def _gru_body(h_ref, p0_ref, p1_ref, ABr_ref, ABz_ref, ABn_ref, bih_ref,
              Wr_ref, Wz_ref, Wn_ref, bhh_ref,
              o_ref, gr_scr, gz_scr, gn_scr, h_scr):
    @pl.when(pl.program_id(0) == 0)
    def _():
        h_scr[...] = jnp.zeros((1, HID), jnp.float32)

    gru_in = jnp.concatenate([h_ref[...], p0_ref[...] + p1_ref[...]], axis=1)
    bih = bih_ref[...]
    gr_scr[...] = _dot(gru_in, ABr_ref[...]) + bih[:, :HID]
    gz_scr[...] = _dot(gru_in, ABz_ref[...]) + bih[:, HID:2 * HID]
    gn_scr[...] = _dot(gru_in, ABn_ref[...]) + bih[:, 2 * HID:]
    Wr = Wr_ref[...]
    Wz = Wz_ref[...]
    Wn = Wn_ref[...]
    bhh = bhh_ref[...]
    bhr = bhh[:, :HID]
    bhz = bhh[:, HID:2 * HID]
    bhn = bhh[:, 2 * HID:]

    def step(t, h):
        ghr = _dot(h, Wr) + bhr
        ghz = _dot(h, Wz) + bhz
        ghn = _dot(h, Wn) + bhn
        r = jax.nn.sigmoid(gr_scr[pl.ds(t, 1), :] + ghr)
        z = jax.nn.sigmoid(gz_scr[pl.ds(t, 1), :] + ghz)
        ng = jnp.tanh(gn_scr[pl.ds(t, 1), :] + r * ghn)
        h_new = (1.0 - z) * ng + z * h
        o_ref[pl.ds(t, 1), :] = h_new
        return h_new

    h_fin = lax.fori_loop(0, RB, step, h_scr[...], unroll=8)
    h_scr[...] = h_fin


def _gru(h_v, p0, p1, WihT, bih, WhhT, bhh):
    nb = N // RB
    blk = lambda i: (i, 0)
    w0 = lambda i: (0, 0)
    return pl.pallas_call(
        _gru_body,
        grid=(nb,),
        in_specs=[
            pl.BlockSpec((RB, HID), blk),
            pl.BlockSpec((RB, HID), blk),
            pl.BlockSpec((RB, HID), blk),
            pl.BlockSpec((2 * HID, HID), w0),
            pl.BlockSpec((2 * HID, HID), w0),
            pl.BlockSpec((2 * HID, HID), w0),
            pl.BlockSpec((1, 3 * HID), w0),
            pl.BlockSpec((HID, HID), w0),
            pl.BlockSpec((HID, HID), w0),
            pl.BlockSpec((HID, HID), w0),
            pl.BlockSpec((1, 3 * HID), w0),
        ],
        out_specs=pl.BlockSpec((RB, HID), blk),
        out_shape=jax.ShapeDtypeStruct((N, HID), jnp.float32),
        scratch_shapes=[
            pltpu.VMEM((RB, HID), jnp.float32),
            pltpu.VMEM((RB, HID), jnp.float32),
            pltpu.VMEM((RB, HID), jnp.float32),
            pltpu.VMEM((1, HID), jnp.float32),
        ],
        interpret=_INTERPRET,
    )(h_v, p0, p1,
      WihT[:, :HID], WihT[:, HID:2 * HID], WihT[:, 2 * HID:],
      bih.reshape(1, 3 * HID),
      WhhT[:, :HID], WhhT[:, HID:2 * HID], WhhT[:, 2 * HID:],
      bhh.reshape(1, 3 * HID))


def _glob_body(h_ref, a1_ref, a1b_ref, a2_ref, a2b_ref,
               ge_ref, hl_ref, al_ref):
    h = h_ref[...]
    ge = jnp.sum(h, axis=0, keepdims=True) * (1.0 / N)
    hl = h_ref[pl.ds(N - 1, 1), :]
    c_a = _dot(ge, a1_ref[:HID, :]) + _dot(hl, a1_ref[HID:2 * HID, :]) + a1b_ref[...]
    t = jnp.maximum(c_a + _dot(h, a1_ref[2 * HID:, :]), 0.0)
    rsum = jnp.sum(t, axis=0, keepdims=True)
    logits = _dot(rsum, a2_ref[...]) + float(N) * a2b_ref[...]
    mx = jnp.max(logits, axis=1, keepdims=True)
    ex = jnp.exp(logits - mx)
    al_ref[...] = ex / jnp.sum(ex, axis=1, keepdims=True)
    ge_ref[...] = ge
    hl_ref[...] = hl


def _glob(h_v, a1_W, a1_b, a2_W, a2_b):
    return pl.pallas_call(
        _glob_body,
        out_shape=(
            jax.ShapeDtypeStruct((1, HID), jnp.float32),
            jax.ShapeDtypeStruct((1, HID), jnp.float32),
            jax.ShapeDtypeStruct((1, K), jnp.float32),
        ),
        interpret=_INTERPRET,
    )(h_v, a1_W, a1_b.reshape(1, HID), a2_W, a2_b.reshape(1, K))


def _out_body(h_ref, ge_ref, al_ref, np1_ref, np1b_ref, np2_ref, np2b_ref,
              ep1_ref, ep1b_ref, ep2_ref, ep2b_ref, pv_ref, pe_ref):
    h = h_ref[...]
    ge = ge_ref[...]
    c_np = _dot(ge, np1_ref[:HID, :]) + np1b_ref[...]
    t = jnp.maximum(c_np + _dot(h, np1_ref[HID:, :]), 0.0)
    npred = _dot(t, np2_ref[...]) + np2b_ref[...]
    mx = jnp.max(npred, axis=1, keepdims=True)
    ex = jnp.exp(npred - mx)
    pv_ref[...] = ex / jnp.sum(ex, axis=1, keepdims=True)

    u = jnp.maximum(_dot(h, ep1_ref[...]) + ep1b_ref[...], 0.0)
    lt = _dot(u, ep2_ref[...]) + ep2b_ref[...]
    al = al_ref[...]
    ts = [lt[:, j * K:(j + 1) * K] for j in range(5)]
    mx2 = ts[0]
    for j in range(1, 5):
        mx2 = jnp.maximum(mx2, ts[j])
    es = [jnp.exp(tj - mx2) for tj in ts]
    ssum = es[0] + es[1] + es[2] + es[3] + es[4]
    pes = [jnp.sum((ej / ssum) * al, axis=1, keepdims=True) for ej in es]
    pe_ref[...] = jnp.concatenate(pes, axis=1)


def _heads(h_v, ge, al, np1_W, np1_b, np2_W, np2_b, ep1_W, ep1_b, ep2_W, ep2_b):
    nb = N // RB
    blk = lambda i: (i, 0)
    w0 = lambda i: (0, 0)
    nt = np2_W.shape[1]
    return pl.pallas_call(
        _out_body,
        grid=(nb,),
        in_specs=[
            pl.BlockSpec((RB, HID), blk),
            pl.BlockSpec((1, HID), w0),
            pl.BlockSpec((1, K), w0),
            pl.BlockSpec((2 * HID, HID), w0),
            pl.BlockSpec((1, HID), w0),
            pl.BlockSpec((HID, nt), w0),
            pl.BlockSpec((1, nt), w0),
            pl.BlockSpec((HID, HID), w0),
            pl.BlockSpec((1, HID), w0),
            pl.BlockSpec((HID, 5 * K), w0),
            pl.BlockSpec((1, 5 * K), w0),
        ],
        out_specs=(
            pl.BlockSpec((RB, nt), blk),
            pl.BlockSpec((RB, 5), blk),
        ),
        out_shape=(
            jax.ShapeDtypeStruct((N, nt), jnp.float32),
            jax.ShapeDtypeStruct((N, 5), jnp.float32),
        ),
        interpret=_INTERPRET,
    )(h_v, ge, al, np1_W, np1_b.reshape(1, HID), np2_W, np2_b.reshape(1, nt),
      ep1_W, ep1_b.reshape(1, HID), ep2_W, ep2_b.reshape(1, 5 * K))


def kernel(x, edge_index, edge_attr, ne_W, ne_b, ee_W, ee_b, f1_W, f1_b, f2_W, f2_b, g1_W, g1_b, g2_W, g2_b, gru_Wih, gru_Whh, gru_bih, gru_bhh, a1_W, a1_b, a2_W, a2_b, np1_W, np1_b, np2_W, np2_b, ep1_W, ep1_b, ep2_W, ep2_b):
    src = edge_index[0]
    dst = edge_index[1]
    eew = ee_W.reshape(1, HID)
    eeb = ee_b.reshape(1, HID)

    h_v = _encode(x, ne_W, ne_b)

    ipad = jnp.zeros((EPAD - E,), jnp.int32)
    idx2d = jnp.concatenate([dst, ipad, src, ipad]).reshape(G_CHUNKS, GC)
    didx2d = jnp.concatenate(
        [dst, jnp.full((EPAD - E,), N, jnp.int32)]).reshape(EPAD // GC, GC)
    zeros_na = jnp.zeros((NA, HID), jnp.float32)
    ea2p = jnp.concatenate(
        [edge_attr, jnp.zeros((EPAD - E,), jnp.float32)]).reshape(EPAD, 1)

    for l in range(NL):
        gath = _gather(h_v, idx2d)
        xd = gath[:EPAD]
        xs = gath[EPAD:]
        contrib = _edge_mlp(xd, xs, ea2p, eew, eeb,
                            f1_W[l], f1_b[l], f2_W[l], f2_b[l],
                            g1_W[l], g1_b[l], g2_W[l], g2_b[l])
        part = _scatter(contrib, didx2d, zeros_na)
        h_v = _gru(h_v, part[0, :N], part[1, :N],
                   gru_Wih[l].T, gru_bih[l], gru_Whh[l].T, gru_bhh[l])

    ge, hl, al = _glob(h_v, a1_W, a1_b, a2_W, a2_b)
    p_v, p_e = _heads(h_v, ge, al, np1_W, np1_b, np2_W, np2_b,
                      ep1_W, ep1_b, ep2_W, ep2_b)
    return (p_v, p_e)

# --- scband reference (transcript-rebuilt; emitter-appended) ---
"""Pipeline reference for scband-denoising-network-1322849927184 (READ-ONLY COPY).

The authoritative reference and input builder live on the scoring server;
editing this copy changes nothing except your own understanding.
"""

import jax, jax.numpy as jnp
import numpy as np

N_NODES = 10000
N_EDGES = 320000
D_FEAT = 128
HID = 128
N_LAYERS = 5
K = 20
NUM_NODE_TYPES = 10
NUM_EDGE_TYPES_P1 = 5  # num_edge_types + 1


def _init_params(key):
    ks = list(jax.random.split(key, 64))
    it = iter(ks)
    def rn(shape, fan_in):
        return jax.random.normal(next(it), shape, dtype=jnp.float32) * (1.0 / fan_in) ** 0.5
    p = {}
    p['ne_W'] = rn((D_FEAT, HID), D_FEAT)
    p['ne_b'] = jnp.zeros((HID,), jnp.float32)
    p['ee_W'] = rn((1, HID), 1)
    p['ee_b'] = jnp.zeros((HID,), jnp.float32)
    p['f1_W'] = rn((N_LAYERS, 3 * HID, HID), 3 * HID)
    p['f1_b'] = jnp.zeros((N_LAYERS, HID), jnp.float32)
    p['f2_W'] = rn((N_LAYERS, HID, HID), HID)
    p['f2_b'] = jnp.zeros((N_LAYERS, HID), jnp.float32)
    p['g1_W'] = rn((N_LAYERS, 3 * HID, HID), 3 * HID)
    p['g1_b'] = jnp.zeros((N_LAYERS, HID), jnp.float32)
    p['g2_W'] = rn((N_LAYERS, HID, HID), HID)
    p['g2_b'] = jnp.zeros((N_LAYERS, HID), jnp.float32)
    p['gru_Wih'] = rn((N_LAYERS, 3 * HID, 2 * HID), 2 * HID)
    p['gru_Whh'] = rn((N_LAYERS, 3 * HID, HID), HID)
    p['gru_bih'] = jnp.zeros((N_LAYERS, 3 * HID), jnp.float32)
    p['gru_bhh'] = jnp.zeros((N_LAYERS, 3 * HID), jnp.float32)
    p['a1_W'] = rn((3 * HID, HID), 3 * HID)
    p['a1_b'] = jnp.zeros((HID,), jnp.float32)
    p['a2_W'] = rn((HID, K), HID)
    p['a2_b'] = jnp.zeros((K,), jnp.float32)
    p['np1_W'] = rn((2 * HID, HID), 2 * HID)
    p['np1_b'] = jnp.zeros((HID,), jnp.float32)
    p['np2_W'] = rn((HID, NUM_NODE_TYPES), HID)
    p['np2_b'] = jnp.zeros((NUM_NODE_TYPES,), jnp.float32)
    p['ep1_W'] = rn((HID, HID), HID)
    p['ep1_b'] = jnp.zeros((HID,), jnp.float32)
    p['ep2_W'] = rn((HID, NUM_EDGE_TYPES_P1 * K), HID)
    p['ep2_b'] = jnp.zeros((NUM_EDGE_TYPES_P1 * K,), jnp.float32)
    return p


def setup_inputs(seed: int = 0):
    key = jax.random.key(seed)
    k1, k2, k3, k4 = jax.random.split(key, 4)
    inp = {
        'x': jax.random.normal(k1, (N_NODES, D_FEAT), dtype=jnp.float32),
        'edge_index': jax.random.randint(k2, (2, N_EDGES), 0, N_NODES, dtype=jnp.int32),
        'edge_attr': jax.random.normal(k3, (N_EDGES,), dtype=jnp.float32),
    }
    inp.update(_init_params(k4))
    return inp


def reference(x, edge_index, edge_attr, ne_W, ne_b, ee_W, ee_b, f1_W, f1_b, f2_W, f2_b, g1_W, g1_b, g2_W, g2_b, gru_Wih, gru_Whh, gru_bih, gru_bhh, a1_W, a1_b, a2_W, a2_b, np1_W, np1_b, np2_W, np2_b, ep1_W, ep1_b, ep2_W, ep2_b):
    src = edge_index[0]
    dst = edge_index[1]
    h_v = x @ ne_W + ne_b
    h_e = edge_attr.reshape(-1, 1) @ ee_W + ee_b
    n = h_v.shape[0]
    for l in range(N_LAYERS):
        x_i = h_v[dst]
        x_j = h_v[src]
        cat = jnp.concatenate([x_i, x_j, h_e], axis=-1)
        m = jax.nn.relu(cat @ f1_W[l] + f1_b[l]) @ f2_W[l] + f2_b[l]
        a = jax.nn.relu(cat @ g1_W[l] + g1_b[l]) @ g2_W[l] + g2_b[l]
        agg = jax.ops.segment_sum(m * a, dst, num_segments=n)
        gru_in = jnp.concatenate([h_v, agg], axis=-1)
        gi = gru_in @ gru_Wih[l].T + gru_bih[l]
        Whh_T = gru_Whh[l].T
        bhh = gru_bhh[l]
        def step(h, gi_t):
            gh = h @ Whh_T + bhh
            r = jax.nn.sigmoid(gi_t[:HID] + gh[:HID])
            z = jax.nn.sigmoid(gi_t[HID:2 * HID] + gh[HID:2 * HID])
            ng = jnp.tanh(gi_t[2 * HID:] + r * gh[2 * HID:])
            h_new = (1.0 - z) * ng + z * h
            return h_new, h_new
        _, h_v = jax.lax.scan(step, jnp.zeros((HID,), jnp.float32), gi)
    ge = jnp.broadcast_to(jnp.mean(h_v, axis=0), (n, HID))
    node_pred = jax.nn.relu(jnp.concatenate([ge, h_v], axis=1) @ np1_W + np1_b) @ np2_W + np2_b
    h_v_t = jnp.broadcast_to(h_v[n - 1], (n, HID))
    alphas = jax.nn.relu(jnp.concatenate([ge, h_v_t, h_v], axis=1) @ a1_W + a1_b) @ a2_W + a2_b
    alphas = jax.nn.softmax(jnp.sum(alphas, axis=0, keepdims=True), axis=1)
    p_v = jax.nn.softmax(node_pred, axis=-1)
    log_theta = (jax.nn.relu(h_v @ ep1_W + ep1_b) @ ep2_W + ep2_b).reshape(n, -1, K)
    p_e = jnp.sum(alphas * jax.nn.softmax(log_theta, axis=1), axis=-1)
    return (p_v, p_e)

if __name__ == "__main__":
    import jax
    _d = setup_inputs()
    print(jax.jit(kernel)(*tuple(_d.values())))

</pallas_src>

<mosaic_0001>
#map = affine_map<(d0, d1) -> (0, 0)>
module attributes {stable_mosaic.version = 14 : i64} {
  func.func @_gather_sc_body(%arg0: i32, %arg1: i32, %arg2: memref<10000x128xf32, #tpu.memory_space<hbm>>, %arg3: memref<5120x128xi32, #tpu.memory_space<hbm>>, %arg4: memref<655360x128xf32, #tpu.memory_space<hbm>>, %arg5: memref<160x128xi32, #tpu.memory_space<vmem>>, %arg6: memref<4x128x128xf32, #tpu.memory_space<vmem>>, %arg7: memref<!tpu.dma_semaphore, #tpu.memory_space<semaphore_mem>>) attributes {dimension_semantics = [#tpu.dimension_semantics<core_parallel>, #tpu.dimension_semantics<subcore_parallel>], iteration_bounds = array<i64: 2, 16>, scalar_prefetch = 0 : i64, scratch_operands = 3 : i64, tpu.core_type = #tpu.core_type<sc_vector_subcore>, window_params = [{transform_indices = #map}, {transform_indices = #map}, {transform_indices = #map}]} {
    %mul3A = arith.constant 2 : i32
    %mul3A_0 = arith.muli %arg1, %mul3A : i32
    %add3A = arith.addi %mul3A_0, %arg0 : i32
    %mul3A_1 = arith.constant 160 : i32
    %mul3A_2 = arith.muli %add3A, %mul3A_1 : i32
    "tpu.region"() ({
      %run_scoped3A = tpu.sem_alloc : memref<!tpu.dma_semaphore, #tpu.memory_space<semaphore_mem>>
      %dma_start3A = arith.constant 0 : i32
      %dma_start3A_8 = tpu.memref_slice %arg3[%mul3A_2, %dma_start3A] : memref<5120x128xi32, #tpu.memory_space<hbm>> -> memref<160x128xi32, #tpu.memory_space<hbm>>
      %dma_start3A_9 = arith.constant 0 : i32
      %dma_start3A_10 = tpu.memref_slice %arg3[%mul3A_2, %dma_start3A_9] : memref<5120x128xi32, #tpu.memory_space<hbm>> -> memref<160x128xi32, #tpu.memory_space<hbm>>
      tpu.enqueue_dma source(%dma_start3A_10 : memref<160x128xi32, #tpu.memory_space<hbm>>) target(%arg5 : memref<160x128xi32, #tpu.memory_space<vmem>>) target_semaphore(%run_scoped3A : memref<!tpu.dma_semaphore, #tpu.memory_space<semaphore_mem>>)
      %dma_wait3A = arith.constant 0 : i32
      %dma_wait3A_11 = tpu.memref_slice %arg3[%mul3A_2, %dma_wait3A] : memref<5120x128xi32, #tpu.memory_space<hbm>> -> memref<160x128xi32, #tpu.memory_space<hbm>>
      %dma_wait3A_12 = arith.constant 0 : i32
      %dma_wait3A_13 = tpu.memref_slice %arg3[%mul3A_2, %dma_wait3A_12] : memref<5120x128xi32, #tpu.memory_space<hbm>> -> memref<160x128xi32, #tpu.memory_space<hbm>>
      tpu.wait_dma2 semaphore(%run_scoped3A : memref<!tpu.dma_semaphore, #tpu.memory_space<semaphore_mem>>) src(%dma_wait3A_13 : memref<160x128xi32, #tpu.memory_space<hbm>>) dst(%arg5 : memref<160x128xi32, #tpu.memory_space<vmem>>)
      tpu.yield
    }) : () -> ()
    %scan3A = arith.constant 0 : i32
    %scan3A_3 = arith.constant 0 : i32
    %scan3A_4 = arith.constant 40 : i32
    %scan3A_5 = arith.addi %scan3A_3, %scan3A_4 : i32
    %scan3A_6 = arith.constant 1 : i32
    scf.for %scan3A_8 = %scan3A_3 to %scan3A_5 step %scan3A_6  : i32 {
      %mul3A_9 = arith.constant 160 : i32
      %mul3A_10 = arith.muli %add3A, %mul3A_9 : i32
      %mul3A_11 = arith.constant 4 : i32
      %mul3A_12 = arith.muli %scan3A_8, %mul3A_11 : i32
      %add3A_13 = arith.addi %mul3A_10, %mul3A_12 : i32
      %mul3A_14 = arith.constant 4 : i32
      %mul3A_15 = arith.muli %scan3A_8, %mul3A_14 : i32
      %add3A_16 = arith.constant 0 : i32
      %add3A_17 = arith.addi %mul3A_15, %add3A_16 : i32
      %dma_start3A = arith.constant 0 : i32
      %dma_start3A_18 = arith.constant 0 : i32
      %dma_start3A_19 = arith.constant 0 : i32
      %dma_start3A_20 = tpu.memref_slice %arg6[%dma_start3A, %dma_start3A_18, %dma_start3A_19] : memref<4x128x128xf32, #tpu.memory_space<vmem>> -> memref<1x128x128xf32, #tpu.memory_space<vmem>>
      %dma_start3A_21 = tpu.memref_squeeze %dma_start3A_20 : memref<1x128x128xf32, #tpu.memory_space<vmem>> -> memref<128x128xf32, #tpu.memory_space<vmem>>
      %dma_start3A_22 = arith.constant 0 : i32
      %dma_start3A_23 = tpu.memref_slice %arg5[%add3A_17, %dma_start3A_22] : memref<160x128xi32, #tpu.memory_space<vmem>> -> memref<1x128xi32, #tpu.memory_space<vmem>>
      %dma_start3A_24 = tpu.memref_squeeze %dma_start3A_23 : memref<1x128xi32, #tpu.memory_space<vmem>> -> memref<128xi32, #tpu.memory_space<vmem>>
      %dma_start3A_25 = arith.constant 0 : i32
      %dma_start3A_26 = arith.constant 0 : i32
      %dma_start3A_27 = tpu.memref_slice %arg2[%dma_start3A_25, %dma_start3A_26] : memref<10000x128xf32, #tpu.memory_space<hbm>> -> memref<10000x128xf32, #tpu.memory_space<hbm>>
      tpu.enqueue_indirect_dma source(%dma_start3A_27 : memref<10000x128xf32, #tpu.memory_space<hbm>>) target(%dma_start3A_21 : memref<128x128xf32, #tpu.memory_space<vmem>>) offsets(%dma_start3A_24 : memref<128xi32, #tpu.memory_space<vmem>>) semaphore(%arg7 : memref<!tpu.dma_semaphore, #tpu.memory_space<semaphore_mem>>)
      %mul3A_28 = arith.constant 4 : i32
      %mul3A_29 = arith.muli %scan3A_8, %mul3A_28 : i32
      %add3A_30 = arith.constant 1 : i32
      %add3A_31 = arith.addi %mul3A_29, %add3A_30 : i32
      %dma_start3A_32 = arith.constant 1 : i32
      %dma_start3A_33 = arith.constant 0 : i32
      %dma_start3A_34 = arith.constant 0 : i32
      %dma_start3A_35 = tpu.memref_slice %arg6[%dma_start3A_32, %dma_start3A_33, %dma_start3A_34] : memref<4x128x128xf32, #tpu.memory_space<vmem>> -> memref<1x128x128xf32, #tpu.memory_space<vmem>>
      %dma_start3A_36 = tpu.memref_squeeze %dma_start3A_35 : memref<1x128x128xf32, #tpu.memory_space<vmem>> -> memref<128x128xf32, #tpu.memory_space<vmem>>
      %dma_start3A_37 = arith.constant 0 : i32
      %dma_start3A_38 = tpu.memref_slice %arg5[%add3A_31, %dma_start3A_37] : memref<160x128xi32, #tpu.memory_space<vmem>> -> memref<1x128xi32, #tpu.memory_space<vmem>>
      %dma_start3A_39 = tpu.memref_squeeze %dma_start3A_38 : memref<1x128xi32, #tpu.memory_space<vmem>> -> memref<128xi32, #tpu.memory_space<vmem>>
      %dma_start3A_40 = arith.constant 0 : i32
      %dma_start3A_41 = arith.constant 0 : i32
      %dma_start3A_42 = tpu.memref_slice %arg2[%dma_start3A_40, %dma_start3A_41] : memref<10000x128xf32, #tpu.memory_space<hbm>> -> memref<10000x128xf32, #tpu.memory_space<hbm>>
      tpu.enqueue_indirect_dma source(%dma_start3A_42 : memref<10000x128xf32, #tpu.memory_space<hbm>>) target(%dma_start3A_36 : memref<128x128xf32, #tpu.memory_space<vmem>>) offsets(%dma_start3A_39 : memref<128xi32, #tpu.memory_space<vmem>>) semaphore(%arg7 : memref<!tpu.dma_semaphore, #tpu.memory_space<semaphore_mem>>)
      %mul3A_43 = arith.constant 4 : i32
      %mul3A_44 = arith.muli %scan3A_8, %mul3A_43 : i32
      %add3A_45 = arith.constant 2 : i32
      %add3A_46 = arith.addi %mul3A_44, %add3A_45 : i32
      %dma_start3A_47 = arith.constant 2 : i32
      %dma_start3A_48 = arith.constant 0 : i32
      %dma_start3A_49 = arith.constant 0 : i32
      %dma_start3A_50 = tpu.memref_slice %arg6[%dma_start3A_47, %dma_start3A_48, %dma_start3A_49] : memref<4x128x128xf32, #tpu.memory_space<vmem>> -> memref<1x128x128xf32, #tpu.memory_space<vmem>>
      %dma_start3A_51 = tpu.memref_squeeze %dma_start3A_50 : memref<1x128x128xf32, #tpu.memory_space<vmem>> -> memref<128x128xf32, #tpu.memory_space<vmem>>
      %dma_start3A_52 = arith.constant 0 : i32
      %dma_start3A_53 = tpu.memref_slice %arg5[%add3A_46, %dma_start3A_52] : memref<160x128xi32, #tpu.memory_space<vmem>> -> memref<1x128xi32, #tpu.memory_space<vmem>>
      %dma_start3A_54 = tpu.memref_squeeze %dma_start3A_53 : memref<1x128xi32, #tpu.memory_space<vmem>> -> memref<128xi32, #tpu.memory_space<vmem>>
      %dma_start3A_55 = arith.constant 0 : i32
      %dma_start3A_56 = arith.constant 0 : i32
      %dma_start3A_57 = tpu.memref_slice %arg2[%dma_start3A_55, %dma_start3A_56] : memref<10000x128xf32, #tpu.memory_space<hbm>> -> memref<10000x128xf32, #tpu.memory_space<hbm>>
      tpu.enqueue_indirect_dma source(%dma_start3A_57 : memref<10000x128xf32, #tpu.memory_space<hbm>>) target(%dma_start3A_51 : memref<128x128xf32, #tpu.memory_space<vmem>>) offsets(%dma_start3A_54 : memref<128xi32, #tpu.memory_space<vmem>>) semaphore(%arg7 : memref<!tpu.dma_semaphore, #tpu.memory_space<semaphore_mem>>)
      %mul3A_58 = arith.constant 4 : i32
      %mul3A_59 = arith.muli %scan3A_8, %mul3A_58 : i32
      %add3A_60 = arith.constant 3 : i32
      %add3A_61 = arith.addi %mul3A_59, %add3A_60 : i32
      %dma_start3A_62 = arith.constant 3 : i32
      %dma_start3A_63 = arith.constant 0 : i32
      %dma_start3A_64 = arith.constant 0 : i32
      %dma_start3A_65 = tpu.memref_slice %arg6[%dma_start3A_62, %dma_start3A_63, %dma_start3A_64] : memref<4x128x128xf32, #tpu.memory_space<vmem>> -> memref<1x128x128xf32, #tpu.memory_space<vmem>>
      %dma_start3A_66 = tpu.memref_squeeze %dma_start3A_65 : memref<1x128x128xf32, #tpu.memory_space<vmem>> -> memref<128x128xf32, #tpu.memory_space<vmem>>
      %dma_start3A_67 = arith.constant 0 : i32
      %dma_start3A_68 = tpu.memref_slice %arg5[%add3A_61, %dma_start3A_67] : memref<160x128xi32, #tpu.memory_space<vmem>> -> memref<1x128xi32, #tpu.memory_space<vmem>>
      %dma_start3A_69 = tpu.memref_squeeze %dma_start3A_68 : memref<1x128xi32, #tpu.memory_space<vmem>> -> memref<128xi32, #tpu.memory_space<vmem>>
      %dma_start3A_70 = arith.constant 0 : i32
      %dma_start3A_71 = arith.constant 0 : i32
      %dma_start3A_72 = tpu.memref_slice %arg2[%dma_start3A_70, %dma_start3A_71] : memref<10000x128xf32, #tpu.memory_space<hbm>> -> memref<10000x128xf32, #tpu.memory_space<hbm>>
      tpu.enqueue_indirect_dma source(%dma_start3A_72 : memref<10000x128xf32, #tpu.memory_space<hbm>>) target(%dma_start3A_66 : memref<128x128xf32, #tpu.memory_space<vmem>>) offsets(%dma_start3A_69 : memref<128xi32, #tpu.memory_space<vmem>>) semaphore(%arg7 : memref<!tpu.dma_semaphore, #tpu.memory_space<semaphore_mem>>)
      %dma_wait3A = arith.constant 0 : i32
      %dma_wait3A_73 = arith.constant 0 : i32
      %dma_wait3A_74 = arith.constant 0 : i32
      %dma_wait3A_75 = tpu.memref_slice %arg6[%dma_wait3A, %dma_wait3A_73, %dma_wait3A_74] : memref<4x128x128xf32, #tpu.memory_space<vmem>> -> memref<1x128x128xf32, #tpu.memory_space<vmem>>
      %dma_wait3A_76 = tpu.memref_squeeze %dma_wait3A_75 : memref<1x128x128xf32, #tpu.memory_space<vmem>> -> memref<128x128xf32, #tpu.memory_space<vmem>>
      %dma_wait3A_77 = arith.constant 0 : i32
      %dma_wait3A_78 = tpu.memref_slice %arg5[%add3A_17, %dma_wait3A_77] : memref<160x128xi32, #tpu.memory_space<vmem>> -> memref<1x128xi32, #tpu.memory_space<vmem>>
      %dma_wait3A_79 = tpu.memref_squeeze %dma_wait3A_78 : memref<1x128xi32, #tpu.memory_space<vmem>> -> memref<128xi32, #tpu.memory_space<vmem>>
      %dma_wait3A_80 = arith.constant 0 : i32
      %dma_wait3A_81 = arith.constant 0 : i32
      %dma_wait3A_82 = tpu.memref_slice %arg2[%dma_wait3A_80, %dma_wait3A_81] : memref<10000x128xf32, #tpu.memory_space<hbm>> -> memref<10000x128xf32, #tpu.memory_space<hbm>>
      tpu.wait_indirect_dma semaphore(%arg7 : memref<!tpu.dma_semaphore, #tpu.memory_space<semaphore_mem>>) src(%dma_wait3A_82 : memref<10000x128xf32, #tpu.memory_space<hbm>>) dst(%dma_wait3A_76 : memref<128x128xf32, #tpu.memory_space<vmem>>)
      %add3A_83 = arith.constant 0 : i32
      %add3A_84 = arith.addi %add3A_13, %add3A_83 : i32
      %mul3A_85 = arith.constant 128 : i32
      %mul3A_86 = arith.muli %add3A_84, %mul3A_85 : i32
      %run_scoped3A = arith.constant 0 : i32
      "tpu.region"() ({
        %run_scoped3A_135 = tpu.sem_alloc : memref<!tpu.dma_semaphore, #tpu.memory_space<semaphore_mem>>
        %dma_start3A_136 = arith.constant 0 : i32
        %dma_start3A_137 = arith.constant 0 : i32
        %dma_start3A_138 = tpu.memref_slice %arg6[%run_scoped3A, %dma_start3A_136, %dma_start3A_137] : memref<4x128x128xf32, #tpu.memory_space<vmem>> -> memref<1x128x128xf32, #tpu.memory_space<vmem>>
        %dma_start3A_139 = tpu.memref_squeeze %dma_start3A_138 : memref<1x128x128xf32, #tpu.memory_space<vmem>> -> memref<128x128xf32, #tpu.memory_space<vmem>>
        %dma_start3A_140 = arith.constant 0 : i32
        %dma_start3A_141 = tpu.memref_slice %arg4[%mul3A_86, %dma_start3A_140] : memref<655360x128xf32, #tpu.memory_space<hbm>> -> memref<128x128xf32, #tpu.memory_space<hbm>>
        %dma_start3A_142 = arith.constant 0 : i32
        %dma_start3A_143 = tpu.memref_slice %arg4[%mul3A_86, %dma_start3A_142] : memref<655360x128xf32, #tpu.memory_space<hbm>> -> memref<128x128xf32, #tpu.memory_space<hbm>>
        %dma_start3A_144 = arith.constant 0 : i32
        %dma_start3A_145 = arith.constant 0 : i32
        %dma_start3A_146 = tpu.memref_slice %arg6[%run_scoped3A, %dma_start3A_144, %dma_start3A_145] : memref<4x128x128xf32, #tpu.memory_space<vmem>> -> memref<1x128x128xf32, #tpu.memory_space<vmem>>
        %dma_start3A_147 = tpu.memref_squeeze %dma_start3A_146 : memref<1x128x128xf32, #tpu.memory_space<vmem>> -> memref<128x128xf32, #tpu.memory_space<vmem>>
        tpu.enqueue_dma source(%dma_start3A_147 : memref<128x128xf32, #tpu.memory_space<vmem>>) target(%dma_start3A_143 : memref<128x128xf32, #tpu.memory_space<hbm>>) target_semaphore(%run_scoped3A_135 : memref<!tpu.dma_semaphore, #tpu.memory_space<semaphore_mem>>)
        %dma_wait3A_148 = arith.constant 0 : i32
        %dma_wait3A_149 = arith.constant 0 : i32
        %dma_wait3A_150 = tpu.memref_slice %arg6[%run_scoped3A, %dma_wait3A_148, %dma_wait3A_149] : memref<4x128x128xf32, #tpu.memory_space<vmem>> -> memref<1x128x128xf32, #tpu.memory_space<vmem>>
        %dma_wait3A_151 = tpu.memref_squeeze %dma_wait3A_150 : memref<1x128x128xf32, #tpu.memory_space<vmem>> -> memref<128x128xf32, #tpu.memory_space<vmem>>
        %dma_wait3A_152 = arith.constant 0 : i32
        %dma_wait3A_153 = tpu.memref_slice %arg4[%mul3A_86, %dma_wait3A_152] : memref<655360x128xf32, #tpu.memory_space<hbm>> -> memref<128x128xf32, #tpu.memory_space<hbm>>
        %dma_wait3A_154 = arith.constant 0 : i32
        %dma_wait3A_155 = tpu.memref_slice %arg4[%mul3A_86, %dma_wait3A_154] : memref<655360x128xf32, #tpu.memory_space<hbm>> -> memref<128x128xf32, #tpu.memory_space<hbm>>
        %dma_wait3A_156 = arith.constant 0 : i32
        %dma_wait3A_157 = arith.constant 0 : i32
        %dma_wait3A_158 = tpu.memref_slice %arg6[%run_scoped3A, %dma_wait3A_156, %dma_wait3A_157] : memref<4x128x128xf32, #tpu.memory_space<vmem>> -> memref<1x128x128xf32, #tpu.memory_space<vmem>>
        %dma_wait3A_159 = tpu.memref_squeeze %dma_wait3A_158 : memref<1x128x128xf32, #tpu.memory_space<vmem>> -> memref<128x128xf32, #tpu.memory_space<vmem>>
        tpu.wait_dma2 semaphore(%run_scoped3A_135 : memref<!tpu.dma_semaphore, #tpu.memory_space<semaphore_mem>>) src(%dma_wait3A_159 : memref<128x128xf32, #tpu.memory_space<vmem>>) dst(%dma_wait3A_155 : memref<128x128xf32, #tpu.memory_space<hbm>>)
        tpu.yield
      }) : () -> ()
      %dma_wait3A_87 = arith.constant 1 : i32
      %dma_wait3A_88 = arith.constant 0 : i32
      %dma_wait3A_89 = arith.constant 0 : i32
      %dma_wait3A_90 = tpu.memref_slice %arg6[%dma_wait3A_87, %dma_wait3A_88, %dma_wait3A_89] : memref<4x128x128xf32, #tpu.memory_space<vmem>> -> memref<1x128x128xf32, #tpu.memory_space<vmem>>
      %dma_wait3A_91 = tpu.memref_squeeze %dma_wait3A_90 : memref<1x128x128xf32, #tpu.memory_space<vmem>> -> memref<128x128xf32, #tpu.memory_space<vmem>>
      %dma_wait3A_92 = arith.constant 0 : i32
      %dma_wait3A_93 = tpu.memref_slice %arg5[%add3A_31, %dma_wait3A_92] : memref<160x128xi32, #tpu.memory_space<vmem>> -> memref<1x128xi32, #tpu.memory_space<vmem>>
      %dma_wait3A_94 = tpu.memref_squeeze %dma_wait3A_93 : memref<1x128xi32, #tpu.memory_space<vmem>> -> memref<128xi32, #tpu.memory_space<vmem>>
      %dma_wait3A_95 = arith.constant 0 : i32
      %dma_wait3A_96 = arith.constant 0 : i32
      %dma_wait3A_97 = tpu.memref_slice %arg2[%dma_wait3A_95, %dma_wait3A_96] : memref<10000x128xf32, #tpu.memory_space<hbm>> -> memref<10000x128xf32, #tpu.memory_space<hbm>>
      tpu.wait_indirect_dma semaphore(%arg7 : memref<!tpu.dma_semaphore, #tpu.memory_space<semaphore_mem>>) src(%dma_wait3A_97 : memref<10000x128xf32, #tpu.memory_space<hbm>>) dst(%dma_wait3A_91 : memref<128x128xf32, #tpu.memory_space<vmem>>)
      %add3A_98 = arith.constant 1 : i32
      %add3A_99 = arith.addi %add3A_13, %add3A_98 : i32
      %mul3A_100 = arith.constant 128 : i32
      %mul3A_101 = arith.muli %add3A_99, %mul3A_100 : i32
      %run_scoped3A_102 = arith.constant 1 : i32
      "tpu.region"() ({
        %run_scoped3A_135 = tpu.sem_alloc : memref<!tpu.dma_semaphore, #tpu.memory_space<semaphore_mem>>
        %dma_start3A_136 = arith.constant 0 : i32
        %dma_start3A_137 = arith.constant 0 : i32
        %dma_start3A_138 = tpu.memref_slice %arg6[%run_scoped3A_102, %dma_start3A_136, %dma_start3A_137] : memref<4x128x128xf32, #tpu.memory_space<vmem>> -> memref<1x128x128xf32, #tpu.memory_space<vmem>>
        %dma_start3A_139 = tpu.memref_squeeze %dma_start3A_138 : memref<1x128x128xf32, #tpu.memory_space<vmem>> -> memref<128x128xf32, #tpu.memory_space<vmem>>
        %dma_start3A_140 = arith.constant 0 : i32
        %dma_start3A_141 = tpu.memref_slice %arg4[%mul3A_101, %dma_start3A_140] : memref<655360x128xf32, #tpu.memory_space<hbm>> -> memref<128x128xf32, #tpu.memory_space<hbm>>
        %dma_start3A_142 = arith.constant 0 : i32
        %dma_start3A_143 = tpu.memref_slice %arg4[%mul3A_101, %dma_start3A_142] : memref<655360x128xf32, #tpu.memory_space<hbm>> -> memref<128x128xf32, #tpu.memory_space<hbm>>
        %dma_start3A_144 = arith.constant 0 : i32
        %dma_start3A_145 = arith.constant 0 : i32
        %dma_start3A_146 = tpu.memref_slice %arg6[%run_scoped3A_102, %dma_start3A_144, %dma_start3A_145] : memref<4x128x128xf32, #tpu.memory_space<vmem>> -> memref<1x128x128xf32, #tpu.memory_space<vmem>>
        %dma_start3A_147 = tpu.memref_squeeze %dma_start3A_146 : memref<1x128x128xf32, #tpu.memory_space<vmem>> -> memref<128x128xf32, #tpu.memory_space<vmem>>
        tpu.enqueue_dma source(%dma_start3A_147 : memref<128x128xf32, #tpu.memory_space<vmem>>) target(%dma_start3A_143 : memref<128x128xf32, #tpu.memory_space<hbm>>) target_semaphore(%run_scoped3A_135 : memref<!tpu.dma_semaphore, #tpu.memory_space<semaphore_mem>>)
        %dma_wait3A_148 = arith.constant 0 : i32
        %dma_wait3A_149 = arith.constant 0 : i32
        %dma_wait3A_150 = tpu.memref_slice %arg6[%run_scoped3A_102, %dma_wait3A_148, %dma_wait3A_149] : memref<4x128x128xf32, #tpu.memory_space<vmem>> -> memref<1x128x128xf32, #tpu.memory_space<vmem>>
        %dma_wait3A_151 = tpu.memref_squeeze %dma_wait3A_150 : memref<1x128x128xf32, #tpu.memory_space<vmem>> -> memref<128x128xf32, #tpu.memory_space<vmem>>
        %dma_wait3A_152 = arith.constant 0 : i32
        %dma_wait3A_153 = tpu.memref_slice %arg4[%mul3A_101, %dma_wait3A_152] : memref<655360x128xf32, #tpu.memory_space<hbm>> -> memref<128x128xf32, #tpu.memory_space<hbm>>
        %dma_wait3A_154 = arith.constant 0 : i32
        %dma_wait3A_155 = tpu.memref_slice %arg4[%mul3A_101, %dma_wait3A_154] : memref<655360x128xf32, #tpu.memory_space<hbm>> -> memref<128x128xf32, #tpu.memory_space<hbm>>
        %dma_wait3A_156 = arith.constant 0 : i32
        %dma_wait3A_157 = arith.constant 0 : i32
        %dma_wait3A_158 = tpu.memref_slice %arg6[%run_scoped3A_102, %dma_wait3A_156, %dma_wait3A_157] : memref<4x128x128xf32, #tpu.memory_space<vmem>> -> memref<1x128x128xf32, #tpu.memory_space<vmem>>
        %dma_wait3A_159 = tpu.memref_squeeze %dma_wait3A_158 : memref<1x128x128xf32, #tpu.memory_space<vmem>> -> memref<128x128xf32, #tpu.memory_space<vmem>>
        tpu.wait_dma2 semaphore(%run_scoped3A_135 : memref<!tpu.dma_semaphore, #tpu.memory_space<semaphore_mem>>) src(%dma_wait3A_159 : memref<128x128xf32, #tpu.memory_space<vmem>>) dst(%dma_wait3A_155 : memref<128x128xf32, #tpu.memory_space<hbm>>)
        tpu.yield
      }) : () -> ()
      %dma_wait3A_103 = arith.constant 2 : i32
      %dma_wait3A_104 = arith.constant 0 : i32
      %dma_wait3A_105 = arith.constant 0 : i32
      %dma_wait3A_106 = tpu.memref_slice %arg6[%dma_wait3A_103, %dma_wait3A_104, %dma_wait3A_105] : memref<4x128x128xf32, #tpu.memory_space<vmem>> -> memref<1x128x128xf32, #tpu.memory_space<vmem>>
      %dma_wait3A_107 = tpu.memref_squeeze %dma_wait3A_106 : memref<1x128x128xf32, #tpu.memory_space<vmem>> -> memref<128x128xf32, #tpu.memory_space<vmem>>
      %dma_wait3A_108 = arith.constant 0 : i32
      %dma_wait3A_109 = tpu.memref_slice %arg5[%add3A_46, %dma_wait3A_108] : memref<160x128xi32, #tpu.memory_space<vmem>> -> memref<1x128xi32, #tpu.memory_space<vmem>>
      %dma_wait3A_110 = tpu.memref_squeeze %dma_wait3A_109 : memref<1x128xi32, #tpu.memory_space<vmem>> -> memref<128xi32, #tpu.memory_space<vmem>>
      %dma_wait3A_111 = arith.constant 0 : i32
      %dma_wait3A_112 = arith.constant 0 : i32
      %dma_wait3A_113 = tpu.memref_slice %arg2[%dma_wait3A_111, %dma_wait3A_112] : memref<10000x128xf32, #tpu.memory_space<hbm>> -> memref<10000x128xf32, #tpu.memory_space<hbm>>
      tpu.wait_indirect_dma semaphore(%arg7 : memref<!tpu.dma_semaphore, #tpu.memory_space<semaphore_mem>>) src(%dma_wait3A_113 : memref<10000x128xf32, #tpu.memory_space<hbm>>) dst(%dma_wait3A_107 : memref<128x128xf32, #tpu.memory_space<vmem>>)
      %add3A_114 = arith.constant 2 : i32
      %add3A_115 = arith.addi %add3A_13, %add3A_114 : i32
      %mul3A_116 = arith.constant 128 : i32
      %mul3A_117 = arith.muli %add3A_115, %mul3A_116 : i32
      %run_scoped3A_118 = arith.constant 2 : i32
      "tpu.region"() ({
        %run_scoped3A_135 = tpu.sem_alloc : memref<!tpu.dma_semaphore, #tpu.memory_space<semaphore_mem>>
        %dma_start3A_136 = arith.constant 0 : i32
        %dma_start3A_137 = arith.constant 0 : i32
        %dma_start3A_138 = tpu.memref_slice %arg6[%run_scoped3A_118, %dma_start3A_136, %dma_start3A_137] : memref<4x128x128xf32, #tpu.memory_space<vmem>> -> memref<1x128x128xf32, #tpu.memory_space<vmem>>
        %dma_start3A_139 = tpu.memref_squeeze %dma_start3A_138 : memref<1x128x128xf32, #tpu.memory_space<vmem>> -> memref<128x128xf32, #tpu.memory_space<vmem>>
        %dma_start3A_140 = arith.constant 0 : i32
        %dma_start3A_141 = tpu.memref_slice %arg4[%mul3A_117, %dma_start3A_140] : memref<655360x128xf32, #tpu.memory_space<hbm>> -> memref<128x128xf32, #tpu.memory_space<hbm>>
        %dma_start3A_142 = arith.constant 0 : i32
        %dma_start3A_143 = tpu.memref_slice %arg4[%mul3A_117, %dma_start3A_142] : memref<655360x128xf32, #tpu.memory_space<hbm>> -> memref<128x128xf32, #tpu.memory_space<hbm>>
        %dma_start3A_144 = arith.constant 0 : i32
        %dma_start3A_145 = arith.constant 0 : i32
        %dma_start3A_146 = tpu.memref_slice %arg6[%run_scoped3A_118, %dma_start3A_144, %dma_start3A_145] : memref<4x128x128xf32, #tpu.memory_space<vmem>> -> memref<1x128x128xf32, #tpu.memory_space<vmem>>
        %dma_start3A_147 = tpu.memref_squeeze %dma_start3A_146 : memref<1x128x128xf32, #tpu.memory_space<vmem>> -> memref<128x128xf32, #tpu.memory_space<vmem>>
        tpu.enqueue_dma source(%dma_start3A_147 : memref<128x128xf32, #tpu.memory_space<vmem>>) target(%dma_start3A_143 : memref<128x128xf32, #tpu.memory_space<hbm>>) target_semaphore(%run_scoped3A_135 : memref<!tpu.dma_semaphore, #tpu.memory_space<semaphore_mem>>)
        %dma_wait3A_148 = arith.constant 0 : i32
        %dma_wait3A_149 = arith.constant 0 : i32
        %dma_wait3A_150 = tpu.memref_slice %arg6[%run_scoped3A_118, %dma_wait3A_148, %dma_wait3A_149] : memref<4x128x128xf32, #tpu.memory_space<vmem>> -> memref<1x128x128xf32, #tpu.memory_space<vmem>>
        %dma_wait3A_151 = tpu.memref_squeeze %dma_wait3A_150 : memref<1x128x128xf32, #tpu.memory_space<vmem>> -> memref<128x128xf32, #tpu.memory_space<vmem>>
        %dma_wait3A_152 = arith.constant 0 : i32
        %dma_wait3A_153 = tpu.memref_slice %arg4[%mul3A_117, %dma_wait3A_152] : memref<655360x128xf32, #tpu.memory_space<hbm>> -> memref<128x128xf32, #tpu.memory_space<hbm>>
        %dma_wait3A_154 = arith.constant 0 : i32
        %dma_wait3A_155 = tpu.memref_slice %arg4[%mul3A_117, %dma_wait3A_154] : memref<655360x128xf32, #tpu.memory_space<hbm>> -> memref<128x128xf32, #tpu.memory_space<hbm>>
        %dma_wait3A_156 = arith.constant 0 : i32
        %dma_wait3A_157 = arith.constant 0 : i32
        %dma_wait3A_158 = tpu.memref_slice %arg6[%run_scoped3A_118, %dma_wait3A_156, %dma_wait3A_157] : memref<4x128x128xf32, #tpu.memory_space<vmem>> -> memref<1x128x128xf32, #tpu.memory_space<vmem>>
        %dma_wait3A_159 = tpu.memref_squeeze %dma_wait3A_158 : memref<1x128x128xf32, #tpu.memory_space<vmem>> -> memref<128x128xf32, #tpu.memory_space<vmem>>
        tpu.wait_dma2 semaphore(%run_scoped3A_135 : memref<!tpu.dma_semaphore, #tpu.memory_space<semaphore_mem>>) src(%dma_wait3A_159 : memref<128x128xf32, #tpu.memory_space<vmem>>) dst(%dma_wait3A_155 : memref<128x128xf32, #tpu.memory_space<hbm>>)
        tpu.yield
      }) : () -> ()
      %dma_wait3A_119 = arith.constant 3 : i32
      %dma_wait3A_120 = arith.constant 0 : i32
      %dma_wait3A_121 = arith.constant 0 : i32
      %dma_wait3A_122 = tpu.memref_slice %arg6[%dma_wait3A_119, %dma_wait3A_120, %dma_wait3A_121] : memref<4x128x128xf32, #tpu.memory_space<vmem>> -> memref<1x128x128xf32, #tpu.memory_space<vmem>>
      %dma_wait3A_123 = tpu.memref_squeeze %dma_wait3A_122 : memref<1x128x128xf32, #tpu.memory_space<vmem>> -> memref<128x128xf32, #tpu.memory_space<vmem>>
      %dma_wait3A_124 = arith.constant 0 : i32
      %dma_wait3A_125 = tpu.memref_slice %arg5[%add3A_61, %dma_wait3A_124] : memref<160x128xi32, #tpu.memory_space<vmem>> -> memref<1x128xi32, #tpu.memory_space<vmem>>
      %dma_wait3A_126 = tpu.memref_squeeze %dma_wait3A_125 : memref<1x128xi32, #tpu.memory_space<vmem>> -> memref<128xi32, #tpu.memory_space<vmem>>
      %dma_wait3A_127 = arith.constant 0 : i32
      %dma_wait3A_128 = arith.constant 0 : i32
      %dma_wait3A_129 = tpu.memref_slice %arg2[%dma_wait3A_127, %dma_wait3A_128] : memref<10000x128xf32, #tpu.memory_space<hbm>> -> memref<10000x128xf32, #tpu.memory_space<hbm>>
      tpu.wait_indirect_dma semaphore(%arg7 : memref<!tpu.dma_semaphore, #tpu.memory_space<semaphore_mem>>) src(%dma_wait3A_129 : memref<10000x128xf32, #tpu.memory_space<hbm>>) dst(%dma_wait3A_123 : memref<128x128xf32, #tpu.memory_space<vmem>>)
      %add3A_130 = arith.constant 3 : i32
      %add3A_131 = arith.addi %add3A_13, %add3A_130 : i32
      %mul3A_132 = arith.constant 128 : i32
      %mul3A_133 = arith.muli %add3A_131, %mul3A_132 : i32
      %run_scoped3A_134 = arith.constant 3 : i32
      "tpu.region"() ({
        %run_scoped3A_135 = tpu.sem_alloc : memref<!tpu.dma_semaphore, #tpu.memory_space<semaphore_mem>>
        %dma_start3A_136 = arith.constant 0 : i32
        %dma_start3A_137 = arith.constant 0 : i32
        %dma_start3A_138 = tpu.memref_slice %arg6[%run_scoped3A_134, %dma_start3A_136, %dma_start3A_137] : memref<4x128x128xf32, #tpu.memory_space<vmem>> -> memref<1x128x128xf32, #tpu.memory_space<vmem>>
        %dma_start3A_139 = tpu.memref_squeeze %dma_start3A_138 : memref<1x128x128xf32, #tpu.memory_space<vmem>> -> memref<128x128xf32, #tpu.memory_space<vmem>>
        %dma_start3A_140 = arith.constant 0 : i32
        %dma_start3A_141 = tpu.memref_slice %arg4[%mul3A_133, %dma_start3A_140] : memref<655360x128xf32, #tpu.memory_space<hbm>> -> memref<128x128xf32, #tpu.memory_space<hbm>>
        %dma_start3A_142 = arith.constant 0 : i32
        %dma_start3A_143 = tpu.memref_slice %arg4[%mul3A_133, %dma_start3A_142] : memref<655360x128xf32, #tpu.memory_space<hbm>> -> memref<128x128xf32, #tpu.memory_space<hbm>>
        %dma_start3A_144 = arith.constant 0 : i32
        %dma_start3A_145 = arith.constant 0 : i32
        %dma_start3A_146 = tpu.memref_slice %arg6[%run_scoped3A_134, %dma_start3A_144, %dma_start3A_145] : memref<4x128x128xf32, #tpu.memory_space<vmem>> -> memref<1x128x128xf32, #tpu.memory_space<vmem>>
        %dma_start3A_147 = tpu.memref_squeeze %dma_start3A_146 : memref<1x128x128xf32, #tpu.memory_space<vmem>> -> memref<128x128xf32, #tpu.memory_space<vmem>>
        tpu.enqueue_dma source(%dma_start3A_147 : memref<128x128xf32, #tpu.memory_space<vmem>>) target(%dma_start3A_143 : memref<128x128xf32, #tpu.memory_space<hbm>>) target_semaphore(%run_scoped3A_135 : memref<!tpu.dma_semaphore, #tpu.memory_space<semaphore_mem>>)
        %dma_wait3A_148 = arith.constant 0 : i32
        %dma_wait3A_149 = arith.constant 0 : i32
        %dma_wait3A_150 = tpu.memref_slice %arg6[%run_scoped3A_134, %dma_wait3A_148, %dma_wait3A_149] : memref<4x128x128xf32, #tpu.memory_space<vmem>> -> memref<1x128x128xf32, #tpu.memory_space<vmem>>
        %dma_wait3A_151 = tpu.memref_squeeze %dma_wait3A_150 : memref<1x128x128xf32, #tpu.memory_space<vmem>> -> memref<128x128xf32, #tpu.memory_space<vmem>>
        %dma_wait3A_152 = arith.constant 0 : i32
        %dma_wait3A_153 = tpu.memref_slice %arg4[%mul3A_133, %dma_wait3A_152] : memref<655360x128xf32, #tpu.memory_space<hbm>> -> memref<128x128xf32, #tpu.memory_space<hbm>>
        %dma_wait3A_154 = arith.constant 0 : i32
        %dma_wait3A_155 = tpu.memref_slice %arg4[%mul3A_133, %dma_wait3A_154] : memref<655360x128xf32, #tpu.memory_space<hbm>> -> memref<128x128xf32, #tpu.memory_space<hbm>>
        %dma_wait3A_156 = arith.constant 0 : i32
        %dma_wait3A_157 = arith.constant 0 : i32
        %dma_wait3A_158 = tpu.memref_slice %arg6[%run_scoped3A_134, %dma_wait3A_156, %dma_wait3A_157] : memref<4x128x128xf32, #tpu.memory_space<vmem>> -> memref<1x128x128xf32, #tpu.memory_space<vmem>>
        %dma_wait3A_159 = tpu.memref_squeeze %dma_wait3A_158 : memref<1x128x128xf32, #tpu.memory_space<vmem>> -> memref<128x128xf32, #tpu.memory_space<vmem>>
        tpu.wait_dma2 semaphore(%run_scoped3A_135 : memref<!tpu.dma_semaphore, #tpu.memory_space<semaphore_mem>>) src(%dma_wait3A_159 : memref<128x128xf32, #tpu.memory_space<vmem>>) dst(%dma_wait3A_155 : memref<128x128xf32, #tpu.memory_space<hbm>>)
        tpu.yield
      }) : () -> ()
    }
    %scan3A_7 = arith.constant 40 : i32
    return
  }
}

#map = affine_map<(d0, d1) -> (0, 0)>
#map1 = affine_map<(d0, d1) -> (0, 0, 0)>
module attributes {stable_mosaic.version = 14 : i64} {
  func.func @_scatter_sc_body(%arg0: i32, %arg1: i32, %arg2: memref<327680x128xf32, #tpu.memory_space<hbm>>, %arg3: memref<2560x128xi32, #tpu.memory_space<hbm>>, %arg4: memref<10112x128xf32, #tpu.memory_space<hbm>>, %arg5: memref<2x10112x128xf32, #tpu.memory_space<hbm>>, %arg6: memref<80x128xi32, #tpu.memory_space<vmem>>, %arg7: memref<128x128xf32, #tpu.memory_space<vmem>>, %arg8: memref<10112x128xf32, #tpu.memory_space<vmem_shared>>) attributes {dimension_semantics = [#tpu.dimension_semantics<core_parallel>, #tpu.dimension_semantics<subcore_parallel>], iteration_bounds = array<i64: 2, 16>, scalar_prefetch = 0 : i64, scratch_operands = 3 : i64, tpu.core_type = #tpu.core_type<sc_vector_subcore>, window_params = [{transform_indices = #map}, {transform_indices = #map}, {transform_indices = #map}, {transform_indices = #map1}]} {
    %mul3A = arith.constant 2 : i32
    %mul3A_0 = arith.muli %arg1, %mul3A : i32
    %add3A = arith.addi %mul3A_0, %arg0 : i32
    %mul3A_1 = arith.constant 632 : i32
    %mul3A_2 = arith.muli %arg1, %mul3A_1 : i32
    %mul3A_3 = arith.constant 632 : i32
    %mul3A_4 = arith.muli %arg1, %mul3A_3 : i32
    "tpu.region"() ({
      %run_scoped3A = tpu.sem_alloc : memref<!tpu.dma_semaphore, #tpu.memory_space<semaphore_mem>>
      %dma_start3A = arith.constant 0 : i32
      %dma_start3A_17 = tpu.memref_slice %arg8[%mul3A_4, %dma_start3A] : memref<10112x128xf32, #tpu.memory_space<vmem_shared>> -> memref<632x128xf32, #tpu.memory_space<vmem_shared>>
      %dma_start3A_18 = arith.constant 0 : i32
      %dma_start3A_19 = tpu.memref_slice %arg4[%mul3A_2, %dma_start3A_18] : memref<10112x128xf32, #tpu.memory_space<hbm>> -> memref<632x128xf32, #tpu.memory_space<hbm>>
      tpu.enqueue_dma source(%dma_start3A_19 : memref<632x128xf32, #tpu.memory_space<hbm>>) target(%dma_start3A_17 : memref<632x128xf32, #tpu.memory_space<vmem_shared>>) target_semaphore(%run_scoped3A : memref<!tpu.dma_semaphore, #tpu.memory_space<semaphore_mem>>)
      %dma_wait3A = arith.constant 0 : i32
      %dma_wait3A_20 = tpu.memref_slice %arg8[%mul3A_4, %dma_wait3A] : memref<10112x128xf32, #tpu.memory_space<vmem_shared>> -> memref<632x128xf32, #tpu.memory_space<vmem_shared>>
      %dma_wait3A_21 = arith.constant 0 : i32
      %dma_wait3A_22 = tpu.memref_slice %arg4[%mul3A_2, %dma_wait3A_21] : memref<10112x128xf32, #tpu.memory_space<hbm>> -> memref<632x128xf32, #tpu.memory_space<hbm>>
      tpu.wait_dma2 semaphore(%run_scoped3A : memref<!tpu.dma_semaphore, #tpu.memory_space<semaphore_mem>>) src(%dma_wait3A_22 : memref<632x128xf32, #tpu.memory_space<hbm>>) dst(%dma_wait3A_20 : memref<632x128xf32, #tpu.memory_space<vmem_shared>>)
      tpu.yield
    }) : () -> ()
    %mul3A_5 = arith.constant 80 : i32
    %mul3A_6 = arith.muli %add3A, %mul3A_5 : i32
    "tpu.region"() ({
      %run_scoped3A = tpu.sem_alloc : memref<!tpu.dma_semaphore, #tpu.memory_space<semaphore_mem>>
      %dma_start3A = arith.constant 0 : i32
      %dma_start3A_17 = tpu.memref_slice %arg3[%mul3A_6, %dma_start3A] : memref<2560x128xi32, #tpu.memory_space<hbm>> -> memref<80x128xi32, #tpu.memory_space<hbm>>
      %dma_start3A_18 = arith.constant 0 : i32
      %dma_start3A_19 = tpu.memref_slice %arg3[%mul3A_6, %dma_start3A_18] : memref<2560x128xi32, #tpu.memory_space<hbm>> -> memref<80x128xi32, #tpu.memory_space<hbm>>
      tpu.enqueue_dma source(%dma_start3A_19 : memref<80x128xi32, #tpu.memory_space<hbm>>) target(%arg6 : memref<80x128xi32, #tpu.memory_space<vmem>>) target_semaphore(%run_scoped3A : memref<!tpu.dma_semaphore, #tpu.memory_space<semaphore_mem>>)
      %dma_wait3A = arith.constant 0 : i32
      %dma_wait3A_20 = tpu.memref_slice %arg3[%mul3A_6, %dma_wait3A] : memref<2560x128xi32, #tpu.memory_space<hbm>> -> memref<80x128xi32, #tpu.memory_space<hbm>>
      %dma_wait3A_21 = arith.constant 0 : i32
      %dma_wait3A_22 = tpu.memref_slice %arg3[%mul3A_6, %dma_wait3A_21] : memref<2560x128xi32, #tpu.memory_space<hbm>> -> memref<80x128xi32, #tpu.memory_space<hbm>>
      tpu.wait_dma2 semaphore(%run_scoped3A : memref<!tpu.dma_semaphore, #tpu.memory_space<semaphore_mem>>) src(%dma_wait3A_22 : memref<80x128xi32, #tpu.memory_space<hbm>>) dst(%arg6 : memref<80x128xi32, #tpu.memory_space<vmem>>)
      tpu.yield
    }) : () -> ()
    %barrier3A = arith.constant 0 : index
    tpu.barrier barrier_id(%barrier3A)
    %scan3A = arith.constant 0 : i32
    %scan3A_7 = arith.constant 0 : i32
    %scan3A_8 = arith.constant 80 : i32
    %scan3A_9 = arith.addi %scan3A_7, %scan3A_8 : i32
    %scan3A_10 = arith.constant 1 : i32
    scf.for %scan3A_17 = %scan3A_7 to %scan3A_9 step %scan3A_10  : i32 {
      %mul3A_18 = arith.constant 80 : i32
      %mul3A_19 = arith.muli %add3A, %mul3A_18 : i32
      %add3A_20 = arith.addi %mul3A_19, %scan3A_17 : i32
      %mul3A_21 = arith.constant 128 : i32
      %mul3A_22 = arith.muli %add3A_20, %mul3A_21 : i32
      "tpu.region"() ({
        %run_scoped3A = tpu.sem_alloc : memref<!tpu.dma_semaphore, #tpu.memory_space<semaphore_mem>>
        %dma_start3A = arith.constant 0 : i32
        %dma_start3A_23 = tpu.memref_slice %arg2[%mul3A_22, %dma_start3A] : memref<327680x128xf32, #tpu.memory_space<hbm>> -> memref<128x128xf32, #tpu.memory_space<hbm>>
        %dma_start3A_24 = arith.constant 0 : i32
        %dma_start3A_25 = tpu.memref_slice %arg2[%mul3A_22, %dma_start3A_24] : memref<327680x128xf32, #tpu.memory_space<hbm>> -> memref<128x128xf32, #tpu.memory_space<hbm>>
        tpu.enqueue_dma source(%dma_start3A_25 : memref<128x128xf32, #tpu.memory_space<hbm>>) target(%arg7 : memref<128x128xf32, #tpu.memory_space<vmem>>) target_semaphore(%run_scoped3A : memref<!tpu.dma_semaphore, #tpu.memory_space<semaphore_mem>>)
        %dma_wait3A = arith.constant 0 : i32
        %dma_wait3A_26 = tpu.memref_slice %arg2[%mul3A_22, %dma_wait3A] : memref<327680x128xf32, #tpu.memory_space<hbm>> -> memref<128x128xf32, #tpu.memory_space<hbm>>
        %dma_wait3A_27 = arith.constant 0 : i32
        %dma_wait3A_28 = tpu.memref_slice %arg2[%mul3A_22, %dma_wait3A_27] : memref<327680x128xf32, #tpu.memory_space<hbm>> -> memref<128x128xf32, #tpu.memory_space<hbm>>
        tpu.wait_dma2 semaphore(%run_scoped3A : memref<!tpu.dma_semaphore, #tpu.memory_space<semaphore_mem>>) src(%dma_wait3A_28 : memref<128x128xf32, #tpu.memory_space<hbm>>) dst(%arg7 : memref<128x128xf32, #tpu.memory_space<vmem>>)
        tpu.yield
      }) : () -> ()
      "tpu.region"() ({
        %run_scoped3A = tpu.sem_alloc : memref<!tpu.dma_semaphore, #tpu.memory_space<semaphore_mem>>
        %dma_start3A = arith.constant 0 : i32
        %dma_start3A_23 = tpu.memref_slice %arg6[%scan3A_17, %dma_start3A] : memref<80x128xi32, #tpu.memory_space<vmem>> -> memref<1x128xi32, #tpu.memory_space<vmem>>
        %dma_start3A_24 = tpu.memref_squeeze %dma_start3A_23 : memref<1x128xi32, #tpu.memory_space<vmem>> -> memref<128xi32, #tpu.memory_space<vmem>>
        %dma_start3A_25 = arith.constant 0 : i32
        %dma_start3A_26 = arith.constant 0 : i32
        %dma_start3A_27 = tpu.memref_slice %arg8[%dma_start3A_25, %dma_start3A_26] : memref<10112x128xf32, #tpu.memory_space<vmem_shared>> -> memref<10112x128xf32, #tpu.memory_space<vmem_shared>>
        tpu.enqueue_indirect_dma source(%arg7 : memref<128x128xf32, #tpu.memory_space<vmem>>) target(%dma_start3A_27 : memref<10112x128xf32, #tpu.memory_space<vmem_shared>>) offsets(%dma_start3A_24 : memref<128xi32, #tpu.memory_space<vmem>>) semaphore(%run_scoped3A : memref<!tpu.dma_semaphore, #tpu.memory_space<semaphore_mem>>) {add = true}
        %dma_wait3A = arith.constant 0 : i32
        %dma_wait3A_28 = tpu.memref_slice %arg6[%scan3A_17, %dma_wait3A] : memref<80x128xi32, #tpu.memory_space<vmem>> -> memref<1x128xi32, #tpu.memory_space<vmem>>
        %dma_wait3A_29 = tpu.memref_squeeze %dma_wait3A_28 : memref<1x128xi32, #tpu.memory_space<vmem>> -> memref<128xi32, #tpu.memory_space<vmem>>
        %dma_wait3A_30 = arith.constant 0 : i32
        %dma_wait3A_31 = arith.constant 0 : i32
        %dma_wait3A_32 = tpu.memref_slice %arg8[%dma_wait3A_30, %dma_wait3A_31] : memref<10112x128xf32, #tpu.memory_space<vmem_shared>> -> memref<10112x128xf32, #tpu.memory_space<vmem_shared>>
        tpu.wait_indirect_dma semaphore(%run_scoped3A : memref<!tpu.dma_semaphore, #tpu.memory_space<semaphore_mem>>) src(%arg7 : memref<128x128xf32, #tpu.memory_space<vmem>>) dst(%dma_wait3A_32 : memref<10112x128xf32, #tpu.memory_space<vmem_shared>>)
        tpu.yield
      }) : () -> ()
    }
    %scan3A_11 = arith.constant 80 : i32
    %barrier3A_12 = arith.constant 0 : index
    tpu.barrier barrier_id(%barrier3A_12)
    %mul3A_13 = arith.constant 632 : i32
    %mul3A_14 = arith.muli %arg1, %mul3A_13 : i32
    %mul3A_15 = arith.constant 632 : i32
    %mul3A_16 = arith.muli %arg1, %mul3A_15 : i32
    "tpu.region"() ({
      %run_scoped3A = tpu.sem_alloc : memref<!tpu.dma_semaphore, #tpu.memory_space<semaphore_mem>>
      %dma_start3A = arith.constant 0 : i32
      %dma_start3A_17 = tpu.memref_slice %arg5[%arg0, %mul3A_16, %dma_start3A] : memref<2x10112x128xf32, #tpu.memory_space<hbm>> -> memref<1x632x128xf32, #tpu.memory_space<hbm>>
      %dma_start3A_18 = tpu.memref_squeeze %dma_start3A_17 : memref<1x632x128xf32, #tpu.memory_space<hbm>> -> memref<632x128xf32, #tpu.memory_space<hbm>>
      %dma_start3A_19 = arith.constant 0 : i32
      %dma_start3A_20 = tpu.memref_slice %arg8[%mul3A_14, %dma_start3A_19] : memref<10112x128xf32, #tpu.memory_space<vmem_shared>> -> memref<632x128xf32, #tpu.memory_space<vmem_shared>>
      tpu.enqueue_dma source(%dma_start3A_20 : memref<632x128xf32, #tpu.memory_space<vmem_shared>>) target(%dma_start3A_18 : memref<632x128xf32, #tpu.memory_space<hbm>>) target_semaphore(%run_scoped3A : memref<!tpu.dma_semaphore, #tpu.memory_space<semaphore_mem>>)
      %dma_wait3A = arith.constant 0 : i32
      %dma_wait3A_21 = tpu.memref_slice %arg5[%arg0, %mul3A_16, %dma_wait3A] : memref<2x10112x128xf32, #tpu.memory_space<hbm>> -> memref<1x632x128xf32, #tpu.memory_space<hbm>>
      %dma_wait3A_22 = tpu.memref_squeeze %dma_wait3A_21 : memref<1x632x128xf32, #tpu.memory_space<hbm>> -> memref<632x128xf32, #tpu.memory_space<hbm>>
      %dma_wait3A_23 = arith.constant 0 : i32
      %dma_wait3A_24 = tpu.memref_slice %arg8[%mul3A_14, %dma_wait3A_23] : memref<10112x128xf32, #tpu.memory_space<vmem_shared>> -> memref<632x128xf32, #tpu.memory_space<vmem_shared>>
      tpu.wait_dma2 semaphore(%run_scoped3A : memref<!tpu.dma_semaphore, #tpu.memory_space<semaphore_mem>>) src(%dma_wait3A_24 : memref<632x128xf32, #tpu.memory_space<vmem_shared>>) dst(%dma_wait3A_22 : memref<632x128xf32, #tpu.memory_space<hbm>>)
      tpu.yield
    }) : () -> ()
    return
  }
}

#map = affine_map<(d0, d1) -> (0, 0)>
#map1 = affine_map<(d0, d1) -> (0, 0, 0)>
module attributes {stable_mosaic.version = 14 : i64} {
  func.func @_scatter_sc_body(%arg0: i32, %arg1: i32, %arg2: memref<327680x128xf32, #tpu.memory_space<hbm>>, %arg3: memref<2560x128xi32, #tpu.memory_space<hbm>>, %arg4: memref<10112x128xf32, #tpu.memory_space<hbm>>, %arg5: memref<2x10112x128xf32, #tpu.memory_space<hbm>>, %arg6: memref<80x128xi32, #tpu.memory_space<vmem>>, %arg7: memref<128x128xf32, #tpu.memory_space<vmem>>, %arg8: memref<10112x128xf32, #tpu.memory_space<vmem_shared>>) attributes {dimension_semantics = [#tpu.dimension_semantics<core_parallel>, #tpu.dimension_semantics<subcore_parallel>], iteration_bounds = array<i64: 2, 16>, scalar_prefetch = 0 : i64, scratch_operands = 3 : i64, tpu.core_type = #tpu.core_type<sc_vector_subcore>, window_params = [{transform_indices = #map}, {transform_indices = #map}, {transform_indices = #map}, {transform_indices = #map1}]} {
    %mul3A = arith.constant 2 : i32
    %mul3A_0 = arith.muli %arg1, %mul3A : i32
    %add3A = arith.addi %mul3A_0, %arg0 : i32
    %mul3A_1 = arith.constant 632 : i32
    %mul3A_2 = arith.muli %arg1, %mul3A_1 : i32
    %mul3A_3 = arith.constant 632 : i32
    %mul3A_4 = arith.muli %arg1, %mul3A_3 : i32
    "tpu.region"() ({
      %run_scoped3A = tpu.sem_alloc : memref<!tpu.dma_semaphore, #tpu.memory_space<semaphore_mem>>
      %dma_start3A = arith.constant 0 : i32
      %dma_start3A_17 = tpu.memref_slice %arg8[%mul3A_4, %dma_start3A] : memref<10112x128xf32, #tpu.memory_space<vmem_shared>> -> memref<632x128xf32, #tpu.memory_space<vmem_shared>>
      %dma_start3A_18 = arith.constant 0 : i32
      %dma_start3A_19 = tpu.memref_slice %arg4[%mul3A_2, %dma_start3A_18] : memref<10112x128xf32, #tpu.memory_space<hbm>> -> memref<632x128xf32, #tpu.memory_space<hbm>>
      tpu.enqueue_dma source(%dma_start3A_19 : memref<632x128xf32, #tpu.memory_space<hbm>>) target(%dma_start3A_17 : memref<632x128xf32, #tpu.memory_space<vmem_shared>>) target_semaphore(%run_scoped3A : memref<!tpu.dma_semaphore, #tpu.memory_space<semaphore_mem>>)
      %dma_wait3A = arith.constant 0 : i32
      %dma_wait3A_20 = tpu.memref_slice %arg8[%mul3A_4, %dma_wait3A] : memref<10112x128xf32, #tpu.memory_space<vmem_shared>> -> memref<632x128xf32, #tpu.memory_space<vmem_shared>>
      %dma_wait3A_21 = arith.constant 0 : i32
      %dma_wait3A_22 = tpu.memref_slice %arg4[%mul3A_2, %dma_wait3A_21] : memref<10112x128xf32, #tpu.memory_space<hbm>> -> memref<632x128xf32, #tpu.memory_space<hbm>>
      tpu.wait_dma2 semaphore(%run_scoped3A : memref<!tpu.dma_semaphore, #tpu.memory_space<semaphore_mem>>) src(%dma_wait3A_22 : memref<632x128xf32, #tpu.memory_space<hbm>>) dst(%dma_wait3A_20 : memref<632x128xf32, #tpu.memory_space<vmem_shared>>)
      tpu.yield
    }) : () -> ()
    %mul3A_5 = arith.constant 80 : i32
    %mul3A_6 = arith.muli %add3A, %mul3A_5 : i32
    "tpu.region"() ({
      %run_scoped3A = tpu.sem_alloc : memref<!tpu.dma_semaphore, #tpu.memory_space<semaphore_mem>>
      %dma_start3A = arith.constant 0 : i32
      %dma_start3A_17 = tpu.memref_slice %arg3[%mul3A_6, %dma_start3A] : memref<2560x128xi32, #tpu.memory_space<hbm>> -> memref<80x128xi32, #tpu.memory_space<hbm>>
      %dma_start3A_18 = arith.constant 0 : i32
      %dma_start3A_19 = tpu.memref_slice %arg3[%mul3A_6, %dma_start3A_18] : memref<2560x128xi32, #tpu.memory_space<hbm>> -> memref<80x128xi32, #tpu.memory_space<hbm>>
      tpu.enqueue_dma source(%dma_start3A_19 : memref<80x128xi32, #tpu.memory_space<hbm>>) target(%arg6 : memref<80x128xi32, #tpu.memory_space<vmem>>) target_semaphore(%run_scoped3A : memref<!tpu.dma_semaphore, #tpu.memory_space<semaphore_mem>>)
      %dma_wait3A = arith.constant 0 : i32
      %dma_wait3A_20 = tpu.memref_slice %arg3[%mul3A_6, %dma_wait3A] : memref<2560x128xi32, #tpu.memory_space<hbm>> -> memref<80x128xi32, #tpu.memory_space<hbm>>
      %dma_wait3A_21 = arith.constant 0 : i32
      %dma_wait3A_22 = tpu.memref_slice %arg3[%mul3A_6, %dma_wait3A_21] : memref<2560x128xi32, #tpu.memory_space<hbm>> -> memref<80x128xi32, #tpu.memory_space<hbm>>
      tpu.wait_dma2 semaphore(%run_scoped3A : memref<!tpu.dma_semaphore, #tpu.memory_space<semaphore_mem>>) src(%dma_wait3A_22 : memref<80x128xi32, #tpu.memory_space<hbm>>) dst(%arg6 : memref<80x128xi32, #tpu.memory_space<vmem>>)
      tpu.yield
    }) : () -> ()
    %barrier3A = arith.constant 0 : index
    tpu.barrier barrier_id(%barrier3A)
    %scan3A = arith.constant 0 : i32
    %scan3A_7 = arith.constant 0 : i32
    %scan3A_8 = arith.constant 80 : i32
    %scan3A_9 = arith.addi %scan3A_7, %scan3A_8 : i32
    %scan3A_10 = arith.constant 1 : i32
    scf.for %scan3A_17 = %scan3A_7 to %scan3A_9 step %scan3A_10  : i32 {
      %mul3A_18 = arith.constant 80 : i32
      %mul3A_19 = arith.muli %add3A, %mul3A_18 : i32
      %add3A_20 = arith.addi %mul3A_19, %scan3A_17 : i32
      %mul3A_21 = arith.constant 128 : i32
      %mul3A_22 = arith.muli %add3A_20, %mul3A_21 : i32
      "tpu.region"() ({
        %run_scoped3A = tpu.sem_alloc : memref<!tpu.dma_semaphore, #tpu.memory_space<semaphore_mem>>
        %dma_start3A = arith.constant 0 : i32
        %dma_start3A_23 = tpu.memref_slice %arg2[%mul3A_22, %dma_start3A] : memref<327680x128xf32, #tpu.memory_space<hbm>> -> memref<128x128xf32, #tpu.memory_space<hbm>>
        %dma_start3A_24 = arith.constant 0 : i32
        %dma_start3A_25 = tpu.memref_slice %arg2[%mul3A_22, %dma_start3A_24] : memref<327680x128xf32, #tpu.memory_space<hbm>> -> memref<128x128xf32, #tpu.memory_space<hbm>>
        tpu.enqueue_dma source(%dma_start3A_25 : memref<128x128xf32, #tpu.memory_space<hbm>>) target(%arg7 : memref<128x128xf32, #tpu.memory_space<vmem>>) target_semaphore(%run_scoped3A : memref<!tpu.dma_semaphore, #tpu.memory_space<semaphore_mem>>)
        %dma_wait3A = arith.constant 0 : i32
        %dma_wait3A_26 = tpu.memref_slice %arg2[%mul3A_22, %dma_wait3A] : memref<327680x128xf32, #tpu.memory_space<hbm>> -> memref<128x128xf32, #tpu.memory_space<hbm>>
        %dma_wait3A_27 = arith.constant 0 : i32
        %dma_wait3A_28 = tpu.memref_slice %arg2[%mul3A_22, %dma_wait3A_27] : memref<327680x128xf32, #tpu.memory_space<hbm>> -> memref<128x128xf32, #tpu.memory_space<hbm>>
        tpu.wait_dma2 semaphore(%run_scoped3A : memref<!tpu.dma_semaphore, #tpu.memory_space<semaphore_mem>>) src(%dma_wait3A_28 : memref<128x128xf32, #tpu.memory_space<hbm>>) dst(%arg7 : memref<128x128xf32, #tpu.memory_space<vmem>>)
        tpu.yield
      }) : () -> ()
      "tpu.region"() ({
        %run_scoped3A = tpu.sem_alloc : memref<!tpu.dma_semaphore, #tpu.memory_space<semaphore_mem>>
        %dma_start3A = arith.constant 0 : i32
        %dma_start3A_23 = tpu.memref_slice %arg6[%scan3A_17, %dma_start3A] : memref<80x128xi32, #tpu.memory_space<vmem>> -> memref<1x128xi32, #tpu.memory_space<vmem>>
        %dma_start3A_24 = tpu.memref_squeeze %dma_start3A_23 : memref<1x128xi32, #tpu.memory_space<vmem>> -> memref<128xi32, #tpu.memory_space<vmem>>
        %dma_start3A_25 = arith.constant 0 : i32
        %dma_start3A_26 = arith.constant 0 : i32
        %dma_start3A_27 = tpu.memref_slice %arg8[%dma_start3A_25, %dma_start3A_26] : memref<10112x128xf32, #tpu.memory_space<vmem_shared>> -> memref<10112x128xf32, #tpu.memory_space<vmem_shared>>
        tpu.enqueue_indirect_dma source(%arg7 : memref<128x128xf32, #tpu.memory_space<vmem>>) target(%dma_start3A_27 : memref<10112x128xf32, #tpu.memory_space<vmem_shared>>) offsets(%dma_start3A_24 : memref<128xi32, #tpu.memory_space<vmem>>) semaphore(%run_scoped3A : memref<!tpu.dma_semaphore, #tpu.memory_space<semaphore_mem>>) {add = true}
        %dma_wait3A = arith.constant 0 : i32
        %dma_wait3A_28 = tpu.memref_slice %arg6[%scan3A_17, %dma_wait3A] : memref<80x128xi32, #tpu.memory_space<vmem>> -> memref<1x128xi32, #tpu.memory_space<vmem>>
        %dma_wait3A_29 = tpu.memref_squeeze %dma_wait3A_28 : memref<1x128xi32, #tpu.memory_space<vmem>> -> memref<128xi32, #tpu.memory_space<vmem>>
        %dma_wait3A_30 = arith.constant 0 : i32
        %dma_wait3A_31 = arith.constant 0 : i32
        %dma_wait3A_32 = tpu.memref_slice %arg8[%dma_wait3A_30, %dma_wait3A_31] : memref<10112x128xf32, #tpu.memory_space<vmem_shared>> -> memref<10112x128xf32, #tpu.memory_space<vmem_shared>>
        tpu.wait_indirect_dma semaphore(%run_scoped3A : memref<!tpu.dma_semaphore, #tpu.memory_space<semaphore_mem>>) src(%arg7 : memref<128x128xf32, #tpu.memory_space<vmem>>) dst(%dma_wait3A_32 : memref<10112x128xf32, #tpu.memory_space<vmem_shared>>)
        tpu.yield
      }) : () -> ()
    }
    %scan3A_11 = arith.constant 80 : i32
    %barrier3A_12 = arith.constant 0 : index
    tpu.barrier barrier_id(%barrier3A_12)
    %mul3A_13 = arith.constant 632 : i32
    %mul3A_14 = arith.muli %arg1, %mul3A_13 : i32
    %mul3A_15 = arith.constant 632 : i32
    %mul3A_16 = arith.muli %arg1, %mul3A_15 : i32
    "tpu.region"() ({
      %run_scoped3A = tpu.sem_alloc : memref<!tpu.dma_semaphore, #tpu.memory_space<semaphore_mem>>
      %dma_start3A = arith.constant 0 : i32
      %dma_start3A_17 = tpu.memref_slice %arg5[%arg0, %mul3A_16, %dma_start3A] : memref<2x10112x128xf32, #tpu.memory_space<hbm>> -> memref<1x632x128xf32, #tpu.memory_space<hbm>>
      %dma_start3A_18 = tpu.memref_squeeze %dma_start3A_17 : memref<1x632x128xf32, #tpu.memory_space<hbm>> -> memref<632x128xf32, #tpu.memory_space<hbm>>
      %dma_start3A_19 = arith.constant 0 : i32
      %dma_start3A_20 = tpu.memref_slice %arg8[%mul3A_14, %dma_start3A_19] : memref<10112x128xf32, #tpu.memory_space<vmem_shared>> -> memref<632x128xf32, #tpu.memory_space<vmem_shared>>
      tpu.enqueue_dma source(%dma_start3A_20 : memref<632x128xf32, #tpu.memory_space<vmem_shared>>) target(%dma_start3A_18 : memref<632x128xf32, #tpu.memory_space<hbm>>) target_semaphore(%run_scoped3A : memref<!tpu.dma_semaphore, #tpu.memory_space<semaphore_mem>>)
      %dma_wait3A = arith.constant 0 : i32
      %dma_wait3A_21 = tpu.memref_slice %arg5[%arg0, %mul3A_16, %dma_wait3A] : memref<2x10112x128xf32, #tpu.memory_space<hbm>> -> memref<1x632x128xf32, #tpu.memory_space<hbm>>
      %dma_wait3A_22 = tpu.memref_squeeze %dma_wait3A_21 : memref<1x632x128xf32, #tpu.memory_space<hbm>> -> memref<632x128xf32, #tpu.memory_space<hbm>>
      %dma_wait3A_23 = arith.constant 0 : i32
      %dma_wait3A_24 = tpu.memref_slice %arg8[%mul3A_14, %dma_wait3A_23] : memref<10112x128xf32, #tpu.memory_space<vmem_shared>> -> memref<632x128xf32, #tpu.memory_space<vmem_shared>>
      tpu.wait_dma2 semaphore(%run_scoped3A : memref<!tpu.dma_semaphore, #tpu.memory_space<semaphore_mem>>) src(%dma_wait3A_24 : memref<632x128xf32, #tpu.memory_space<vmem_shared>>) dst(%dma_wait3A_22 : memref<632x128xf32, #tpu.memory_space<hbm>>)
      tpu.yield
    }) : () -> ()
    return
  }
}

#map = affine_map<(d0, d1) -> (0, 0)>
module attributes {stable_mosaic.version = 14 : i64} {
  func.func @_gather_sc_body(%arg0: i32, %arg1: i32, %arg2: memref<10000x128xf32, #tpu.memory_space<hbm>>, %arg3: memref<5120x128xi32, #tpu.memory_space<hbm>>, %arg4: memref<655360x128xf32, #tpu.memory_space<hbm>>, %arg5: memref<160x128xi32, #tpu.memory_space<vmem>>, %arg6: memref<4x128x128xf32, #tpu.memory_space<vmem>>, %arg7: memref<!tpu.dma_semaphore, #tpu.memory_space<semaphore_mem>>) attributes {dimension_semantics = [#tpu.dimension_semantics<core_parallel>, #tpu.dimension_semantics<subcore_parallel>], iteration_bounds = array<i64: 2, 16>, scalar_prefetch = 0 : i64, scratch_operands = 3 : i64, tpu.core_type = #tpu.core_type<sc_vector_subcore>, window_params = [{transform_indices = #map}, {transform_indices = #map}, {transform_indices = #map}]} {
    %mul3A = arith.constant 2 : i32
    %mul3A_0 = arith.muli %arg1, %mul3A : i32
    %add3A = arith.addi %mul3A_0, %arg0 : i32
    %mul3A_1 = arith.constant 160 : i32
    %mul3A_2 = arith.muli %add3A, %mul3A_1 : i32
    "tpu.region"() ({
      %run_scoped3A = tpu.sem_alloc : memref<!tpu.dma_semaphore, #tpu.memory_space<semaphore_mem>>
      %dma_start3A = arith.constant 0 : i32
      %dma_start3A_8 = tpu.memref_slice %arg3[%mul3A_2, %dma_start3A] : memref<5120x128xi32, #tpu.memory_space<hbm>> -> memref<160x128xi32, #tpu.memory_space<hbm>>
      %dma_start3A_9 = arith.constant 0 : i32
      %dma_start3A_10 = tpu.memref_slice %arg3[%mul3A_2, %dma_start3A_9] : memref<5120x128xi32, #tpu.memory_space<hbm>> -> memref<160x128xi32, #tpu.memory_space<hbm>>
      tpu.enqueue_dma source(%dma_start3A_10 : memref<160x128xi32, #tpu.memory_space<hbm>>) target(%arg5 : memref<160x128xi32, #tpu.memory_space<vmem>>) target_semaphore(%run_scoped3A : memref<!tpu.dma_semaphore, #tpu.memory_space<semaphore_mem>>)
      %dma_wait3A = arith.constant 0 : i32
      %dma_wait3A_11 = tpu.memref_slice %arg3[%mul3A_2, %dma_wait3A] : memref<5120x128xi32, #tpu.memory_space<hbm>> -> memref<160x128xi32, #tpu.memory_space<hbm>>
      %dma_wait3A_12 = arith.constant 0 : i32
      %dma_wait3A_13 = tpu.memref_slice %arg3[%mul3A_2, %dma_wait3A_12] : memref<5120x128xi32, #tpu.memory_space<hbm>> -> memref<160x128xi32, #tpu.memory_space<hbm>>
      tpu.wait_dma2 semaphore(%run_scoped3A : memref<!tpu.dma_semaphore, #tpu.memory_space<semaphore_mem>>) src(%dma_wait3A_13 : memref<160x128xi32, #tpu.memory_space<hbm>>) dst(%arg5 : memref<160x128xi32, #tpu.memory_space<vmem>>)
      tpu.yield
    }) : () -> ()
    %scan3A = arith.constant 0 : i32
    %scan3A_3 = arith.constant 0 : i32
    %scan3A_4 = arith.constant 40 : i32
    %scan3A_5 = arith.addi %scan3A_3, %scan3A_4 : i32
    %scan3A_6 = arith.constant 1 : i32
    scf.for %scan3A_8 = %scan3A_3 to %scan3A_5 step %scan3A_6  : i32 {
      %mul3A_9 = arith.constant 160 : i32
      %mul3A_10 = arith.muli %add3A, %mul3A_9 : i32
      %mul3A_11 = arith.constant 4 : i32
      %mul3A_12 = arith.muli %scan3A_8, %mul3A_11 : i32
      %add3A_13 = arith.addi %mul3A_10, %mul3A_12 : i32
      %mul3A_14 = arith.constant 4 : i32
      %mul3A_15 = arith.muli %scan3A_8, %mul3A_14 : i32
      %add3A_16 = arith.constant 0 : i32
      %add3A_17 = arith.addi %mul3A_15, %add3A_16 : i32
      %dma_start3A = arith.constant 0 : i32
      %dma_start3A_18 = arith.constant 0 : i32
      %dma_start3A_19 = arith.constant 0 : i32
      %dma_start3A_20 = tpu.memref_slice %arg6[%dma_start3A, %dma_start3A_18, %dma_start3A_19] : memref<4x128x128xf32, #tpu.memory_space<vmem>> -> memref<1x128x128xf32, #tpu.memory_space<vmem>>
      %dma_start3A_21 = tpu.memref_squeeze %dma_start3A_20 : memref<1x128x128xf32, #tpu.memory_space<vmem>> -> memref<128x128xf32, #tpu.memory_space<vmem>>
      %dma_start3A_22 = arith.constant 0 : i32
      %dma_start3A_23 = tpu.memref_slice %arg5[%add3A_17, %dma_start3A_22] : memref<160x128xi32, #tpu.memory_space<vmem>> -> memref<1x128xi32, #tpu.memory_space<vmem>>
      %dma_start3A_24 = tpu.memref_squeeze %dma_start3A_23 : memref<1x128xi32, #tpu.memory_space<vmem>> -> memref<128xi32, #tpu.memory_space<vmem>>
      %dma_start3A_25 = arith.constant 0 : i32
      %dma_start3A_26 = arith.constant 0 : i32
      %dma_start3A_27 = tpu.memref_slice %arg2[%dma_start3A_25, %dma_start3A_26] : memref<10000x128xf32, #tpu.memory_space<hbm>> -> memref<10000x128xf32, #tpu.memory_space<hbm>>
      tpu.enqueue_indirect_dma source(%dma_start3A_27 : memref<10000x128xf32, #tpu.memory_space<hbm>>) target(%dma_start3A_21 : memref<128x128xf32, #tpu.memory_space<vmem>>) offsets(%dma_start3A_24 : memref<128xi32, #tpu.memory_space<vmem>>) semaphore(%arg7 : memref<!tpu.dma_semaphore, #tpu.memory_space<semaphore_mem>>)
      %mul3A_28 = arith.constant 4 : i32
      %mul3A_29 = arith.muli %scan3A_8, %mul3A_28 : i32
      %add3A_30 = arith.constant 1 : i32
      %add3A_31 = arith.addi %mul3A_29, %add3A_30 : i32
      %dma_start3A_32 = arith.constant 1 : i32
      %dma_start3A_33 = arith.constant 0 : i32
      %dma_start3A_34 = arith.constant 0 : i32
      %dma_start3A_35 = tpu.memref_slice %arg6[%dma_start3A_32, %dma_start3A_33, %dma_start3A_34] : memref<4x128x128xf32, #tpu.memory_space<vmem>> -> memref<1x128x128xf32, #tpu.memory_space<vmem>>
      %dma_start3A_36 = tpu.memref_squeeze %dma_start3A_35 : memref<1x128x128xf32, #tpu.memory_space<vmem>> -> memref<128x128xf32, #tpu.memory_space<vmem>>
      %dma_start3A_37 = arith.constant 0 : i32
      %dma_start3A_38 = tpu.memref_slice %arg5[%add3A_31, %dma_start3A_37] : memref<160x128xi32, #tpu.memory_space<vmem>> -> memref<1x128xi32, #tpu.memory_space<vmem>>
      %dma_start3A_39 = tpu.memref_squeeze %dma_start3A_38 : memref<1x128xi32, #tpu.memory_space<vmem>> -> memref<128xi32, #tpu.memory_space<vmem>>
      %dma_start3A_40 = arith.constant 0 : i32
      %dma_start3A_41 = arith.constant 0 : i32
      %dma_start3A_42 = tpu.memref_slice %arg2[%dma_start3A_40, %dma_start3A_41] : memref<10000x128xf32, #tpu.memory_space<hbm>> -> memref<10000x128xf32, #tpu.memory_space<hbm>>
      tpu.enqueue_indirect_dma source(%dma_start3A_42 : memref<10000x128xf32, #tpu.memory_space<hbm>>) target(%dma_start3A_36 : memref<128x128xf32, #tpu.memory_space<vmem>>) offsets(%dma_start3A_39 : memref<128xi32, #tpu.memory_space<vmem>>) semaphore(%arg7 : memref<!tpu.dma_semaphore, #tpu.memory_space<semaphore_mem>>)
      %mul3A_43 = arith.constant 4 : i32
      %mul3A_44 = arith.muli %scan3A_8, %mul3A_43 : i32
      %add3A_45 = arith.constant 2 : i32
      %add3A_46 = arith.addi %mul3A_44, %add3A_45 : i32
      %dma_start3A_47 = arith.constant 2 : i32
      %dma_start3A_48 = arith.constant 0 : i32
      %dma_start3A_49 = arith.constant 0 : i32
      %dma_start3A_50 = tpu.memref_slice %arg6[%dma_start3A_47, %dma_start3A_48, %dma_start3A_49] : memref<4x128x128xf32, #tpu.memory_space<vmem>> -> memref<1x128x128xf32, #tpu.memory_space<vmem>>
      %dma_start3A_51 = tpu.memref_squeeze %dma_start3A_50 : memref<1x128x128xf32, #tpu.memory_space<vmem>> -> memref<128x128xf32, #tpu.memory_space<vmem>>
      %dma_start3A_52 = arith.constant 0 : i32
      %dma_start3A_53 = tpu.memref_slice %arg5[%add3A_46, %dma_start3A_52] : memref<160x128xi32, #tpu.memory_space<vmem>> -> memref<1x128xi32, #tpu.memory_space<vmem>>
      %dma_start3A_54 = tpu.memref_squeeze %dma_start3A_53 : memref<1x128xi32, #tpu.memory_space<vmem>> -> memref<128xi32, #tpu.memory_space<vmem>>
      %dma_start3A_55 = arith.constant 0 : i32
      %dma_start3A_56 = arith.constant 0 : i32
      %dma_start3A_57 = tpu.memref_slice %arg2[%dma_start3A_55, %dma_start3A_56] : memref<10000x128xf32, #tpu.memory_space<hbm>> -> memref<10000x128xf32, #tpu.memory_space<hbm>>
      tpu.enqueue_indirect_dma source(%dma_start3A_57 : memref<10000x128xf32, #tpu.memory_space<hbm>>) target(%dma_start3A_51 : memref<128x128xf32, #tpu.memory_space<vmem>>) offsets(%dma_start3A_54 : memref<128xi32, #tpu.memory_space<vmem>>) semaphore(%arg7 : memref<!tpu.dma_semaphore, #tpu.memory_space<semaphore_mem>>)
      %mul3A_58 = arith.constant 4 : i32
      %mul3A_59 = arith.muli %scan3A_8, %mul3A_58 : i32
      %add3A_60 = arith.constant 3 : i32
      %add3A_61 = arith.addi %mul3A_59, %add3A_60 : i32
      %dma_start3A_62 = arith.constant 3 : i32
      %dma_start3A_63 = arith.constant 0 : i32
      %dma_start3A_64 = arith.constant 0 : i32
      %dma_start3A_65 = tpu.memref_slice %arg6[%dma_start3A_62, %dma_start3A_63, %dma_start3A_64] : memref<4x128x128xf32, #tpu.memory_space<vmem>> -> memref<1x128x128xf32, #tpu.memory_space<vmem>>
      %dma_start3A_66 = tpu.memref_squeeze %dma_start3A_65 : memref<1x128x128xf32, #tpu.memory_space<vmem>> -> memref<128x128xf32, #tpu.memory_space<vmem>>
      %dma_start3A_67 = arith.constant 0 : i32
      %dma_start3A_68 = tpu.memref_slice %arg5[%add3A_61, %dma_start3A_67] : memref<160x128xi32, #tpu.memory_space<vmem>> -> memref<1x128xi32, #tpu.memory_space<vmem>>
      %dma_start3A_69 = tpu.memref_squeeze %dma_start3A_68 : memref<1x128xi32, #tpu.memory_space<vmem>> -> memref<128xi32, #tpu.memory_space<vmem>>
      %dma_start3A_70 = arith.constant 0 : i32
      %dma_start3A_71 = arith.constant 0 : i32
      %dma_start3A_72 = tpu.memref_slice %arg2[%dma_start3A_70, %dma_start3A_71] : memref<10000x128xf32, #tpu.memory_space<hbm>> -> memref<10000x128xf32, #tpu.memory_space<hbm>>
      tpu.enqueue_indirect_dma source(%dma_start3A_72 : memref<10000x128xf32, #tpu.memory_space<hbm>>) target(%dma_start3A_66 : memref<128x128xf32, #tpu.memory_space<vmem>>) offsets(%dma_start3A_69 : memref<128xi32, #tpu.memory_space<vmem>>) semaphore(%arg7 : memref<!tpu.dma_semaphore, #tpu.memory_space<semaphore_mem>>)
      %dma_wait3A = arith.constant 0 : i32
      %dma_wait3A_73 = arith.constant 0 : i32
      %dma_wait3A_74 = arith.constant 0 : i32
      %dma_wait3A_75 = tpu.memref_slice %arg6[%dma_wait3A, %dma_wait3A_73, %dma_wait3A_74] : memref<4x128x128xf32, #tpu.memory_space<vmem>> -> memref<1x128x128xf32, #tpu.memory_space<vmem>>
      %dma_wait3A_76 = tpu.memref_squeeze %dma_wait3A_75 : memref<1x128x128xf32, #tpu.memory_space<vmem>> -> memref<128x128xf32, #tpu.memory_space<vmem>>
      %dma_wait3A_77 = arith.constant 0 : i32
      %dma_wait3A_78 = tpu.memref_slice %arg5[%add3A_17, %dma_wait3A_77] : memref<160x128xi32, #tpu.memory_space<vmem>> -> memref<1x128xi32, #tpu.memory_space<vmem>>
      %dma_wait3A_79 = tpu.memref_squeeze %dma_wait3A_78 : memref<1x128xi32, #tpu.memory_space<vmem>> -> memref<128xi32, #tpu.memory_space<vmem>>
      %dma_wait3A_80 = arith.constant 0 : i32
      %dma_wait3A_81 = arith.constant 0 : i32
      %dma_wait3A_82 = tpu.memref_slice %arg2[%dma_wait3A_80, %dma_wait3A_81] : memref<10000x128xf32, #tpu.memory_space<hbm>> -> memref<10000x128xf32, #tpu.memory_space<hbm>>
      tpu.wait_indirect_dma semaphore(%arg7 : memref<!tpu.dma_semaphore, #tpu.memory_space<semaphore_mem>>) src(%dma_wait3A_82 : memref<10000x128xf32, #tpu.memory_space<hbm>>) dst(%dma_wait3A_76 : memref<128x128xf32, #tpu.memory_space<vmem>>)
      %add3A_83 = arith.constant 0 : i32
      %add3A_84 = arith.addi %add3A_13, %add3A_83 : i32
      %mul3A_85 = arith.constant 128 : i32
      %mul3A_86 = arith.muli %add3A_84, %mul3A_85 : i32
      %run_scoped3A = arith.constant 0 : i32
      "tpu.region"() ({
        %run_scoped3A_135 = tpu.sem_alloc : memref<!tpu.dma_semaphore, #tpu.memory_space<semaphore_mem>>
        %dma_start3A_136 = arith.constant 0 : i32
        %dma_start3A_137 = arith.constant 0 : i32
        %dma_start3A_138 = tpu.memref_slice %arg6[%run_scoped3A, %dma_start3A_136, %dma_start3A_137] : memref<4x128x128xf32, #tpu.memory_space<vmem>> -> memref<1x128x128xf32, #tpu.memory_space<vmem>>
        %dma_start3A_139 = tpu.memref_squeeze %dma_start3A_138 : memref<1x128x128xf32, #tpu.memory_space<vmem>> -> memref<128x128xf32, #tpu.memory_space<vmem>>
        %dma_start3A_140 = arith.constant 0 : i32
        %dma_start3A_141 = tpu.memref_slice %arg4[%mul3A_86, %dma_start3A_140] : memref<655360x128xf32, #tpu.memory_space<hbm>> -> memref<128x128xf32, #tpu.memory_space<hbm>>
        %dma_start3A_142 = arith.constant 0 : i32
        %dma_start3A_143 = tpu.memref_slice %arg4[%mul3A_86, %dma_start3A_142] : memref<655360x128xf32, #tpu.memory_space<hbm>> -> memref<128x128xf32, #tpu.memory_space<hbm>>
        %dma_start3A_144 = arith.constant 0 : i32
        %dma_start3A_145 = arith.constant 0 : i32
        %dma_start3A_146 = tpu.memref_slice %arg6[%run_scoped3A, %dma_start3A_144, %dma_start3A_145] : memref<4x128x128xf32, #tpu.memory_space<vmem>> -> memref<1x128x128xf32, #tpu.memory_space<vmem>>
        %dma_start3A_147 = tpu.memref_squeeze %dma_start3A_146 : memref<1x128x128xf32, #tpu.memory_space<vmem>> -> memref<128x128xf32, #tpu.memory_space<vmem>>
        tpu.enqueue_dma source(%dma_start3A_147 : memref<128x128xf32, #tpu.memory_space<vmem>>) target(%dma_start3A_143 : memref<128x128xf32, #tpu.memory_space<hbm>>) target_semaphore(%run_scoped3A_135 : memref<!tpu.dma_semaphore, #tpu.memory_space<semaphore_mem>>)
        %dma_wait3A_148 = arith.constant 0 : i32
        %dma_wait3A_149 = arith.constant 0 : i32
        %dma_wait3A_150 = tpu.memref_slice %arg6[%run_scoped3A, %dma_wait3A_148, %dma_wait3A_149] : memref<4x128x128xf32, #tpu.memory_space<vmem>> -> memref<1x128x128xf32, #tpu.memory_space<vmem>>
        %dma_wait3A_151 = tpu.memref_squeeze %dma_wait3A_150 : memref<1x128x128xf32, #tpu.memory_space<vmem>> -> memref<128x128xf32, #tpu.memory_space<vmem>>
        %dma_wait3A_152 = arith.constant 0 : i32
        %dma_wait3A_153 = tpu.memref_slice %arg4[%mul3A_86, %dma_wait3A_152] : memref<655360x128xf32, #tpu.memory_space<hbm>> -> memref<128x128xf32, #tpu.memory_space<hbm>>
        %dma_wait3A_154 = arith.constant 0 : i32
        %dma_wait3A_155 = tpu.memref_slice %arg4[%mul3A_86, %dma_wait3A_154] : memref<655360x128xf32, #tpu.memory_space<hbm>> -> memref<128x128xf32, #tpu.memory_space<hbm>>
        %dma_wait3A_156 = arith.constant 0 : i32
        %dma_wait3A_157 = arith.constant 0 : i32
        %dma_wait3A_158 = tpu.memref_slice %arg6[%run_scoped3A, %dma_wait3A_156, %dma_wait3A_157] : memref<4x128x128xf32, #tpu.memory_space<vmem>> -> memref<1x128x128xf32, #tpu.memory_space<vmem>>
        %dma_wait3A_159 = tpu.memref_squeeze %dma_wait3A_158 : memref<1x128x128xf32, #tpu.memory_space<vmem>> -> memref<128x128xf32, #tpu.memory_space<vmem>>
        tpu.wait_dma2 semaphore(%run_scoped3A_135 : memref<!tpu.dma_semaphore, #tpu.memory_space<semaphore_mem>>) src(%dma_wait3A_159 : memref<128x128xf32, #tpu.memory_space<vmem>>) dst(%dma_wait3A_155 : memref<128x128xf32, #tpu.memory_space<hbm>>)
        tpu.yield
      }) : () -> ()
      %dma_wait3A_87 = arith.constant 1 : i32
      %dma_wait3A_88 = arith.constant 0 : i32
      %dma_wait3A_89 = arith.constant 0 : i32
      %dma_wait3A_90 = tpu.memref_slice %arg6[%dma_wait3A_87, %dma_wait3A_88, %dma_wait3A_89] : memref<4x128x128xf32, #tpu.memory_space<vmem>> -> memref<1x128x128xf32, #tpu.memory_space<vmem>>
      %dma_wait3A_91 = tpu.memref_squeeze %dma_wait3A_90 : memref<1x128x128xf32, #tpu.memory_space<vmem>> -> memref<128x128xf32, #tpu.memory_space<vmem>>
      %dma_wait3A_92 = arith.constant 0 : i32
      %dma_wait3A_93 = tpu.memref_slice %arg5[%add3A_31, %dma_wait3A_92] : memref<160x128xi32, #tpu.memory_space<vmem>> -> memref<1x128xi32, #tpu.memory_space<vmem>>
      %dma_wait3A_94 = tpu.memref_squeeze %dma_wait3A_93 : memref<1x128xi32, #tpu.memory_space<vmem>> -> memref<128xi32, #tpu.memory_space<vmem>>
      %dma_wait3A_95 = arith.constant 0 : i32
      %dma_wait3A_96 = arith.constant 0 : i32
      %dma_wait3A_97 = tpu.memref_slice %arg2[%dma_wait3A_95, %dma_wait3A_96] : memref<10000x128xf32, #tpu.memory_space<hbm>> -> memref<10000x128xf32, #tpu.memory_space<hbm>>
      tpu.wait_indirect_dma semaphore(%arg7 : memref<!tpu.dma_semaphore, #tpu.memory_space<semaphore_mem>>) src(%dma_wait3A_97 : memref<10000x128xf32, #tpu.memory_space<hbm>>) dst(%dma_wait3A_91 : memref<128x128xf32, #tpu.memory_space<vmem>>)
      %add3A_98 = arith.constant 1 : i32
      %add3A_99 = arith.addi %add3A_13, %add3A_98 : i32
      %mul3A_100 = arith.constant 128 : i32
      %mul3A_101 = arith.muli %add3A_99, %mul3A_100 : i32
      %run_scoped3A_102 = arith.constant 1 : i32
      "tpu.region"() ({
        %run_scoped3A_135 = tpu.sem_alloc : memref<!tpu.dma_semaphore, #tpu.memory_space<semaphore_mem>>
        %dma_start3A_136 = arith.constant 0 : i32
        %dma_start3A_137 = arith.constant 0 : i32
        %dma_start3A_138 = tpu.memref_slice %arg6[%run_scoped3A_102, %dma_start3A_136, %dma_start3A_137] : memref<4x128x128xf32, #tpu.memory_space<vmem>> -> memref<1x128x128xf32, #tpu.memory_space<vmem>>
        %dma_start3A_139 = tpu.memref_squeeze %dma_start3A_138 : memref<1x128x128xf32, #tpu.memory_space<vmem>> -> memref<128x128xf32, #tpu.memory_space<vmem>>
        %dma_start3A_140 = arith.constant 0 : i32
        %dma_start3A_141 = tpu.memref_slice %arg4[%mul3A_101, %dma_start3A_140] : memref<655360x128xf32, #tpu.memory_space<hbm>> -> memref<128x128xf32, #tpu.memory_space<hbm>>
        %dma_start3A_142 = arith.constant 0 : i32
        %dma_start3A_143 = tpu.memref_slice %arg4[%mul3A_101, %dma_start3A_142] : memref<655360x128xf32, #tpu.memory_space<hbm>> -> memref<128x128xf32, #tpu.memory_space<hbm>>
        %dma_start3A_144 = arith.constant 0 : i32
        %dma_start3A_145 = arith.constant 0 : i32
        %dma_start3A_146 = tpu.memref_slice %arg6[%run_scoped3A_102, %dma_start3A_144, %dma_start3A_145] : memref<4x128x128xf32, #tpu.memory_space<vmem>> -> memref<1x128x128xf32, #tpu.memory_space<vmem>>
        %dma_start3A_147 = tpu.memref_squeeze %dma_start3A_146 : memref<1x128x128xf32, #tpu.memory_space<vmem>> -> memref<128x128xf32, #tpu.memory_space<vmem>>
        tpu.enqueue_dma source(%dma_start3A_147 : memref<128x128xf32, #tpu.memory_space<vmem>>) target(%dma_start3A_143 : memref<128x128xf32, #tpu.memory_space<hbm>>) target_semaphore(%run_scoped3A_135 : memref<!tpu.dma_semaphore, #tpu.memory_space<semaphore_mem>>)
        %dma_wait3A_148 = arith.constant 0 : i32
        %dma_wait3A_149 = arith.constant 0 : i32
        %dma_wait3A_150 = tpu.memref_slice %arg6[%run_scoped3A_102, %dma_wait3A_148, %dma_wait3A_149] : memref<4x128x128xf32, #tpu.memory_space<vmem>> -> memref<1x128x128xf32, #tpu.memory_space<vmem>>
        %dma_wait3A_151 = tpu.memref_squeeze %dma_wait3A_150 : memref<1x128x128xf32, #tpu.memory_space<vmem>> -> memref<128x128xf32, #tpu.memory_space<vmem>>
        %dma_wait3A_152 = arith.constant 0 : i32
        %dma_wait3A_153 = tpu.memref_slice %arg4[%mul3A_101, %dma_wait3A_152] : memref<655360x128xf32, #tpu.memory_space<hbm>> -> memref<128x128xf32, #tpu.memory_space<hbm>>
        %dma_wait3A_154 = arith.constant 0 : i32
        %dma_wait3A_155 = tpu.memref_slice %arg4[%mul3A_101, %dma_wait3A_154] : memref<655360x128xf32, #tpu.memory_space<hbm>> -> memref<128x128xf32, #tpu.memory_space<hbm>>
        %dma_wait3A_156 = arith.constant 0 : i32
        %dma_wait3A_157 = arith.constant 0 : i32
        %dma_wait3A_158 = tpu.memref_slice %arg6[%run_scoped3A_102, %dma_wait3A_156, %dma_wait3A_157] : memref<4x128x128xf32, #tpu.memory_space<vmem>> -> memref<1x128x128xf32, #tpu.memory_space<vmem>>
        %dma_wait3A_159 = tpu.memref_squeeze %dma_wait3A_158 : memref<1x128x128xf32, #tpu.memory_space<vmem>> -> memref<128x128xf32, #tpu.memory_space<vmem>>
        tpu.wait_dma2 semaphore(%run_scoped3A_135 : memref<!tpu.dma_semaphore, #tpu.memory_space<semaphore_mem>>) src(%dma_wait3A_159 : memref<128x128xf32, #tpu.memory_space<vmem>>) dst(%dma_wait3A_155 : memref<128x128xf32, #tpu.memory_space<hbm>>)
        tpu.yield
      }) : () -> ()
      %dma_wait3A_103 = arith.constant 2 : i32
      %dma_wait3A_104 = arith.constant 0 : i32
      %dma_wait3A_105 = arith.constant 0 : i32
      %dma_wait3A_106 = tpu.memref_slice %arg6[%dma_wait3A_103, %dma_wait3A_104, %dma_wait3A_105] : memref<4x128x128xf32, #tpu.memory_space<vmem>> -> memref<1x128x128xf32, #tpu.memory_space<vmem>>
      %dma_wait3A_107 = tpu.memref_squeeze %dma_wait3A_106 : memref<1x128x128xf32, #tpu.memory_space<vmem>> -> memref<128x128xf32, #tpu.memory_space<vmem>>
      %dma_wait3A_108 = arith.constant 0 : i32
      %dma_wait3A_109 = tpu.memref_slice %arg5[%add3A_46, %dma_wait3A_108] : memref<160x128xi32, #tpu.memory_space<vmem>> -> memref<1x128xi32, #tpu.memory_space<vmem>>
      %dma_wait3A_110 = tpu.memref_squeeze %dma_wait3A_109 : memref<1x128xi32, #tpu.memory_space<vmem>> -> memref<128xi32, #tpu.memory_space<vmem>>
      %dma_wait3A_111 = arith.constant 0 : i32
      %dma_wait3A_112 = arith.constant 0 : i32
      %dma_wait3A_113 = tpu.memref_slice %arg2[%dma_wait3A_111, %dma_wait3A_112] : memref<10000x128xf32, #tpu.memory_space<hbm>> -> memref<10000x128xf32, #tpu.memory_space<hbm>>
      tpu.wait_indirect_dma semaphore(%arg7 : memref<!tpu.dma_semaphore, #tpu.memory_space<semaphore_mem>>) src(%dma_wait3A_113 : memref<10000x128xf32, #tpu.memory_space<hbm>>) dst(%dma_wait3A_107 : memref<128x128xf32, #tpu.memory_space<vmem>>)
      %add3A_114 = arith.constant 2 : i32
      %add3A_115 = arith.addi %add3A_13, %add3A_114 : i32
      %mul3A_116 = arith.constant 128 : i32
      %mul3A_117 = arith.muli %add3A_115, %mul3A_116 : i32
      %run_scoped3A_118 = arith.constant 2 : i32
      "tpu.region"() ({
        %run_scoped3A_135 = tpu.sem_alloc : memref<!tpu.dma_semaphore, #tpu.memory_space<semaphore_mem>>
        %dma_start3A_136 = arith.constant 0 : i32
        %dma_start3A_137 = arith.constant 0 : i32
        %dma_start3A_138 = tpu.memref_slice %arg6[%run_scoped3A_118, %dma_start3A_136, %dma_start3A_137] : memref<4x128x128xf32, #tpu.memory_space<vmem>> -> memref<1x128x128xf32, #tpu.memory_space<vmem>>
        %dma_start3A_139 = tpu.memref_squeeze %dma_start3A_138 : memref<1x128x128xf32, #tpu.memory_space<vmem>> -> memref<128x128xf32, #tpu.memory_space<vmem>>
        %dma_start3A_140 = arith.constant 0 : i32
        %dma_start3A_141 = tpu.memref_slice %arg4[%mul3A_117, %dma_start3A_140] : memref<655360x128xf32, #tpu.memory_space<hbm>> -> memref<128x128xf32, #tpu.memory_space<hbm>>
        %dma_start3A_142 = arith.constant 0 : i32
        %dma_start3A_143 = tpu.memref_slice %arg4[%mul3A_117, %dma_start3A_142] : memref<655360x128xf32, #tpu.memory_space<hbm>> -> memref<128x128xf32, #tpu.memory_space<hbm>>
        %dma_start3A_144 = arith.constant 0 : i32
        %dma_start3A_145 = arith.constant 0 : i32
        %dma_start3A_146 = tpu.memref_slice %arg6[%run_scoped3A_118, %dma_start3A_144, %dma_start3A_145] : memref<4x128x128xf32, #tpu.memory_space<vmem>> -> memref<1x128x128xf32, #tpu.memory_space<vmem>>
        %dma_start3A_147 = tpu.memref_squeeze %dma_start3A_146 : memref<1x128x128xf32, #tpu.memory_space<vmem>> -> memref<128x128xf32, #tpu.memory_space<vmem>>
        tpu.enqueue_dma source(%dma_start3A_147 : memref<128x128xf32, #tpu.memory_space<vmem>>) target(%dma_start3A_143 : memref<128x128xf32, #tpu.memory_space<hbm>>) target_semaphore(%run_scoped3A_135 : memref<!tpu.dma_semaphore, #tpu.memory_space<semaphore_mem>>)
        %dma_wait3A_148 = arith.constant 0 : i32
        %dma_wait3A_149 = arith.constant 0 : i32
        %dma_wait3A_150 = tpu.memref_slice %arg6[%run_scoped3A_118, %dma_wait3A_148, %dma_wait3A_149] : memref<4x128x128xf32, #tpu.memory_space<vmem>> -> memref<1x128x128xf32, #tpu.memory_space<vmem>>
        %dma_wait3A_151 = tpu.memref_squeeze %dma_wait3A_150 : memref<1x128x128xf32, #tpu.memory_space<vmem>> -> memref<128x128xf32, #tpu.memory_space<vmem>>
        %dma_wait3A_152 = arith.constant 0 : i32
        %dma_wait3A_153 = tpu.memref_slice %arg4[%mul3A_117, %dma_wait3A_152] : memref<655360x128xf32, #tpu.memory_space<hbm>> -> memref<128x128xf32, #tpu.memory_space<hbm>>
        %dma_wait3A_154 = arith.constant 0 : i32
        %dma_wait3A_155 = tpu.memref_slice %arg4[%mul3A_117, %dma_wait3A_154] : memref<655360x128xf32, #tpu.memory_space<hbm>> -> memref<128x128xf32, #tpu.memory_space<hbm>>
        %dma_wait3A_156 = arith.constant 0 : i32
        %dma_wait3A_157 = arith.constant 0 : i32
        %dma_wait3A_158 = tpu.memref_slice %arg6[%run_scoped3A_118, %dma_wait3A_156, %dma_wait3A_157] : memref<4x128x128xf32, #tpu.memory_space<vmem>> -> memref<1x128x128xf32, #tpu.memory_space<vmem>>
        %dma_wait3A_159 = tpu.memref_squeeze %dma_wait3A_158 : memref<1x128x128xf32, #tpu.memory_space<vmem>> -> memref<128x128xf32, #tpu.memory_space<vmem>>
        tpu.wait_dma2 semaphore(%run_scoped3A_135 : memref<!tpu.dma_semaphore, #tpu.memory_space<semaphore_mem>>) src(%dma_wait3A_159 : memref<128x128xf32, #tpu.memory_space<vmem>>) dst(%dma_wait3A_155 : memref<128x128xf32, #tpu.memory_space<hbm>>)
        tpu.yield
      }) : () -> ()
      %dma_wait3A_119 = arith.constant 3 : i32
      %dma_wait3A_120 = arith.constant 0 : i32
      %dma_wait3A_121 = arith.constant 0 : i32
      %dma_wait3A_122 = tpu.memref_slice %arg6[%dma_wait3A_119, %dma_wait3A_120, %dma_wait3A_121] : memref<4x128x128xf32, #tpu.memory_space<vmem>> -> memref<1x128x128xf32, #tpu.memory_space<vmem>>
      %dma_wait3A_123 = tpu.memref_squeeze %dma_wait3A_122 : memref<1x128x128xf32, #tpu.memory_space<vmem>> -> memref<128x128xf32, #tpu.memory_space<vmem>>
      %dma_wait3A_124 = arith.constant 0 : i32
      %dma_wait3A_125 = tpu.memref_slice %arg5[%add3A_61, %dma_wait3A_124] : memref<160x128xi32, #tpu.memory_space<vmem>> -> memref<1x128xi32, #tpu.memory_space<vmem>>
      %dma_wait3A_126 = tpu.memref_squeeze %dma_wait3A_125 : memref<1x128xi32, #tpu.memory_space<vmem>> -> memref<128xi32, #tpu.memory_space<vmem>>
      %dma_wait3A_127 = arith.constant 0 : i32
      %dma_wait3A_128 = arith.constant 0 : i32
      %dma_wait3A_129 = tpu.memref_slice %arg2[%dma_wait3A_127, %dma_wait3A_128] : memref<10000x128xf32, #tpu.memory_space<hbm>> -> memref<10000x128xf32, #tpu.memory_space<hbm>>
      tpu.wait_indirect_dma semaphore(%arg7 : memref<!tpu.dma_semaphore, #tpu.memory_space<semaphore_mem>>) src(%dma_wait3A_129 : memref<10000x128xf32, #tpu.memory_space<hbm>>) dst(%dma_wait3A_123 : memref<128x128xf32, #tpu.memory_space<vmem>>)
      %add3A_130 = arith.constant 3 : i32
      %add3A_131 = arith.addi %add3A_13, %add3A_130 : i32
      %mul3A_132 = arith.constant 128 : i32
      %mul3A_133 = arith.muli %add3A_131, %mul3A_132 : i32
      %run_scoped3A_134 = arith.constant 3 : i32
      "tpu.region"() ({
        %run_scoped3A_135 = tpu.sem_alloc : memref<!tpu.dma_semaphore, #tpu.memory_space<semaphore_mem>>
        %dma_start3A_136 = arith.constant 0 : i32
        %dma_start3A_137 = arith.constant 0 : i32
        %dma_start3A_138 = tpu.memref_slice %arg6[%run_scoped3A_134, %dma_start3A_136, %dma_start3A_137] : memref<4x128x128xf32, #tpu.memory_space<vmem>> -> memref<1x128x128xf32, #tpu.memory_space<vmem>>
        %dma_start3A_139 = tpu.memref_squeeze %dma_start3A_138 : memref<1x128x128xf32, #tpu.memory_space<vmem>> -> memref<128x128xf32, #tpu.memory_space<vmem>>
        %dma_start3A_140 = arith.constant 0 : i32
        %dma_start3A_141 = tpu.memref_slice %arg4[%mul3A_133, %dma_start3A_140] : memref<655360x128xf32, #tpu.memory_space<hbm>> -> memref<128x128xf32, #tpu.memory_space<hbm>>
        %dma_start3A_142 = arith.constant 0 : i32
        %dma_start3A_143 = tpu.memref_slice %arg4[%mul3A_133, %dma_start3A_142] : memref<655360x128xf32, #tpu.memory_space<hbm>> -> memref<128x128xf32, #tpu.memory_space<hbm>>
        %dma_start3A_144 = arith.constant 0 : i32
        %dma_start3A_145 = arith.constant 0 : i32
        %dma_start3A_146 = tpu.memref_slice %arg6[%run_scoped3A_134, %dma_start3A_144, %dma_start3A_145] : memref<4x128x128xf32, #tpu.memory_space<vmem>> -> memref<1x128x128xf32, #tpu.memory_space<vmem>>
        %dma_start3A_147 = tpu.memref_squeeze %dma_start3A_146 : memref<1x128x128xf32, #tpu.memory_space<vmem>> -> memref<128x128xf32, #tpu.memory_space<vmem>>
        tpu.enqueue_dma source(%dma_start3A_147 : memref<128x128xf32, #tpu.memory_space<vmem>>) target(%dma_start3A_143 : memref<128x128xf32, #tpu.memory_space<hbm>>) target_semaphore(%run_scoped3A_135 : memref<!tpu.dma_semaphore, #tpu.memory_space<semaphore_mem>>)
        %dma_wait3A_148 = arith.constant 0 : i32
        %dma_wait3A_149 = arith.constant 0 : i32
        %dma_wait3A_150 = tpu.memref_slice %arg6[%run_scoped3A_134, %dma_wait3A_148, %dma_wait3A_149] : memref<4x128x128xf32, #tpu.memory_space<vmem>> -> memref<1x128x128xf32, #tpu.memory_space<vmem>>
        %dma_wait3A_151 = tpu.memref_squeeze %dma_wait3A_150 : memref<1x128x128xf32, #tpu.memory_space<vmem>> -> memref<128x128xf32, #tpu.memory_space<vmem>>
        %dma_wait3A_152 = arith.constant 0 : i32
        %dma_wait3A_153 = tpu.memref_slice %arg4[%mul3A_133, %dma_wait3A_152] : memref<655360x128xf32, #tpu.memory_space<hbm>> -> memref<128x128xf32, #tpu.memory_space<hbm>>
        %dma_wait3A_154 = arith.constant 0 : i32
        %dma_wait3A_155 = tpu.memref_slice %arg4[%mul3A_133, %dma_wait3A_154] : memref<655360x128xf32, #tpu.memory_space<hbm>> -> memref<128x128xf32, #tpu.memory_space<hbm>>
        %dma_wait3A_156 = arith.constant 0 : i32
        %dma_wait3A_157 = arith.constant 0 : i32
        %dma_wait3A_158 = tpu.memref_slice %arg6[%run_scoped3A_134, %dma_wait3A_156, %dma_wait3A_157] : memref<4x128x128xf32, #tpu.memory_space<vmem>> -> memref<1x128x128xf32, #tpu.memory_space<vmem>>
        %dma_wait3A_159 = tpu.memref_squeeze %dma_wait3A_158 : memref<1x128x128xf32, #tpu.memory_space<vmem>> -> memref<128x128xf32, #tpu.memory_space<vmem>>
        tpu.wait_dma2 semaphore(%run_scoped3A_135 : memref<!tpu.dma_semaphore, #tpu.memory_space<semaphore_mem>>) src(%dma_wait3A_159 : memref<128x128xf32, #tpu.memory_space<vmem>>) dst(%dma_wait3A_155 : memref<128x128xf32, #tpu.memory_space<hbm>>)
        tpu.yield
      }) : () -> ()
    }
    %scan3A_7 = arith.constant 40 : i32
    return
  }
}

#map = affine_map<(d0, d1) -> (0, 0)>
module attributes {stable_mosaic.version = 14 : i64} {
  func.func @_gather_sc_body(%arg0: i32, %arg1: i32, %arg2: memref<10000x128xf32, #tpu.memory_space<hbm>>, %arg3: memref<5120x128xi32, #tpu.memory_space<hbm>>, %arg4: memref<655360x128xf32, #tpu.memory_space<hbm>>, %arg5: memref<160x128xi32, #tpu.memory_space<vmem>>, %arg6: memref<4x128x128xf32, #tpu.memory_space<vmem>>, %arg7: memref<!tpu.dma_semaphore, #tpu.memory_space<semaphore_mem>>) attributes {dimension_semantics = [#tpu.dimension_semantics<core_parallel>, #tpu.dimension_semantics<subcore_parallel>], iteration_bounds = array<i64: 2, 16>, scalar_prefetch = 0 : i64, scratch_operands = 3 : i64, tpu.core_type = #tpu.core_type<sc_vector_subcore>, window_params = [{transform_indices = #map}, {transform_indices = #map}, {transform_indices = #map}]} {
    %mul3A = arith.constant 2 : i32
    %mul3A_0 = arith.muli %arg1, %mul3A : i32
    %add3A = arith.addi %mul3A_0, %arg0 : i32
    %mul3A_1 = arith.constant 160 : i32
    %mul3A_2 = arith.muli %add3A, %mul3A_1 : i32
    "tpu.region"() ({
      %run_scoped3A = tpu.sem_alloc : memref<!tpu.dma_semaphore, #tpu.memory_space<semaphore_mem>>
      %dma_start3A = arith.constant 0 : i32
      %dma_start3A_8 = tpu.memref_slice %arg3[%mul3A_2, %dma_start3A] : memref<5120x128xi32, #tpu.memory_space<hbm>> -> memref<160x128xi32, #tpu.memory_space<hbm>>
      %dma_start3A_9 = arith.constant 0 : i32
      %dma_start3A_10 = tpu.memref_slice %arg3[%mul3A_2, %dma_start3A_9] : memref<5120x128xi32, #tpu.memory_space<hbm>> -> memref<160x128xi32, #tpu.memory_space<hbm>>
      tpu.enqueue_dma source(%dma_start3A_10 : memref<160x128xi32, #tpu.memory_space<hbm>>) target(%arg5 : memref<160x128xi32, #tpu.memory_space<vmem>>) target_semaphore(%run_scoped3A : memref<!tpu.dma_semaphore, #tpu.memory_space<semaphore_mem>>)
      %dma_wait3A = arith.constant 0 : i32
      %dma_wait3A_11 = tpu.memref_slice %arg3[%mul3A_2, %dma_wait3A] : memref<5120x128xi32, #tpu.memory_space<hbm>> -> memref<160x128xi32, #tpu.memory_space<hbm>>
      %dma_wait3A_12 = arith.constant 0 : i32
      %dma_wait3A_13 = tpu.memref_slice %arg3[%mul3A_2, %dma_wait3A_12] : memref<5120x128xi32, #tpu.memory_space<hbm>> -> memref<160x128xi32, #tpu.memory_space<hbm>>
      tpu.wait_dma2 semaphore(%run_scoped3A : memref<!tpu.dma_semaphore, #tpu.memory_space<semaphore_mem>>) src(%dma_wait3A_13 : memref<160x128xi32, #tpu.memory_space<hbm>>) dst(%arg5 : memref<160x128xi32, #tpu.memory_space<vmem>>)
      tpu.yield
    }) : () -> ()
    %scan3A = arith.constant 0 : i32
    %scan3A_3 = arith.constant 0 : i32
    %scan3A_4 = arith.constant 40 : i32
    %scan3A_5 = arith.addi %scan3A_3, %scan3A_4 : i32
    %scan3A_6 = arith.constant 1 : i32
    scf.for %scan3A_8 = %scan3A_3 to %scan3A_5 step %scan3A_6  : i32 {
      %mul3A_9 = arith.constant 160 : i32
      %mul3A_10 = arith.muli %add3A, %mul3A_9 : i32
      %mul3A_11 = arith.constant 4 : i32
      %mul3A_12 = arith.muli %scan3A_8, %mul3A_11 : i32
      %add3A_13 = arith.addi %mul3A_10, %mul3A_12 : i32
      %mul3A_14 = arith.constant 4 : i32
      %mul3A_15 = arith.muli %scan3A_8, %mul3A_14 : i32
      %add3A_16 = arith.constant 0 : i32
      %add3A_17 = arith.addi %mul3A_15, %add3A_16 : i32
      %dma_start3A = arith.constant 0 : i32
      %dma_start3A_18 = arith.constant 0 : i32
      %dma_start3A_19 = arith.constant 0 : i32
      %dma_start3A_20 = tpu.memref_slice %arg6[%dma_start3A, %dma_start3A_18, %dma_start3A_19] : memref<4x128x128xf32, #tpu.memory_space<vmem>> -> memref<1x128x128xf32, #tpu.memory_space<vmem>>
      %dma_start3A_21 = tpu.memref_squeeze %dma_start3A_20 : memref<1x128x128xf32, #tpu.memory_space<vmem>> -> memref<128x128xf32, #tpu.memory_space<vmem>>
      %dma_start3A_22 = arith.constant 0 : i32
      %dma_start3A_23 = tpu.memref_slice %arg5[%add3A_17, %dma_start3A_22] : memref<160x128xi32, #tpu.memory_space<vmem>> -> memref<1x128xi32, #tpu.memory_space<vmem>>
      %dma_start3A_24 = tpu.memref_squeeze %dma_start3A_23 : memref<1x128xi32, #tpu.memory_space<vmem>> -> memref<128xi32, #tpu.memory_space<vmem>>
      %dma_start3A_25 = arith.constant 0 : i32
      %dma_start3A_26 = arith.constant 0 : i32
      %dma_start3A_27 = tpu.memref_slice %arg2[%dma_start3A_25, %dma_start3A_26] : memref<10000x128xf32, #tpu.memory_space<hbm>> -> memref<10000x128xf32, #tpu.memory_space<hbm>>
      tpu.enqueue_indirect_dma source(%dma_start3A_27 : memref<10000x128xf32, #tpu.memory_space<hbm>>) target(%dma_start3A_21 : memref<128x128xf32, #tpu.memory_space<vmem>>) offsets(%dma_start3A_24 : memref<128xi32, #tpu.memory_space<vmem>>) semaphore(%arg7 : memref<!tpu.dma_semaphore, #tpu.memory_space<semaphore_mem>>)
      %mul3A_28 = arith.constant 4 : i32
      %mul3A_29 = arith.muli %scan3A_8, %mul3A_28 : i32
      %add3A_30 = arith.constant 1 : i32
      %add3A_31 = arith.addi %mul3A_29, %add3A_30 : i32
      %dma_start3A_32 = arith.constant 1 : i32
      %dma_start3A_33 = arith.constant 0 : i32
      %dma_start3A_34 = arith.constant 0 : i32
      %dma_start3A_35 = tpu.memref_slice %arg6[%dma_start3A_32, %dma_start3A_33, %dma_start3A_34] : memref<4x128x128xf32, #tpu.memory_space<vmem>> -> memref<1x128x128xf32, #tpu.memory_space<vmem>>
      %dma_start3A_36 = tpu.memref_squeeze %dma_start3A_35 : memref<1x128x128xf32, #tpu.memory_space<vmem>> -> memref<128x128xf32, #tpu.memory_space<vmem>>
      %dma_start3A_37 = arith.constant 0 : i32
      %dma_start3A_38 = tpu.memref_slice %arg5[%add3A_31, %dma_start3A_37] : memref<160x128xi32, #tpu.memory_space<vmem>> -> memref<1x128xi32, #tpu.memory_space<vmem>>
      %dma_start3A_39 = tpu.memref_squeeze %dma_start3A_38 : memref<1x128xi32, #tpu.memory_space<vmem>> -> memref<128xi32, #tpu.memory_space<vmem>>
      %dma_start3A_40 = arith.constant 0 : i32
      %dma_start3A_41 = arith.constant 0 : i32
      %dma_start3A_42 = tpu.memref_slice %arg2[%dma_start3A_40, %dma_start3A_41] : memref<10000x128xf32, #tpu.memory_space<hbm>> -> memref<10000x128xf32, #tpu.memory_space<hbm>>
      tpu.enqueue_indirect_dma source(%dma_start3A_42 : memref<10000x128xf32, #tpu.memory_space<hbm>>) target(%dma_start3A_36 : memref<128x128xf32, #tpu.memory_space<vmem>>) offsets(%dma_start3A_39 : memref<128xi32, #tpu.memory_space<vmem>>) semaphore(%arg7 : memref<!tpu.dma_semaphore, #tpu.memory_space<semaphore_mem>>)
      %mul3A_43 = arith.constant 4 : i32
      %mul3A_44 = arith.muli %scan3A_8, %mul3A_43 : i32
      %add3A_45 = arith.constant 2 : i32
      %add3A_46 = arith.addi %mul3A_44, %add3A_45 : i32
      %dma_start3A_47 = arith.constant 2 : i32
      %dma_start3A_48 = arith.constant 0 : i32
      %dma_start3A_49 = arith.constant 0 : i32
      %dma_start3A_50 = tpu.memref_slice %arg6[%dma_start3A_47, %dma_start3A_48, %dma_start3A_49] : memref<4x128x128xf32, #tpu.memory_space<vmem>> -> memref<1x128x128xf32, #tpu.memory_space<vmem>>
      %dma_start3A_51 = tpu.memref_squeeze %dma_start3A_50 : memref<1x128x128xf32, #tpu.memory_space<vmem>> -> memref<128x128xf32, #tpu.memory_space<vmem>>
      %dma_start3A_52 = arith.constant 0 : i32
      %dma_start3A_53 = tpu.memref_slice %arg5[%add3A_46, %dma_start3A_52] : memref<160x128xi32, #tpu.memory_space<vmem>> -> memref<1x128xi32, #tpu.memory_space<vmem>>
      %dma_start3A_54 = tpu.memref_squeeze %dma_start3A_53 : memref<1x128xi32, #tpu.memory_space<vmem>> -> memref<128xi32, #tpu.memory_space<vmem>>
      %dma_start3A_55 = arith.constant 0 : i32
      %dma_start3A_56 = arith.constant 0 : i32
      %dma_start3A_57 = tpu.memref_slice %arg2[%dma_start3A_55, %dma_start3A_56] : memref<10000x128xf32, #tpu.memory_space<hbm>> -> memref<10000x128xf32, #tpu.memory_space<hbm>>
      tpu.enqueue_indirect_dma source(%dma_start3A_57 : memref<10000x128xf32, #tpu.memory_space<hbm>>) target(%dma_start3A_51 : memref<128x128xf32, #tpu.memory_space<vmem>>) offsets(%dma_start3A_54 : memref<128xi32, #tpu.memory_space<vmem>>) semaphore(%arg7 : memref<!tpu.dma_semaphore, #tpu.memory_space<semaphore_mem>>)
      %mul3A_58 = arith.constant 4 : i32
      %mul3A_59 = arith.muli %scan3A_8, %mul3A_58 : i32
      %add3A_60 = arith.constant 3 : i32
      %add3A_61 = arith.addi %mul3A_59, %add3A_60 : i32
      %dma_start3A_62 = arith.constant 3 : i32
      %dma_start3A_63 = arith.constant 0 : i32
      %dma_start3A_64 = arith.constant 0 : i32
      %dma_start3A_65 = tpu.memref_slice %arg6[%dma_start3A_62, %dma_start3A_63, %dma_start3A_64] : memref<4x128x128xf32, #tpu.memory_space<vmem>> -> memref<1x128x128xf32, #tpu.memory_space<vmem>>
      %dma_start3A_66 = tpu.memref_squeeze %dma_start3A_65 : memref<1x128x128xf32, #tpu.memory_space<vmem>> -> memref<128x128xf32, #tpu.memory_space<vmem>>
      %dma_start3A_67 = arith.constant 0 : i32
      %dma_start3A_68 = tpu.memref_slice %arg5[%add3A_61, %dma_start3A_67] : memref<160x128xi32, #tpu.memory_space<vmem>> -> memref<1x128xi32, #tpu.memory_space<vmem>>
      %dma_start3A_69 = tpu.memref_squeeze %dma_start3A_68 : memref<1x128xi32, #tpu.memory_space<vmem>> -> memref<128xi32, #tpu.memory_space<vmem>>
      %dma_start3A_70 = arith.constant 0 : i32
      %dma_start3A_71 = arith.constant 0 : i32
      %dma_start3A_72 = tpu.memref_slice %arg2[%dma_start3A_70, %dma_start3A_71] : memref<10000x128xf32, #tpu.memory_space<hbm>> -> memref<10000x128xf32, #tpu.memory_space<hbm>>
      tpu.enqueue_indirect_dma source(%dma_start3A_72 : memref<10000x128xf32, #tpu.memory_space<hbm>>) target(%dma_start3A_66 : memref<128x128xf32, #tpu.memory_space<vmem>>) offsets(%dma_start3A_69 : memref<128xi32, #tpu.memory_space<vmem>>) semaphore(%arg7 : memref<!tpu.dma_semaphore, #tpu.memory_space<semaphore_mem>>)
      %dma_wait3A = arith.constant 0 : i32
      %dma_wait3A_73 = arith.constant 0 : i32
      %dma_wait3A_74 = arith.constant 0 : i32
      %dma_wait3A_75 = tpu.memref_slice %arg6[%dma_wait3A, %dma_wait3A_73, %dma_wait3A_74] : memref<4x128x128xf32, #tpu.memory_space<vmem>> -> memref<1x128x128xf32, #tpu.memory_space<vmem>>
      %dma_wait3A_76 = tpu.memref_squeeze %dma_wait3A_75 : memref<1x128x128xf32, #tpu.memory_space<vmem>> -> memref<128x128xf32, #tpu.memory_space<vmem>>
      %dma_wait3A_77 = arith.constant 0 : i32
      %dma_wait3A_78 = tpu.memref_slice %arg5[%add3A_17, %dma_wait3A_77] : memref<160x128xi32, #tpu.memory_space<vmem>> -> memref<1x128xi32, #tpu.memory_space<vmem>>
      %dma_wait3A_79 = tpu.memref_squeeze %dma_wait3A_78 : memref<1x128xi32, #tpu.memory_space<vmem>> -> memref<128xi32, #tpu.memory_space<vmem>>
      %dma_wait3A_80 = arith.constant 0 : i32
      %dma_wait3A_81 = arith.constant 0 : i32
      %dma_wait3A_82 = tpu.memref_slice %arg2[%dma_wait3A_80, %dma_wait3A_81] : memref<10000x128xf32, #tpu.memory_space<hbm>> -> memref<10000x128xf32, #tpu.memory_space<hbm>>
      tpu.wait_indirect_dma semaphore(%arg7 : memref<!tpu.dma_semaphore, #tpu.memory_space<semaphore_mem>>) src(%dma_wait3A_82 : memref<10000x128xf32, #tpu.memory_space<hbm>>) dst(%dma_wait3A_76 : memref<128x128xf32, #tpu.memory_space<vmem>>)
      %add3A_83 = arith.constant 0 : i32
      %add3A_84 = arith.addi %add3A_13, %add3A_83 : i32
      %mul3A_85 = arith.constant 128 : i32
      %mul3A_86 = arith.muli %add3A_84, %mul3A_85 : i32
      %run_scoped3A = arith.constant 0 : i32
      "tpu.region"() ({
        %run_scoped3A_135 = tpu.sem_alloc : memref<!tpu.dma_semaphore, #tpu.memory_space<semaphore_mem>>
        %dma_start3A_136 = arith.constant 0 : i32
        %dma_start3A_137 = arith.constant 0 : i32
        %dma_start3A_138 = tpu.memref_slice %arg6[%run_scoped3A, %dma_start3A_136, %dma_start3A_137] : memref<4x128x128xf32, #tpu.memory_space<vmem>> -> memref<1x128x128xf32, #tpu.memory_space<vmem>>
        %dma_start3A_139 = tpu.memref_squeeze %dma_start3A_138 : memref<1x128x128xf32, #tpu.memory_space<vmem>> -> memref<128x128xf32, #tpu.memory_space<vmem>>
        %dma_start3A_140 = arith.constant 0 : i32
        %dma_start3A_141 = tpu.memref_slice %arg4[%mul3A_86, %dma_start3A_140] : memref<655360x128xf32, #tpu.memory_space<hbm>> -> memref<128x128xf32, #tpu.memory_space<hbm>>
        %dma_start3A_142 = arith.constant 0 : i32
        %dma_start3A_143 = tpu.memref_slice %arg4[%mul3A_86, %dma_start3A_142] : memref<655360x128xf32, #tpu.memory_space<hbm>> -> memref<128x128xf32, #tpu.memory_space<hbm>>
        %dma_start3A_144 = arith.constant 0 : i32
        %dma_start3A_145 = arith.constant 0 : i32
        %dma_start3A_146 = tpu.memref_slice %arg6[%run_scoped3A, %dma_start3A_144, %dma_start3A_145] : memref<4x128x128xf32, #tpu.memory_space<vmem>> -> memref<1x128x128xf32, #tpu.memory_space<vmem>>
        %dma_start3A_147 = tpu.memref_squeeze %dma_start3A_146 : memref<1x128x128xf32, #tpu.memory_space<vmem>> -> memref<128x128xf32, #tpu.memory_space<vmem>>
        tpu.enqueue_dma source(%dma_start3A_147 : memref<128x128xf32, #tpu.memory_space<vmem>>) target(%dma_start3A_143 : memref<128x128xf32, #tpu.memory_space<hbm>>) target_semaphore(%run_scoped3A_135 : memref<!tpu.dma_semaphore, #tpu.memory_space<semaphore_mem>>)
        %dma_wait3A_148 = arith.constant 0 : i32
        %dma_wait3A_149 = arith.constant 0 : i32
        %dma_wait3A_150 = tpu.memref_slice %arg6[%run_scoped3A, %dma_wait3A_148, %dma_wait3A_149] : memref<4x128x128xf32, #tpu.memory_space<vmem>> -> memref<1x128x128xf32, #tpu.memory_space<vmem>>
        %dma_wait3A_151 = tpu.memref_squeeze %dma_wait3A_150 : memref<1x128x128xf32, #tpu.memory_space<vmem>> -> memref<128x128xf32, #tpu.memory_space<vmem>>
        %dma_wait3A_152 = arith.constant 0 : i32
        %dma_wait3A_153 = tpu.memref_slice %arg4[%mul3A_86, %dma_wait3A_152] : memref<655360x128xf32, #tpu.memory_space<hbm>> -> memref<128x128xf32, #tpu.memory_space<hbm>>
        %dma_wait3A_154 = arith.constant 0 : i32
        %dma_wait3A_155 = tpu.memref_slice %arg4[%mul3A_86, %dma_wait3A_154] : memref<655360x128xf32, #tpu.memory_space<hbm>> -> memref<128x128xf32, #tpu.memory_space<hbm>>
        %dma_wait3A_156 = arith.constant 0 : i32
        %dma_wait3A_157 = arith.constant 0 : i32
        %dma_wait3A_158 = tpu.memref_slice %arg6[%run_scoped3A, %dma_wait3A_156, %dma_wait3A_157] : memref<4x128x128xf32, #tpu.memory_space<vmem>> -> memref<1x128x128xf32, #tpu.memory_space<vmem>>
        %dma_wait3A_159 = tpu.memref_squeeze %dma_wait3A_158 : memref<1x128x128xf32, #tpu.memory_space<vmem>> -> memref<128x128xf32, #tpu.memory_space<vmem>>
        tpu.wait_dma2 semaphore(%run_scoped3A_135 : memref<!tpu.dma_semaphore, #tpu.memory_space<semaphore_mem>>) src(%dma_wait3A_159 : memref<128x128xf32, #tpu.memory_space<vmem>>) dst(%dma_wait3A_155 : memref<128x128xf32, #tpu.memory_space<hbm>>)
        tpu.yield
      }) : () -> ()
      %dma_wait3A_87 = arith.constant 1 : i32
      %dma_wait3A_88 = arith.constant 0 : i32
      %dma_wait3A_89 = arith.constant 0 : i32
      %dma_wait3A_90 = tpu.memref_slice %arg6[%dma_wait3A_87, %dma_wait3A_88, %dma_wait3A_89] : memref<4x128x128xf32, #tpu.memory_space<vmem>> -> memref<1x128x128xf32, #tpu.memory_space<vmem>>
      %dma_wait3A_91 = tpu.memref_squeeze %dma_wait3A_90 : memref<1x128x128xf32, #tpu.memory_space<vmem>> -> memref<128x128xf32, #tpu.memory_space<vmem>>
      %dma_wait3A_92 = arith.constant 0 : i32
      %dma_wait3A_93 = tpu.memref_slice %arg5[%add3A_31, %dma_wait3A_92] : memref<160x128xi32, #tpu.memory_space<vmem>> -> memref<1x128xi32, #tpu.memory_space<vmem>>
      %dma_wait3A_94 = tpu.memref_squeeze %dma_wait3A_93 : memref<1x128xi32, #tpu.memory_space<vmem>> -> memref<128xi32, #tpu.memory_space<vmem>>
      %dma_wait3A_95 = arith.constant 0 : i32
      %dma_wait3A_96 = arith.constant 0 : i32
      %dma_wait3A_97 = tpu.memref_slice %arg2[%dma_wait3A_95, %dma_wait3A_96] : memref<10000x128xf32, #tpu.memory_space<hbm>> -> memref<10000x128xf32, #tpu.memory_space<hbm>>
      tpu.wait_indirect_dma semaphore(%arg7 : memref<!tpu.dma_semaphore, #tpu.memory_space<semaphore_mem>>) src(%dma_wait3A_97 : memref<10000x128xf32, #tpu.memory_space<hbm>>) dst(%dma_wait3A_91 : memref<128x128xf32, #tpu.memory_space<vmem>>)
      %add3A_98 = arith.constant 1 : i32
      %add3A_99 = arith.addi %add3A_13, %add3A_98 : i32
      %mul3A_100 = arith.constant 128 : i32
      %mul3A_101 = arith.muli %add3A_99, %mul3A_100 : i32
      %run_scoped3A_102 = arith.constant 1 : i32
      "tpu.region"() ({
        %run_scoped3A_135 = tpu.sem_alloc : memref<!tpu.dma_semaphore, #tpu.memory_space<semaphore_mem>>
        %dma_start3A_136 = arith.constant 0 : i32
        %dma_start3A_137 = arith.constant 0 : i32
        %dma_start3A_138 = tpu.memref_slice %arg6[%run_scoped3A_102, %dma_start3A_136, %dma_start3A_137] : memref<4x128x128xf32, #tpu.memory_space<vmem>> -> memref<1x128x128xf32, #tpu.memory_space<vmem>>
        %dma_start3A_139 = tpu.memref_squeeze %dma_start3A_138 : memref<1x128x128xf32, #tpu.memory_space<vmem>> -> memref<128x128xf32, #tpu.memory_space<vmem>>
        %dma_start3A_140 = arith.constant 0 : i32
        %dma_start3A_141 = tpu.memref_slice %arg4[%mul3A_101, %dma_start3A_140] : memref<655360x128xf32, #tpu.memory_space<hbm>> -> memref<128x128xf32, #tpu.memory_space<hbm>>
        %dma_start3A_142 = arith.constant 0 : i32
        %dma_start3A_143 = tpu.memref_slice %arg4[%mul3A_101, %dma_start3A_142] : memref<655360x128xf32, #tpu.memory_space<hbm>> -> memref<128x128xf32, #tpu.memory_space<hbm>>
        %dma_start3A_144 = arith.constant 0 : i32
        %dma_start3A_145 = arith.constant 0 : i32
        %dma_start3A_146 = tpu.memref_slice %arg6[%run_scoped3A_102, %dma_start3A_144, %dma_start3A_145] : memref<4x128x128xf32, #tpu.memory_space<vmem>> -> memref<1x128x128xf32, #tpu.memory_space<vmem>>
        %dma_start3A_147 = tpu.memref_squeeze %dma_start3A_146 : memref<1x128x128xf32, #tpu.memory_space<vmem>> -> memref<128x128xf32, #tpu.memory_space<vmem>>
        tpu.enqueue_dma source(%dma_start3A_147 : memref<128x128xf32, #tpu.memory_space<vmem>>) target(%dma_start3A_143 : memref<128x128xf32, #tpu.memory_space<hbm>>) target_semaphore(%run_scoped3A_135 : memref<!tpu.dma_semaphore, #tpu.memory_space<semaphore_mem>>)
        %dma_wait3A_148 = arith.constant 0 : i32
        %dma_wait3A_149 = arith.constant 0 : i32
        %dma_wait3A_150 = tpu.memref_slice %arg6[%run_scoped3A_102, %dma_wait3A_148, %dma_wait3A_149] : memref<4x128x128xf32, #tpu.memory_space<vmem>> -> memref<1x128x128xf32, #tpu.memory_space<vmem>>
        %dma_wait3A_151 = tpu.memref_squeeze %dma_wait3A_150 : memref<1x128x128xf32, #tpu.memory_space<vmem>> -> memref<128x128xf32, #tpu.memory_space<vmem>>
        %dma_wait3A_152 = arith.constant 0 : i32
        %dma_wait3A_153 = tpu.memref_slice %arg4[%mul3A_101, %dma_wait3A_152] : memref<655360x128xf32, #tpu.memory_space<hbm>> -> memref<128x128xf32, #tpu.memory_space<hbm>>
        %dma_wait3A_154 = arith.constant 0 : i32
        %dma_wait3A_155 = tpu.memref_slice %arg4[%mul3A_101, %dma_wait3A_154] : memref<655360x128xf32, #tpu.memory_space<hbm>> -> memref<128x128xf32, #tpu.memory_space<hbm>>
        %dma_wait3A_156 = arith.constant 0 : i32
        %dma_wait3A_157 = arith.constant 0 : i32
        %dma_wait3A_158 = tpu.memref_slice %arg6[%run_scoped3A_102, %dma_wait3A_156, %dma_wait3A_157] : memref<4x128x128xf32, #tpu.memory_space<vmem>> -> memref<1x128x128xf32, #tpu.memory_space<vmem>>
        %dma_wait3A_159 = tpu.memref_squeeze %dma_wait3A_158 : memref<1x128x128xf32, #tpu.memory_space<vmem>> -> memref<128x128xf32, #tpu.memory_space<vmem>>
        tpu.wait_dma2 semaphore(%run_scoped3A_135 : memref<!tpu.dma_semaphore, #tpu.memory_space<semaphore_mem>>) src(%dma_wait3A_159 : memref<128x128xf32, #tpu.memory_space<vmem>>) dst(%dma_wait3A_155 : memref<128x128xf32, #tpu.memory_space<hbm>>)
        tpu.yield
      }) : () -> ()
      %dma_wait3A_103 = arith.constant 2 : i32
      %dma_wait3A_104 = arith.constant 0 : i32
      %dma_wait3A_105 = arith.constant 0 : i32
      %dma_wait3A_106 = tpu.memref_slice %arg6[%dma_wait3A_103, %dma_wait3A_104, %dma_wait3A_105] : memref<4x128x128xf32, #tpu.memory_space<vmem>> -> memref<1x128x128xf32, #tpu.memory_space<vmem>>
      %dma_wait3A_107 = tpu.memref_squeeze %dma_wait3A_106 : memref<1x128x128xf32, #tpu.memory_space<vmem>> -> memref<128x128xf32, #tpu.memory_space<vmem>>
      %dma_wait3A_108 = arith.constant 0 : i32
      %dma_wait3A_109 = tpu.memref_slice %arg5[%add3A_46, %dma_wait3A_108] : memref<160x128xi32, #tpu.memory_space<vmem>> -> memref<1x128xi32, #tpu.memory_space<vmem>>
      %dma_wait3A_110 = tpu.memref_squeeze %dma_wait3A_109 : memref<1x128xi32, #tpu.memory_space<vmem>> -> memref<128xi32, #tpu.memory_space<vmem>>
      %dma_wait3A_111 = arith.constant 0 : i32
      %dma_wait3A_112 = arith.constant 0 : i32
      %dma_wait3A_113 = tpu.memref_slice %arg2[%dma_wait3A_111, %dma_wait3A_112] : memref<10000x128xf32, #tpu.memory_space<hbm>> -> memref<10000x128xf32, #tpu.memory_space<hbm>>
      tpu.wait_indirect_dma semaphore(%arg7 : memref<!tpu.dma_semaphore, #tpu.memory_space<semaphore_mem>>) src(%dma_wait3A_113 : memref<10000x128xf32, #tpu.memory_space<hbm>>) dst(%dma_wait3A_107 : memref<128x128xf32, #tpu.memory_space<vmem>>)
      %add3A_114 = arith.constant 2 : i32
      %add3A_115 = arith.addi %add3A_13, %add3A_114 : i32
      %mul3A_116 = arith.constant 128 : i32
      %mul3A_117 = arith.muli %add3A_115, %mul3A_116 : i32
      %run_scoped3A_118 = arith.constant 2 : i32
      "tpu.region"() ({
        %run_scoped3A_135 = tpu.sem_alloc : memref<!tpu.dma_semaphore, #tpu.memory_space<semaphore_mem>>
        %dma_start3A_136 = arith.constant 0 : i32
        %dma_start3A_137 = arith.constant 0 : i32
        %dma_start3A_138 = tpu.memref_slice %arg6[%run_scoped3A_118, %dma_start3A_136, %dma_start3A_137] : memref<4x128x128xf32, #tpu.memory_space<vmem>> -> memref<1x128x128xf32, #tpu.memory_space<vmem>>
        %dma_start3A_139 = tpu.memref_squeeze %dma_start3A_138 : memref<1x128x128xf32, #tpu.memory_space<vmem>> -> memref<128x128xf32, #tpu.memory_space<vmem>>
        %dma_start3A_140 = arith.constant 0 : i32
        %dma_start3A_141 = tpu.memref_slice %arg4[%mul3A_117, %dma_start3A_140] : memref<655360x128xf32, #tpu.memory_space<hbm>> -> memref<128x128xf32, #tpu.memory_space<hbm>>
        %dma_start3A_142 = arith.constant 0 : i32
        %dma_start3A_143 = tpu.memref_slice %arg4[%mul3A_117, %dma_start3A_142] : memref<655360x128xf32, #tpu.memory_space<hbm>> -> memref<128x128xf32, #tpu.memory_space<hbm>>
        %dma_start3A_144 = arith.constant 0 : i32
        %dma_start3A_145 = arith.constant 0 : i32
        %dma_start3A_146 = tpu.memref_slice %arg6[%run_scoped3A_118, %dma_start3A_144, %dma_start3A_145] : memref<4x128x128xf32, #tpu.memory_space<vmem>> -> memref<1x128x128xf32, #tpu.memory_space<vmem>>
        %dma_start3A_147 = tpu.memref_squeeze %dma_start3A_146 : memref<1x128x128xf32, #tpu.memory_space<vmem>> -> memref<128x128xf32, #tpu.memory_space<vmem>>
        tpu.enqueue_dma source(%dma_start3A_147 : memref<128x128xf32, #tpu.memory_space<vmem>>) target(%dma_start3A_143 : memref<128x128xf32, #tpu.memory_space<hbm>>) target_semaphore(%run_scoped3A_135 : memref<!tpu.dma_semaphore, #tpu.memory_space<semaphore_mem>>)
        %dma_wait3A_148 = arith.constant 0 : i32
        %dma_wait3A_149 = arith.constant 0 : i32
        %dma_wait3A_150 = tpu.memref_slice %arg6[%run_scoped3A_118, %dma_wait3A_148, %dma_wait3A_149] : memref<4x128x128xf32, #tpu.memory_space<vmem>> -> memref<1x128x128xf32, #tpu.memory_space<vmem>>
        %dma_wait3A_151 = tpu.memref_squeeze %dma_wait3A_150 : memref<1x128x128xf32, #tpu.memory_space<vmem>> -> memref<128x128xf32, #tpu.memory_space<vmem>>
        %dma_wait3A_152 = arith.constant 0 : i32
        %dma_wait3A_153 = tpu.memref_slice %arg4[%mul3A_117, %dma_wait3A_152] : memref<655360x128xf32, #tpu.memory_space<hbm>> -> memref<128x128xf32, #tpu.memory_space<hbm>>
        %dma_wait3A_154 = arith.constant 0 : i32
        %dma_wait3A_155 = tpu.memref_slice %arg4[%mul3A_117, %dma_wait3A_154] : memref<655360x128xf32, #tpu.memory_space<hbm>> -> memref<128x128xf32, #tpu.memory_space<hbm>>
        %dma_wait3A_156 = arith.constant 0 : i32
        %dma_wait3A_157 = arith.constant 0 : i32
        %dma_wait3A_158 = tpu.memref_slice %arg6[%run_scoped3A_118, %dma_wait3A_156, %dma_wait3A_157] : memref<4x128x128xf32, #tpu.memory_space<vmem>> -> memref<1x128x128xf32, #tpu.memory_space<vmem>>
        %dma_wait3A_159 = tpu.memref_squeeze %dma_wait3A_158 : memref<1x128x128xf32, #tpu.memory_space<vmem>> -> memref<128x128xf32, #tpu.memory_space<vmem>>
        tpu.wait_dma2 semaphore(%run_scoped3A_135 : memref<!tpu.dma_semaphore, #tpu.memory_space<semaphore_mem>>) src(%dma_wait3A_159 : memref<128x128xf32, #tpu.memory_space<vmem>>) dst(%dma_wait3A_155 : memref<128x128xf32, #tpu.memory_space<hbm>>)
        tpu.yield
      }) : () -> ()
      %dma_wait3A_119 = arith.constant 3 : i32
      %dma_wait3A_120 = arith.constant 0 : i32
      %dma_wait3A_121 = arith.constant 0 : i32
      %dma_wait3A_122 = tpu.memref_slice %arg6[%dma_wait3A_119, %dma_wait3A_120, %dma_wait3A_121] : memref<4x128x128xf32, #tpu.memory_space<vmem>> -> memref<1x128x128xf32, #tpu.memory_space<vmem>>
      %dma_wait3A_123 = tpu.memref_squeeze %dma_wait3A_122 : memref<1x128x128xf32, #tpu.memory_space<vmem>> -> memref<128x128xf32, #tpu.memory_space<vmem>>
      %dma_wait3A_124 = arith.constant 0 : i32
      %dma_wait3A_125 = tpu.memref_slice %arg5[%add3A_61, %dma_wait3A_124] : memref<160x128xi32, #tpu.memory_space<vmem>> -> memref<1x128xi32, #tpu.memory_space<vmem>>
      %dma_wait3A_126 = tpu.memref_squeeze %dma_wait3A_125 : memref<1x128xi32, #tpu.memory_space<vmem>> -> memref<128xi32, #tpu.memory_space<vmem>>
      %dma_wait3A_127 = arith.constant 0 : i32
      %dma_wait3A_128 = arith.constant 0 : i32
      %dma_wait3A_129 = tpu.memref_slice %arg2[%dma_wait3A_127, %dma_wait3A_128] : memref<10000x128xf32, #tpu.memory_space<hbm>> -> memref<10000x128xf32, #tpu.memory_space<hbm>>
      tpu.wait_indirect_dma semaphore(%arg7 : memref<!tpu.dma_semaphore, #tpu.memory_space<semaphore_mem>>) src(%dma_wait3A_129 : memref<10000x128xf32, #tpu.memory_space<hbm>>) dst(%dma_wait3A_123 : memref<128x128xf32, #tpu.memory_space<vmem>>)
      %add3A_130 = arith.constant 3 : i32
      %add3A_131 = arith.addi %add3A_13, %add3A_130 : i32
      %mul3A_132 = arith.constant 128 : i32
      %mul3A_133 = arith.muli %add3A_131, %mul3A_132 : i32
      %run_scoped3A_134 = arith.constant 3 : i32
      "tpu.region"() ({
        %run_scoped3A_135 = tpu.sem_alloc : memref<!tpu.dma_semaphore, #tpu.memory_space<semaphore_mem>>
        %dma_start3A_136 = arith.constant 0 : i32
        %dma_start3A_137 = arith.constant 0 : i32
        %dma_start3A_138 = tpu.memref_slice %arg6[%run_scoped3A_134, %dma_start3A_136, %dma_start3A_137] : memref<4x128x128xf32, #tpu.memory_space<vmem>> -> memref<1x128x128xf32, #tpu.memory_space<vmem>>
        %dma_start3A_139 = tpu.memref_squeeze %dma_start3A_138 : memref<1x128x128xf32, #tpu.memory_space<vmem>> -> memref<128x128xf32, #tpu.memory_space<vmem>>
        %dma_start3A_140 = arith.constant 0 : i32
        %dma_start3A_141 = tpu.memref_slice %arg4[%mul3A_133, %dma_start3A_140] : memref<655360x128xf32, #tpu.memory_space<hbm>> -> memref<128x128xf32, #tpu.memory_space<hbm>>
        %dma_start3A_142 = arith.constant 0 : i32
        %dma_start3A_143 = tpu.memref_slice %arg4[%mul3A_133, %dma_start3A_142] : memref<655360x128xf32, #tpu.memory_space<hbm>> -> memref<128x128xf32, #tpu.memory_space<hbm>>
        %dma_start3A_144 = arith.constant 0 : i32
        %dma_start3A_145 = arith.constant 0 : i32
        %dma_start3A_146 = tpu.memref_slice %arg6[%run_scoped3A_134, %dma_start3A_144, %dma_start3A_145] : memref<4x128x128xf32, #tpu.memory_space<vmem>> -> memref<1x128x128xf32, #tpu.memory_space<vmem>>
        %dma_start3A_147 = tpu.memref_squeeze %dma_start3A_146 : memref<1x128x128xf32, #tpu.memory_space<vmem>> -> memref<128x128xf32, #tpu.memory_space<vmem>>
        tpu.enqueue_dma source(%dma_start3A_147 : memref<128x128xf32, #tpu.memory_space<vmem>>) target(%dma_start3A_143 : memref<128x128xf32, #tpu.memory_space<hbm>>) target_semaphore(%run_scoped3A_135 : memref<!tpu.dma_semaphore, #tpu.memory_space<semaphore_mem>>)
        %dma_wait3A_148 = arith.constant 0 : i32
        %dma_wait3A_149 = arith.constant 0 : i32
        %dma_wait3A_150 = tpu.memref_slice %arg6[%run_scoped3A_134, %dma_wait3A_148, %dma_wait3A_149] : memref<4x128x128xf32, #tpu.memory_space<vmem>> -> memref<1x128x128xf32, #tpu.memory_space<vmem>>
        %dma_wait3A_151 = tpu.memref_squeeze %dma_wait3A_150 : memref<1x128x128xf32, #tpu.memory_space<vmem>> -> memref<128x128xf32, #tpu.memory_space<vmem>>
        %dma_wait3A_152 = arith.constant 0 : i32
        %dma_wait3A_153 = tpu.memref_slice %arg4[%mul3A_133, %dma_wait3A_152] : memref<655360x128xf32, #tpu.memory_space<hbm>> -> memref<128x128xf32, #tpu.memory_space<hbm>>
        %dma_wait3A_154 = arith.constant 0 : i32
        %dma_wait3A_155 = tpu.memref_slice %arg4[%mul3A_133, %dma_wait3A_154] : memref<655360x128xf32, #tpu.memory_space<hbm>> -> memref<128x128xf32, #tpu.memory_space<hbm>>
        %dma_wait3A_156 = arith.constant 0 : i32
        %dma_wait3A_157 = arith.constant 0 : i32
        %dma_wait3A_158 = tpu.memref_slice %arg6[%run_scoped3A_134, %dma_wait3A_156, %dma_wait3A_157] : memref<4x128x128xf32, #tpu.memory_space<vmem>> -> memref<1x128x128xf32, #tpu.memory_space<vmem>>
        %dma_wait3A_159 = tpu.memref_squeeze %dma_wait3A_158 : memref<1x128x128xf32, #tpu.memory_space<vmem>> -> memref<128x128xf32, #tpu.memory_space<vmem>>
        tpu.wait_dma2 semaphore(%run_scoped3A_135 : memref<!tpu.dma_semaphore, #tpu.memory_space<semaphore_mem>>) src(%dma_wait3A_159 : memref<128x128xf32, #tpu.memory_space<vmem>>) dst(%dma_wait3A_155 : memref<128x128xf32, #tpu.memory_space<hbm>>)
        tpu.yield
      }) : () -> ()
    }
    %scan3A_7 = arith.constant 40 : i32
    return
  }
}

#map = affine_map<(d0, d1) -> (0, 0)>
#map1 = affine_map<(d0, d1) -> (0, 0, 0)>
module attributes {stable_mosaic.version = 14 : i64} {
  func.func @_scatter_sc_body(%arg0: i32, %arg1: i32, %arg2: memref<327680x128xf32, #tpu.memory_space<hbm>>, %arg3: memref<2560x128xi32, #tpu.memory_space<hbm>>, %arg4: memref<10112x128xf32, #tpu.memory_space<hbm>>, %arg5: memref<2x10112x128xf32, #tpu.memory_space<hbm>>, %arg6: memref<80x128xi32, #tpu.memory_space<vmem>>, %arg7: memref<128x128xf32, #tpu.memory_space<vmem>>, %arg8: memref<10112x128xf32, #tpu.memory_space<vmem_shared>>) attributes {dimension_semantics = [#tpu.dimension_semantics<core_parallel>, #tpu.dimension_semantics<subcore_parallel>], iteration_bounds = array<i64: 2, 16>, scalar_prefetch = 0 : i64, scratch_operands = 3 : i64, tpu.core_type = #tpu.core_type<sc_vector_subcore>, window_params = [{transform_indices = #map}, {transform_indices = #map}, {transform_indices = #map}, {transform_indices = #map1}]} {
    %mul3A = arith.constant 2 : i32
    %mul3A_0 = arith.muli %arg1, %mul3A : i32
    %add3A = arith.addi %mul3A_0, %arg0 : i32
    %mul3A_1 = arith.constant 632 : i32
    %mul3A_2 = arith.muli %arg1, %mul3A_1 : i32
    %mul3A_3 = arith.constant 632 : i32
    %mul3A_4 = arith.muli %arg1, %mul3A_3 : i32
    "tpu.region"() ({
      %run_scoped3A = tpu.sem_alloc : memref<!tpu.dma_semaphore, #tpu.memory_space<semaphore_mem>>
      %dma_start3A = arith.constant 0 : i32
      %dma_start3A_17 = tpu.memref_slice %arg8[%mul3A_4, %dma_start3A] : memref<10112x128xf32, #tpu.memory_space<vmem_shared>> -> memref<632x128xf32, #tpu.memory_space<vmem_shared>>
      %dma_start3A_18 = arith.constant 0 : i32
      %dma_start3A_19 = tpu.memref_slice %arg4[%mul3A_2, %dma_start3A_18] : memref<10112x128xf32, #tpu.memory_space<hbm>> -> memref<632x128xf32, #tpu.memory_space<hbm>>
      tpu.enqueue_dma source(%dma_start3A_19 : memref<632x128xf32, #tpu.memory_space<hbm>>) target(%dma_start3A_17 : memref<632x128xf32, #tpu.memory_space<vmem_shared>>) target_semaphore(%run_scoped3A : memref<!tpu.dma_semaphore, #tpu.memory_space<semaphore_mem>>)
      %dma_wait3A = arith.constant 0 : i32
      %dma_wait3A_20 = tpu.memref_slice %arg8[%mul3A_4, %dma_wait3A] : memref<10112x128xf32, #tpu.memory_space<vmem_shared>> -> memref<632x128xf32, #tpu.memory_space<vmem_shared>>
      %dma_wait3A_21 = arith.constant 0 : i32
      %dma_wait3A_22 = tpu.memref_slice %arg4[%mul3A_2, %dma_wait3A_21] : memref<10112x128xf32, #tpu.memory_space<hbm>> -> memref<632x128xf32, #tpu.memory_space<hbm>>
      tpu.wait_dma2 semaphore(%run_scoped3A : memref<!tpu.dma_semaphore, #tpu.memory_space<semaphore_mem>>) src(%dma_wait3A_22 : memref<632x128xf32, #tpu.memory_space<hbm>>) dst(%dma_wait3A_20 : memref<632x128xf32, #tpu.memory_space<vmem_shared>>)
      tpu.yield
    }) : () -> ()
    %mul3A_5 = arith.constant 80 : i32
    %mul3A_6 = arith.muli %add3A, %mul3A_5 : i32
    "tpu.region"() ({
      %run_scoped3A = tpu.sem_alloc : memref<!tpu.dma_semaphore, #tpu.memory_space<semaphore_mem>>
      %dma_start3A = arith.constant 0 : i32
      %dma_start3A_17 = tpu.memref_slice %arg3[%mul3A_6, %dma_start3A] : memref<2560x128xi32, #tpu.memory_space<hbm>> -> memref<80x128xi32, #tpu.memory_space<hbm>>
      %dma_start3A_18 = arith.constant 0 : i32
      %dma_start3A_19 = tpu.memref_slice %arg3[%mul3A_6, %dma_start3A_18] : memref<2560x128xi32, #tpu.memory_space<hbm>> -> memref<80x128xi32, #tpu.memory_space<hbm>>
      tpu.enqueue_dma source(%dma_start3A_19 : memref<80x128xi32, #tpu.memory_space<hbm>>) target(%arg6 : memref<80x128xi32, #tpu.memory_space<vmem>>) target_semaphore(%run_scoped3A : memref<!tpu.dma_semaphore, #tpu.memory_space<semaphore_mem>>)
      %dma_wait3A = arith.constant 0 : i32
      %dma_wait3A_20 = tpu.memref_slice %arg3[%mul3A_6, %dma_wait3A] : memref<2560x128xi32, #tpu.memory_space<hbm>> -> memref<80x128xi32, #tpu.memory_space<hbm>>
      %dma_wait3A_21 = arith.constant 0 : i32
      %dma_wait3A_22 = tpu.memref_slice %arg3[%mul3A_6, %dma_wait3A_21] : memref<2560x128xi32, #tpu.memory_space<hbm>> -> memref<80x128xi32, #tpu.memory_space<hbm>>
      tpu.wait_dma2 semaphore(%run_scoped3A : memref<!tpu.dma_semaphore, #tpu.memory_space<semaphore_mem>>) src(%dma_wait3A_22 : memref<80x128xi32, #tpu.memory_space<hbm>>) dst(%arg6 : memref<80x128xi32, #tpu.memory_space<vmem>>)
      tpu.yield
    }) : () -> ()
    %barrier3A = arith.constant 0 : index
    tpu.barrier barrier_id(%barrier3A)
    %scan3A = arith.constant 0 : i32
    %scan3A_7 = arith.constant 0 : i32
    %scan3A_8 = arith.constant 80 : i32
    %scan3A_9 = arith.addi %scan3A_7, %scan3A_8 : i32
    %scan3A_10 = arith.constant 1 : i32
    scf.for %scan3A_17 = %scan3A_7 to %scan3A_9 step %scan3A_10  : i32 {
      %mul3A_18 = arith.constant 80 : i32
      %mul3A_19 = arith.muli %add3A, %mul3A_18 : i32
      %add3A_20 = arith.addi %mul3A_19, %scan3A_17 : i32
      %mul3A_21 = arith.constant 128 : i32
      %mul3A_22 = arith.muli %add3A_20, %mul3A_21 : i32
      "tpu.region"() ({
        %run_scoped3A = tpu.sem_alloc : memref<!tpu.dma_semaphore, #tpu.memory_space<semaphore_mem>>
        %dma_start3A = arith.constant 0 : i32
        %dma_start3A_23 = tpu.memref_slice %arg2[%mul3A_22, %dma_start3A] : memref<327680x128xf32, #tpu.memory_space<hbm>> -> memref<128x128xf32, #tpu.memory_space<hbm>>
        %dma_start3A_24 = arith.constant 0 : i32
        %dma_start3A_25 = tpu.memref_slice %arg2[%mul3A_22, %dma_start3A_24] : memref<327680x128xf32, #tpu.memory_space<hbm>> -> memref<128x128xf32, #tpu.memory_space<hbm>>
        tpu.enqueue_dma source(%dma_start3A_25 : memref<128x128xf32, #tpu.memory_space<hbm>>) target(%arg7 : memref<128x128xf32, #tpu.memory_space<vmem>>) target_semaphore(%run_scoped3A : memref<!tpu.dma_semaphore, #tpu.memory_space<semaphore_mem>>)
        %dma_wait3A = arith.constant 0 : i32
        %dma_wait3A_26 = tpu.memref_slice %arg2[%mul3A_22, %dma_wait3A] : memref<327680x128xf32, #tpu.memory_space<hbm>> -> memref<128x128xf32, #tpu.memory_space<hbm>>
        %dma_wait3A_27 = arith.constant 0 : i32
        %dma_wait3A_28 = tpu.memref_slice %arg2[%mul3A_22, %dma_wait3A_27] : memref<327680x128xf32, #tpu.memory_space<hbm>> -> memref<128x128xf32, #tpu.memory_space<hbm>>
        tpu.wait_dma2 semaphore(%run_scoped3A : memref<!tpu.dma_semaphore, #tpu.memory_space<semaphore_mem>>) src(%dma_wait3A_28 : memref<128x128xf32, #tpu.memory_space<hbm>>) dst(%arg7 : memref<128x128xf32, #tpu.memory_space<vmem>>)
        tpu.yield
      }) : () -> ()
      "tpu.region"() ({
        %run_scoped3A = tpu.sem_alloc : memref<!tpu.dma_semaphore, #tpu.memory_space<semaphore_mem>>
        %dma_start3A = arith.constant 0 : i32
        %dma_start3A_23 = tpu.memref_slice %arg6[%scan3A_17, %dma_start3A] : memref<80x128xi32, #tpu.memory_space<vmem>> -> memref<1x128xi32, #tpu.memory_space<vmem>>
        %dma_start3A_24 = tpu.memref_squeeze %dma_start3A_23 : memref<1x128xi32, #tpu.memory_space<vmem>> -> memref<128xi32, #tpu.memory_space<vmem>>
        %dma_start3A_25 = arith.constant 0 : i32
        %dma_start3A_26 = arith.constant 0 : i32
        %dma_start3A_27 = tpu.memref_slice %arg8[%dma_start3A_25, %dma_start3A_26] : memref<10112x128xf32, #tpu.memory_space<vmem_shared>> -> memref<10112x128xf32, #tpu.memory_space<vmem_shared>>
        tpu.enqueue_indirect_dma source(%arg7 : memref<128x128xf32, #tpu.memory_space<vmem>>) target(%dma_start3A_27 : memref<10112x128xf32, #tpu.memory_space<vmem_shared>>) offsets(%dma_start3A_24 : memref<128xi32, #tpu.memory_space<vmem>>) semaphore(%run_scoped3A : memref<!tpu.dma_semaphore, #tpu.memory_space<semaphore_mem>>) {add = true}
        %dma_wait3A = arith.constant 0 : i32
        %dma_wait3A_28 = tpu.memref_slice %arg6[%scan3A_17, %dma_wait3A] : memref<80x128xi32, #tpu.memory_space<vmem>> -> memref<1x128xi32, #tpu.memory_space<vmem>>
        %dma_wait3A_29 = tpu.memref_squeeze %dma_wait3A_28 : memref<1x128xi32, #tpu.memory_space<vmem>> -> memref<128xi32, #tpu.memory_space<vmem>>
        %dma_wait3A_30 = arith.constant 0 : i32
        %dma_wait3A_31 = arith.constant 0 : i32
        %dma_wait3A_32 = tpu.memref_slice %arg8[%dma_wait3A_30, %dma_wait3A_31] : memref<10112x128xf32, #tpu.memory_space<vmem_shared>> -> memref<10112x128xf32, #tpu.memory_space<vmem_shared>>
        tpu.wait_indirect_dma semaphore(%run_scoped3A : memref<!tpu.dma_semaphore, #tpu.memory_space<semaphore_mem>>) src(%arg7 : memref<128x128xf32, #tpu.memory_space<vmem>>) dst(%dma_wait3A_32 : memref<10112x128xf32, #tpu.memory_space<vmem_shared>>)
        tpu.yield
      }) : () -> ()
    }
    %scan3A_11 = arith.constant 80 : i32
    %barrier3A_12 = arith.constant 0 : index
    tpu.barrier barrier_id(%barrier3A_12)
    %mul3A_13 = arith.constant 632 : i32
    %mul3A_14 = arith.muli %arg1, %mul3A_13 : i32
    %mul3A_15 = arith.constant 632 : i32
    %mul3A_16 = arith.muli %arg1, %mul3A_15 : i32
    "tpu.region"() ({
      %run_scoped3A = tpu.sem_alloc : memref<!tpu.dma_semaphore, #tpu.memory_space<semaphore_mem>>
      %dma_start3A = arith.constant 0 : i32
      %dma_start3A_17 = tpu.memref_slice %arg5[%arg0, %mul3A_16, %dma_start3A] : memref<2x10112x128xf32, #tpu.memory_space<hbm>> -> memref<1x632x128xf32, #tpu.memory_space<hbm>>
      %dma_start3A_18 = tpu.memref_squeeze %dma_start3A_17 : memref<1x632x128xf32, #tpu.memory_space<hbm>> -> memref<632x128xf32, #tpu.memory_space<hbm>>
      %dma_start3A_19 = arith.constant 0 : i32
      %dma_start3A_20 = tpu.memref_slice %arg8[%mul3A_14, %dma_start3A_19] : memref<10112x128xf32, #tpu.memory_space<vmem_shared>> -> memref<632x128xf32, #tpu.memory_space<vmem_shared>>
      tpu.enqueue_dma source(%dma_start3A_20 : memref<632x128xf32, #tpu.memory_space<vmem_shared>>) target(%dma_start3A_18 : memref<632x128xf32, #tpu.memory_space<hbm>>) target_semaphore(%run_scoped3A : memref<!tpu.dma_semaphore, #tpu.memory_space<semaphore_mem>>)
      %dma_wait3A = arith.constant 0 : i32
      %dma_wait3A_21 = tpu.memref_slice %arg5[%arg0, %mul3A_16, %dma_wait3A] : memref<2x10112x128xf32, #tpu.memory_space<hbm>> -> memref<1x632x128xf32, #tpu.memory_space<hbm>>
      %dma_wait3A_22 = tpu.memref_squeeze %dma_wait3A_21 : memref<1x632x128xf32, #tpu.memory_space<hbm>> -> memref<632x128xf32, #tpu.memory_space<hbm>>
      %dma_wait3A_23 = arith.constant 0 : i32
      %dma_wait3A_24 = tpu.memref_slice %arg8[%mul3A_14, %dma_wait3A_23] : memref<10112x128xf32, #tpu.memory_space<vmem_shared>> -> memref<632x128xf32, #tpu.memory_space<vmem_shared>>
      tpu.wait_dma2 semaphore(%run_scoped3A : memref<!tpu.dma_semaphore, #tpu.memory_space<semaphore_mem>>) src(%dma_wait3A_24 : memref<632x128xf32, #tpu.memory_space<vmem_shared>>) dst(%dma_wait3A_22 : memref<632x128xf32, #tpu.memory_space<hbm>>)
      tpu.yield
    }) : () -> ()
    return
  }
}

#map = affine_map<(d0, d1) -> (0, 0)>
module attributes {stable_mosaic.version = 14 : i64} {
  func.func @_gather_sc_body(%arg0: i32, %arg1: i32, %arg2: memref<10000x128xf32, #tpu.memory_space<hbm>>, %arg3: memref<5120x128xi32, #tpu.memory_space<hbm>>, %arg4: memref<655360x128xf32, #tpu.memory_space<hbm>>, %arg5: memref<160x128xi32, #tpu.memory_space<vmem>>, %arg6: memref<4x128x128xf32, #tpu.memory_space<vmem>>, %arg7: memref<!tpu.dma_semaphore, #tpu.memory_space<semaphore_mem>>) attributes {dimension_semantics = [#tpu.dimension_semantics<core_parallel>, #tpu.dimension_semantics<subcore_parallel>], iteration_bounds = array<i64: 2, 16>, scalar_prefetch = 0 : i64, scratch_operands = 3 : i64, tpu.core_type = #tpu.core_type<sc_vector_subcore>, window_params = [{transform_indices = #map}, {transform_indices = #map}, {transform_indices = #map}]} {
    %mul3A = arith.constant 2 : i32
    %mul3A_0 = arith.muli %arg1, %mul3A : i32
    %add3A = arith.addi %mul3A_0, %arg0 : i32
    %mul3A_1 = arith.constant 160 : i32
    %mul3A_2 = arith.muli %add3A, %mul3A_1 : i32
    "tpu.region"() ({
      %run_scoped3A = tpu.sem_alloc : memref<!tpu.dma_semaphore, #tpu.memory_space<semaphore_mem>>
      %dma_start3A = arith.constant 0 : i32
      %dma_start3A_8 = tpu.memref_slice %arg3[%mul3A_2, %dma_start3A] : memref<5120x128xi32, #tpu.memory_space<hbm>> -> memref<160x128xi32, #tpu.memory_space<hbm>>
      %dma_start3A_9 = arith.constant 0 : i32
      %dma_start3A_10 = tpu.memref_slice %arg3[%mul3A_2, %dma_start3A_9] : memref<5120x128xi32, #tpu.memory_space<hbm>> -> memref<160x128xi32, #tpu.memory_space<hbm>>
      tpu.enqueue_dma source(%dma_start3A_10 : memref<160x128xi32, #tpu.memory_space<hbm>>) target(%arg5 : memref<160x128xi32, #tpu.memory_space<vmem>>) target_semaphore(%run_scoped3A : memref<!tpu.dma_semaphore, #tpu.memory_space<semaphore_mem>>)
      %dma_wait3A = arith.constant 0 : i32
      %dma_wait3A_11 = tpu.memref_slice %arg3[%mul3A_2, %dma_wait3A] : memref<5120x128xi32, #tpu.memory_space<hbm>> -> memref<160x128xi32, #tpu.memory_space<hbm>>
      %dma_wait3A_12 = arith.constant 0 : i32
      %dma_wait3A_13 = tpu.memref_slice %arg3[%mul3A_2, %dma_wait3A_12] : memref<5120x128xi32, #tpu.memory_space<hbm>> -> memref<160x128xi32, #tpu.memory_space<hbm>>
      tpu.wait_dma2 semaphore(%run_scoped3A : memref<!tpu.dma_semaphore, #tpu.memory_space<semaphore_mem>>) src(%dma_wait3A_13 : memref<160x128xi32, #tpu.memory_space<hbm>>) dst(%arg5 : memref<160x128xi32, #tpu.memory_space<vmem>>)
      tpu.yield
    }) : () -> ()
    %scan3A = arith.constant 0 : i32
    %scan3A_3 = arith.constant 0 : i32
    %scan3A_4 = arith.constant 40 : i32
    %scan3A_5 = arith.addi %scan3A_3, %scan3A_4 : i32
    %scan3A_6 = arith.constant 1 : i32
    scf.for %scan3A_8 = %scan3A_3 to %scan3A_5 step %scan3A_6  : i32 {
      %mul3A_9 = arith.constant 160 : i32
      %mul3A_10 = arith.muli %add3A, %mul3A_9 : i32
      %mul3A_11 = arith.constant 4 : i32
      %mul3A_12 = arith.muli %scan3A_8, %mul3A_11 : i32
      %add3A_13 = arith.addi %mul3A_10, %mul3A_12 : i32
      %mul3A_14 = arith.constant 4 : i32
      %mul3A_15 = arith.muli %scan3A_8, %mul3A_14 : i32
      %add3A_16 = arith.constant 0 : i32
      %add3A_17 = arith.addi %mul3A_15, %add3A_16 : i32
      %dma_start3A = arith.constant 0 : i32
      %dma_start3A_18 = arith.constant 0 : i32
      %dma_start3A_19 = arith.constant 0 : i32
      %dma_start3A_20 = tpu.memref_slice %arg6[%dma_start3A, %dma_start3A_18, %dma_start3A_19] : memref<4x128x128xf32, #tpu.memory_space<vmem>> -> memref<1x128x128xf32, #tpu.memory_space<vmem>>
      %dma_start3A_21 = tpu.memref_squeeze %dma_start3A_20 : memref<1x128x128xf32, #tpu.memory_space<vmem>> -> memref<128x128xf32, #tpu.memory_space<vmem>>
      %dma_start3A_22 = arith.constant 0 : i32
      %dma_start3A_23 = tpu.memref_slice %arg5[%add3A_17, %dma_start3A_22] : memref<160x128xi32, #tpu.memory_space<vmem>> -> memref<1x128xi32, #tpu.memory_space<vmem>>
      %dma_start3A_24 = tpu.memref_squeeze %dma_start3A_23 : memref<1x128xi32, #tpu.memory_space<vmem>> -> memref<128xi32, #tpu.memory_space<vmem>>
      %dma_start3A_25 = arith.constant 0 : i32
      %dma_start3A_26 = arith.constant 0 : i32
      %dma_start3A_27 = tpu.memref_slice %arg2[%dma_start3A_25, %dma_start3A_26] : memref<10000x128xf32, #tpu.memory_space<hbm>> -> memref<10000x128xf32, #tpu.memory_space<hbm>>
      tpu.enqueue_indirect_dma source(%dma_start3A_27 : memref<10000x128xf32, #tpu.memory_space<hbm>>) target(%dma_start3A_21 : memref<128x128xf32, #tpu.memory_space<vmem>>) offsets(%dma_start3A_24 : memref<128xi32, #tpu.memory_space<vmem>>) semaphore(%arg7 : memref<!tpu.dma_semaphore, #tpu.memory_space<semaphore_mem>>)
      %mul3A_28 = arith.constant 4 : i32
      %mul3A_29 = arith.muli %scan3A_8, %mul3A_28 : i32
      %add3A_30 = arith.constant 1 : i32
      %add3A_31 = arith.addi %mul3A_29, %add3A_30 : i32
      %dma_start3A_32 = arith.constant 1 : i32
      %dma_start3A_33 = arith.constant 0 : i32
      %dma_start3A_34 = arith.constant 0 : i32
      %dma_start3A_35 = tpu.memref_slice %arg6[%dma_start3A_32, %dma_start3A_33, %dma_start3A_34] : memref<4x128x128xf32, #tpu.memory_space<vmem>> -> memref<1x128x128xf32, #tpu.memory_space<vmem>>
      %dma_start3A_36 = tpu.memref_squeeze %dma_start3A_35 : memref<1x128x128xf32, #tpu.memory_space<vmem>> -> memref<128x128xf32, #tpu.memory_space<vmem>>
      %dma_start3A_37 = arith.constant 0 : i32
      %dma_start3A_38 = tpu.memref_slice %arg5[%add3A_31, %dma_start3A_37] : memref<160x128xi32, #tpu.memory_space<vmem>> -> memref<1x128xi32, #tpu.memory_space<vmem>>
      %dma_start3A_39 = tpu.memref_squeeze %dma_start3A_38 : memref<1x128xi32, #tpu.memory_space<vmem>> -> memref<128xi32, #tpu.memory_space<vmem>>
      %dma_start3A_40 = arith.constant 0 : i32
      %dma_start3A_41 = arith.constant 0 : i32
      %dma_start3A_42 = tpu.memref_slice %arg2[%dma_start3A_40, %dma_start3A_41] : memref<10000x128xf32, #tpu.memory_space<hbm>> -> memref<10000x128xf32, #tpu.memory_space<hbm>>
      tpu.enqueue_indirect_dma source(%dma_start3A_42 : memref<10000x128xf32, #tpu.memory_space<hbm>>) target(%dma_start3A_36 : memref<128x128xf32, #tpu.memory_space<vmem>>) offsets(%dma_start3A_39 : memref<128xi32, #tpu.memory_space<vmem>>) semaphore(%arg7 : memref<!tpu.dma_semaphore, #tpu.memory_space<semaphore_mem>>)
      %mul3A_43 = arith.constant 4 : i32
      %mul3A_44 = arith.muli %scan3A_8, %mul3A_43 : i32
      %add3A_45 = arith.constant 2 : i32
      %add3A_46 = arith.addi %mul3A_44, %add3A_45 : i32
      %dma_start3A_47 = arith.constant 2 : i32
      %dma_start3A_48 = arith.constant 0 : i32
      %dma_start3A_49 = arith.constant 0 : i32
      %dma_start3A_50 = tpu.memref_slice %arg6[%dma_start3A_47, %dma_start3A_48, %dma_start3A_49] : memref<4x128x128xf32, #tpu.memory_space<vmem>> -> memref<1x128x128xf32, #tpu.memory_space<vmem>>
      %dma_start3A_51 = tpu.memref_squeeze %dma_start3A_50 : memref<1x128x128xf32, #tpu.memory_space<vmem>> -> memref<128x128xf32, #tpu.memory_space<vmem>>
      %dma_start3A_52 = arith.constant 0 : i32
      %dma_start3A_53 = tpu.memref_slice %arg5[%add3A_46, %dma_start3A_52] : memref<160x128xi32, #tpu.memory_space<vmem>> -> memref<1x128xi32, #tpu.memory_space<vmem>>
      %dma_start3A_54 = tpu.memref_squeeze %dma_start3A_53 : memref<1x128xi32, #tpu.memory_space<vmem>> -> memref<128xi32, #tpu.memory_space<vmem>>
      %dma_start3A_55 = arith.constant 0 : i32
      %dma_start3A_56 = arith.constant 0 : i32
      %dma_start3A_57 = tpu.memref_slice %arg2[%dma_start3A_55, %dma_start3A_56] : memref<10000x128xf32, #tpu.memory_space<hbm>> -> memref<10000x128xf32, #tpu.memory_space<hbm>>
      tpu.enqueue_indirect_dma source(%dma_start3A_57 : memref<10000x128xf32, #tpu.memory_space<hbm>>) target(%dma_start3A_51 : memref<128x128xf32, #tpu.memory_space<vmem>>) offsets(%dma_start3A_54 : memref<128xi32, #tpu.memory_space<vmem>>) semaphore(%arg7 : memref<!tpu.dma_semaphore, #tpu.memory_space<semaphore_mem>>)
      %mul3A_58 = arith.constant 4 : i32
      %mul3A_59 = arith.muli %scan3A_8, %mul3A_58 : i32
      %add3A_60 = arith.constant 3 : i32
      %add3A_61 = arith.addi %mul3A_59, %add3A_60 : i32
      %dma_start3A_62 = arith.constant 3 : i32
      %dma_start3A_63 = arith.constant 0 : i32
      %dma_start3A_64 = arith.constant 0 : i32
      %dma_start3A_65 = tpu.memref_slice %arg6[%dma_start3A_62, %dma_start3A_63, %dma_start3A_64] : memref<4x128x128xf32, #tpu.memory_space<vmem>> -> memref<1x128x128xf32, #tpu.memory_space<vmem>>
      %dma_start3A_66 = tpu.memref_squeeze %dma_start3A_65 : memref<1x128x128xf32, #tpu.memory_space<vmem>> -> memref<128x128xf32, #tpu.memory_space<vmem>>
      %dma_start3A_67 = arith.constant 0 : i32
      %dma_start3A_68 = tpu.memref_slice %arg5[%add3A_61, %dma_start3A_67] : memref<160x128xi32, #tpu.memory_space<vmem>> -> memref<1x128xi32, #tpu.memory_space<vmem>>
      %dma_start3A_69 = tpu.memref_squeeze %dma_start3A_68 : memref<1x128xi32, #tpu.memory_space<vmem>> -> memref<128xi32, #tpu.memory_space<vmem>>
      %dma_start3A_70 = arith.constant 0 : i32
      %dma_start3A_71 = arith.constant 0 : i32
      %dma_start3A_72 = tpu.memref_slice %arg2[%dma_start3A_70, %dma_start3A_71] : memref<10000x128xf32, #tpu.memory_space<hbm>> -> memref<10000x128xf32, #tpu.memory_space<hbm>>
      tpu.enqueue_indirect_dma source(%dma_start3A_72 : memref<10000x128xf32, #tpu.memory_space<hbm>>) target(%dma_start3A_66 : memref<128x128xf32, #tpu.memory_space<vmem>>) offsets(%dma_start3A_69 : memref<128xi32, #tpu.memory_space<vmem>>) semaphore(%arg7 : memref<!tpu.dma_semaphore, #tpu.memory_space<semaphore_mem>>)
      %dma_wait3A = arith.constant 0 : i32
      %dma_wait3A_73 = arith.constant 0 : i32
      %dma_wait3A_74 = arith.constant 0 : i32
      %dma_wait3A_75 = tpu.memref_slice %arg6[%dma_wait3A, %dma_wait3A_73, %dma_wait3A_74] : memref<4x128x128xf32, #tpu.memory_space<vmem>> -> memref<1x128x128xf32, #tpu.memory_space<vmem>>
      %dma_wait3A_76 = tpu.memref_squeeze %dma_wait3A_75 : memref<1x128x128xf32, #tpu.memory_space<vmem>> -> memref<128x128xf32, #tpu.memory_space<vmem>>
      %dma_wait3A_77 = arith.constant 0 : i32
      %dma_wait3A_78 = tpu.memref_slice %arg5[%add3A_17, %dma_wait3A_77] : memref<160x128xi32, #tpu.memory_space<vmem>> -> memref<1x128xi32, #tpu.memory_space<vmem>>
      %dma_wait3A_79 = tpu.memref_squeeze %dma_wait3A_78 : memref<1x128xi32, #tpu.memory_space<vmem>> -> memref<128xi32, #tpu.memory_space<vmem>>
      %dma_wait3A_80 = arith.constant 0 : i32
      %dma_wait3A_81 = arith.constant 0 : i32
      %dma_wait3A_82 = tpu.memref_slice %arg2[%dma_wait3A_80, %dma_wait3A_81] : memref<10000x128xf32, #tpu.memory_space<hbm>> -> memref<10000x128xf32, #tpu.memory_space<hbm>>
      tpu.wait_indirect_dma semaphore(%arg7 : memref<!tpu.dma_semaphore, #tpu.memory_space<semaphore_mem>>) src(%dma_wait3A_82 : memref<10000x128xf32, #tpu.memory_space<hbm>>) dst(%dma_wait3A_76 : memref<128x128xf32, #tpu.memory_space<vmem>>)
      %add3A_83 = arith.constant 0 : i32
      %add3A_84 = arith.addi %add3A_13, %add3A_83 : i32
      %mul3A_85 = arith.constant 128 : i32
      %mul3A_86 = arith.muli %add3A_84, %mul3A_85 : i32
      %run_scoped3A = arith.constant 0 : i32
      "tpu.region"() ({
        %run_scoped3A_135 = tpu.sem_alloc : memref<!tpu.dma_semaphore, #tpu.memory_space<semaphore_mem>>
        %dma_start3A_136 = arith.constant 0 : i32
        %dma_start3A_137 = arith.constant 0 : i32
        %dma_start3A_138 = tpu.memref_slice %arg6[%run_scoped3A, %dma_start3A_136, %dma_start3A_137] : memref<4x128x128xf32, #tpu.memory_space<vmem>> -> memref<1x128x128xf32, #tpu.memory_space<vmem>>
        %dma_start3A_139 = tpu.memref_squeeze %dma_start3A_138 : memref<1x128x128xf32, #tpu.memory_space<vmem>> -> memref<128x128xf32, #tpu.memory_space<vmem>>
        %dma_start3A_140 = arith.constant 0 : i32
        %dma_start3A_141 = tpu.memref_slice %arg4[%mul3A_86, %dma_start3A_140] : memref<655360x128xf32, #tpu.memory_space<hbm>> -> memref<128x128xf32, #tpu.memory_space<hbm>>
        %dma_start3A_142 = arith.constant 0 : i32
        %dma_start3A_143 = tpu.memref_slice %arg4[%mul3A_86, %dma_start3A_142] : memref<655360x128xf32, #tpu.memory_space<hbm>> -> memref<128x128xf32, #tpu.memory_space<hbm>>
        %dma_start3A_144 = arith.constant 0 : i32
        %dma_start3A_145 = arith.constant 0 : i32
        %dma_start3A_146 = tpu.memref_slice %arg6[%run_scoped3A, %dma_start3A_144, %dma_start3A_145] : memref<4x128x128xf32, #tpu.memory_space<vmem>> -> memref<1x128x128xf32, #tpu.memory_space<vmem>>
        %dma_start3A_147 = tpu.memref_squeeze %dma_start3A_146 : memref<1x128x128xf32, #tpu.memory_space<vmem>> -> memref<128x128xf32, #tpu.memory_space<vmem>>
        tpu.enqueue_dma source(%dma_start3A_147 : memref<128x128xf32, #tpu.memory_space<vmem>>) target(%dma_start3A_143 : memref<128x128xf32, #tpu.memory_space<hbm>>) target_semaphore(%run_scoped3A_135 : memref<!tpu.dma_semaphore, #tpu.memory_space<semaphore_mem>>)
        %dma_wait3A_148 = arith.constant 0 : i32
        %dma_wait3A_149 = arith.constant 0 : i32
        %dma_wait3A_150 = tpu.memref_slice %arg6[%run_scoped3A, %dma_wait3A_148, %dma_wait3A_149] : memref<4x128x128xf32, #tpu.memory_space<vmem>> -> memref<1x128x128xf32, #tpu.memory_space<vmem>>
        %dma_wait3A_151 = tpu.memref_squeeze %dma_wait3A_150 : memref<1x128x128xf32, #tpu.memory_space<vmem>> -> memref<128x128xf32, #tpu.memory_space<vmem>>
        %dma_wait3A_152 = arith.constant 0 : i32
        %dma_wait3A_153 = tpu.memref_slice %arg4[%mul3A_86, %dma_wait3A_152] : memref<655360x128xf32, #tpu.memory_space<hbm>> -> memref<128x128xf32, #tpu.memory_space<hbm>>
        %dma_wait3A_154 = arith.constant 0 : i32
        %dma_wait3A_155 = tpu.memref_slice %arg4[%mul3A_86, %dma_wait3A_154] : memref<655360x128xf32, #tpu.memory_space<hbm>> -> memref<128x128xf32, #tpu.memory_space<hbm>>
        %dma_wait3A_156 = arith.constant 0 : i32
        %dma_wait3A_157 = arith.constant 0 : i32
        %dma_wait3A_158 = tpu.memref_slice %arg6[%run_scoped3A, %dma_wait3A_156, %dma_wait3A_157] : memref<4x128x128xf32, #tpu.memory_space<vmem>> -> memref<1x128x128xf32, #tpu.memory_space<vmem>>
        %dma_wait3A_159 = tpu.memref_squeeze %dma_wait3A_158 : memref<1x128x128xf32, #tpu.memory_space<vmem>> -> memref<128x128xf32, #tpu.memory_space<vmem>>
        tpu.wait_dma2 semaphore(%run_scoped3A_135 : memref<!tpu.dma_semaphore, #tpu.memory_space<semaphore_mem>>) src(%dma_wait3A_159 : memref<128x128xf32, #tpu.memory_space<vmem>>) dst(%dma_wait3A_155 : memref<128x128xf32, #tpu.memory_space<hbm>>)
        tpu.yield
      }) : () -> ()
      %dma_wait3A_87 = arith.constant 1 : i32
      %dma_wait3A_88 = arith.constant 0 : i32
      %dma_wait3A_89 = arith.constant 0 : i32
      %dma_wait3A_90 = tpu.memref_slice %arg6[%dma_wait3A_87, %dma_wait3A_88, %dma_wait3A_89] : memref<4x128x128xf32, #tpu.memory_space<vmem>> -> memref<1x128x128xf32, #tpu.memory_space<vmem>>
      %dma_wait3A_91 = tpu.memref_squeeze %dma_wait3A_90 : memref<1x128x128xf32, #tpu.memory_space<vmem>> -> memref<128x128xf32, #tpu.memory_space<vmem>>
      %dma_wait3A_92 = arith.constant 0 : i32
      %dma_wait3A_93 = tpu.memref_slice %arg5[%add3A_31, %dma_wait3A_92] : memref<160x128xi32, #tpu.memory_space<vmem>> -> memref<1x128xi32, #tpu.memory_space<vmem>>
      %dma_wait3A_94 = tpu.memref_squeeze %dma_wait3A_93 : memref<1x128xi32, #tpu.memory_space<vmem>> -> memref<128xi32, #tpu.memory_space<vmem>>
      %dma_wait3A_95 = arith.constant 0 : i32
      %dma_wait3A_96 = arith.constant 0 : i32
      %dma_wait3A_97 = tpu.memref_slice %arg2[%dma_wait3A_95, %dma_wait3A_96] : memref<10000x128xf32, #tpu.memory_space<hbm>> -> memref<10000x128xf32, #tpu.memory_space<hbm>>
      tpu.wait_indirect_dma semaphore(%arg7 : memref<!tpu.dma_semaphore, #tpu.memory_space<semaphore_mem>>) src(%dma_wait3A_97 : memref<10000x128xf32, #tpu.memory_space<hbm>>) dst(%dma_wait3A_91 : memref<128x128xf32, #tpu.memory_space<vmem>>)
      %add3A_98 = arith.constant 1 : i32
      %add3A_99 = arith.addi %add3A_13, %add3A_98 : i32
      %mul3A_100 = arith.constant 128 : i32
      %mul3A_101 = arith.muli %add3A_99, %mul3A_100 : i32
      %run_scoped3A_102 = arith.constant 1 : i32
      "tpu.region"() ({
        %run_scoped3A_135 = tpu.sem_alloc : memref<!tpu.dma_semaphore, #tpu.memory_space<semaphore_mem>>
        %dma_start3A_136 = arith.constant 0 : i32
        %dma_start3A_137 = arith.constant 0 : i32
        %dma_start3A_138 = tpu.memref_slice %arg6[%run_scoped3A_102, %dma_start3A_136, %dma_start3A_137] : memref<4x128x128xf32, #tpu.memory_space<vmem>> -> memref<1x128x128xf32, #tpu.memory_space<vmem>>
        %dma_start3A_139 = tpu.memref_squeeze %dma_start3A_138 : memref<1x128x128xf32, #tpu.memory_space<vmem>> -> memref<128x128xf32, #tpu.memory_space<vmem>>
        %dma_start3A_140 = arith.constant 0 : i32
        %dma_start3A_141 = tpu.memref_slice %arg4[%mul3A_101, %dma_start3A_140] : memref<655360x128xf32, #tpu.memory_space<hbm>> -> memref<128x128xf32, #tpu.memory_space<hbm>>
        %dma_start3A_142 = arith.constant 0 : i32
        %dma_start3A_143 = tpu.memref_slice %arg4[%mul3A_101, %dma_start3A_142] : memref<655360x128xf32, #tpu.memory_space<hbm>> -> memref<128x128xf32, #tpu.memory_space<hbm>>
        %dma_start3A_144 = arith.constant 0 : i32
        %dma_start3A_145 = arith.constant 0 : i32
        %dma_start3A_146 = tpu.memref_slice %arg6[%run_scoped3A_102, %dma_start3A_144, %dma_start3A_145] : memref<4x128x128xf32, #tpu.memory_space<vmem>> -> memref<1x128x128xf32, #tpu.memory_space<vmem>>
        %dma_start3A_147 = tpu.memref_squeeze %dma_start3A_146 : memref<1x128x128xf32, #tpu.memory_space<vmem>> -> memref<128x128xf32, #tpu.memory_space<vmem>>
        tpu.enqueue_dma source(%dma_start3A_147 : memref<128x128xf32, #tpu.memory_space<vmem>>) target(%dma_start3A_143 : memref<128x128xf32, #tpu.memory_space<hbm>>) target_semaphore(%run_scoped3A_135 : memref<!tpu.dma_semaphore, #tpu.memory_space<semaphore_mem>>)
        %dma_wait3A_148 = arith.constant 0 : i32
        %dma_wait3A_149 = arith.constant 0 : i32
        %dma_wait3A_150 = tpu.memref_slice %arg6[%run_scoped3A_102, %dma_wait3A_148, %dma_wait3A_149] : memref<4x128x128xf32, #tpu.memory_space<vmem>> -> memref<1x128x128xf32, #tpu.memory_space<vmem>>
        %dma_wait3A_151 = tpu.memref_squeeze %dma_wait3A_150 : memref<1x128x128xf32, #tpu.memory_space<vmem>> -> memref<128x128xf32, #tpu.memory_space<vmem>>
        %dma_wait3A_152 = arith.constant 0 : i32
        %dma_wait3A_153 = tpu.memref_slice %arg4[%mul3A_101, %dma_wait3A_152] : memref<655360x128xf32, #tpu.memory_space<hbm>> -> memref<128x128xf32, #tpu.memory_space<hbm>>
        %dma_wait3A_154 = arith.constant 0 : i32
        %dma_wait3A_155 = tpu.memref_slice %arg4[%mul3A_101, %dma_wait3A_154] : memref<655360x128xf32, #tpu.memory_space<hbm>> -> memref<128x128xf32, #tpu.memory_space<hbm>>
        %dma_wait3A_156 = arith.constant 0 : i32
        %dma_wait3A_157 = arith.constant 0 : i32
        %dma_wait3A_158 = tpu.memref_slice %arg6[%run_scoped3A_102, %dma_wait3A_156, %dma_wait3A_157] : memref<4x128x128xf32, #tpu.memory_space<vmem>> -> memref<1x128x128xf32, #tpu.memory_space<vmem>>
        %dma_wait3A_159 = tpu.memref_squeeze %dma_wait3A_158 : memref<1x128x128xf32, #tpu.memory_space<vmem>> -> memref<128x128xf32, #tpu.memory_space<vmem>>
        tpu.wait_dma2 semaphore(%run_scoped3A_135 : memref<!tpu.dma_semaphore, #tpu.memory_space<semaphore_mem>>) src(%dma_wait3A_159 : memref<128x128xf32, #tpu.memory_space<vmem>>) dst(%dma_wait3A_155 : memref<128x128xf32, #tpu.memory_space<hbm>>)
        tpu.yield
      }) : () -> ()
      %dma_wait3A_103 = arith.constant 2 : i32
      %dma_wait3A_104 = arith.constant 0 : i32
      %dma_wait3A_105 = arith.constant 0 : i32
      %dma_wait3A_106 = tpu.memref_slice %arg6[%dma_wait3A_103, %dma_wait3A_104, %dma_wait3A_105] : memref<4x128x128xf32, #tpu.memory_space<vmem>> -> memref<1x128x128xf32, #tpu.memory_space<vmem>>
      %dma_wait3A_107 = tpu.memref_squeeze %dma_wait3A_106 : memref<1x128x128xf32, #tpu.memory_space<vmem>> -> memref<128x128xf32, #tpu.memory_space<vmem>>
      %dma_wait3A_108 = arith.constant 0 : i32
      %dma_wait3A_109 = tpu.memref_slice %arg5[%add3A_46, %dma_wait3A_108] : memref<160x128xi32, #tpu.memory_space<vmem>> -> memref<1x128xi32, #tpu.memory_space<vmem>>
      %dma_wait3A_110 = tpu.memref_squeeze %dma_wait3A_109 : memref<1x128xi32, #tpu.memory_space<vmem>> -> memref<128xi32, #tpu.memory_space<vmem>>
      %dma_wait3A_111 = arith.constant 0 : i32
      %dma_wait3A_112 = arith.constant 0 : i32
      %dma_wait3A_113 = tpu.memref_slice %arg2[%dma_wait3A_111, %dma_wait3A_112] : memref<10000x128xf32, #tpu.memory_space<hbm>> -> memref<10000x128xf32, #tpu.memory_space<hbm>>
      tpu.wait_indirect_dma semaphore(%arg7 : memref<!tpu.dma_semaphore, #tpu.memory_space<semaphore_mem>>) src(%dma_wait3A_113 : memref<10000x128xf32, #tpu.memory_space<hbm>>) dst(%dma_wait3A_107 : memref<128x128xf32, #tpu.memory_space<vmem>>)
      %add3A_114 = arith.constant 2 : i32
      %add3A_115 = arith.addi %add3A_13, %add3A_114 : i32
      %mul3A_116 = arith.constant 128 : i32
      %mul3A_117 = arith.muli %add3A_115, %mul3A_116 : i32
      %run_scoped3A_118 = arith.constant 2 : i32
      "tpu.region"() ({
        %run_scoped3A_135 = tpu.sem_alloc : memref<!tpu.dma_semaphore, #tpu.memory_space<semaphore_mem>>
        %dma_start3A_136 = arith.constant 0 : i32
        %dma_start3A_137 = arith.constant 0 : i32
        %dma_start3A_138 = tpu.memref_slice %arg6[%run_scoped3A_118, %dma_start3A_136, %dma_start3A_137] : memref<4x128x128xf32, #tpu.memory_space<vmem>> -> memref<1x128x128xf32, #tpu.memory_space<vmem>>
        %dma_start3A_139 = tpu.memref_squeeze %dma_start3A_138 : memref<1x128x128xf32, #tpu.memory_space<vmem>> -> memref<128x128xf32, #tpu.memory_space<vmem>>
        %dma_start3A_140 = arith.constant 0 : i32
        %dma_start3A_141 = tpu.memref_slice %arg4[%mul3A_117, %dma_start3A_140] : memref<655360x128xf32, #tpu.memory_space<hbm>> -> memref<128x128xf32, #tpu.memory_space<hbm>>
        %dma_start3A_142 = arith.constant 0 : i32
        %dma_start3A_143 = tpu.memref_slice %arg4[%mul3A_117, %dma_start3A_142] : memref<655360x128xf32, #tpu.memory_space<hbm>> -> memref<128x128xf32, #tpu.memory_space<hbm>>
        %dma_start3A_144 = arith.constant 0 : i32
        %dma_start3A_145 = arith.constant 0 : i32
        %dma_start3A_146 = tpu.memref_slice %arg6[%run_scoped3A_118, %dma_start3A_144, %dma_start3A_145] : memref<4x128x128xf32, #tpu.memory_space<vmem>> -> memref<1x128x128xf32, #tpu.memory_space<vmem>>
        %dma_start3A_147 = tpu.memref_squeeze %dma_start3A_146 : memref<1x128x128xf32, #tpu.memory_space<vmem>> -> memref<128x128xf32, #tpu.memory_space<vmem>>
        tpu.enqueue_dma source(%dma_start3A_147 : memref<128x128xf32, #tpu.memory_space<vmem>>) target(%dma_start3A_143 : memref<128x128xf32, #tpu.memory_space<hbm>>) target_semaphore(%run_scoped3A_135 : memref<!tpu.dma_semaphore, #tpu.memory_space<semaphore_mem>>)
        %dma_wait3A_148 = arith.constant 0 : i32
        %dma_wait3A_149 = arith.constant 0 : i32
        %dma_wait3A_150 = tpu.memref_slice %arg6[%run_scoped3A_118, %dma_wait3A_148, %dma_wait3A_149] : memref<4x128x128xf32, #tpu.memory_space<vmem>> -> memref<1x128x128xf32, #tpu.memory_space<vmem>>
        %dma_wait3A_151 = tpu.memref_squeeze %dma_wait3A_150 : memref<1x128x128xf32, #tpu.memory_space<vmem>> -> memref<128x128xf32, #tpu.memory_space<vmem>>
        %dma_wait3A_152 = arith.constant 0 : i32
        %dma_wait3A_153 = tpu.memref_slice %arg4[%mul3A_117, %dma_wait3A_152] : memref<655360x128xf32, #tpu.memory_space<hbm>> -> memref<128x128xf32, #tpu.memory_space<hbm>>
        %dma_wait3A_154 = arith.constant 0 : i32
        %dma_wait3A_155 = tpu.memref_slice %arg4[%mul3A_117, %dma_wait3A_154] : memref<655360x128xf32, #tpu.memory_space<hbm>> -> memref<128x128xf32, #tpu.memory_space<hbm>>
        %dma_wait3A_156 = arith.constant 0 : i32
        %dma_wait3A_157 = arith.constant 0 : i32
        %dma_wait3A_158 = tpu.memref_slice %arg6[%run_scoped3A_118, %dma_wait3A_156, %dma_wait3A_157] : memref<4x128x128xf32, #tpu.memory_space<vmem>> -> memref<1x128x128xf32, #tpu.memory_space<vmem>>
        %dma_wait3A_159 = tpu.memref_squeeze %dma_wait3A_158 : memref<1x128x128xf32, #tpu.memory_space<vmem>> -> memref<128x128xf32, #tpu.memory_space<vmem>>
        tpu.wait_dma2 semaphore(%run_scoped3A_135 : memref<!tpu.dma_semaphore, #tpu.memory_space<semaphore_mem>>) src(%dma_wait3A_159 : memref<128x128xf32, #tpu.memory_space<vmem>>) dst(%dma_wait3A_155 : memref<128x128xf32, #tpu.memory_space<hbm>>)
        tpu.yield
      }) : () -> ()
      %dma_wait3A_119 = arith.constant 3 : i32
      %dma_wait3A_120 = arith.constant 0 : i32
      %dma_wait3A_121 = arith.constant 0 : i32
      %dma_wait3A_122 = tpu.memref_slice %arg6[%dma_wait3A_119, %dma_wait3A_120, %dma_wait3A_121] : memref<4x128x128xf32, #tpu.memory_space<vmem>> -> memref<1x128x128xf32, #tpu.memory_space<vmem>>
      %dma_wait3A_123 = tpu.memref_squeeze %dma_wait3A_122 : memref<1x128x128xf32, #tpu.memory_space<vmem>> -> memref<128x128xf32, #tpu.memory_space<vmem>>
      %dma_wait3A_124 = arith.constant 0 : i32
      %dma_wait3A_125 = tpu.memref_slice %arg5[%add3A_61, %dma_wait3A_124] : memref<160x128xi32, #tpu.memory_space<vmem>> -> memref<1x128xi32, #tpu.memory_space<vmem>>
      %dma_wait3A_126 = tpu.memref_squeeze %dma_wait3A_125 : memref<1x128xi32, #tpu.memory_space<vmem>> -> memref<128xi32, #tpu.memory_space<vmem>>
      %dma_wait3A_127 = arith.constant 0 : i32
      %dma_wait3A_128 = arith.constant 0 : i32
      %dma_wait3A_129 = tpu.memref_slice %arg2[%dma_wait3A_127, %dma_wait3A_128] : memref<10000x128xf32, #tpu.memory_space<hbm>> -> memref<10000x128xf32, #tpu.memory_space<hbm>>
      tpu.wait_indirect_dma semaphore(%arg7 : memref<!tpu.dma_semaphore, #tpu.memory_space<semaphore_mem>>) src(%dma_wait3A_129 : memref<10000x128xf32, #tpu.memory_space<hbm>>) dst(%dma_wait3A_123 : memref<128x128xf32, #tpu.memory_space<vmem>>)
      %add3A_130 = arith.constant 3 : i32
      %add3A_131 = arith.addi %add3A_13, %add3A_130 : i32
      %mul3A_132 = arith.constant 128 : i32
      %mul3A_133 = arith.muli %add3A_131, %mul3A_132 : i32
      %run_scoped3A_134 = arith.constant 3 : i32
      "tpu.region"() ({
        %run_scoped3A_135 = tpu.sem_alloc : memref<!tpu.dma_semaphore, #tpu.memory_space<semaphore_mem>>
        %dma_start3A_136 = arith.constant 0 : i32
        %dma_start3A_137 = arith.constant 0 : i32
        %dma_start3A_138 = tpu.memref_slice %arg6[%run_scoped3A_134, %dma_start3A_136, %dma_start3A_137] : memref<4x128x128xf32, #tpu.memory_space<vmem>> -> memref<1x128x128xf32, #tpu.memory_space<vmem>>
        %dma_start3A_139 = tpu.memref_squeeze %dma_start3A_138 : memref<1x128x128xf32, #tpu.memory_space<vmem>> -> memref<128x128xf32, #tpu.memory_space<vmem>>
        %dma_start3A_140 = arith.constant 0 : i32
        %dma_start3A_141 = tpu.memref_slice %arg4[%mul3A_133, %dma_start3A_140] : memref<655360x128xf32, #tpu.memory_space<hbm>> -> memref<128x128xf32, #tpu.memory_space<hbm>>
        %dma_start3A_142 = arith.constant 0 : i32
        %dma_start3A_143 = tpu.memref_slice %arg4[%mul3A_133, %dma_start3A_142] : memref<655360x128xf32, #tpu.memory_space<hbm>> -> memref<128x128xf32, #tpu.memory_space<hbm>>
        %dma_start3A_144 = arith.constant 0 : i32
        %dma_start3A_145 = arith.constant 0 : i32
        %dma_start3A_146 = tpu.memref_slice %arg6[%run_scoped3A_134, %dma_start3A_144, %dma_start3A_145] : memref<4x128x128xf32, #tpu.memory_space<vmem>> -> memref<1x128x128xf32, #tpu.memory_space<vmem>>
        %dma_start3A_147 = tpu.memref_squeeze %dma_start3A_146 : memref<1x128x128xf32, #tpu.memory_space<vmem>> -> memref<128x128xf32, #tpu.memory_space<vmem>>
        tpu.enqueue_dma source(%dma_start3A_147 : memref<128x128xf32, #tpu.memory_space<vmem>>) target(%dma_start3A_143 : memref<128x128xf32, #tpu.memory_space<hbm>>) target_semaphore(%run_scoped3A_135 : memref<!tpu.dma_semaphore, #tpu.memory_space<semaphore_mem>>)
        %dma_wait3A_148 = arith.constant 0 : i32
        %dma_wait3A_149 = arith.constant 0 : i32
        %dma_wait3A_150 = tpu.memref_slice %arg6[%run_scoped3A_134, %dma_wait3A_148, %dma_wait3A_149] : memref<4x128x128xf32, #tpu.memory_space<vmem>> -> memref<1x128x128xf32, #tpu.memory_space<vmem>>
        %dma_wait3A_151 = tpu.memref_squeeze %dma_wait3A_150 : memref<1x128x128xf32, #tpu.memory_space<vmem>> -> memref<128x128xf32, #tpu.memory_space<vmem>>
        %dma_wait3A_152 = arith.constant 0 : i32
        %dma_wait3A_153 = tpu.memref_slice %arg4[%mul3A_133, %dma_wait3A_152] : memref<655360x128xf32, #tpu.memory_space<hbm>> -> memref<128x128xf32, #tpu.memory_space<hbm>>
        %dma_wait3A_154 = arith.constant 0 : i32
        %dma_wait3A_155 = tpu.memref_slice %arg4[%mul3A_133, %dma_wait3A_154] : memref<655360x128xf32, #tpu.memory_space<hbm>> -> memref<128x128xf32, #tpu.memory_space<hbm>>
        %dma_wait3A_156 = arith.constant 0 : i32
        %dma_wait3A_157 = arith.constant 0 : i32
        %dma_wait3A_158 = tpu.memref_slice %arg6[%run_scoped3A_134, %dma_wait3A_156, %dma_wait3A_157] : memref<4x128x128xf32, #tpu.memory_space<vmem>> -> memref<1x128x128xf32, #tpu.memory_space<vmem>>
        %dma_wait3A_159 = tpu.memref_squeeze %dma_wait3A_158 : memref<1x128x128xf32, #tpu.memory_space<vmem>> -> memref<128x128xf32, #tpu.memory_space<vmem>>
        tpu.wait_dma2 semaphore(%run_scoped3A_135 : memref<!tpu.dma_semaphore, #tpu.memory_space<semaphore_mem>>) src(%dma_wait3A_159 : memref<128x128xf32, #tpu.memory_space<vmem>>) dst(%dma_wait3A_155 : memref<128x128xf32, #tpu.memory_space<hbm>>)
        tpu.yield
      }) : () -> ()
    }
    %scan3A_7 = arith.constant 40 : i32
    return
  }
}

#map = affine_map<(d0, d1) -> (0, 0)>
#map1 = affine_map<(d0, d1) -> (0, 0, 0)>
module attributes {stable_mosaic.version = 14 : i64} {
  func.func @_scatter_sc_body(%arg0: i32, %arg1: i32, %arg2: memref<327680x128xf32, #tpu.memory_space<hbm>>, %arg3: memref<2560x128xi32, #tpu.memory_space<hbm>>, %arg4: memref<10112x128xf32, #tpu.memory_space<hbm>>, %arg5: memref<2x10112x128xf32, #tpu.memory_space<hbm>>, %arg6: memref<80x128xi32, #tpu.memory_space<vmem>>, %arg7: memref<128x128xf32, #tpu.memory_space<vmem>>, %arg8: memref<10112x128xf32, #tpu.memory_space<vmem_shared>>) attributes {dimension_semantics = [#tpu.dimension_semantics<core_parallel>, #tpu.dimension_semantics<subcore_parallel>], iteration_bounds = array<i64: 2, 16>, scalar_prefetch = 0 : i64, scratch_operands = 3 : i64, tpu.core_type = #tpu.core_type<sc_vector_subcore>, window_params = [{transform_indices = #map}, {transform_indices = #map}, {transform_indices = #map}, {transform_indices = #map1}]} {
    %mul3A = arith.constant 2 : i32
    %mul3A_0 = arith.muli %arg1, %mul3A : i32
    %add3A = arith.addi %mul3A_0, %arg0 : i32
    %mul3A_1 = arith.constant 632 : i32
    %mul3A_2 = arith.muli %arg1, %mul3A_1 : i32
    %mul3A_3 = arith.constant 632 : i32
    %mul3A_4 = arith.muli %arg1, %mul3A_3 : i32
    "tpu.region"() ({
      %run_scoped3A = tpu.sem_alloc : memref<!tpu.dma_semaphore, #tpu.memory_space<semaphore_mem>>
      %dma_start3A = arith.constant 0 : i32
      %dma_start3A_17 = tpu.memref_slice %arg8[%mul3A_4, %dma_start3A] : memref<10112x128xf32, #tpu.memory_space<vmem_shared>> -> memref<632x128xf32, #tpu.memory_space<vmem_shared>>
      %dma_start3A_18 = arith.constant 0 : i32
      %dma_start3A_19 = tpu.memref_slice %arg4[%mul3A_2, %dma_start3A_18] : memref<10112x128xf32, #tpu.memory_space<hbm>> -> memref<632x128xf32, #tpu.memory_space<hbm>>
      tpu.enqueue_dma source(%dma_start3A_19 : memref<632x128xf32, #tpu.memory_space<hbm>>) target(%dma_start3A_17 : memref<632x128xf32, #tpu.memory_space<vmem_shared>>) target_semaphore(%run_scoped3A : memref<!tpu.dma_semaphore, #tpu.memory_space<semaphore_mem>>)
      %dma_wait3A = arith.constant 0 : i32
      %dma_wait3A_20 = tpu.memref_slice %arg8[%mul3A_4, %dma_wait3A] : memref<10112x128xf32, #tpu.memory_space<vmem_shared>> -> memref<632x128xf32, #tpu.memory_space<vmem_shared>>
      %dma_wait3A_21 = arith.constant 0 : i32
      %dma_wait3A_22 = tpu.memref_slice %arg4[%mul3A_2, %dma_wait3A_21] : memref<10112x128xf32, #tpu.memory_space<hbm>> -> memref<632x128xf32, #tpu.memory_space<hbm>>
      tpu.wait_dma2 semaphore(%run_scoped3A : memref<!tpu.dma_semaphore, #tpu.memory_space<semaphore_mem>>) src(%dma_wait3A_22 : memref<632x128xf32, #tpu.memory_space<hbm>>) dst(%dma_wait3A_20 : memref<632x128xf32, #tpu.memory_space<vmem_shared>>)
      tpu.yield
    }) : () -> ()
    %mul3A_5 = arith.constant 80 : i32
    %mul3A_6 = arith.muli %add3A, %mul3A_5 : i32
    "tpu.region"() ({
      %run_scoped3A = tpu.sem_alloc : memref<!tpu.dma_semaphore, #tpu.memory_space<semaphore_mem>>
      %dma_start3A = arith.constant 0 : i32
      %dma_start3A_17 = tpu.memref_slice %arg3[%mul3A_6, %dma_start3A] : memref<2560x128xi32, #tpu.memory_space<hbm>> -> memref<80x128xi32, #tpu.memory_space<hbm>>
      %dma_start3A_18 = arith.constant 0 : i32
      %dma_start3A_19 = tpu.memref_slice %arg3[%mul3A_6, %dma_start3A_18] : memref<2560x128xi32, #tpu.memory_space<hbm>> -> memref<80x128xi32, #tpu.memory_space<hbm>>
      tpu.enqueue_dma source(%dma_start3A_19 : memref<80x128xi32, #tpu.memory_space<hbm>>) target(%arg6 : memref<80x128xi32, #tpu.memory_space<vmem>>) target_semaphore(%run_scoped3A : memref<!tpu.dma_semaphore, #tpu.memory_space<semaphore_mem>>)
      %dma_wait3A = arith.constant 0 : i32
      %dma_wait3A_20 = tpu.memref_slice %arg3[%mul3A_6, %dma_wait3A] : memref<2560x128xi32, #tpu.memory_space<hbm>> -> memref<80x128xi32, #tpu.memory_space<hbm>>
      %dma_wait3A_21 = arith.constant 0 : i32
      %dma_wait3A_22 = tpu.memref_slice %arg3[%mul3A_6, %dma_wait3A_21] : memref<2560x128xi32, #tpu.memory_space<hbm>> -> memref<80x128xi32, #tpu.memory_space<hbm>>
      tpu.wait_dma2 semaphore(%run_scoped3A : memref<!tpu.dma_semaphore, #tpu.memory_space<semaphore_mem>>) src(%dma_wait3A_22 : memref<80x128xi32, #tpu.memory_space<hbm>>) dst(%arg6 : memref<80x128xi32, #tpu.memory_space<vmem>>)
      tpu.yield
    }) : () -> ()
    %barrier3A = arith.constant 0 : index
    tpu.barrier barrier_id(%barrier3A)
    %scan3A = arith.constant 0 : i32
    %scan3A_7 = arith.constant 0 : i32
    %scan3A_8 = arith.constant 80 : i32
    %scan3A_9 = arith.addi %scan3A_7, %scan3A_8 : i32
    %scan3A_10 = arith.constant 1 : i32
    scf.for %scan3A_17 = %scan3A_7 to %scan3A_9 step %scan3A_10  : i32 {
      %mul3A_18 = arith.constant 80 : i32
      %mul3A_19 = arith.muli %add3A, %mul3A_18 : i32
      %add3A_20 = arith.addi %mul3A_19, %scan3A_17 : i32
      %mul3A_21 = arith.constant 128 : i32
      %mul3A_22 = arith.muli %add3A_20, %mul3A_21 : i32
      "tpu.region"() ({
        %run_scoped3A = tpu.sem_alloc : memref<!tpu.dma_semaphore, #tpu.memory_space<semaphore_mem>>
        %dma_start3A = arith.constant 0 : i32
        %dma_start3A_23 = tpu.memref_slice %arg2[%mul3A_22, %dma_start3A] : memref<327680x128xf32, #tpu.memory_space<hbm>> -> memref<128x128xf32, #tpu.memory_space<hbm>>
        %dma_start3A_24 = arith.constant 0 : i32
        %dma_start3A_25 = tpu.memref_slice %arg2[%mul3A_22, %dma_start3A_24] : memref<327680x128xf32, #tpu.memory_space<hbm>> -> memref<128x128xf32, #tpu.memory_space<hbm>>
        tpu.enqueue_dma source(%dma_start3A_25 : memref<128x128xf32, #tpu.memory_space<hbm>>) target(%arg7 : memref<128x128xf32, #tpu.memory_space<vmem>>) target_semaphore(%run_scoped3A : memref<!tpu.dma_semaphore, #tpu.memory_space<semaphore_mem>>)
        %dma_wait3A = arith.constant 0 : i32
        %dma_wait3A_26 = tpu.memref_slice %arg2[%mul3A_22, %dma_wait3A] : memref<327680x128xf32, #tpu.memory_space<hbm>> -> memref<128x128xf32, #tpu.memory_space<hbm>>
        %dma_wait3A_27 = arith.constant 0 : i32
        %dma_wait3A_28 = tpu.memref_slice %arg2[%mul3A_22, %dma_wait3A_27] : memref<327680x128xf32, #tpu.memory_space<hbm>> -> memref<128x128xf32, #tpu.memory_space<hbm>>
        tpu.wait_dma2 semaphore(%run_scoped3A : memref<!tpu.dma_semaphore, #tpu.memory_space<semaphore_mem>>) src(%dma_wait3A_28 : memref<128x128xf32, #tpu.memory_space<hbm>>) dst(%arg7 : memref<128x128xf32, #tpu.memory_space<vmem>>)
        tpu.yield
      }) : () -> ()
      "tpu.region"() ({
        %run_scoped3A = tpu.sem_alloc : memref<!tpu.dma_semaphore, #tpu.memory_space<semaphore_mem>>
        %dma_start3A = arith.constant 0 : i32
        %dma_start3A_23 = tpu.memref_slice %arg6[%scan3A_17, %dma_start3A] : memref<80x128xi32, #tpu.memory_space<vmem>> -> memref<1x128xi32, #tpu.memory_space<vmem>>
        %dma_start3A_24 = tpu.memref_squeeze %dma_start3A_23 : memref<1x128xi32, #tpu.memory_space<vmem>> -> memref<128xi32, #tpu.memory_space<vmem>>
        %dma_start3A_25 = arith.constant 0 : i32
        %dma_start3A_26 = arith.constant 0 : i32
        %dma_start3A_27 = tpu.memref_slice %arg8[%dma_start3A_25, %dma_start3A_26] : memref<10112x128xf32, #tpu.memory_space<vmem_shared>> -> memref<10112x128xf32, #tpu.memory_space<vmem_shared>>
        tpu.enqueue_indirect_dma source(%arg7 : memref<128x128xf32, #tpu.memory_space<vmem>>) target(%dma_start3A_27 : memref<10112x128xf32, #tpu.memory_space<vmem_shared>>) offsets(%dma_start3A_24 : memref<128xi32, #tpu.memory_space<vmem>>) semaphore(%run_scoped3A : memref<!tpu.dma_semaphore, #tpu.memory_space<semaphore_mem>>) {add = true}
        %dma_wait3A = arith.constant 0 : i32
        %dma_wait3A_28 = tpu.memref_slice %arg6[%scan3A_17, %dma_wait3A] : memref<80x128xi32, #tpu.memory_space<vmem>> -> memref<1x128xi32, #tpu.memory_space<vmem>>
        %dma_wait3A_29 = tpu.memref_squeeze %dma_wait3A_28 : memref<1x128xi32, #tpu.memory_space<vmem>> -> memref<128xi32, #tpu.memory_space<vmem>>
        %dma_wait3A_30 = arith.constant 0 : i32
        %dma_wait3A_31 = arith.constant 0 : i32
        %dma_wait3A_32 = tpu.memref_slice %arg8[%dma_wait3A_30, %dma_wait3A_31] : memref<10112x128xf32, #tpu.memory_space<vmem_shared>> -> memref<10112x128xf32, #tpu.memory_space<vmem_shared>>
        tpu.wait_indirect_dma semaphore(%run_scoped3A : memref<!tpu.dma_semaphore, #tpu.memory_space<semaphore_mem>>) src(%arg7 : memref<128x128xf32, #tpu.memory_space<vmem>>) dst(%dma_wait3A_32 : memref<10112x128xf32, #tpu.memory_space<vmem_shared>>)
        tpu.yield
      }) : () -> ()
    }
    %scan3A_11 = arith.constant 80 : i32
    %barrier3A_12 = arith.constant 0 : index
    tpu.barrier barrier_id(%barrier3A_12)
    %mul3A_13 = arith.constant 632 : i32
    %mul3A_14 = arith.muli %arg1, %mul3A_13 : i32
    %mul3A_15 = arith.constant 632 : i32
    %mul3A_16 = arith.muli %arg1, %mul3A_15 : i32
    "tpu.region"() ({
      %run_scoped3A = tpu.sem_alloc : memref<!tpu.dma_semaphore, #tpu.memory_space<semaphore_mem>>
      %dma_start3A = arith.constant 0 : i32
      %dma_start3A_17 = tpu.memref_slice %arg5[%arg0, %mul3A_16, %dma_start3A] : memref<2x10112x128xf32, #tpu.memory_space<hbm>> -> memref<1x632x128xf32, #tpu.memory_space<hbm>>
      %dma_start3A_18 = tpu.memref_squeeze %dma_start3A_17 : memref<1x632x128xf32, #tpu.memory_space<hbm>> -> memref<632x128xf32, #tpu.memory_space<hbm>>
      %dma_start3A_19 = arith.constant 0 : i32
      %dma_start3A_20 = tpu.memref_slice %arg8[%mul3A_14, %dma_start3A_19] : memref<10112x128xf32, #tpu.memory_space<vmem_shared>> -> memref<632x128xf32, #tpu.memory_space<vmem_shared>>
      tpu.enqueue_dma source(%dma_start3A_20 : memref<632x128xf32, #tpu.memory_space<vmem_shared>>) target(%dma_start3A_18 : memref<632x128xf32, #tpu.memory_space<hbm>>) target_semaphore(%run_scoped3A : memref<!tpu.dma_semaphore, #tpu.memory_space<semaphore_mem>>)
      %dma_wait3A = arith.constant 0 : i32
      %dma_wait3A_21 = tpu.memref_slice %arg5[%arg0, %mul3A_16, %dma_wait3A] : memref<2x10112x128xf32, #tpu.memory_space<hbm>> -> memref<1x632x128xf32, #tpu.memory_space<hbm>>
      %dma_wait3A_22 = tpu.memref_squeeze %dma_wait3A_21 : memref<1x632x128xf32, #tpu.memory_space<hbm>> -> memref<632x128xf32, #tpu.memory_space<hbm>>
      %dma_wait3A_23 = arith.constant 0 : i32
      %dma_wait3A_24 = tpu.memref_slice %arg8[%mul3A_14, %dma_wait3A_23] : memref<10112x128xf32, #tpu.memory_space<vmem_shared>> -> memref<632x128xf32, #tpu.memory_space<vmem_shared>>
      tpu.wait_dma2 semaphore(%run_scoped3A : memref<!tpu.dma_semaphore, #tpu.memory_space<semaphore_mem>>) src(%dma_wait3A_24 : memref<632x128xf32, #tpu.memory_space<vmem_shared>>) dst(%dma_wait3A_22 : memref<632x128xf32, #tpu.memory_space<hbm>>)
      tpu.yield
    }) : () -> ()
    return
  }
}

#map = affine_map<(d0, d1) -> (0, 0)>
module attributes {stable_mosaic.version = 14 : i64} {
  func.func @_gather_sc_body(%arg0: i32, %arg1: i32, %arg2: memref<10000x128xf32, #tpu.memory_space<hbm>>, %arg3: memref<5120x128xi32, #tpu.memory_space<hbm>>, %arg4: memref<655360x128xf32, #tpu.memory_space<hbm>>, %arg5: memref<160x128xi32, #tpu.memory_space<vmem>>, %arg6: memref<4x128x128xf32, #tpu.memory_space<vmem>>, %arg7: memref<!tpu.dma_semaphore, #tpu.memory_space<semaphore_mem>>) attributes {dimension_semantics = [#tpu.dimension_semantics<core_parallel>, #tpu.dimension_semantics<subcore_parallel>], iteration_bounds = array<i64: 2, 16>, scalar_prefetch = 0 : i64, scratch_operands = 3 : i64, tpu.core_type = #tpu.core_type<sc_vector_subcore>, window_params = [{transform_indices = #map}, {transform_indices = #map}, {transform_indices = #map}]} {
    %mul3A = arith.constant 2 : i32
    %mul3A_0 = arith.muli %arg1, %mul3A : i32
    %add3A = arith.addi %mul3A_0, %arg0 : i32
    %mul3A_1 = arith.constant 160 : i32
    %mul3A_2 = arith.muli %add3A, %mul3A_1 : i32
    "tpu.region"() ({
      %run_scoped3A = tpu.sem_alloc : memref<!tpu.dma_semaphore, #tpu.memory_space<semaphore_mem>>
      %dma_start3A = arith.constant 0 : i32
      %dma_start3A_8 = tpu.memref_slice %arg3[%mul3A_2, %dma_start3A] : memref<5120x128xi32, #tpu.memory_space<hbm>> -> memref<160x128xi32, #tpu.memory_space<hbm>>
      %dma_start3A_9 = arith.constant 0 : i32
      %dma_start3A_10 = tpu.memref_slice %arg3[%mul3A_2, %dma_start3A_9] : memref<5120x128xi32, #tpu.memory_space<hbm>> -> memref<160x128xi32, #tpu.memory_space<hbm>>
      tpu.enqueue_dma source(%dma_start3A_10 : memref<160x128xi32, #tpu.memory_space<hbm>>) target(%arg5 : memref<160x128xi32, #tpu.memory_space<vmem>>) target_semaphore(%run_scoped3A : memref<!tpu.dma_semaphore, #tpu.memory_space<semaphore_mem>>)
      %dma_wait3A = arith.constant 0 : i32
      %dma_wait3A_11 = tpu.memref_slice %arg3[%mul3A_2, %dma_wait3A] : memref<5120x128xi32, #tpu.memory_space<hbm>> -> memref<160x128xi32, #tpu.memory_space<hbm>>
      %dma_wait3A_12 = arith.constant 0 : i32
      %dma_wait3A_13 = tpu.memref_slice %arg3[%mul3A_2, %dma_wait3A_12] : memref<5120x128xi32, #tpu.memory_space<hbm>> -> memref<160x128xi32, #tpu.memory_space<hbm>>
      tpu.wait_dma2 semaphore(%run_scoped3A : memref<!tpu.dma_semaphore, #tpu.memory_space<semaphore_mem>>) src(%dma_wait3A_13 : memref<160x128xi32, #tpu.memory_space<hbm>>) dst(%arg5 : memref<160x128xi32, #tpu.memory_space<vmem>>)
      tpu.yield
    }) : () -> ()
    %scan3A = arith.constant 0 : i32
    %scan3A_3 = arith.constant 0 : i32
    %scan3A_4 = arith.constant 40 : i32
    %scan3A_5 = arith.addi %scan3A_3, %scan3A_4 : i32
    %scan3A_6 = arith.constant 1 : i32
    scf.for %scan3A_8 = %scan3A_3 to %scan3A_5 step %scan3A_6  : i32 {
      %mul3A_9 = arith.constant 160 : i32
      %mul3A_10 = arith.muli %add3A, %mul3A_9 : i32
      %mul3A_11 = arith.constant 4 : i32
      %mul3A_12 = arith.muli %scan3A_8, %mul3A_11 : i32
      %add3A_13 = arith.addi %mul3A_10, %mul3A_12 : i32
      %mul3A_14 = arith.constant 4 : i32
      %mul3A_15 = arith.muli %scan3A_8, %mul3A_14 : i32
      %add3A_16 = arith.constant 0 : i32
      %add3A_17 = arith.addi %mul3A_15, %add3A_16 : i32
      %dma_start3A = arith.constant 0 : i32
      %dma_start3A_18 = arith.constant 0 : i32
      %dma_start3A_19 = arith.constant 0 : i32
      %dma_start3A_20 = tpu.memref_slice %arg6[%dma_start3A, %dma_start3A_18, %dma_start3A_19] : memref<4x128x128xf32, #tpu.memory_space<vmem>> -> memref<1x128x128xf32, #tpu.memory_space<vmem>>
      %dma_start3A_21 = tpu.memref_squeeze %dma_start3A_20 : memref<1x128x128xf32, #tpu.memory_space<vmem>> -> memref<128x128xf32, #tpu.memory_space<vmem>>
      %dma_start3A_22 = arith.constant 0 : i32
      %dma_start3A_23 = tpu.memref_slice %arg5[%add3A_17, %dma_start3A_22] : memref<160x128xi32, #tpu.memory_space<vmem>> -> memref<1x128xi32, #tpu.memory_space<vmem>>
      %dma_start3A_24 = tpu.memref_squeeze %dma_start3A_23 : memref<1x128xi32, #tpu.memory_space<vmem>> -> memref<128xi32, #tpu.memory_space<vmem>>
      %dma_start3A_25 = arith.constant 0 : i32
      %dma_start3A_26 = arith.constant 0 : i32
      %dma_start3A_27 = tpu.memref_slice %arg2[%dma_start3A_25, %dma_start3A_26] : memref<10000x128xf32, #tpu.memory_space<hbm>> -> memref<10000x128xf32, #tpu.memory_space<hbm>>
      tpu.enqueue_indirect_dma source(%dma_start3A_27 : memref<10000x128xf32, #tpu.memory_space<hbm>>) target(%dma_start3A_21 : memref<128x128xf32, #tpu.memory_space<vmem>>) offsets(%dma_start3A_24 : memref<128xi32, #tpu.memory_space<vmem>>) semaphore(%arg7 : memref<!tpu.dma_semaphore, #tpu.memory_space<semaphore_mem>>)
      %mul3A_28 = arith.constant 4 : i32
      %mul3A_29 = arith.muli %scan3A_8, %mul3A_28 : i32
      %add3A_30 = arith.constant 1 : i32
      %add3A_31 = arith.addi %mul3A_29, %add3A_30 : i32
      %dma_start3A_32 = arith.constant 1 : i32
      %dma_start3A_33 = arith.constant 0 : i32
      %dma_start3A_34 = arith.constant 0 : i32
      %dma_start3A_35 = tpu.memref_slice %arg6[%dma_start3A_32, %dma_start3A_33, %dma_start3A_34] : memref<4x128x128xf32, #tpu.memory_space<vmem>> -> memref<1x128x128xf32, #tpu.memory_space<vmem>>
      %dma_start3A_36 = tpu.memref_squeeze %dma_start3A_35 : memref<1x128x128xf32, #tpu.memory_space<vmem>> -> memref<128x128xf32, #tpu.memory_space<vmem>>
      %dma_start3A_37 = arith.constant 0 : i32
      %dma_start3A_38 = tpu.memref_slice %arg5[%add3A_31, %dma_start3A_37] : memref<160x128xi32, #tpu.memory_space<vmem>> -> memref<1x128xi32, #tpu.memory_space<vmem>>
      %dma_start3A_39 = tpu.memref_squeeze %dma_start3A_38 : memref<1x128xi32, #tpu.memory_space<vmem>> -> memref<128xi32, #tpu.memory_space<vmem>>
      %dma_start3A_40 = arith.constant 0 : i32
      %dma_start3A_41 = arith.constant 0 : i32
      %dma_start3A_42 = tpu.memref_slice %arg2[%dma_start3A_40, %dma_start3A_41] : memref<10000x128xf32, #tpu.memory_space<hbm>> -> memref<10000x128xf32, #tpu.memory_space<hbm>>
      tpu.enqueue_indirect_dma source(%dma_start3A_42 : memref<10000x128xf32, #tpu.memory_space<hbm>>) target(%dma_start3A_36 : memref<128x128xf32, #tpu.memory_space<vmem>>) offsets(%dma_start3A_39 : memref<128xi32, #tpu.memory_space<vmem>>) semaphore(%arg7 : memref<!tpu.dma_semaphore, #tpu.memory_space<semaphore_mem>>)
      %mul3A_43 = arith.constant 4 : i32
      %mul3A_44 = arith.muli %scan3A_8, %mul3A_43 : i32
      %add3A_45 = arith.constant 2 : i32
      %add3A_46 = arith.addi %mul3A_44, %add3A_45 : i32
      %dma_start3A_47 = arith.constant 2 : i32
      %dma_start3A_48 = arith.constant 0 : i32
      %dma_start3A_49 = arith.constant 0 : i32
      %dma_start3A_50 = tpu.memref_slice %arg6[%dma_start3A_47, %dma_start3A_48, %dma_start3A_49] : memref<4x128x128xf32, #tpu.memory_space<vmem>> -> memref<1x128x128xf32, #tpu.memory_space<vmem>>
      %dma_start3A_51 = tpu.memref_squeeze %dma_start3A_50 : memref<1x128x128xf32, #tpu.memory_space<vmem>> -> memref<128x128xf32, #tpu.memory_space<vmem>>
      %dma_start3A_52 = arith.constant 0 : i32
      %dma_start3A_53 = tpu.memref_slice %arg5[%add3A_46, %dma_start3A_52] : memref<160x128xi32, #tpu.memory_space<vmem>> -> memref<1x128xi32, #tpu.memory_space<vmem>>
      %dma_start3A_54 = tpu.memref_squeeze %dma_start3A_53 : memref<1x128xi32, #tpu.memory_space<vmem>> -> memref<128xi32, #tpu.memory_space<vmem>>
      %dma_start3A_55 = arith.constant 0 : i32
      %dma_start3A_56 = arith.constant 0 : i32
      %dma_start3A_57 = tpu.memref_slice %arg2[%dma_start3A_55, %dma_start3A_56] : memref<10000x128xf32, #tpu.memory_space<hbm>> -> memref<10000x128xf32, #tpu.memory_space<hbm>>
      tpu.enqueue_indirect_dma source(%dma_start3A_57 : memref<10000x128xf32, #tpu.memory_space<hbm>>) target(%dma_start3A_51 : memref<128x128xf32, #tpu.memory_space<vmem>>) offsets(%dma_start3A_54 : memref<128xi32, #tpu.memory_space<vmem>>) semaphore(%arg7 : memref<!tpu.dma_semaphore, #tpu.memory_space<semaphore_mem>>)
      %mul3A_58 = arith.constant 4 : i32
      %mul3A_59 = arith.muli %scan3A_8, %mul3A_58 : i32
      %add3A_60 = arith.constant 3 : i32
      %add3A_61 = arith.addi %mul3A_59, %add3A_60 : i32
      %dma_start3A_62 = arith.constant 3 : i32
      %dma_start3A_63 = arith.constant 0 : i32
      %dma_start3A_64 = arith.constant 0 : i32
      %dma_start3A_65 = tpu.memref_slice %arg6[%dma_start3A_62, %dma_start3A_63, %dma_start3A_64] : memref<4x128x128xf32, #tpu.memory_space<vmem>> -> memref<1x128x128xf32, #tpu.memory_space<vmem>>
      %dma_start3A_66 = tpu.memref_squeeze %dma_start3A_65 : memref<1x128x128xf32, #tpu.memory_space<vmem>> -> memref<128x128xf32, #tpu.memory_space<vmem>>
      %dma_start3A_67 = arith.constant 0 : i32
      %dma_start3A_68 = tpu.memref_slice %arg5[%add3A_61, %dma_start3A_67] : memref<160x128xi32, #tpu.memory_space<vmem>> -> memref<1x128xi32, #tpu.memory_space<vmem>>
      %dma_start3A_69 = tpu.memref_squeeze %dma_start3A_68 : memref<1x128xi32, #tpu.memory_space<vmem>> -> memref<128xi32, #tpu.memory_space<vmem>>
      %dma_start3A_70 = arith.constant 0 : i32
      %dma_start3A_71 = arith.constant 0 : i32
      %dma_start3A_72 = tpu.memref_slice %arg2[%dma_start3A_70, %dma_start3A_71] : memref<10000x128xf32, #tpu.memory_space<hbm>> -> memref<10000x128xf32, #tpu.memory_space<hbm>>
      tpu.enqueue_indirect_dma source(%dma_start3A_72 : memref<10000x128xf32, #tpu.memory_space<hbm>>) target(%dma_start3A_66 : memref<128x128xf32, #tpu.memory_space<vmem>>) offsets(%dma_start3A_69 : memref<128xi32, #tpu.memory_space<vmem>>) semaphore(%arg7 : memref<!tpu.dma_semaphore, #tpu.memory_space<semaphore_mem>>)
      %dma_wait3A = arith.constant 0 : i32
      %dma_wait3A_73 = arith.constant 0 : i32
      %dma_wait3A_74 = arith.constant 0 : i32
      %dma_wait3A_75 = tpu.memref_slice %arg6[%dma_wait3A, %dma_wait3A_73, %dma_wait3A_74] : memref<4x128x128xf32, #tpu.memory_space<vmem>> -> memref<1x128x128xf32, #tpu.memory_space<vmem>>
      %dma_wait3A_76 = tpu.memref_squeeze %dma_wait3A_75 : memref<1x128x128xf32, #tpu.memory_space<vmem>> -> memref<128x128xf32, #tpu.memory_space<vmem>>
      %dma_wait3A_77 = arith.constant 0 : i32
      %dma_wait3A_78 = tpu.memref_slice %arg5[%add3A_17, %dma_wait3A_77] : memref<160x128xi32, #tpu.memory_space<vmem>> -> memref<1x128xi32, #tpu.memory_space<vmem>>
      %dma_wait3A_79 = tpu.memref_squeeze %dma_wait3A_78 : memref<1x128xi32, #tpu.memory_space<vmem>> -> memref<128xi32, #tpu.memory_space<vmem>>
      %dma_wait3A_80 = arith.constant 0 : i32
      %dma_wait3A_81 = arith.constant 0 : i32
      %dma_wait3A_82 = tpu.memref_slice %arg2[%dma_wait3A_80, %dma_wait3A_81] : memref<10000x128xf32, #tpu.memory_space<hbm>> -> memref<10000x128xf32, #tpu.memory_space<hbm>>
      tpu.wait_indirect_dma semaphore(%arg7 : memref<!tpu.dma_semaphore, #tpu.memory_space<semaphore_mem>>) src(%dma_wait3A_82 : memref<10000x128xf32, #tpu.memory_space<hbm>>) dst(%dma_wait3A_76 : memref<128x128xf32, #tpu.memory_space<vmem>>)
      %add3A_83 = arith.constant 0 : i32
      %add3A_84 = arith.addi %add3A_13, %add3A_83 : i32
      %mul3A_85 = arith.constant 128 : i32
      %mul3A_86 = arith.muli %add3A_84, %mul3A_85 : i32
      %run_scoped3A = arith.constant 0 : i32
      "tpu.region"() ({
        %run_scoped3A_135 = tpu.sem_alloc : memref<!tpu.dma_semaphore, #tpu.memory_space<semaphore_mem>>
        %dma_start3A_136 = arith.constant 0 : i32
        %dma_start3A_137 = arith.constant 0 : i32
        %dma_start3A_138 = tpu.memref_slice %arg6[%run_scoped3A, %dma_start3A_136, %dma_start3A_137] : memref<4x128x128xf32, #tpu.memory_space<vmem>> -> memref<1x128x128xf32, #tpu.memory_space<vmem>>
        %dma_start3A_139 = tpu.memref_squeeze %dma_start3A_138 : memref<1x128x128xf32, #tpu.memory_space<vmem>> -> memref<128x128xf32, #tpu.memory_space<vmem>>
        %dma_start3A_140 = arith.constant 0 : i32
        %dma_start3A_141 = tpu.memref_slice %arg4[%mul3A_86, %dma_start3A_140] : memref<655360x128xf32, #tpu.memory_space<hbm>> -> memref<128x128xf32, #tpu.memory_space<hbm>>
        %dma_start3A_142 = arith.constant 0 : i32
        %dma_start3A_143 = tpu.memref_slice %arg4[%mul3A_86, %dma_start3A_142] : memref<655360x128xf32, #tpu.memory_space<hbm>> -> memref<128x128xf32, #tpu.memory_space<hbm>>
        %dma_start3A_144 = arith.constant 0 : i32
        %dma_start3A_145 = arith.constant 0 : i32
        %dma_start3A_146 = tpu.memref_slice %arg6[%run_scoped3A, %dma_start3A_144, %dma_start3A_145] : memref<4x128x128xf32, #tpu.memory_space<vmem>> -> memref<1x128x128xf32, #tpu.memory_space<vmem>>
        %dma_start3A_147 = tpu.memref_squeeze %dma_start3A_146 : memref<1x128x128xf32, #tpu.memory_space<vmem>> -> memref<128x128xf32, #tpu.memory_space<vmem>>
        tpu.enqueue_dma source(%dma_start3A_147 : memref<128x128xf32, #tpu.memory_space<vmem>>) target(%dma_start3A_143 : memref<128x128xf32, #tpu.memory_space<hbm>>) target_semaphore(%run_scoped3A_135 : memref<!tpu.dma_semaphore, #tpu.memory_space<semaphore_mem>>)
        %dma_wait3A_148 = arith.constant 0 : i32
        %dma_wait3A_149 = arith.constant 0 : i32
        %dma_wait3A_150 = tpu.memref_slice %arg6[%run_scoped3A, %dma_wait3A_148, %dma_wait3A_149] : memref<4x128x128xf32, #tpu.memory_space<vmem>> -> memref<1x128x128xf32, #tpu.memory_space<vmem>>
        %dma_wait3A_151 = tpu.memref_squeeze %dma_wait3A_150 : memref<1x128x128xf32, #tpu.memory_space<vmem>> -> memref<128x128xf32, #tpu.memory_space<vmem>>
        %dma_wait3A_152 = arith.constant 0 : i32
        %dma_wait3A_153 = tpu.memref_slice %arg4[%mul3A_86, %dma_wait3A_152] : memref<655360x128xf32, #tpu.memory_space<hbm>> -> memref<128x128xf32, #tpu.memory_space<hbm>>
        %dma_wait3A_154 = arith.constant 0 : i32
        %dma_wait3A_155 = tpu.memref_slice %arg4[%mul3A_86, %dma_wait3A_154] : memref<655360x128xf32, #tpu.memory_space<hbm>> -> memref<128x128xf32, #tpu.memory_space<hbm>>
        %dma_wait3A_156 = arith.constant 0 : i32
        %dma_wait3A_157 = arith.constant 0 : i32
        %dma_wait3A_158 = tpu.memref_slice %arg6[%run_scoped3A, %dma_wait3A_156, %dma_wait3A_157] : memref<4x128x128xf32, #tpu.memory_space<vmem>> -> memref<1x128x128xf32, #tpu.memory_space<vmem>>
        %dma_wait3A_159 = tpu.memref_squeeze %dma_wait3A_158 : memref<1x128x128xf32, #tpu.memory_space<vmem>> -> memref<128x128xf32, #tpu.memory_space<vmem>>
        tpu.wait_dma2 semaphore(%run_scoped3A_135 : memref<!tpu.dma_semaphore, #tpu.memory_space<semaphore_mem>>) src(%dma_wait3A_159 : memref<128x128xf32, #tpu.memory_space<vmem>>) dst(%dma_wait3A_155 : memref<128x128xf32, #tpu.memory_space<hbm>>)
        tpu.yield
      }) : () -> ()
      %dma_wait3A_87 = arith.constant 1 : i32
      %dma_wait3A_88 = arith.constant 0 : i32
      %dma_wait3A_89 = arith.constant 0 : i32
      %dma_wait3A_90 = tpu.memref_slice %arg6[%dma_wait3A_87, %dma_wait3A_88, %dma_wait3A_89] : memref<4x128x128xf32, #tpu.memory_space<vmem>> -> memref<1x128x128xf32, #tpu.memory_space<vmem>>
      %dma_wait3A_91 = tpu.memref_squeeze %dma_wait3A_90 : memref<1x128x128xf32, #tpu.memory_space<vmem>> -> memref<128x128xf32, #tpu.memory_space<vmem>>
      %dma_wait3A_92 = arith.constant 0 : i32
      %dma_wait3A_93 = tpu.memref_slice %arg5[%add3A_31, %dma_wait3A_92] : memref<160x128xi32, #tpu.memory_space<vmem>> -> memref<1x128xi32, #tpu.memory_space<vmem>>
      %dma_wait3A_94 = tpu.memref_squeeze %dma_wait3A_93 : memref<1x128xi32, #tpu.memory_space<vmem>> -> memref<128xi32, #tpu.memory_space<vmem>>
      %dma_wait3A_95 = arith.constant 0 : i32
      %dma_wait3A_96 = arith.constant 0 : i32
      %dma_wait3A_97 = tpu.memref_slice %arg2[%dma_wait3A_95, %dma_wait3A_96] : memref<10000x128xf32, #tpu.memory_space<hbm>> -> memref<10000x128xf32, #tpu.memory_space<hbm>>
      tpu.wait_indirect_dma semaphore(%arg7 : memref<!tpu.dma_semaphore, #tpu.memory_space<semaphore_mem>>) src(%dma_wait3A_97 : memref<10000x128xf32, #tpu.memory_space<hbm>>) dst(%dma_wait3A_91 : memref<128x128xf32, #tpu.memory_space<vmem>>)
      %add3A_98 = arith.constant 1 : i32
      %add3A_99 = arith.addi %add3A_13, %add3A_98 : i32
      %mul3A_100 = arith.constant 128 : i32
      %mul3A_101 = arith.muli %add3A_99, %mul3A_100 : i32
      %run_scoped3A_102 = arith.constant 1 : i32
      "tpu.region"() ({
        %run_scoped3A_135 = tpu.sem_alloc : memref<!tpu.dma_semaphore, #tpu.memory_space<semaphore_mem>>
        %dma_start3A_136 = arith.constant 0 : i32
        %dma_start3A_137 = arith.constant 0 : i32
        %dma_start3A_138 = tpu.memref_slice %arg6[%run_scoped3A_102, %dma_start3A_136, %dma_start3A_137] : memref<4x128x128xf32, #tpu.memory_space<vmem>> -> memref<1x128x128xf32, #tpu.memory_space<vmem>>
        %dma_start3A_139 = tpu.memref_squeeze %dma_start3A_138 : memref<1x128x128xf32, #tpu.memory_space<vmem>> -> memref<128x128xf32, #tpu.memory_space<vmem>>
        %dma_start3A_140 = arith.constant 0 : i32
        %dma_start3A_141 = tpu.memref_slice %arg4[%mul3A_101, %dma_start3A_140] : memref<655360x128xf32, #tpu.memory_space<hbm>> -> memref<128x128xf32, #tpu.memory_space<hbm>>
        %dma_start3A_142 = arith.constant 0 : i32
        %dma_start3A_143 = tpu.memref_slice %arg4[%mul3A_101, %dma_start3A_142] : memref<655360x128xf32, #tpu.memory_space<hbm>> -> memref<128x128xf32, #tpu.memory_space<hbm>>
        %dma_start3A_144 = arith.constant 0 : i32
        %dma_start3A_145 = arith.constant 0 : i32
        %dma_start3A_146 = tpu.memref_slice %arg6[%run_scoped3A_102, %dma_start3A_144, %dma_start3A_145] : memref<4x128x128xf32, #tpu.memory_space<vmem>> -> memref<1x128x128xf32, #tpu.memory_space<vmem>>
        %dma_start3A_147 = tpu.memref_squeeze %dma_start3A_146 : memref<1x128x128xf32, #tpu.memory_space<vmem>> -> memref<128x128xf32, #tpu.memory_space<vmem>>
        tpu.enqueue_dma source(%dma_start3A_147 : memref<128x128xf32, #tpu.memory_space<vmem>>) target(%dma_start3A_143 : memref<128x128xf32, #tpu.memory_space<hbm>>) target_semaphore(%run_scoped3A_135 : memref<!tpu.dma_semaphore, #tpu.memory_space<semaphore_mem>>)
        %dma_wait3A_148 = arith.constant 0 : i32
        %dma_wait3A_149 = arith.constant 0 : i32
        %dma_wait3A_150 = tpu.memref_slice %arg6[%run_scoped3A_102, %dma_wait3A_148, %dma_wait3A_149] : memref<4x128x128xf32, #tpu.memory_space<vmem>> -> memref<1x128x128xf32, #tpu.memory_space<vmem>>
        %dma_wait3A_151 = tpu.memref_squeeze %dma_wait3A_150 : memref<1x128x128xf32, #tpu.memory_space<vmem>> -> memref<128x128xf32, #tpu.memory_space<vmem>>
        %dma_wait3A_152 = arith.constant 0 : i32
        %dma_wait3A_153 = tpu.memref_slice %arg4[%mul3A_101, %dma_wait3A_152] : memref<655360x128xf32, #tpu.memory_space<hbm>> -> memref<128x128xf32, #tpu.memory_space<hbm>>
        %dma_wait3A_154 = arith.constant 0 : i32
        %dma_wait3A_155 = tpu.memref_slice %arg4[%mul3A_101, %dma_wait3A_154] : memref<655360x128xf32, #tpu.memory_space<hbm>> -> memref<128x128xf32, #tpu.memory_space<hbm>>
        %dma_wait3A_156 = arith.constant 0 : i32
        %dma_wait3A_157 = arith.constant 0 : i32
        %dma_wait3A_158 = tpu.memref_slice %arg6[%run_scoped3A_102, %dma_wait3A_156, %dma_wait3A_157] : memref<4x128x128xf32, #tpu.memory_space<vmem>> -> memref<1x128x128xf32, #tpu.memory_space<vmem>>
        %dma_wait3A_159 = tpu.memref_squeeze %dma_wait3A_158 : memref<1x128x128xf32, #tpu.memory_space<vmem>> -> memref<128x128xf32, #tpu.memory_space<vmem>>
        tpu.wait_dma2 semaphore(%run_scoped3A_135 : memref<!tpu.dma_semaphore, #tpu.memory_space<semaphore_mem>>) src(%dma_wait3A_159 : memref<128x128xf32, #tpu.memory_space<vmem>>) dst(%dma_wait3A_155 : memref<128x128xf32, #tpu.memory_space<hbm>>)
        tpu.yield
      }) : () -> ()
      %dma_wait3A_103 = arith.constant 2 : i32
      %dma_wait3A_104 = arith.constant 0 : i32
      %dma_wait3A_105 = arith.constant 0 : i32
      %dma_wait3A_106 = tpu.memref_slice %arg6[%dma_wait3A_103, %dma_wait3A_104, %dma_wait3A_105] : memref<4x128x128xf32, #tpu.memory_space<vmem>> -> memref<1x128x128xf32, #tpu.memory_space<vmem>>
      %dma_wait3A_107 = tpu.memref_squeeze %dma_wait3A_106 : memref<1x128x128xf32, #tpu.memory_space<vmem>> -> memref<128x128xf32, #tpu.memory_space<vmem>>
      %dma_wait3A_108 = arith.constant 0 : i32
      %dma_wait3A_109 = tpu.memref_slice %arg5[%add3A_46, %dma_wait3A_108] : memref<160x128xi32, #tpu.memory_space<vmem>> -> memref<1x128xi32, #tpu.memory_space<vmem>>
      %dma_wait3A_110 = tpu.memref_squeeze %dma_wait3A_109 : memref<1x128xi32, #tpu.memory_space<vmem>> -> memref<128xi32, #tpu.memory_space<vmem>>
      %dma_wait3A_111 = arith.constant 0 : i32
      %dma_wait3A_112 = arith.constant 0 : i32
      %dma_wait3A_113 = tpu.memref_slice %arg2[%dma_wait3A_111, %dma_wait3A_112] : memref<10000x128xf32, #tpu.memory_space<hbm>> -> memref<10000x128xf32, #tpu.memory_space<hbm>>
      tpu.wait_indirect_dma semaphore(%arg7 : memref<!tpu.dma_semaphore, #tpu.memory_space<semaphore_mem>>) src(%dma_wait3A_113 : memref<10000x128xf32, #tpu.memory_space<hbm>>) dst(%dma_wait3A_107 : memref<128x128xf32, #tpu.memory_space<vmem>>)
      %add3A_114 = arith.constant 2 : i32
      %add3A_115 = arith.addi %add3A_13, %add3A_114 : i32
      %mul3A_116 = arith.constant 128 : i32
      %mul3A_117 = arith.muli %add3A_115, %mul3A_116 : i32
      %run_scoped3A_118 = arith.constant 2 : i32
      "tpu.region"() ({
        %run_scoped3A_135 = tpu.sem_alloc : memref<!tpu.dma_semaphore, #tpu.memory_space<semaphore_mem>>
        %dma_start3A_136 = arith.constant 0 : i32
        %dma_start3A_137 = arith.constant 0 : i32
        %dma_start3A_138 = tpu.memref_slice %arg6[%run_scoped3A_118, %dma_start3A_136, %dma_start3A_137] : memref<4x128x128xf32, #tpu.memory_space<vmem>> -> memref<1x128x128xf32, #tpu.memory_space<vmem>>
        %dma_start3A_139 = tpu.memref_squeeze %dma_start3A_138 : memref<1x128x128xf32, #tpu.memory_space<vmem>> -> memref<128x128xf32, #tpu.memory_space<vmem>>
        %dma_start3A_140 = arith.constant 0 : i32
        %dma_start3A_141 = tpu.memref_slice %arg4[%mul3A_117, %dma_start3A_140] : memref<655360x128xf32, #tpu.memory_space<hbm>> -> memref<128x128xf32, #tpu.memory_space<hbm>>
        %dma_start3A_142 = arith.constant 0 : i32
        %dma_start3A_143 = tpu.memref_slice %arg4[%mul3A_117, %dma_start3A_142] : memref<655360x128xf32, #tpu.memory_space<hbm>> -> memref<128x128xf32, #tpu.memory_space<hbm>>
        %dma_start3A_144 = arith.constant 0 : i32
        %dma_start3A_145 = arith.constant 0 : i32
        %dma_start3A_146 = tpu.memref_slice %arg6[%run_scoped3A_118, %dma_start3A_144, %dma_start3A_145] : memref<4x128x128xf32, #tpu.memory_space<vmem>> -> memref<1x128x128xf32, #tpu.memory_space<vmem>>
        %dma_start3A_147 = tpu.memref_squeeze %dma_start3A_146 : memref<1x128x128xf32, #tpu.memory_space<vmem>> -> memref<128x128xf32, #tpu.memory_space<vmem>>
        tpu.enqueue_dma source(%dma_start3A_147 : memref<128x128xf32, #tpu.memory_space<vmem>>) target(%dma_start3A_143 : memref<128x128xf32, #tpu.memory_space<hbm>>) target_semaphore(%run_scoped3A_135 : memref<!tpu.dma_semaphore, #tpu.memory_space<semaphore_mem>>)
        %dma_wait3A_148 = arith.constant 0 : i32
        %dma_wait3A_149 = arith.constant 0 : i32
        %dma_wait3A_150 = tpu.memref_slice %arg6[%run_scoped3A_118, %dma_wait3A_148, %dma_wait3A_149] : memref<4x128x128xf32, #tpu.memory_space<vmem>> -> memref<1x128x128xf32, #tpu.memory_space<vmem>>
        %dma_wait3A_151 = tpu.memref_squeeze %dma_wait3A_150 : memref<1x128x128xf32, #tpu.memory_space<vmem>> -> memref<128x128xf32, #tpu.memory_space<vmem>>
        %dma_wait3A_152 = arith.constant 0 : i32
        %dma_wait3A_153 = tpu.memref_slice %arg4[%mul3A_117, %dma_wait3A_152] : memref<655360x128xf32, #tpu.memory_space<hbm>> -> memref<128x128xf32, #tpu.memory_space<hbm>>
        %dma_wait3A_154 = arith.constant 0 : i32
        %dma_wait3A_155 = tpu.memref_slice %arg4[%mul3A_117, %dma_wait3A_154] : memref<655360x128xf32, #tpu.memory_space<hbm>> -> memref<128x128xf32, #tpu.memory_space<hbm>>
        %dma_wait3A_156 = arith.constant 0 : i32
        %dma_wait3A_157 = arith.constant 0 : i32
        %dma_wait3A_158 = tpu.memref_slice %arg6[%run_scoped3A_118, %dma_wait3A_156, %dma_wait3A_157] : memref<4x128x128xf32, #tpu.memory_space<vmem>> -> memref<1x128x128xf32, #tpu.memory_space<vmem>>
        %dma_wait3A_159 = tpu.memref_squeeze %dma_wait3A_158 : memref<1x128x128xf32, #tpu.memory_space<vmem>> -> memref<128x128xf32, #tpu.memory_space<vmem>>
        tpu.wait_dma2 semaphore(%run_scoped3A_135 : memref<!tpu.dma_semaphore, #tpu.memory_space<semaphore_mem>>) src(%dma_wait3A_159 : memref<128x128xf32, #tpu.memory_space<vmem>>) dst(%dma_wait3A_155 : memref<128x128xf32, #tpu.memory_space<hbm>>)
        tpu.yield
      }) : () -> ()
      %dma_wait3A_119 = arith.constant 3 : i32
      %dma_wait3A_120 = arith.constant 0 : i32
      %dma_wait3A_121 = arith.constant 0 : i32
      %dma_wait3A_122 = tpu.memref_slice %arg6[%dma_wait3A_119, %dma_wait3A_120, %dma_wait3A_121] : memref<4x128x128xf32, #tpu.memory_space<vmem>> -> memref<1x128x128xf32, #tpu.memory_space<vmem>>
      %dma_wait3A_123 = tpu.memref_squeeze %dma_wait3A_122 : memref<1x128x128xf32, #tpu.memory_space<vmem>> -> memref<128x128xf32, #tpu.memory_space<vmem>>
      %dma_wait3A_124 = arith.constant 0 : i32
      %dma_wait3A_125 = tpu.memref_slice %arg5[%add3A_61, %dma_wait3A_124] : memref<160x128xi32, #tpu.memory_space<vmem>> -> memref<1x128xi32, #tpu.memory_space<vmem>>
      %dma_wait3A_126 = tpu.memref_squeeze %dma_wait3A_125 : memref<1x128xi32, #tpu.memory_space<vmem>> -> memref<128xi32, #tpu.memory_space<vmem>>
      %dma_wait3A_127 = arith.constant 0 : i32
      %dma_wait3A_128 = arith.constant 0 : i32
      %dma_wait3A_129 = tpu.memref_slice %arg2[%dma_wait3A_127, %dma_wait3A_128] : memref<10000x128xf32, #tpu.memory_space<hbm>> -> memref<10000x128xf32, #tpu.memory_space<hbm>>
      tpu.wait_indirect_dma semaphore(%arg7 : memref<!tpu.dma_semaphore, #tpu.memory_space<semaphore_mem>>) src(%dma_wait3A_129 : memref<10000x128xf32, #tpu.memory_space<hbm>>) dst(%dma_wait3A_123 : memref<128x128xf32, #tpu.memory_space<vmem>>)
      %add3A_130 = arith.constant 3 : i32
      %add3A_131 = arith.addi %add3A_13, %add3A_130 : i32
      %mul3A_132 = arith.constant 128 : i32
      %mul3A_133 = arith.muli %add3A_131, %mul3A_132 : i32
      %run_scoped3A_134 = arith.constant 3 : i32
      "tpu.region"() ({
        %run_scoped3A_135 = tpu.sem_alloc : memref<!tpu.dma_semaphore, #tpu.memory_space<semaphore_mem>>
        %dma_start3A_136 = arith.constant 0 : i32
        %dma_start3A_137 = arith.constant 0 : i32
        %dma_start3A_138 = tpu.memref_slice %arg6[%run_scoped3A_134, %dma_start3A_136, %dma_start3A_137] : memref<4x128x128xf32, #tpu.memory_space<vmem>> -> memref<1x128x128xf32, #tpu.memory_space<vmem>>
        %dma_start3A_139 = tpu.memref_squeeze %dma_start3A_138 : memref<1x128x128xf32, #tpu.memory_space<vmem>> -> memref<128x128xf32, #tpu.memory_space<vmem>>
        %dma_start3A_140 = arith.constant 0 : i32
        %dma_start3A_141 = tpu.memref_slice %arg4[%mul3A_133, %dma_start3A_140] : memref<655360x128xf32, #tpu.memory_space<hbm>> -> memref<128x128xf32, #tpu.memory_space<hbm>>
        %dma_start3A_142 = arith.constant 0 : i32
        %dma_start3A_143 = tpu.memref_slice %arg4[%mul3A_133, %dma_start3A_142] : memref<655360x128xf32, #tpu.memory_space<hbm>> -> memref<128x128xf32, #tpu.memory_space<hbm>>
        %dma_start3A_144 = arith.constant 0 : i32
        %dma_start3A_145 = arith.constant 0 : i32
        %dma_start3A_146 = tpu.memref_slice %arg6[%run_scoped3A_134, %dma_start3A_144, %dma_start3A_145] : memref<4x128x128xf32, #tpu.memory_space<vmem>> -> memref<1x128x128xf32, #tpu.memory_space<vmem>>
        %dma_start3A_147 = tpu.memref_squeeze %dma_start3A_146 : memref<1x128x128xf32, #tpu.memory_space<vmem>> -> memref<128x128xf32, #tpu.memory_space<vmem>>
        tpu.enqueue_dma source(%dma_start3A_147 : memref<128x128xf32, #tpu.memory_space<vmem>>) target(%dma_start3A_143 : memref<128x128xf32, #tpu.memory_space<hbm>>) target_semaphore(%run_scoped3A_135 : memref<!tpu.dma_semaphore, #tpu.memory_space<semaphore_mem>>)
        %dma_wait3A_148 = arith.constant 0 : i32
        %dma_wait3A_149 = arith.constant 0 : i32
        %dma_wait3A_150 = tpu.memref_slice %arg6[%run_scoped3A_134, %dma_wait3A_148, %dma_wait3A_149] : memref<4x128x128xf32, #tpu.memory_space<vmem>> -> memref<1x128x128xf32, #tpu.memory_space<vmem>>
        %dma_wait3A_151 = tpu.memref_squeeze %dma_wait3A_150 : memref<1x128x128xf32, #tpu.memory_space<vmem>> -> memref<128x128xf32, #tpu.memory_space<vmem>>
        %dma_wait3A_152 = arith.constant 0 : i32
        %dma_wait3A_153 = tpu.memref_slice %arg4[%mul3A_133, %dma_wait3A_152] : memref<655360x128xf32, #tpu.memory_space<hbm>> -> memref<128x128xf32, #tpu.memory_space<hbm>>
        %dma_wait3A_154 = arith.constant 0 : i32
        %dma_wait3A_155 = tpu.memref_slice %arg4[%mul3A_133, %dma_wait3A_154] : memref<655360x128xf32, #tpu.memory_space<hbm>> -> memref<128x128xf32, #tpu.memory_space<hbm>>
        %dma_wait3A_156 = arith.constant 0 : i32
        %dma_wait3A_157 = arith.constant 0 : i32
        %dma_wait3A_158 = tpu.memref_slice %arg6[%run_scoped3A_134, %dma_wait3A_156, %dma_wait3A_157] : memref<4x128x128xf32, #tpu.memory_space<vmem>> -> memref<1x128x128xf32, #tpu.memory_space<vmem>>
        %dma_wait3A_159 = tpu.memref_squeeze %dma_wait3A_158 : memref<1x128x128xf32, #tpu.memory_space<vmem>> -> memref<128x128xf32, #tpu.memory_space<vmem>>
        tpu.wait_dma2 semaphore(%run_scoped3A_135 : memref<!tpu.dma_semaphore, #tpu.memory_space<semaphore_mem>>) src(%dma_wait3A_159 : memref<128x128xf32, #tpu.memory_space<vmem>>) dst(%dma_wait3A_155 : memref<128x128xf32, #tpu.memory_space<hbm>>)
        tpu.yield
      }) : () -> ()
    }
    %scan3A_7 = arith.constant 40 : i32
    return
  }
}

#map = affine_map<(d0, d1) -> (0, 0)>
#map1 = affine_map<(d0, d1) -> (0, 0, 0)>
module attributes {stable_mosaic.version = 14 : i64} {
  func.func @_scatter_sc_body(%arg0: i32, %arg1: i32, %arg2: memref<327680x128xf32, #tpu.memory_space<hbm>>, %arg3: memref<2560x128xi32, #tpu.memory_space<hbm>>, %arg4: memref<10112x128xf32, #tpu.memory_space<hbm>>, %arg5: memref<2x10112x128xf32, #tpu.memory_space<hbm>>, %arg6: memref<80x128xi32, #tpu.memory_space<vmem>>, %arg7: memref<128x128xf32, #tpu.memory_space<vmem>>, %arg8: memref<10112x128xf32, #tpu.memory_space<vmem_shared>>) attributes {dimension_semantics = [#tpu.dimension_semantics<core_parallel>, #tpu.dimension_semantics<subcore_parallel>], iteration_bounds = array<i64: 2, 16>, scalar_prefetch = 0 : i64, scratch_operands = 3 : i64, tpu.core_type = #tpu.core_type<sc_vector_subcore>, window_params = [{transform_indices = #map}, {transform_indices = #map}, {transform_indices = #map}, {transform_indices = #map1}]} {
    %mul3A = arith.constant 2 : i32
    %mul3A_0 = arith.muli %arg1, %mul3A : i32
    %add3A = arith.addi %mul3A_0, %arg0 : i32
    %mul3A_1 = arith.constant 632 : i32
    %mul3A_2 = arith.muli %arg1, %mul3A_1 : i32
    %mul3A_3 = arith.constant 632 : i32
    %mul3A_4 = arith.muli %arg1, %mul3A_3 : i32
    "tpu.region"() ({
      %run_scoped3A = tpu.sem_alloc : memref<!tpu.dma_semaphore, #tpu.memory_space<semaphore_mem>>
      %dma_start3A = arith.constant 0 : i32
      %dma_start3A_17 = tpu.memref_slice %arg8[%mul3A_4, %dma_start3A] : memref<10112x128xf32, #tpu.memory_space<vmem_shared>> -> memref<632x128xf32, #tpu.memory_space<vmem_shared>>
      %dma_start3A_18 = arith.constant 0 : i32
      %dma_start3A_19 = tpu.memref_slice %arg4[%mul3A_2, %dma_start3A_18] : memref<10112x128xf32, #tpu.memory_space<hbm>> -> memref<632x128xf32, #tpu.memory_space<hbm>>
      tpu.enqueue_dma source(%dma_start3A_19 : memref<632x128xf32, #tpu.memory_space<hbm>>) target(%dma_start3A_17 : memref<632x128xf32, #tpu.memory_space<vmem_shared>>) target_semaphore(%run_scoped3A : memref<!tpu.dma_semaphore, #tpu.memory_space<semaphore_mem>>)
      %dma_wait3A = arith.constant 0 : i32
      %dma_wait3A_20 = tpu.memref_slice %arg8[%mul3A_4, %dma_wait3A] : memref<10112x128xf32, #tpu.memory_space<vmem_shared>> -> memref<632x128xf32, #tpu.memory_space<vmem_shared>>
      %dma_wait3A_21 = arith.constant 0 : i32
      %dma_wait3A_22 = tpu.memref_slice %arg4[%mul3A_2, %dma_wait3A_21] : memref<10112x128xf32, #tpu.memory_space<hbm>> -> memref<632x128xf32, #tpu.memory_space<hbm>>
      tpu.wait_dma2 semaphore(%run_scoped3A : memref<!tpu.dma_semaphore, #tpu.memory_space<semaphore_mem>>) src(%dma_wait3A_22 : memref<632x128xf32, #tpu.memory_space<hbm>>) dst(%dma_wait3A_20 : memref<632x128xf32, #tpu.memory_space<vmem_shared>>)
      tpu.yield
    }) : () -> ()
    %mul3A_5 = arith.constant 80 : i32
    %mul3A_6 = arith.muli %add3A, %mul3A_5 : i32
    "tpu.region"() ({
      %run_scoped3A = tpu.sem_alloc : memref<!tpu.dma_semaphore, #tpu.memory_space<semaphore_mem>>
      %dma_start3A = arith.constant 0 : i32
      %dma_start3A_17 = tpu.memref_slice %arg3[%mul3A_6, %dma_start3A] : memref<2560x128xi32, #tpu.memory_space<hbm>> -> memref<80x128xi32, #tpu.memory_space<hbm>>
      %dma_start3A_18 = arith.constant 0 : i32
      %dma_start3A_19 = tpu.memref_slice %arg3[%mul3A_6, %dma_start3A_18] : memref<2560x128xi32, #tpu.memory_space<hbm>> -> memref<80x128xi32, #tpu.memory_space<hbm>>
      tpu.enqueue_dma source(%dma_start3A_19 : memref<80x128xi32, #tpu.memory_space<hbm>>) target(%arg6 : memref<80x128xi32, #tpu.memory_space<vmem>>) target_semaphore(%run_scoped3A : memref<!tpu.dma_semaphore, #tpu.memory_space<semaphore_mem>>)
      %dma_wait3A = arith.constant 0 : i32
      %dma_wait3A_20 = tpu.memref_slice %arg3[%mul3A_6, %dma_wait3A] : memref<2560x128xi32, #tpu.memory_space<hbm>> -> memref<80x128xi32, #tpu.memory_space<hbm>>
      %dma_wait3A_21 = arith.constant 0 : i32
      %dma_wait3A_22 = tpu.memref_slice %arg3[%mul3A_6, %dma_wait3A_21] : memref<2560x128xi32, #tpu.memory_space<hbm>> -> memref<80x128xi32, #tpu.memory_space<hbm>>
      tpu.wait_dma2 semaphore(%run_scoped3A : memref<!tpu.dma_semaphore, #tpu.memory_space<semaphore_mem>>) src(%dma_wait3A_22 : memref<80x128xi32, #tpu.memory_space<hbm>>) dst(%arg6 : memref<80x128xi32, #tpu.memory_space<vmem>>)
      tpu.yield
    }) : () -> ()
    %barrier3A = arith.constant 0 : index
    tpu.barrier barrier_id(%barrier3A)
    %scan3A = arith.constant 0 : i32
    %scan3A_7 = arith.constant 0 : i32
    %scan3A_8 = arith.constant 80 : i32
    %scan3A_9 = arith.addi %scan3A_7, %scan3A_8 : i32
    %scan3A_10 = arith.constant 1 : i32
    scf.for %scan3A_17 = %scan3A_7 to %scan3A_9 step %scan3A_10  : i32 {
      %mul3A_18 = arith.constant 80 : i32
      %mul3A_19 = arith.muli %add3A, %mul3A_18 : i32
      %add3A_20 = arith.addi %mul3A_19, %scan3A_17 : i32
      %mul3A_21 = arith.constant 128 : i32
      %mul3A_22 = arith.muli %add3A_20, %mul3A_21 : i32
      "tpu.region"() ({
        %run_scoped3A = tpu.sem_alloc : memref<!tpu.dma_semaphore, #tpu.memory_space<semaphore_mem>>
        %dma_start3A = arith.constant 0 : i32
        %dma_start3A_23 = tpu.memref_slice %arg2[%mul3A_22, %dma_start3A] : memref<327680x128xf32, #tpu.memory_space<hbm>> -> memref<128x128xf32, #tpu.memory_space<hbm>>
        %dma_start3A_24 = arith.constant 0 : i32
        %dma_start3A_25 = tpu.memref_slice %arg2[%mul3A_22, %dma_start3A_24] : memref<327680x128xf32, #tpu.memory_space<hbm>> -> memref<128x128xf32, #tpu.memory_space<hbm>>
        tpu.enqueue_dma source(%dma_start3A_25 : memref<128x128xf32, #tpu.memory_space<hbm>>) target(%arg7 : memref<128x128xf32, #tpu.memory_space<vmem>>) target_semaphore(%run_scoped3A : memref<!tpu.dma_semaphore, #tpu.memory_space<semaphore_mem>>)
        %dma_wait3A = arith.constant 0 : i32
        %dma_wait3A_26 = tpu.memref_slice %arg2[%mul3A_22, %dma_wait3A] : memref<327680x128xf32, #tpu.memory_space<hbm>> -> memref<128x128xf32, #tpu.memory_space<hbm>>
        %dma_wait3A_27 = arith.constant 0 : i32
        %dma_wait3A_28 = tpu.memref_slice %arg2[%mul3A_22, %dma_wait3A_27] : memref<327680x128xf32, #tpu.memory_space<hbm>> -> memref<128x128xf32, #tpu.memory_space<hbm>>
        tpu.wait_dma2 semaphore(%run_scoped3A : memref<!tpu.dma_semaphore, #tpu.memory_space<semaphore_mem>>) src(%dma_wait3A_28 : memref<128x128xf32, #tpu.memory_space<hbm>>) dst(%arg7 : memref<128x128xf32, #tpu.memory_space<vmem>>)
        tpu.yield
      }) : () -> ()
      "tpu.region"() ({
        %run_scoped3A = tpu.sem_alloc : memref<!tpu.dma_semaphore, #tpu.memory_space<semaphore_mem>>
        %dma_start3A = arith.constant 0 : i32
        %dma_start3A_23 = tpu.memref_slice %arg6[%scan3A_17, %dma_start3A] : memref<80x128xi32, #tpu.memory_space<vmem>> -> memref<1x128xi32, #tpu.memory_space<vmem>>
        %dma_start3A_24 = tpu.memref_squeeze %dma_start3A_23 : memref<1x128xi32, #tpu.memory_space<vmem>> -> memref<128xi32, #tpu.memory_space<vmem>>
        %dma_start3A_25 = arith.constant 0 : i32
        %dma_start3A_26 = arith.constant 0 : i32
        %dma_start3A_27 = tpu.memref_slice %arg8[%dma_start3A_25, %dma_start3A_26] : memref<10112x128xf32, #tpu.memory_space<vmem_shared>> -> memref<10112x128xf32, #tpu.memory_space<vmem_shared>>
        tpu.enqueue_indirect_dma source(%arg7 : memref<128x128xf32, #tpu.memory_space<vmem>>) target(%dma_start3A_27 : memref<10112x128xf32, #tpu.memory_space<vmem_shared>>) offsets(%dma_start3A_24 : memref<128xi32, #tpu.memory_space<vmem>>) semaphore(%run_scoped3A : memref<!tpu.dma_semaphore, #tpu.memory_space<semaphore_mem>>) {add = true}
        %dma_wait3A = arith.constant 0 : i32
        %dma_wait3A_28 = tpu.memref_slice %arg6[%scan3A_17, %dma_wait3A] : memref<80x128xi32, #tpu.memory_space<vmem>> -> memref<1x128xi32, #tpu.memory_space<vmem>>
        %dma_wait3A_29 = tpu.memref_squeeze %dma_wait3A_28 : memref<1x128xi32, #tpu.memory_space<vmem>> -> memref<128xi32, #tpu.memory_space<vmem>>
        %dma_wait3A_30 = arith.constant 0 : i32
        %dma_wait3A_31 = arith.constant 0 : i32
        %dma_wait3A_32 = tpu.memref_slice %arg8[%dma_wait3A_30, %dma_wait3A_31] : memref<10112x128xf32, #tpu.memory_space<vmem_shared>> -> memref<10112x128xf32, #tpu.memory_space<vmem_shared>>
        tpu.wait_indirect_dma semaphore(%run_scoped3A : memref<!tpu.dma_semaphore, #tpu.memory_space<semaphore_mem>>) src(%arg7 : memref<128x128xf32, #tpu.memory_space<vmem>>) dst(%dma_wait3A_32 : memref<10112x128xf32, #tpu.memory_space<vmem_shared>>)
        tpu.yield
      }) : () -> ()
    }
    %scan3A_11 = arith.constant 80 : i32
    %barrier3A_12 = arith.constant 0 : index
    tpu.barrier barrier_id(%barrier3A_12)
    %mul3A_13 = arith.constant 632 : i32
    %mul3A_14 = arith.muli %arg1, %mul3A_13 : i32
    %mul3A_15 = arith.constant 632 : i32
    %mul3A_16 = arith.muli %arg1, %mul3A_15 : i32
    "tpu.region"() ({
      %run_scoped3A = tpu.sem_alloc : memref<!tpu.dma_semaphore, #tpu.memory_space<semaphore_mem>>
      %dma_start3A = arith.constant 0 : i32
      %dma_start3A_17 = tpu.memref_slice %arg5[%arg0, %mul3A_16, %dma_start3A] : memref<2x10112x128xf32, #tpu.memory_space<hbm>> -> memref<1x632x128xf32, #tpu.memory_space<hbm>>
      %dma_start3A_18 = tpu.memref_squeeze %dma_start3A_17 : memref<1x632x128xf32, #tpu.memory_space<hbm>> -> memref<632x128xf32, #tpu.memory_space<hbm>>
      %dma_start3A_19 = arith.constant 0 : i32
      %dma_start3A_20 = tpu.memref_slice %arg8[%mul3A_14, %dma_start3A_19] : memref<10112x128xf32, #tpu.memory_space<vmem_shared>> -> memref<632x128xf32, #tpu.memory_space<vmem_shared>>
      tpu.enqueue_dma source(%dma_start3A_20 : memref<632x128xf32, #tpu.memory_space<vmem_shared>>) target(%dma_start3A_18 : memref<632x128xf32, #tpu.memory_space<hbm>>) target_semaphore(%run_scoped3A : memref<!tpu.dma_semaphore, #tpu.memory_space<semaphore_mem>>)
      %dma_wait3A = arith.constant 0 : i32
      %dma_wait3A_21 = tpu.memref_slice %arg5[%arg0, %mul3A_16, %dma_wait3A] : memref<2x10112x128xf32, #tpu.memory_space<hbm>> -> memref<1x632x128xf32, #tpu.memory_space<hbm>>
      %dma_wait3A_22 = tpu.memref_squeeze %dma_wait3A_21 : memref<1x632x128xf32, #tpu.memory_space<hbm>> -> memref<632x128xf32, #tpu.memory_space<hbm>>
      %dma_wait3A_23 = arith.constant 0 : i32
      %dma_wait3A_24 = tpu.memref_slice %arg8[%mul3A_14, %dma_wait3A_23] : memref<10112x128xf32, #tpu.memory_space<vmem_shared>> -> memref<632x128xf32, #tpu.memory_space<vmem_shared>>
      tpu.wait_dma2 semaphore(%run_scoped3A : memref<!tpu.dma_semaphore, #tpu.memory_space<semaphore_mem>>) src(%dma_wait3A_24 : memref<632x128xf32, #tpu.memory_space<vmem_shared>>) dst(%dma_wait3A_22 : memref<632x128xf32, #tpu.memory_space<hbm>>)
      tpu.yield
    }) : () -> ()
    return
  }
}

module attributes {stable_mosaic.version = 14 : i64} {
  func.func @_enc_body(%arg0: memref<10000x128xf32, #tpu.memory_space<vmem>>, %arg1: memref<128x128xf32, #tpu.memory_space<vmem>>, %arg2: memref<1x128xf32, #tpu.memory_space<vmem>>, %arg3: memref<10000x128xf32, #tpu.memory_space<vmem>>) attributes {dimension_semantics = [], scalar_prefetch = 0 : i64, scratch_operands = 0 : i64, tpu.core_type = #tpu.core_type<tc>} {
    %get3A = arith.constant 0 : index
    %get3A_0 = arith.constant 0 : index
    %get3A_1 = vector.load %arg0[%get3A, %get3A_0] : memref<10000x128xf32, #tpu.memory_space<vmem>>, vector<10000x128xf32>
    %get3A_2 = arith.constant 0 : index
    %get3A_3 = arith.constant 0 : index
    %get3A_4 = vector.load %arg1[%get3A_2, %get3A_3] : memref<128x128xf32, #tpu.memory_space<vmem>>, vector<128x128xf32>
    %dot_general3A = arith.constant dense<0.000000e+00> : vector<10000x128xf32>
    %dot_general3A_5 = tpu.matmul %get3A_1, %get3A_4, %dot_general3A {dimension_numbers = #tpu.dot_dimension_numbers<[1], [0], [0], [1], [0, 0, 1, 1], [], []>, transpose_lhs_hint = false} : vector<10000x128xf32>, vector<128x128xf32>, vector<10000x128xf32> -> vector<10000x128xf32>
    %get3A_6 = arith.constant 0 : index
    %get3A_7 = arith.constant 0 : index
    %get3A_8 = vector.load %arg2[%get3A_6, %get3A_7] : memref<1x128xf32, #tpu.memory_space<vmem>>, vector<1x128xf32>
    %add3A = vector.broadcast %get3A_8 : vector<1x128xf32> to vector<10000x128xf32>
    %add3A_9 = arith.addf %dot_general3A_5, %add3A : vector<10000x128xf32>
    %swap3A = arith.constant 0 : index
    %swap3A_10 = arith.constant 0 : index
    %swap3A_11 = vector.load %arg3[%swap3A, %swap3A_10] : memref<10000x128xf32, #tpu.memory_space<vmem>>, vector<10000x128xf32>
    tpu.vector_store %arg3[%swap3A, %swap3A_10], %add3A_9 {strides = array<i32>} : memref<10000x128xf32, #tpu.memory_space<vmem>>, vector<10000x128xf32>,
    return
  }
}

module attributes {stable_mosaic.version = 14 : i64} {
  func.func @_edge_body(%arg0: i32, %arg1: memref<2560x128xf32, #tpu.memory_space<vmem>>, %arg2: memref<2560x128xf32, #tpu.memory_space<vmem>>, %arg3: memref<2560x1xf32, #tpu.memory_space<vmem>>, %arg4: memref<1x128xf32, #tpu.memory_space<vmem>>, %arg5: memref<1x128xf32, #tpu.memory_space<vmem>>, %arg6: memref<384x128xf32, #tpu.memory_space<vmem>>, %arg7: memref<1x128xf32, #tpu.memory_space<vmem>>, %arg8: memref<128x128xf32, #tpu.memory_space<vmem>>, %arg9: memref<1x128xf32, #tpu.memory_space<vmem>>, %arg10: memref<384x128xf32, #tpu.memory_space<vmem>>, %arg11: memref<1x128xf32, #tpu.memory_space<vmem>>, %arg12: memref<128x128xf32, #tpu.memory_space<vmem>>, %arg13: memref<1x128xf32, #tpu.memory_space<vmem>>, %arg14: memref<2560x128xf32, #tpu.memory_space<vmem>>) attributes {dimension_semantics = [#tpu.dimension_semantics<arbitrary>], iteration_bounds = array<i64: 128>, scalar_prefetch = 0 : i64, scratch_operands = 0 : i64, tpu.core_type = #tpu.core_type<tc>, window_params = [{transform_indices = @transform_0, window_bounds = array<i64: 2560, 128>}, {transform_indices = @transform_1, window_bounds = array<i64: 2560, 128>}, {transform_indices = @transform_2, window_bounds = array<i64: 2560, 1>}, {pipeline_mode = #tpu.pipeline_mode<synchronous>, transform_indices = @transform_3, window_bounds = array<i64: 1, 128>}, {pipeline_mode = #tpu.pipeline_mode<synchronous>, transform_indices = @transform_4, window_bounds = array<i64: 1, 128>}, {pipeline_mode = #tpu.pipeline_mode<synchronous>, transform_indices = @transform_5, window_bounds = array<i64: 384, 128>}, {pipeline_mode = #tpu.pipeline_mode<synchronous>, transform_indices = @transform_6, window_bounds = array<i64: 1, 128>}, {pipeline_mode = #tpu.pipeline_mode<synchronous>, transform_indices = @transform_7, window_bounds = array<i64: 128, 128>}, {pipeline_mode = #tpu.pipeline_mode<synchronous>, transform_indices = @transform_8, window_bounds = array<i64: 1, 128>}, {pipeline_mode = #tpu.pipeline_mode<synchronous>, transform_indices = @transform_9, window_bounds = array<i64: 384, 128>}, {pipeline_mode = #tpu.pipeline_mode<synchronous>, transform_indices = @transform_10, window_bounds = array<i64: 1, 128>}, {pipeline_mode = #tpu.pipeline_mode<synchronous>, transform_indices = @transform_11, window_bounds = array<i64: 128, 128>}, {pipeline_mode = #tpu.pipeline_mode<synchronous>, transform_indices = @transform_12, window_bounds = array<i64: 1, 128>}, {transform_indices = @transform_13, window_bounds = array<i64: 2560, 128>}]} {
    %get3A = arith.constant 0 : index
    %get3A_0 = arith.constant 0 : index
    %get3A_1 = vector.load %arg1[%get3A, %get3A_0] : memref<2560x128xf32, #tpu.memory_space<vmem>>, vector<2560x128xf32>
    %get3A_2 = arith.constant 0 : index
    %get3A_3 = arith.constant 0 : index
    %get3A_4 = vector.load %arg2[%get3A_2, %get3A_3] : memref<2560x128xf32, #tpu.memory_space<vmem>>, vector<2560x128xf32>
    %get3A_5 = arith.constant 0 : index
    %get3A_6 = arith.constant 0 : index
    %get3A_7 = vector.load %arg3[%get3A_5, %get3A_6] : memref<2560x1xf32, #tpu.memory_space<vmem>>, vector<2560x1xf32>
    %get3A_8 = arith.constant 0 : index
    %get3A_9 = arith.constant 0 : index
    %get3A_10 = vector.load %arg4[%get3A_8, %get3A_9] : memref<1x128xf32, #tpu.memory_space<vmem>>, vector<1x128xf32>
    %get3A_11 = arith.constant 0 : index
    %get3A_12 = arith.constant 0 : index
    %get3A_13 = vector.load %arg5[%get3A_11, %get3A_12] : memref<1x128xf32, #tpu.memory_space<vmem>>, vector<1x128xf32>
    %mul3A = vector.broadcast %get3A_7 : vector<2560x1xf32> to vector<2560x128xf32>
    %mul3A_14 = vector.broadcast %get3A_10 : vector<1x128xf32> to vector<2560x128xf32>
    %mul3A_15 = arith.mulf %mul3A, %mul3A_14 : vector<2560x128xf32>
    %add3A = vector.broadcast %get3A_13 : vector<1x128xf32> to vector<2560x128xf32>
    %add3A_16 = arith.addf %mul3A_15, %add3A : vector<2560x128xf32>
    %concatenate3A = tpu.concatenate %get3A_1, %get3A_4, %add3A_16 in 1 : vector<2560x128xf32>, vector<2560x128xf32>, vector<2560x128xf32> -> vector<2560x384xf32>
    %get3A_17 = arith.constant 0 : index
    %get3A_18 = arith.constant 0 : index
    %get3A_19 = vector.load %arg6[%get3A_17, %get3A_18] : memref<384x128xf32, #tpu.memory_space<vmem>>, vector<384x128xf32>
    %dot_general3A = arith.constant dense<0.000000e+00> : vector<2560x128xf32>
    %dot_general3A_20 = tpu.matmul %concatenate3A, %get3A_19, %dot_general3A {dimension_numbers = #tpu.dot_dimension_numbers<[1], [0], [0], [1], [0, 0, 1, 1], [], []>, transpose_lhs_hint = false} : vector<2560x384xf32>, vector<384x128xf32>, vector<2560x128xf32> -> vector<2560x128xf32>
    %get3A_21 = arith.constant 0 : index
    %get3A_22 = arith.constant 0 : index
    %get3A_23 = vector.load %arg7[%get3A_21, %get3A_22] : memref<1x128xf32, #tpu.memory_space<vmem>>, vector<1x128xf32>
    %add3A_24 = vector.broadcast %get3A_23 : vector<1x128xf32> to vector<2560x128xf32>
    %add3A_25 = arith.addf %dot_general3A_20, %add3A_24 : vector<2560x128xf32>
    %max3A = arith.constant 0.000000e+00 : f32
    %max3A_26 = vector.broadcast %max3A : f32 to vector<2560x128xf32>
    %max3A_27 = arith.maximumf %add3A_25, %max3A_26 : vector<2560x128xf32>
    %get3A_28 = arith.constant 0 : index
    %get3A_29 = arith.constant 0 : index
    %get3A_30 = vector.load %arg8[%get3A_28, %get3A_29] : memref<128x128xf32, #tpu.memory_space<vmem>>, vector<128x128xf32>
    %dot_general3A_31 = arith.constant dense<0.000000e+00> : vector<2560x128xf32>
    %dot_general3A_32 = tpu.matmul %max3A_27, %get3A_30, %dot_general3A_31 {dimension_numbers = #tpu.dot_dimension_numbers<[1], [0], [0], [1], [0, 0, 1, 1], [], []>, transpose_lhs_hint = false} : vector<2560x128xf32>, vector<128x128xf32>, vector<2560x128xf32> -> vector<2560x128xf32>
    %get3A_33 = arith.constant 0 : index
    %get3A_34 = arith.constant 0 : index
    %get3A_35 = vector.load %arg9[%get3A_33, %get3A_34] : memref<1x128xf32, #tpu.memory_space<vmem>>, vector<1x128xf32>
    %add3A_36 = vector.broadcast %get3A_35 : vector<1x128xf32> to vector<2560x128xf32>
    %add3A_37 = arith.addf %dot_general3A_32, %add3A_36 : vector<2560x128xf32>
    %get3A_38 = arith.constant 0 : index
    %get3A_39 = arith.constant 0 : index
    %get3A_40 = vector.load %arg10[%get3A_38, %get3A_39] : memref<384x128xf32, #tpu.memory_space<vmem>>, vector<384x128xf32>
    %dot_general3A_41 = arith.constant dense<0.000000e+00> : vector<2560x128xf32>
    %dot_general3A_42 = tpu.matmul %concatenate3A, %get3A_40, %dot_general3A_41 {dimension_numbers = #tpu.dot_dimension_numbers<[1], [0], [0], [1], [0, 0, 1, 1], [], []>, transpose_lhs_hint = false} : vector<2560x384xf32>, vector<384x128xf32>, vector<2560x128xf32> -> vector<2560x128xf32>
    %get3A_43 = arith.constant 0 : index
    %get3A_44 = arith.constant 0 : index
    %get3A_45 = vector.load %arg11[%get3A_43, %get3A_44] : memref<1x128xf32, #tpu.memory_space<vmem>>, vector<1x128xf32>
    %add3A_46 = vector.broadcast %get3A_45 : vector<1x128xf32> to vector<2560x128xf32>
    %add3A_47 = arith.addf %dot_general3A_42, %add3A_46 : vector<2560x128xf32>
    %max3A_48 = arith.constant 0.000000e+00 : f32
    %max3A_49 = vector.broadcast %max3A_48 : f32 to vector<2560x128xf32>
    %max3A_50 = arith.maximumf %add3A_47, %max3A_49 : vector<2560x128xf32>
    %get3A_51 = arith.constant 0 : index
    %get3A_52 = arith.constant 0 : index
    %get3A_53 = vector.load %arg12[%get3A_51, %get3A_52] : memref<128x128xf32, #tpu.memory_space<vmem>>, vector<128x128xf32>
    %dot_general3A_54 = arith.constant dense<0.000000e+00> : vector<2560x128xf32>
    %dot_general3A_55 = tpu.matmul %max3A_50, %get3A_53, %dot_general3A_54 {dimension_numbers = #tpu.dot_dimension_numbers<[1], [0], [0], [1], [0, 0, 1, 1], [], []>, transpose_lhs_hint = false} : vector<2560x128xf32>, vector<128x128xf32>, vector<2560x128xf32> -> vector<2560x128xf32>
    %get3A_56 = arith.constant 0 : index
    %get3A_57 = arith.constant 0 : index
    %get3A_58 = vector.load %arg13[%get3A_56, %get3A_57] : memref<1x128xf32, #tpu.memory_space<vmem>>, vector<1x128xf32>
    %add3A_59 = vector.broadcast %get3A_58 : vector<1x128xf32> to vector<2560x128xf32>
    %add3A_60 = arith.addf %dot_general3A_55, %add3A_59 : vector<2560x128xf32>
    %mul3A_61 = arith.mulf %add3A_37, %add3A_60 : vector<2560x128xf32>
    %swap3A = arith.constant 0 : index
    %swap3A_62 = arith.constant 0 : index
    %swap3A_63 = vector.load %arg14[%swap3A, %swap3A_62] : memref<2560x128xf32, #tpu.memory_space<vmem>>, vector<2560x128xf32>
    tpu.vector_store %arg14[%swap3A, %swap3A_62], %mul3A_61 {strides = array<i32>} : memref<2560x128xf32, #tpu.memory_space<vmem>>, vector<2560x128xf32>,
    return
  }
  func.func @transform_0(%arg0: i32) -> (i32, i32) {
    %c0_i32 = arith.constant 0 : i32
    %c0_i32_0 = arith.constant 0 : i32
    return %arg0, %c0_i32 : i32, i32
  }
  func.func @transform_1(%arg0: i32) -> (i32, i32) {
    %c0_i32 = arith.constant 0 : i32
    %c0_i32_0 = arith.constant 0 : i32
    return %arg0, %c0_i32 : i32, i32
  }
  func.func @transform_2(%arg0: i32) -> (i32, i32) {
    %c0_i32 = arith.constant 0 : i32
    %c0_i32_0 = arith.constant 0 : i32
    return %arg0, %c0_i32 : i32, i32
  }
  func.func @transform_3(%arg0: i32) -> (i32, i32) {
    %c0_i32 = arith.constant 0 : i32
    %c0_i32_0 = arith.constant 0 : i32
    %c0_i32_1 = arith.constant 0 : i32
    return %c0_i32, %c0_i32_0 : i32, i32
  }
  func.func @transform_4(%arg0: i32) -> (i32, i32) {
    %c0_i32 = arith.constant 0 : i32
    %c0_i32_0 = arith.constant 0 : i32
    %c0_i32_1 = arith.constant 0 : i32
    return %c0_i32, %c0_i32_0 : i32, i32
  }
  func.func @transform_5(%arg0: i32) -> (i32, i32) {
    %c0_i32 = arith.constant 0 : i32
    %c0_i32_0 = arith.constant 0 : i32
    %c0_i32_1 = arith.constant 0 : i32
    return %c0_i32, %c0_i32_0 : i32, i32
  }
  func.func @transform_6(%arg0: i32) -> (i32, i32) {
    %c0_i32 = arith.constant 0 : i32
    %c0_i32_0 = arith.constant 0 : i32
    %c0_i32_1 = arith.constant 0 : i32
    return %c0_i32, %c0_i32_0 : i32, i32
  }
  func.func @transform_7(%arg0: i32) -> (i32, i32) {
    %c0_i32 = arith.constant 0 : i32
    %c0_i32_0 = arith.constant 0 : i32
    %c0_i32_1 = arith.constant 0 : i32
    return %c0_i32, %c0_i32_0 : i32, i32
  }
  func.func @transform_8(%arg0: i32) -> (i32, i32) {
    %c0_i32 = arith.constant 0 : i32
    %c0_i32_0 = arith.constant 0 : i32
    %c0_i32_1 = arith.constant 0 : i32
    return %c0_i32, %c0_i32_0 : i32, i32
  }
  func.func @transform_9(%arg0: i32) -> (i32, i32) {
    %c0_i32 = arith.constant 0 : i32
    %c0_i32_0 = arith.constant 0 : i32
    %c0_i32_1 = arith.constant 0 : i32
    return %c0_i32, %c0_i32_0 : i32, i32
  }
  func.func @transform_10(%arg0: i32) -> (i32, i32) {
    %c0_i32 = arith.constant 0 : i32
    %c0_i32_0 = arith.constant 0 : i32
    %c0_i32_1 = arith.constant 0 : i32
    return %c0_i32, %c0_i32_0 : i32, i32
  }
  func.func @transform_11(%arg0: i32) -> (i32, i32) {
    %c0_i32 = arith.constant 0 : i32
    %c0_i32_0 = arith.constant 0 : i32
    %c0_i32_1 = arith.constant 0 : i32
    return %c0_i32, %c0_i32_0 : i32, i32
  }
  func.func @transform_12(%arg0: i32) -> (i32, i32) {
    %c0_i32 = arith.constant 0 : i32
    %c0_i32_0 = arith.constant 0 : i32
    %c0_i32_1 = arith.constant 0 : i32
    return %c0_i32, %c0_i32_0 : i32, i32
  }
  func.func @transform_13(%arg0: i32) -> (i32, i32) {
    %c0_i32 = arith.constant 0 : i32
    %c0_i32_0 = arith.constant 0 : i32
    return %arg0, %c0_i32 : i32, i32
  }
}

module attributes {stable_mosaic.version = 14 : i64} {
  func.func @_gru_body(%arg0: i32, %arg1: memref<2000x128xf32, #tpu.memory_space<vmem>>, %arg2: memref<2000x128xf32, #tpu.memory_space<vmem>>, %arg3: memref<2000x128xf32, #tpu.memory_space<vmem>>, %arg4: memref<256x128xf32, #tpu.memory_space<vmem>>, %arg5: memref<256x128xf32, #tpu.memory_space<vmem>>, %arg6: memref<256x128xf32, #tpu.memory_space<vmem>>, %arg7: memref<1x384xf32, #tpu.memory_space<vmem>>, %arg8: memref<128x128xf32, #tpu.memory_space<vmem>>, %arg9: memref<128x128xf32, #tpu.memory_space<vmem>>, %arg10: memref<128x128xf32, #tpu.memory_space<vmem>>, %arg11: memref<1x384xf32, #tpu.memory_space<vmem>>, %arg12: memref<2000x128xf32, #tpu.memory_space<vmem>>, %arg13: memref<2000x128xf32, #tpu.memory_space<vmem>>, %arg14: memref<2000x128xf32, #tpu.memory_space<vmem>>, %arg15: memref<2000x128xf32, #tpu.memory_space<vmem>>, %arg16: memref<1x128xf32, #tpu.memory_space<vmem>>) attributes {dimension_semantics = [#tpu.dimension_semantics<arbitrary>], iteration_bounds = array<i64: 5>, scalar_prefetch = 0 : i64, scratch_operands = 4 : i64, tpu.core_type = #tpu.core_type<tc>, window_params = [{transform_indices = @transform_0, window_bounds = array<i64: 2000, 128>}, {transform_indices = @transform_1, window_bounds = array<i64: 2000, 128>}, {transform_indices = @transform_2, window_bounds = array<i64: 2000, 128>}, {pipeline_mode = #tpu.pipeline_mode<synchronous>, transform_indices = @transform_3, window_bounds = array<i64: 256, 128>}, {pipeline_mode = #tpu.pipeline_mode<synchronous>, transform_indices = @transform_4, window_bounds = array<i64: 256, 128>}, {pipeline_mode = #tpu.pipeline_mode<synchronous>, transform_indices = @transform_5, window_bounds = array<i64: 256, 128>}, {pipeline_mode = #tpu.pipeline_mode<synchronous>, transform_indices = @transform_6, window_bounds = array<i64: 1, 384>}, {pipeline_mode = #tpu.pipeline_mode<synchronous>, transform_indices = @transform_7, window_bounds = array<i64: 128, 128>}, {pipeline_mode = #tpu.pipeline_mode<synchronous>, transform_indices = @transform_8, window_bounds = array<i64: 128, 128>}, {pipeline_mode = #tpu.pipeline_mode<synchronous>, transform_indices = @transform_9, window_bounds = array<i64: 128, 128>}, {pipeline_mode = #tpu.pipeline_mode<synchronous>, transform_indices = @transform_10, window_bounds = array<i64: 1, 384>}, {transform_indices = @transform_11, window_bounds = array<i64: 2000, 128>}]} {
    %eq3A = arith.constant 0 : i32
    %eq3A_0 = arith.cmpi eq, %arg0, %eq3A : i32
    %convert_element_type3A = arith.extui %eq3A_0 : i1 to i32
    %cond3A = arith.constant 0 : i32
    %cond3A_1 = arith.cmpi ne, %convert_element_type3A, %cond3A : i32
    scf.if %cond3A_1 {
      %broadcast_in_dim3A = arith.constant 0.000000e+00 : f32
      %broadcast_in_dim3A_69 = vector.broadcast %broadcast_in_dim3A : f32 to vector<1x128xf32>
      %swap3A_70 = arith.constant 0 : index
      %swap3A_71 = arith.constant 0 : index
      %swap3A_72 = vector.load %arg16[%swap3A_70, %swap3A_71] : memref<1x128xf32, #tpu.memory_space<vmem>>, vector<1x128xf32>
      tpu.vector_store %arg16[%swap3A_70, %swap3A_71], %broadcast_in_dim3A_69 {strides = array<i32>} : memref<1x128xf32, #tpu.memory_space<vmem>>, vector<1x128xf32>,
    } else {
    }
    %get3A = arith.constant 0 : index
    %get3A_2 = arith.constant 0 : index
    %get3A_3 = vector.load %arg1[%get3A, %get3A_2] : memref<2000x128xf32, #tpu.memory_space<vmem>>, vector<2000x128xf32>
    %get3A_4 = arith.constant 0 : index
    %get3A_5 = arith.constant 0 : index
    %get3A_6 = vector.load %arg2[%get3A_4, %get3A_5] : memref<2000x128xf32, #tpu.memory_space<vmem>>, vector<2000x128xf32>
    %get3A_7 = arith.constant 0 : index
    %get3A_8 = arith.constant 0 : index
    %get3A_9 = vector.load %arg3[%get3A_7, %get3A_8] : memref<2000x128xf32, #tpu.memory_space<vmem>>, vector<2000x128xf32>
    %add3A = arith.addf %get3A_6, %get3A_9 : vector<2000x128xf32>
    %concatenate3A = tpu.concatenate %get3A_3, %add3A in 1 : vector<2000x128xf32>, vector<2000x128xf32> -> vector<2000x256xf32>
    %get3A_10 = arith.constant 0 : index
    %get3A_11 = arith.constant 0 : index
    %get3A_12 = vector.load %arg7[%get3A_10, %get3A_11] : memref<1x384xf32, #tpu.memory_space<vmem>>, vector<1x384xf32>
    %get3A_13 = arith.constant 0 : index
    %get3A_14 = arith.constant 0 : index
    %get3A_15 = vector.load %arg4[%get3A_13, %get3A_14] : memref<256x128xf32, #tpu.memory_space<vmem>>, vector<256x128xf32>
    %dot_general3A = arith.constant dense<0.000000e+00> : vector<2000x128xf32>
    %dot_general3A_16 = tpu.matmul %concatenate3A, %get3A_15, %dot_general3A {dimension_numbers = #tpu.dot_dimension_numbers<[1], [0], [0], [1], [0, 0, 1, 1], [], []>, transpose_lhs_hint = false} : vector<2000x256xf32>, vector<256x128xf32>, vector<2000x128xf32> -> vector<2000x128xf32>
    %slice3A = vector.extract_strided_slice %get3A_12 {offsets = [0, 0], sizes = [1, 128], strides = [1, 1]} : vector<1x384xf32> to vector<1x128xf32>
    %add3A_17 = vector.broadcast %slice3A : vector<1x128xf32> to vector<2000x128xf32>
    %add3A_18 = arith.addf %dot_general3A_16, %add3A_17 : vector<2000x128xf32>
    %swap3A = arith.constant 0 : index
    %swap3A_19 = arith.constant 0 : index
    %swap3A_20 = vector.load %arg13[%swap3A, %swap3A_19] : memref<2000x128xf32, #tpu.memory_space<vmem>>, vector<2000x128xf32>
    tpu.vector_store %arg13[%swap3A, %swap3A_19], %add3A_18 {strides = array<i32>} : memref<2000x128xf32, #tpu.memory_space<vmem>>, vector<2000x128xf32>,
    %get3A_21 = arith.constant 0 : index
    %get3A_22 = arith.constant 0 : index
    %get3A_23 = vector.load %arg5[%get3A_21, %get3A_22] : memref<256x128xf32, #tpu.memory_space<vmem>>, vector<256x128xf32>
    %dot_general3A_24 = arith.constant dense<0.000000e+00> : vector<2000x128xf32>
    %dot_general3A_25 = tpu.matmul %concatenate3A, %get3A_23, %dot_general3A_24 {dimension_numbers = #tpu.dot_dimension_numbers<[1], [0], [0], [1], [0, 0, 1, 1], [], []>, transpose_lhs_hint = false} : vector<2000x256xf32>, vector<256x128xf32>, vector<2000x128xf32> -> vector<2000x128xf32>
    %slice3A_26 = vector.extract_strided_slice %get3A_12 {offsets = [0, 128], sizes = [1, 128], strides = [1, 1]} : vector<1x384xf32> to vector<1x128xf32>
    %add3A_27 = vector.broadcast %slice3A_26 : vector<1x128xf32> to vector<2000x128xf32>
    %add3A_28 = arith.addf %dot_general3A_25, %add3A_27 : vector<2000x128xf32>
    %swap3A_29 = arith.constant 0 : index
    %swap3A_30 = arith.constant 0 : index
    %swap3A_31 = vector.load %arg14[%swap3A_29, %swap3A_30] : memref<2000x128xf32, #tpu.memory_space<vmem>>, vector<2000x128xf32>
    tpu.vector_store %arg14[%swap3A_29, %swap3A_30], %add3A_28 {strides = array<i32>} : memref<2000x128xf32, #tpu.memory_space<vmem>>, vector<2000x128xf32>,
    %get3A_32 = arith.constant 0 : index
    %get3A_33 = arith.constant 0 : index
    %get3A_34 = vector.load %arg6[%get3A_32, %get3A_33] : memref<256x128xf32, #tpu.memory_space<vmem>>, vector<256x128xf32>
    %dot_general3A_35 = arith.constant dense<0.000000e+00> : vector<2000x128xf32>
    %dot_general3A_36 = tpu.matmul %concatenate3A, %get3A_34, %dot_general3A_35 {dimension_numbers = #tpu.dot_dimension_numbers<[1], [0], [0], [1], [0, 0, 1, 1], [], []>, transpose_lhs_hint = false} : vector<2000x256xf32>, vector<256x128xf32>, vector<2000x128xf32> -> vector<2000x128xf32>
    %slice3A_37 = vector.extract_strided_slice %get3A_12 {offsets = [0, 256], sizes = [1, 128], strides = [1, 1]} : vector<1x384xf32> to vector<1x128xf32>
    %add3A_38 = vector.broadcast %slice3A_37 : vector<1x128xf32> to vector<2000x128xf32>
    %add3A_39 = arith.addf %dot_general3A_36, %add3A_38 : vector<2000x128xf32>
    %swap3A_40 = arith.constant 0 : index
    %swap3A_41 = arith.constant 0 : index
    %swap3A_42 = vector.load %arg15[%swap3A_40, %swap3A_41] : memref<2000x128xf32, #tpu.memory_space<vmem>>, vector<2000x128xf32>
    tpu.vector_store %arg15[%swap3A_40, %swap3A_41], %add3A_39 {strides = array<i32>} : memref<2000x128xf32, #tpu.memory_space<vmem>>, vector<2000x128xf32>,
    %get3A_43 = arith.constant 0 : index
    %get3A_44 = arith.constant 0 : index
    %get3A_45 = vector.load %arg8[%get3A_43, %get3A_44] : memref<128x128xf32, #tpu.memory_space<vmem>>, vector<128x128xf32>
    %get3A_46 = arith.constant 0 : index
    %get3A_47 = arith.constant 0 : index
    %get3A_48 = vector.load %arg9[%get3A_46, %get3A_47] : memref<128x128xf32, #tpu.memory_space<vmem>>, vector<128x128xf32>
    %get3A_49 = arith.constant 0 : index
    %get3A_50 = arith.constant 0 : index
    %get3A_51 = vector.load %arg10[%get3A_49, %get3A_50] : memref<128x128xf32, #tpu.memory_space<vmem>>, vector<128x128xf32>
    %get3A_52 = arith.constant 0 : index
    %get3A_53 = arith.constant 0 : index
    %get3A_54 = vector.load %arg11[%get3A_52, %get3A_53] : memref<1x384xf32, #tpu.memory_space<vmem>>, vector<1x384xf32>
    %slice3A_55 = vector.extract_strided_slice %get3A_54 {offsets = [0, 0], sizes = [1, 128], strides = [1, 1]} : vector<1x384xf32> to vector<1x128xf32>
    %slice3A_56 = vector.extract_strided_slice %get3A_54 {offsets = [0, 128], sizes = [1, 128], strides = [1, 1]} : vector<1x384xf32> to vector<1x128xf32>
    %slice3A_57 = vector.extract_strided_slice %get3A_54 {offsets = [0, 256], sizes = [1, 128], strides = [1, 1]} : vector<1x384xf32> to vector<1x128xf32>
    %get3A_58 = arith.constant 0 : index
    %get3A_59 = arith.constant 0 : index
    %get3A_60 = vector.load %arg16[%get3A_58, %get3A_59] : memref<1x128xf32, #tpu.memory_space<vmem>>, vector<1x128xf32>
    %scan3A = arith.constant 0 : i32
    %scan3A_61 = arith.constant 2000 : i32
    %scan3A_62 = arith.addi %scan3A, %scan3A_61 : i32
    %scan3A_63 = arith.constant 8 : i32
    %scan3A_64 = scf.for %scan3A_69 = %scan3A to %scan3A_62 step %scan3A_63 iter_args(%scan3A_70 = %get3A_60) -> (vector<1x128xf32>)  : i32 {
      %dot_general3A_71 = arith.constant dense<0.000000e+00> : vector<1x128xf32>
      %dot_general3A_72 = tpu.matmul %scan3A_70, %get3A_45, %dot_general3A_71 {dimension_numbers = #tpu.dot_dimension_numbers<[1], [0], [0], [1], [0, 0, 1, 1], [], []>, transpose_lhs_hint = false} : vector<1x128xf32>, vector<128x128xf32>, vector<1x128xf32> -> vector<1x128xf32>
      %add3A_73 = arith.addf %dot_general3A_72, %slice3A_55 : vector<1x128xf32>
      %dot_general3A_74 = arith.constant dense<0.000000e+00> : vector<1x128xf32>
      %dot_general3A_75 = tpu.matmul %scan3A_70, %get3A_48, %dot_general3A_74 {dimension_numbers = #tpu.dot_dimension_numbers<[1], [0], [0], [1], [0, 0, 1, 1], [], []>, transpose_lhs_hint = false} : vector<1x128xf32>, vector<128x128xf32>, vector<1x128xf32> -> vector<1x128xf32>
      %add3A_76 = arith.addf %dot_general3A_75, %slice3A_56 : vector<1x128xf32>
      %dot_general3A_77 = arith.constant dense<0.000000e+00> : vector<1x128xf32>
      %dot_general3A_78 = tpu.matmul %scan3A_70, %get3A_51, %dot_general3A_77 {dimension_numbers = #tpu.dot_dimension_numbers<[1], [0], [0], [1], [0, 0, 1, 1], [], []>, transpose_lhs_hint = false} : vector<1x128xf32>, vector<128x128xf32>, vector<1x128xf32> -> vector<1x128xf32>
      %add3A_79 = arith.addf %dot_general3A_78, %slice3A_57 : vector<1x128xf32>
      %get3A_80 = arith.index_cast %scan3A_69 : i32 to index
      %get3A_81 = arith.constant 0 : index
      %get3A_82 = vector.load %arg13[%get3A_80, %get3A_81] : memref<2000x128xf32, #tpu.memory_space<vmem>>, vector<1x128xf32>
      %add3A_83 = arith.addf %get3A_82, %add3A_73 : vector<1x128xf32>
      %logistic3A = arith.negf %add3A_83 : vector<1x128xf32>
      %logistic3A_84 = math.exp %logistic3A : vector<1x128xf32>
      %logistic3A_85 = arith.constant 1.000000e+00 : f32
      %logistic3A_86 = vector.broadcast %logistic3A_85 : f32 to vector<1x128xf32>
      %logistic3A_87 = arith.addf %logistic3A_86, %logistic3A_84 : vector<1x128xf32>
      %logistic3A_88 = arith.divf %logistic3A_86, %logistic3A_87 : vector<1x128xf32>
      %get3A_89 = arith.index_cast %scan3A_69 : i32 to index
      %get3A_90 = arith.constant 0 : index
      %get3A_91 = vector.load %arg14[%get3A_89, %get3A_90] : memref<2000x128xf32, #tpu.memory_space<vmem>>, vector<1x128xf32>
      %add3A_92 = arith.addf %get3A_91, %add3A_76 : vector<1x128xf32>
      %logistic3A_93 = arith.negf %add3A_92 : vector<1x128xf32>
      %logistic3A_94 = math.exp %logistic3A_93 : vector<1x128xf32>
      %logistic3A_95 = arith.constant 1.000000e+00 : f32
      %logistic3A_96 = vector.broadcast %logistic3A_95 : f32 to vector<1x128xf32>
      %logistic3A_97 = arith.addf %logistic3A_96, %logistic3A_94 : vector<1x128xf32>
      %logistic3A_98 = arith.divf %logistic3A_96, %logistic3A_97 : vector<1x128xf32>
      %get3A_99 = arith.index_cast %scan3A_69 : i32 to index
      %get3A_100 = arith.constant 0 : index
      %get3A_101 = vector.load %arg15[%get3A_99, %get3A_100] : memref<2000x128xf32, #tpu.memory_space<vmem>>, vector<1x128xf32>
      %mul3A = arith.mulf %logistic3A_88, %add3A_79 : vector<1x128xf32>
      %add3A_102 = arith.addf %get3A_101, %mul3A : vector<1x128xf32>
      %tanh3A = math.tanh %add3A_102 : vector<1x128xf32>
      %sub3A = arith.constant 1.000000e+00 : f32
      %sub3A_103 = vector.broadcast %sub3A : f32 to vector<1x128xf32>
      %sub3A_104 = arith.subf %sub3A_103, %logistic3A_98 : vector<1x128xf32>
      %mul3A_105 = arith.mulf %sub3A_104, %tanh3A : vector<1x128xf32>
      %mul3A_106 = arith.mulf %logistic3A_98, %scan3A_70 : vector<1x128xf32>
      %add3A_107 = arith.addf %mul3A_105, %mul3A_106 : vector<1x128xf32>
      %swap3A_108 = arith.index_cast %scan3A_69 : i32 to index
      %swap3A_109 = arith.constant 0 : index
      %swap3A_110 = vector.load %arg12[%swap3A_108, %swap3A_109] : memref<2000x128xf32, #tpu.memory_space<vmem>>, vector<1x128xf32>
      tpu.vector_store %arg12[%swap3A_108, %swap3A_109], %add3A_107 {strides = array<i32>} : memref<2000x128xf32, #tpu.memory_space<vmem>>, vector<1x128xf32>,
      %scan3A_111 = arith.constant 1 : i32
      %scan3A_112 = arith.addi %scan3A_69, %scan3A_111 : i32
      %dot_general3A_113 = arith.constant dense<0.000000e+00> : vector<1x128xf32>
      %dot_general3A_114 = tpu.matmul %add3A_107, %get3A_45, %dot_general3A_113 {dimension_numbers = #tpu.dot_dimension_numbers<[1], [0], [0], [1], [0, 0, 1, 1], [], []>, transpose_lhs_hint = false} : vector<1x128xf32>, vector<128x128xf32>, vector<1x128xf32> -> vector<1x128xf32>
      %add3A_115 = arith.addf %dot_general3A_114, %slice3A_55 : vector<1x128xf32>
      %dot_general3A_116 = arith.constant dense<0.000000e+00> : vector<1x128xf32>
      %dot_general3A_117 = tpu.matmul %add3A_107, %get3A_48, %dot_general3A_116 {dimension_numbers = #tpu.dot_dimension_numbers<[1], [0], [0], [1], [0, 0, 1, 1], [], []>, transpose_lhs_hint = false} : vector<1x128xf32>, vector<128x128xf32>, vector<1x128xf32> -> vector<1x128xf32>
      %add3A_118 = arith.addf %dot_general3A_117, %slice3A_56 : vector<1x128xf32>
      %dot_general3A_119 = arith.constant dense<0.000000e+00> : vector<1x128xf32>
      %dot_general3A_120 = tpu.matmul %add3A_107, %get3A_51, %dot_general3A_119 {dimension_numbers = #tpu.dot_dimension_numbers<[1], [0], [0], [1], [0, 0, 1, 1], [], []>, transpose_lhs_hint = false} : vector<1x128xf32>, vector<128x128xf32>, vector<1x128xf32> -> vector<1x128xf32>
      %add3A_121 = arith.addf %dot_general3A_120, %slice3A_57 : vector<1x128xf32>
      %get3A_122 = arith.index_cast %scan3A_112 : i32 to index
      %get3A_123 = arith.constant 0 : index
      %get3A_124 = vector.load %arg13[%get3A_122, %get3A_123] : memref<2000x128xf32, #tpu.memory_space<vmem>>, vector<1x128xf32>
      %add3A_125 = arith.addf %get3A_124, %add3A_115 : vector<1x128xf32>
      %logistic3A_126 = arith.negf %add3A_125 : vector<1x128xf32>
      %logistic3A_127 = math.exp %logistic3A_126 : vector<1x128xf32>
      %logistic3A_128 = arith.constant 1.000000e+00 : f32
      %logistic3A_129 = vector.broadcast %logistic3A_128 : f32 to vector<1x128xf32>
      %logistic3A_130 = arith.addf %logistic3A_129, %logistic3A_127 : vector<1x128xf32>
      %logistic3A_131 = arith.divf %logistic3A_129, %logistic3A_130 : vector<1x128xf32>
      %get3A_132 = arith.index_cast %scan3A_112 : i32 to index
      %get3A_133 = arith.constant 0 : index
      %get3A_134 = vector.load %arg14[%get3A_132, %get3A_133] : memref<2000x128xf32, #tpu.memory_space<vmem>>, vector<1x128xf32>
      %add3A_135 = arith.addf %get3A_134, %add3A_118 : vector<1x128xf32>
      %logistic3A_136 = arith.negf %add3A_135 : vector<1x128xf32>
      %logistic3A_137 = math.exp %logistic3A_136 : vector<1x128xf32>
      %logistic3A_138 = arith.constant 1.000000e+00 : f32
      %logistic3A_139 = vector.broadcast %logistic3A_138 : f32 to vector<1x128xf32>
      %logistic3A_140 = arith.addf %logistic3A_139, %logistic3A_137 : vector<1x128xf32>
      %logistic3A_141 = arith.divf %logistic3A_139, %logistic3A_140 : vector<1x128xf32>
      %get3A_142 = arith.index_cast %scan3A_112 : i32 to index
      %get3A_143 = arith.constant 0 : index
      %get3A_144 = vector.load %arg15[%get3A_142, %get3A_143] : memref<2000x128xf32, #tpu.memory_space<vmem>>, vector<1x128xf32>
      %mul3A_145 = arith.mulf %logistic3A_131, %add3A_121 : vector<1x128xf32>
      %add3A_146 = arith.addf %get3A_144, %mul3A_145 : vector<1x128xf32>
      %tanh3A_147 = math.tanh %add3A_146 : vector<1x128xf32>
      %sub3A_148 = arith.constant 1.000000e+00 : f32
      %sub3A_149 = vector.broadcast %sub3A_148 : f32 to vector<1x128xf32>
      %sub3A_150 = arith.subf %sub3A_149, %logistic3A_141 : vector<1x128xf32>
      %mul3A_151 = arith.mulf %sub3A_150, %tanh3A_147 : vector<1x128xf32>
      %mul3A_152 = arith.mulf %logistic3A_141, %add3A_107 : vector<1x128xf32>
      %add3A_153 = arith.addf %mul3A_151, %mul3A_152 : vector<1x128xf32>
      %swap3A_154 = arith.index_cast %scan3A_112 : i32 to index
      %swap3A_155 = arith.constant 0 : index
      %swap3A_156 = vector.load %arg12[%swap3A_154, %swap3A_155] : memref<2000x128xf32, #tpu.memory_space<vmem>>, vector<1x128xf32>
      tpu.vector_store %arg12[%swap3A_154, %swap3A_155], %add3A_153 {strides = array<i32>} : memref<2000x128xf32, #tpu.memory_space<vmem>>, vector<1x128xf32>,
      %scan3A_157 = arith.constant 2 : i32
      %scan3A_158 = arith.addi %scan3A_69, %scan3A_157 : i32
      %dot_general3A_159 = arith.constant dense<0.000000e+00> : vector<1x128xf32>
      %dot_general3A_160 = tpu.matmul %add3A_153, %get3A_45, %dot_general3A_159 {dimension_numbers = #tpu.dot_dimension_numbers<[1], [0], [0], [1], [0, 0, 1, 1], [], []>, transpose_lhs_hint = false} : vector<1x128xf32>, vector<128x128xf32>, vector<1x128xf32> -> vector<1x128xf32>
      %add3A_161 = arith.addf %dot_general3A_160, %slice3A_55 : vector<1x128xf32>
      %dot_general3A_162 = arith.constant dense<0.000000e+00> : vector<1x128xf32>
      %dot_general3A_163 = tpu.matmul %add3A_153, %get3A_48, %dot_general3A_162 {dimension_numbers = #tpu.dot_dimension_numbers<[1], [0], [0], [1], [0, 0, 1, 1], [], []>, transpose_lhs_hint = false} : vector<1x128xf32>, vector<128x128xf32>, vector<1x128xf32> -> vector<1x128xf32>
      %add3A_164 = arith.addf %dot_general3A_163, %slice3A_56 : vector<1x128xf32>
      %dot_general3A_165 = arith.constant dense<0.000000e+00> : vector<1x128xf32>
      %dot_general3A_166 = tpu.matmul %add3A_153, %get3A_51, %dot_general3A_165 {dimension_numbers = #tpu.dot_dimension_numbers<[1], [0], [0], [1], [0, 0, 1, 1], [], []>, transpose_lhs_hint = false} : vector<1x128xf32>, vector<128x128xf32>, vector<1x128xf32> -> vector<1x128xf32>
      %add3A_167 = arith.addf %dot_general3A_166, %slice3A_57 : vector<1x128xf32>
      %get3A_168 = arith.index_cast %scan3A_158 : i32 to index
      %get3A_169 = arith.constant 0 : index
      %get3A_170 = vector.load %arg13[%get3A_168, %get3A_169] : memref<2000x128xf32, #tpu.memory_space<vmem>>, vector<1x128xf32>
      %add3A_171 = arith.addf %get3A_170, %add3A_161 : vector<1x128xf32>
      %logistic3A_172 = arith.negf %add3A_171 : vector<1x128xf32>
      %logistic3A_173 = math.exp %logistic3A_172 : vector<1x128xf32>
      %logistic3A_174 = arith.constant 1.000000e+00 : f32
      %logistic3A_175 = vector.broadcast %logistic3A_174 : f32 to vector<1x128xf32>
      %logistic3A_176 = arith.addf %logistic3A_175, %logistic3A_173 : vector<1x128xf32>
      %logistic3A_177 = arith.divf %logistic3A_175, %logistic3A_176 : vector<1x128xf32>
      %get3A_178 = arith.index_cast %scan3A_158 : i32 to index
      %get3A_179 = arith.constant 0 : index
      %get3A_180 = vector.load %arg14[%get3A_178, %get3A_179] : memref<2000x128xf32, #tpu.memory_space<vmem>>, vector<1x128xf32>
      %add3A_181 = arith.addf %get3A_180, %add3A_164 : vector<1x128xf32>
      %logistic3A_182 = arith.negf %add3A_181 : vector<1x128xf32>
      %logistic3A_183 = math.exp %logistic3A_182 : vector<1x128xf32>
      %logistic3A_184 = arith.constant 1.000000e+00 : f32
      %logistic3A_185 = vector.broadcast %logistic3A_184 : f32 to vector<1x128xf32>
      %logistic3A_186 = arith.addf %logistic3A_185, %logistic3A_183 : vector<1x128xf32>
      %logistic3A_187 = arith.divf %logistic3A_185, %logistic3A_186 : vector<1x128xf32>
      %get3A_188 = arith.index_cast %scan3A_158 : i32 to index
      %get3A_189 = arith.constant 0 : index
      %get3A_190 = vector.load %arg15[%get3A_188, %get3A_189] : memref<2000x128xf32, #tpu.memory_space<vmem>>, vector<1x128xf32>
      %mul3A_191 = arith.mulf %logistic3A_177, %add3A_167 : vector<1x128xf32>
      %add3A_192 = arith.addf %get3A_190, %mul3A_191 : vector<1x128xf32>
      %tanh3A_193 = math.tanh %add3A_192 : vector<1x128xf32>
      %sub3A_194 = arith.constant 1.000000e+00 : f32
      %sub3A_195 = vector.broadcast %sub3A_194 : f32 to vector<1x128xf32>
      %sub3A_196 = arith.subf %sub3A_195, %logistic3A_187 : vector<1x128xf32>
      %mul3A_197 = arith.mulf %sub3A_196, %tanh3A_193 : vector<1x128xf32>
      %mul3A_198 = arith.mulf %logistic3A_187, %add3A_153 : vector<1x128xf32>
      %add3A_199 = arith.addf %mul3A_197, %mul3A_198 : vector<1x128xf32>
      %swap3A_200 = arith.index_cast %scan3A_158 : i32 to index
      %swap3A_201 = arith.constant 0 : index
      %swap3A_202 = vector.load %arg12[%swap3A_200, %swap3A_201] : memref<2000x128xf32, #tpu.memory_space<vmem>>, vector<1x128xf32>
      tpu.vector_store %arg12[%swap3A_200, %swap3A_201], %add3A_199 {strides = array<i32>} : memref<2000x128xf32, #tpu.memory_space<vmem>>, vector<1x128xf32>,
      %scan3A_203 = arith.constant 3 : i32
      %scan3A_204 = arith.addi %scan3A_69, %scan3A_203 : i32
      %dot_general3A_205 = arith.constant dense<0.000000e+00> : vector<1x128xf32>
      %dot_general3A_206 = tpu.matmul %add3A_199, %get3A_45, %dot_general3A_205 {dimension_numbers = #tpu.dot_dimension_numbers<[1], [0], [0], [1], [0, 0, 1, 1], [], []>, transpose_lhs_hint = false} : vector<1x128xf32>, vector<128x128xf32>, vector<1x128xf32> -> vector<1x128xf32>
      %add3A_207 = arith.addf %dot_general3A_206, %slice3A_55 : vector<1x128xf32>
      %dot_general3A_208 = arith.constant dense<0.000000e+00> : vector<1x128xf32>
      %dot_general3A_209 = tpu.matmul %add3A_199, %get3A_48, %dot_general3A_208 {dimension_numbers = #tpu.dot_dimension_numbers<[1], [0], [0], [1], [0, 0, 1, 1], [], []>, transpose_lhs_hint = false} : vector<1x128xf32>, vector<128x128xf32>, vector<1x128xf32> -> vector<1x128xf32>
      %add3A_210 = arith.addf %dot_general3A_209, %slice3A_56 : vector<1x128xf32>
      %dot_general3A_211 = arith.constant dense<0.000000e+00> : vector<1x128xf32>
      %dot_general3A_212 = tpu.matmul %add3A_199, %get3A_51, %dot_general3A_211 {dimension_numbers = #tpu.dot_dimension_numbers<[1], [0], [0], [1], [0, 0, 1, 1], [], []>, transpose_lhs_hint = false} : vector<1x128xf32>, vector<128x128xf32>, vector<1x128xf32> -> vector<1x128xf32>
      %add3A_213 = arith.addf %dot_general3A_212, %slice3A_57 : vector<1x128xf32>
      %get3A_214 = arith.index_cast %scan3A_204 : i32 to index
      %get3A_215 = arith.constant 0 : index
      %get3A_216 = vector.load %arg13[%get3A_214, %get3A_215] : memref<2000x128xf32, #tpu.memory_space<vmem>>, vector<1x128xf32>
      %add3A_217 = arith.addf %get3A_216, %add3A_207 : vector<1x128xf32>
      %logistic3A_218 = arith.negf %add3A_217 : vector<1x128xf32>
      %logistic3A_219 = math.exp %logistic3A_218 : vector<1x128xf32>
      %logistic3A_220 = arith.constant 1.000000e+00 : f32
      %logistic3A_221 = vector.broadcast %logistic3A_220 : f32 to vector<1x128xf32>
      %logistic3A_222 = arith.addf %logistic3A_221, %logistic3A_219 : vector<1x128xf32>
      %logistic3A_223 = arith.divf %logistic3A_221, %logistic3A_222 : vector<1x128xf32>
      %get3A_224 = arith.index_cast %scan3A_204 : i32 to index
      %get3A_225 = arith.constant 0 : index
      %get3A_226 = vector.load %arg14[%get3A_224, %get3A_225] : memref<2000x128xf32, #tpu.memory_space<vmem>>, vector<1x128xf32>
      %add3A_227 = arith.addf %get3A_226, %add3A_210 : vector<1x128xf32>
      %logistic3A_228 = arith.negf %add3A_227 : vector<1x128xf32>
      %logistic3A_229 = math.exp %logistic3A_228 : vector<1x128xf32>
      %logistic3A_230 = arith.constant 1.000000e+00 : f32
      %logistic3A_231 = vector.broadcast %logistic3A_230 : f32 to vector<1x128xf32>
      %logistic3A_232 = arith.addf %logistic3A_231, %logistic3A_229 : vector<1x128xf32>
      %logistic3A_233 = arith.divf %logistic3A_231, %logistic3A_232 : vector<1x128xf32>
      %get3A_234 = arith.index_cast %scan3A_204 : i32 to index
      %get3A_235 = arith.constant 0 : index
      %get3A_236 = vector.load %arg15[%get3A_234, %get3A_235] : memref<2000x128xf32, #tpu.memory_space<vmem>>, vector<1x128xf32>
      %mul3A_237 = arith.mulf %logistic3A_223, %add3A_213 : vector<1x128xf32>
      %add3A_238 = arith.addf %get3A_236, %mul3A_237 : vector<1x128xf32>
      %tanh3A_239 = math.tanh %add3A_238 : vector<1x128xf32>
      %sub3A_240 = arith.constant 1.000000e+00 : f32
      %sub3A_241 = vector.broadcast %sub3A_240 : f32 to vector<1x128xf32>
      %sub3A_242 = arith.subf %sub3A_241, %logistic3A_233 : vector<1x128xf32>
      %mul3A_243 = arith.mulf %sub3A_242, %tanh3A_239 : vector<1x128xf32>
      %mul3A_244 = arith.mulf %logistic3A_233, %add3A_199 : vector<1x128xf32>
      %add3A_245 = arith.addf %mul3A_243, %mul3A_244 : vector<1x128xf32>
      %swap3A_246 = arith.index_cast %scan3A_204 : i32 to index
      %swap3A_247 = arith.constant 0 : index
      %swap3A_248 = vector.load %arg12[%swap3A_246, %swap3A_247] : memref<2000x128xf32, #tpu.memory_space<vmem>>, vector<1x128xf32>
      tpu.vector_store %arg12[%swap3A_246, %swap3A_247], %add3A_245 {strides = array<i32>} : memref<2000x128xf32, #tpu.memory_space<vmem>>, vector<1x128xf32>,
      %scan3A_249 = arith.constant 4 : i32
      %scan3A_250 = arith.addi %scan3A_69, %scan3A_249 : i32
      %dot_general3A_251 = arith.constant dense<0.000000e+00> : vector<1x128xf32>
      %dot_general3A_252 = tpu.matmul %add3A_245, %get3A_45, %dot_general3A_251 {dimension_numbers = #tpu.dot_dimension_numbers<[1], [0], [0], [1], [0, 0, 1, 1], [], []>, transpose_lhs_hint = false} : vector<1x128xf32>, vector<128x128xf32>, vector<1x128xf32> -> vector<1x128xf32>
      %add3A_253 = arith.addf %dot_general3A_252, %slice3A_55 : vector<1x128xf32>
      %dot_general3A_254 = arith.constant dense<0.000000e+00> : vector<1x128xf32>
      %dot_general3A_255 = tpu.matmul %add3A_245, %get3A_48, %dot_general3A_254 {dimension_numbers = #tpu.dot_dimension_numbers<[1], [0], [0], [1], [0, 0, 1, 1], [], []>, transpose_lhs_hint = false} : vector<1x128xf32>, vector<128x128xf32>, vector<1x128xf32> -> vector<1x128xf32>
      %add3A_256 = arith.addf %dot_general3A_255, %slice3A_56 : vector<1x128xf32>
      %dot_general3A_257 = arith.constant dense<0.000000e+00> : vector<1x128xf32>
      %dot_general3A_258 = tpu.matmul %add3A_245, %get3A_51, %dot_general3A_257 {dimension_numbers = #tpu.dot_dimension_numbers<[1], [0], [0], [1], [0, 0, 1, 1], [], []>, transpose_lhs_hint = false} : vector<1x128xf32>, vector<128x128xf32>, vector<1x128xf32> -> vector<1x128xf32>
      %add3A_259 = arith.addf %dot_general3A_258, %slice3A_57 : vector<1x128xf32>
      %get3A_260 = arith.index_cast %scan3A_250 : i32 to index
      %get3A_261 = arith.constant 0 : index
      %get3A_262 = vector.load %arg13[%get3A_260, %get3A_261] : memref<2000x128xf32, #tpu.memory_space<vmem>>, vector<1x128xf32>
      %add3A_263 = arith.addf %get3A_262, %add3A_253 : vector<1x128xf32>
      %logistic3A_264 = arith.negf %add3A_263 : vector<1x128xf32>
      %logistic3A_265 = math.exp %logistic3A_264 : vector<1x128xf32>
      %logistic3A_266 = arith.constant 1.000000e+00 : f32
      %logistic3A_267 = vector.broadcast %logistic3A_266 : f32 to vector<1x128xf32>
      %logistic3A_268 = arith.addf %logistic3A_267, %logistic3A_265 : vector<1x128xf32>
      %logistic3A_269 = arith.divf %logistic3A_267, %logistic3A_268 : vector<1x128xf32>
      %get3A_270 = arith.index_cast %scan3A_250 : i32 to index
      %get3A_271 = arith.constant 0 : index
      %get3A_272 = vector.load %arg14[%get3A_270, %get3A_271] : memref<2000x128xf32, #tpu.memory_space<vmem>>, vector<1x128xf32>
      %add3A_273 = arith.addf %get3A_272, %add3A_256 : vector<1x128xf32>
      %logistic3A_274 = arith.negf %add3A_273 : vector<1x128xf32>
      %logistic3A_275 = math.exp %logistic3A_274 : vector<1x128xf32>
      %logistic3A_276 = arith.constant 1.000000e+00 : f32
      %logistic3A_277 = vector.broadcast %logistic3A_276 : f32 to vector<1x128xf32>
      %logistic3A_278 = arith.addf %logistic3A_277, %logistic3A_275 : vector<1x128xf32>
      %logistic3A_279 = arith.divf %logistic3A_277, %logistic3A_278 : vector<1x128xf32>
      %get3A_280 = arith.index_cast %scan3A_250 : i32 to index
      %get3A_281 = arith.constant 0 : index
      %get3A_282 = vector.load %arg15[%get3A_280, %get3A_281] : memref<2000x128xf32, #tpu.memory_space<vmem>>, vector<1x128xf32>
      %mul3A_283 = arith.mulf %logistic3A_269, %add3A_259 : vector<1x128xf32>
      %add3A_284 = arith.addf %get3A_282, %mul3A_283 : vector<1x128xf32>
      %tanh3A_285 = math.tanh %add3A_284 : vector<1x128xf32>
      %sub3A_286 = arith.constant 1.000000e+00 : f32
      %sub3A_287 = vector.broadcast %sub3A_286 : f32 to vector<1x128xf32>
      %sub3A_288 = arith.subf %sub3A_287, %logistic3A_279 : vector<1x128xf32>
      %mul3A_289 = arith.mulf %sub3A_288, %tanh3A_285 : vector<1x128xf32>
      %mul3A_290 = arith.mulf %logistic3A_279, %add3A_245 : vector<1x128xf32>
      %add3A_291 = arith.addf %mul3A_289, %mul3A_290 : vector<1x128xf32>
      %swap3A_292 = arith.index_cast %scan3A_250 : i32 to index
      %swap3A_293 = arith.constant 0 : index
      %swap3A_294 = vector.load %arg12[%swap3A_292, %swap3A_293] : memref<2000x128xf32, #tpu.memory_space<vmem>>, vector<1x128xf32>
      tpu.vector_store %arg12[%swap3A_292, %swap3A_293], %add3A_291 {strides = array<i32>} : memref<2000x128xf32, #tpu.memory_space<vmem>>, vector<1x128xf32>,
      %scan3A_295 = arith.constant 5 : i32
      %scan3A_296 = arith.addi %scan3A_69, %scan3A_295 : i32
      %dot_general3A_297 = arith.constant dense<0.000000e+00> : vector<1x128xf32>
      %dot_general3A_298 = tpu.matmul %add3A_291, %get3A_45, %dot_general3A_297 {dimension_numbers = #tpu.dot_dimension_numbers<[1], [0], [0], [1], [0, 0, 1, 1], [], []>, transpose_lhs_hint = false} : vector<1x128xf32>, vector<128x128xf32>, vector<1x128xf32> -> vector<1x128xf32>
      %add3A_299 = arith.addf %dot_general3A_298, %slice3A_55 : vector<1x128xf32>
      %dot_general3A_300 = arith.constant dense<0.000000e+00> : vector<1x128xf32>
      %dot_general3A_301 = tpu.matmul %add3A_291, %get3A_48, %dot_general3A_300 {dimension_numbers = #tpu.dot_dimension_numbers<[1], [0], [0], [1], [0, 0, 1, 1], [], []>, transpose_lhs_hint = false} : vector<1x128xf32>, vector<128x128xf32>, vector<1x128xf32> -> vector<1x128xf32>
      %add3A_302 = arith.addf %dot_general3A_301, %slice3A_56 : vector<1x128xf32>
      %dot_general3A_303 = arith.constant dense<0.000000e+00> : vector<1x128xf32>
      %dot_general3A_304 = tpu.matmul %add3A_291, %get3A_51, %dot_general3A_303 {dimension_numbers = #tpu.dot_dimension_numbers<[1], [0], [0], [1], [0, 0, 1, 1], [], []>, transpose_lhs_hint = false} : vector<1x128xf32>, vector<128x128xf32>, vector<1x128xf32> -> vector<1x128xf32>
      %add3A_305 = arith.addf %dot_general3A_304, %slice3A_57 : vector<1x128xf32>
      %get3A_306 = arith.index_cast %scan3A_296 : i32 to index
      %get3A_307 = arith.constant 0 : index
      %get3A_308 = vector.load %arg13[%get3A_306, %get3A_307] : memref<2000x128xf32, #tpu.memory_space<vmem>>, vector<1x128xf32>
      %add3A_309 = arith.addf %get3A_308, %add3A_299 : vector<1x128xf32>
      %logistic3A_310 = arith.negf %add3A_309 : vector<1x128xf32>
      %logistic3A_311 = math.exp %logistic3A_310 : vector<1x128xf32>
      %logistic3A_312 = arith.constant 1.000000e+00 : f32
      %logistic3A_313 = vector.broadcast %logistic3A_312 : f32 to vector<1x128xf32>
      %logistic3A_314 = arith.addf %logistic3A_313, %logistic3A_311 : vector<1x128xf32>
      %logistic3A_315 = arith.divf %logistic3A_313, %logistic3A_314 : vector<1x128xf32>
      %get3A_316 = arith.index_cast %scan3A_296 : i32 to index
      %get3A_317 = arith.constant 0 : index
      %get3A_318 = vector.load %arg14[%get3A_316, %get3A_317] : memref<2000x128xf32, #tpu.memory_space<vmem>>, vector<1x128xf32>
      %add3A_319 = arith.addf %get3A_318, %add3A_302 : vector<1x128xf32>
      %logistic3A_320 = arith.negf %add3A_319 : vector<1x128xf32>
      %logistic3A_321 = math.exp %logistic3A_320 : vector<1x128xf32>
      %logistic3A_322 = arith.constant 1.000000e+00 : f32
      %logistic3A_323 = vector.broadcast %logistic3A_322 : f32 to vector<1x128xf32>
      %logistic3A_324 = arith.addf %logistic3A_323, %logistic3A_321 : vector<1x128xf32>
      %logistic3A_325 = arith.divf %logistic3A_323, %logistic3A_324 : vector<1x128xf32>
      %get3A_326 = arith.index_cast %scan3A_296 : i32 to index
      %get3A_327 = arith.constant 0 : index
      %get3A_328 = vector.load %arg15[%get3A_326, %get3A_327] : memref<2000x128xf32, #tpu.memory_space<vmem>>, vector<1x128xf32>
      %mul3A_329 = arith.mulf %logistic3A_315, %add3A_305 : vector<1x128xf32>
      %add3A_330 = arith.addf %get3A_328, %mul3A_329 : vector<1x128xf32>
      %tanh3A_331 = math.tanh %add3A_330 : vector<1x128xf32>
      %sub3A_332 = arith.constant 1.000000e+00 : f32
      %sub3A_333 = vector.broadcast %sub3A_332 : f32 to vector<1x128xf32>
      %sub3A_334 = arith.subf %sub3A_333, %logistic3A_325 : vector<1x128xf32>
      %mul3A_335 = arith.mulf %sub3A_334, %tanh3A_331 : vector<1x128xf32>
      %mul3A_336 = arith.mulf %logistic3A_325, %add3A_291 : vector<1x128xf32>
      %add3A_337 = arith.addf %mul3A_335, %mul3A_336 : vector<1x128xf32>
      %swap3A_338 = arith.index_cast %scan3A_296 : i32 to index
      %swap3A_339 = arith.constant 0 : index
      %swap3A_340 = vector.load %arg12[%swap3A_338, %swap3A_339] : memref<2000x128xf32, #tpu.memory_space<vmem>>, vector<1x128xf32>
      tpu.vector_store %arg12[%swap3A_338, %swap3A_339], %add3A_337 {strides = array<i32>} : memref<2000x128xf32, #tpu.memory_space<vmem>>, vector<1x128xf32>,
      %scan3A_341 = arith.constant 6 : i32
      %scan3A_342 = arith.addi %scan3A_69, %scan3A_341 : i32
      %dot_general3A_343 = arith.constant dense<0.000000e+00> : vector<1x128xf32>
      %dot_general3A_344 = tpu.matmul %add3A_337, %get3A_45, %dot_general3A_343 {dimension_numbers = #tpu.dot_dimension_numbers<[1], [0], [0], [1], [0, 0, 1, 1], [], []>, transpose_lhs_hint = false} : vector<1x128xf32>, vector<128x128xf32>, vector<1x128xf32> -> vector<1x128xf32>
      %add3A_345 = arith.addf %dot_general3A_344, %slice3A_55 : vector<1x128xf32>
      %dot_general3A_346 = arith.constant dense<0.000000e+00> : vector<1x128xf32>
      %dot_general3A_347 = tpu.matmul %add3A_337, %get3A_48, %dot_general3A_346 {dimension_numbers = #tpu.dot_dimension_numbers<[1], [0], [0], [1], [0, 0, 1, 1], [], []>, transpose_lhs_hint = false} : vector<1x128xf32>, vector<128x128xf32>, vector<1x128xf32> -> vector<1x128xf32>
      %add3A_348 = arith.addf %dot_general3A_347, %slice3A_56 : vector<1x128xf32>
      %dot_general3A_349 = arith.constant dense<0.000000e+00> : vector<1x128xf32>
      %dot_general3A_350 = tpu.matmul %add3A_337, %get3A_51, %dot_general3A_349 {dimension_numbers = #tpu.dot_dimension_numbers<[1], [0], [0], [1], [0, 0, 1, 1], [], []>, transpose_lhs_hint = false} : vector<1x128xf32>, vector<128x128xf32>, vector<1x128xf32> -> vector<1x128xf32>
      %add3A_351 = arith.addf %dot_general3A_350, %slice3A_57 : vector<1x128xf32>
      %get3A_352 = arith.index_cast %scan3A_342 : i32 to index
      %get3A_353 = arith.constant 0 : index
      %get3A_354 = vector.load %arg13[%get3A_352, %get3A_353] : memref<2000x128xf32, #tpu.memory_space<vmem>>, vector<1x128xf32>
      %add3A_355 = arith.addf %get3A_354, %add3A_345 : vector<1x128xf32>
      %logistic3A_356 = arith.negf %add3A_355 : vector<1x128xf32>
      %logistic3A_357 = math.exp %logistic3A_356 : vector<1x128xf32>
      %logistic3A_358 = arith.constant 1.000000e+00 : f32
      %logistic3A_359 = vector.broadcast %logistic3A_358 : f32 to vector<1x128xf32>
      %logistic3A_360 = arith.addf %logistic3A_359, %logistic3A_357 : vector<1x128xf32>
      %logistic3A_361 = arith.divf %logistic3A_359, %logistic3A_360 : vector<1x128xf32>
      %get3A_362 = arith.index_cast %scan3A_342 : i32 to index
      %get3A_363 = arith.constant 0 : index
      %get3A_364 = vector.load %arg14[%get3A_362, %get3A_363] : memref<2000x128xf32, #tpu.memory_space<vmem>>, vector<1x128xf32>
      %add3A_365 = arith.addf %get3A_364, %add3A_348 : vector<1x128xf32>
      %logistic3A_366 = arith.negf %add3A_365 : vector<1x128xf32>
      %logistic3A_367 = math.exp %logistic3A_366 : vector<1x128xf32>
      %logistic3A_368 = arith.constant 1.000000e+00 : f32
      %logistic3A_369 = vector.broadcast %logistic3A_368 : f32 to vector<1x128xf32>
      %logistic3A_370 = arith.addf %logistic3A_369, %logistic3A_367 : vector<1x128xf32>
      %logistic3A_371 = arith.divf %logistic3A_369, %logistic3A_370 : vector<1x128xf32>
      %get3A_372 = arith.index_cast %scan3A_342 : i32 to index
      %get3A_373 = arith.constant 0 : index
      %get3A_374 = vector.load %arg15[%get3A_372, %get3A_373] : memref<2000x128xf32, #tpu.memory_space<vmem>>, vector<1x128xf32>
      %mul3A_375 = arith.mulf %logistic3A_361, %add3A_351 : vector<1x128xf32>
      %add3A_376 = arith.addf %get3A_374, %mul3A_375 : vector<1x128xf32>
      %tanh3A_377 = math.tanh %add3A_376 : vector<1x128xf32>
      %sub3A_378 = arith.constant 1.000000e+00 : f32
      %sub3A_379 = vector.broadcast %sub3A_378 : f32 to vector<1x128xf32>
      %sub3A_380 = arith.subf %sub3A_379, %logistic3A_371 : vector<1x128xf32>
      %mul3A_381 = arith.mulf %sub3A_380, %tanh3A_377 : vector<1x128xf32>
      %mul3A_382 = arith.mulf %logistic3A_371, %add3A_337 : vector<1x128xf32>
      %add3A_383 = arith.addf %mul3A_381, %mul3A_382 : vector<1x128xf32>
      %swap3A_384 = arith.index_cast %scan3A_342 : i32 to index
      %swap3A_385 = arith.constant 0 : index
      %swap3A_386 = vector.load %arg12[%swap3A_384, %swap3A_385] : memref<2000x128xf32, #tpu.memory_space<vmem>>, vector<1x128xf32>
      tpu.vector_store %arg12[%swap3A_384, %swap3A_385], %add3A_383 {strides = array<i32>} : memref<2000x128xf32, #tpu.memory_space<vmem>>, vector<1x128xf32>,
      %scan3A_387 = arith.constant 7 : i32
      %scan3A_388 = arith.addi %scan3A_69, %scan3A_387 : i32
      %dot_general3A_389 = arith.constant dense<0.000000e+00> : vector<1x128xf32>
      %dot_general3A_390 = tpu.matmul %add3A_383, %get3A_45, %dot_general3A_389 {dimension_numbers = #tpu.dot_dimension_numbers<[1], [0], [0], [1], [0, 0, 1, 1], [], []>, transpose_lhs_hint = false} : vector<1x128xf32>, vector<128x128xf32>, vector<1x128xf32> -> vector<1x128xf32>
      %add3A_391 = arith.addf %dot_general3A_390, %slice3A_55 : vector<1x128xf32>
      %dot_general3A_392 = arith.constant dense<0.000000e+00> : vector<1x128xf32>
      %dot_general3A_393 = tpu.matmul %add3A_383, %get3A_48, %dot_general3A_392 {dimension_numbers = #tpu.dot_dimension_numbers<[1], [0], [0], [1], [0, 0, 1, 1], [], []>, transpose_lhs_hint = false} : vector<1x128xf32>, vector<128x128xf32>, vector<1x128xf32> -> vector<1x128xf32>
      %add3A_394 = arith.addf %dot_general3A_393, %slice3A_56 : vector<1x128xf32>
      %dot_general3A_395 = arith.constant dense<0.000000e+00> : vector<1x128xf32>
      %dot_general3A_396 = tpu.matmul %add3A_383, %get3A_51, %dot_general3A_395 {dimension_numbers = #tpu.dot_dimension_numbers<[1], [0], [0], [1], [0, 0, 1, 1], [], []>, transpose_lhs_hint = false} : vector<1x128xf32>, vector<128x128xf32>, vector<1x128xf32> -> vector<1x128xf32>
      %add3A_397 = arith.addf %dot_general3A_396, %slice3A_57 : vector<1x128xf32>
      %get3A_398 = arith.index_cast %scan3A_388 : i32 to index
      %get3A_399 = arith.constant 0 : index
      %get3A_400 = vector.load %arg13[%get3A_398, %get3A_399] : memref<2000x128xf32, #tpu.memory_space<vmem>>, vector<1x128xf32>
      %add3A_401 = arith.addf %get3A_400, %add3A_391 : vector<1x128xf32>
      %logistic3A_402 = arith.negf %add3A_401 : vector<1x128xf32>
      %logistic3A_403 = math.exp %logistic3A_402 : vector<1x128xf32>
      %logistic3A_404 = arith.constant 1.000000e+00 : f32
      %logistic3A_405 = vector.broadcast %logistic3A_404 : f32 to vector<1x128xf32>
      %logistic3A_406 = arith.addf %logistic3A_405, %logistic3A_403 : vector<1x128xf32>
      %logistic3A_407 = arith.divf %logistic3A_405, %logistic3A_406 : vector<1x128xf32>
      %get3A_408 = arith.index_cast %scan3A_388 : i32 to index
      %get3A_409 = arith.constant 0 : index
      %get3A_410 = vector.load %arg14[%get3A_408, %get3A_409] : memref<2000x128xf32, #tpu.memory_space<vmem>>, vector<1x128xf32>
      %add3A_411 = arith.addf %get3A_410, %add3A_394 : vector<1x128xf32>
      %logistic3A_412 = arith.negf %add3A_411 : vector<1x128xf32>
      %logistic3A_413 = math.exp %logistic3A_412 : vector<1x128xf32>
      %logistic3A_414 = arith.constant 1.000000e+00 : f32
      %logistic3A_415 = vector.broadcast %logistic3A_414 : f32 to vector<1x128xf32>
      %logistic3A_416 = arith.addf %logistic3A_415, %logistic3A_413 : vector<1x128xf32>
      %logistic3A_417 = arith.divf %logistic3A_415, %logistic3A_416 : vector<1x128xf32>
      %get3A_418 = arith.index_cast %scan3A_388 : i32 to index
      %get3A_419 = arith.constant 0 : index
      %get3A_420 = vector.load %arg15[%get3A_418, %get3A_419] : memref<2000x128xf32, #tpu.memory_space<vmem>>, vector<1x128xf32>
      %mul3A_421 = arith.mulf %logistic3A_407, %add3A_397 : vector<1x128xf32>
      %add3A_422 = arith.addf %get3A_420, %mul3A_421 : vector<1x128xf32>
      %tanh3A_423 = math.tanh %add3A_422 : vector<1x128xf32>
      %sub3A_424 = arith.constant 1.000000e+00 : f32
      %sub3A_425 = vector.broadcast %sub3A_424 : f32 to vector<1x128xf32>
      %sub3A_426 = arith.subf %sub3A_425, %logistic3A_417 : vector<1x128xf32>
      %mul3A_427 = arith.mulf %sub3A_426, %tanh3A_423 : vector<1x128xf32>
      %mul3A_428 = arith.mulf %logistic3A_417, %add3A_383 : vector<1x128xf32>
      %add3A_429 = arith.addf %mul3A_427, %mul3A_428 : vector<1x128xf32>
      %swap3A_430 = arith.index_cast %scan3A_388 : i32 to index
      %swap3A_431 = arith.constant 0 : index
      %swap3A_432 = vector.load %arg12[%swap3A_430, %swap3A_431] : memref<2000x128xf32, #tpu.memory_space<vmem>>, vector<1x128xf32>
      tpu.vector_store %arg12[%swap3A_430, %swap3A_431], %add3A_429 {strides = array<i32>} : memref<2000x128xf32, #tpu.memory_space<vmem>>, vector<1x128xf32>,
      scf.yield %add3A_429 : vector<1x128xf32>
    }
    %scan3A_65 = arith.constant 2000 : i32
    %swap3A_66 = arith.constant 0 : index
    %swap3A_67 = arith.constant 0 : index
    %swap3A_68 = vector.load %arg16[%swap3A_66, %swap3A_67] : memref<1x128xf32, #tpu.memory_space<vmem>>, vector<1x128xf32>
    tpu.vector_store %arg16[%swap3A_66, %swap3A_67], %scan3A_64 {strides = array<i32>} : memref<1x128xf32, #tpu.memory_space<vmem>>, vector<1x128xf32>,
    return
  }
  func.func @transform_0(%arg0: i32) -> (i32, i32) {
    %c0_i32 = arith.constant 0 : i32
    %c0_i32_0 = arith.constant 0 : i32
    return %arg0, %c0_i32 : i32, i32
  }
  func.func @transform_1(%arg0: i32) -> (i32, i32) {
    %c0_i32 = arith.constant 0 : i32
    %c0_i32_0 = arith.constant 0 : i32
    return %arg0, %c0_i32 : i32, i32
  }
  func.func @transform_2(%arg0: i32) -> (i32, i32) {
    %c0_i32 = arith.constant 0 : i32
    %c0_i32_0 = arith.constant 0 : i32
    return %arg0, %c0_i32 : i32, i32
  }
  func.func @transform_3(%arg0: i32) -> (i32, i32) {
    %c0_i32 = arith.constant 0 : i32
    %c0_i32_0 = arith.constant 0 : i32
    %c0_i32_1 = arith.constant 0 : i32
    return %c0_i32, %c0_i32_0 : i32, i32
  }
  func.func @transform_4(%arg0: i32) -> (i32, i32) {
    %c0_i32 = arith.constant 0 : i32
    %c0_i32_0 = arith.constant 0 : i32
    %c0_i32_1 = arith.constant 0 : i32
    return %c0_i32, %c0_i32_0 : i32, i32
  }
  func.func @transform_5(%arg0: i32) -> (i32, i32) {
    %c0_i32 = arith.constant 0 : i32
    %c0_i32_0 = arith.constant 0 : i32
    %c0_i32_1 = arith.constant 0 : i32
    return %c0_i32, %c0_i32_0 : i32, i32
  }
  func.func @transform_6(%arg0: i32) -> (i32, i32) {
    %c0_i32 = arith.constant 0 : i32
    %c0_i32_0 = arith.constant 0 : i32
    %c0_i32_1 = arith.constant 0 : i32
    return %c0_i32, %c0_i32_0 : i32, i32
  }
  func.func @transform_7(%arg0: i32) -> (i32, i32) {
    %c0_i32 = arith.constant 0 : i32
    %c0_i32_0 = arith.constant 0 : i32
    %c0_i32_1 = arith.constant 0 : i32
    return %c0_i32, %c0_i32_0 : i32, i32
  }
  func.func @transform_8(%arg0: i32) -> (i32, i32) {
    %c0_i32 = arith.constant 0 : i32
    %c0_i32_0 = arith.constant 0 : i32
    %c0_i32_1 = arith.constant 0 : i32
    return %c0_i32, %c0_i32_0 : i32, i32
  }
  func.func @transform_9(%arg0: i32) -> (i32, i32) {
    %c0_i32 = arith.constant 0 : i32
    %c0_i32_0 = arith.constant 0 : i32
    %c0_i32_1 = arith.constant 0 : i32
    return %c0_i32, %c0_i32_0 : i32, i32
  }
  func.func @transform_10(%arg0: i32) -> (i32, i32) {
    %c0_i32 = arith.constant 0 : i32
    %c0_i32_0 = arith.constant 0 : i32
    %c0_i32_1 = arith.constant 0 : i32
    return %c0_i32, %c0_i32_0 : i32, i32
  }
  func.func @transform_11(%arg0: i32) -> (i32, i32) {
    %c0_i32 = arith.constant 0 : i32
    %c0_i32_0 = arith.constant 0 : i32
    return %arg0, %c0_i32 : i32, i32
  }
}

module attributes {stable_mosaic.version = 14 : i64} {
  func.func @_glob_body(%arg0: memref<10000x128xf32, #tpu.memory_space<vmem>>, %arg1: memref<384x128xf32, #tpu.memory_space<vmem>>, %arg2: memref<1x128xf32, #tpu.memory_space<vmem>>, %arg3: memref<128x20xf32, #tpu.memory_space<vmem>>, %arg4: memref<1x20xf32, #tpu.memory_space<vmem>>, %arg5: memref<1x128xf32, #tpu.memory_space<vmem>>, %arg6: memref<1x128xf32, #tpu.memory_space<vmem>>, %arg7: memref<1x20xf32, #tpu.memory_space<vmem>>) attributes {dimension_semantics = [], scalar_prefetch = 0 : i64, scratch_operands = 0 : i64, tpu.core_type = #tpu.core_type<tc>} {
    %get3A = arith.constant 0 : index
    %get3A_0 = arith.constant 0 : index
    %get3A_1 = vector.load %arg0[%get3A, %get3A_0] : memref<10000x128xf32, #tpu.memory_space<vmem>>, vector<10000x128xf32>
    %reduce_sum3A = arith.constant dense<0.000000e+00> : vector<128xf32>
    %reduce_sum3A_2 = vector.multi_reduction <add>, %get3A_1, %reduce_sum3A [0] : vector<10000x128xf32> to vector<128xf32>
    %broadcast_in_dim3A = vector.shape_cast %reduce_sum3A_2 : vector<128xf32> to vector<1x128xf32>
    %mul3A = arith.constant 9.99999974E-5 : f32
    %mul3A_3 = vector.broadcast %mul3A : f32 to vector<1x128xf32>
    %mul3A_4 = arith.mulf %broadcast_in_dim3A, %mul3A_3 : vector<1x128xf32>
    %get3A_5 = arith.constant 9999 : index
    %get3A_6 = arith.constant 0 : index
    %get3A_7 = vector.load %arg0[%get3A_5, %get3A_6] : memref<10000x128xf32, #tpu.memory_space<vmem>>, vector<1x128xf32>
    %get3A_8 = arith.constant 0 : index
    %get3A_9 = arith.constant 0 : index
    %get3A_10 = vector.load %arg1[%get3A_8, %get3A_9] : memref<384x128xf32, #tpu.memory_space<vmem>>, vector<128x128xf32>
    %dot_general3A = arith.constant dense<0.000000e+00> : vector<1x128xf32>
    %dot_general3A_11 = tpu.matmul %mul3A_4, %get3A_10, %dot_general3A {dimension_numbers = #tpu.dot_dimension_numbers<[1], [0], [0], [1], [0, 0, 1, 1], [], []>, transpose_lhs_hint = false} : vector<1x128xf32>, vector<128x128xf32>, vector<1x128xf32> -> vector<1x128xf32>
    %get3A_12 = arith.constant 128 : index
    %get3A_13 = arith.constant 0 : index
    %get3A_14 = vector.load %arg1[%get3A_12, %get3A_13] : memref<384x128xf32, #tpu.memory_space<vmem>>, vector<128x128xf32>
    %dot_general3A_15 = arith.constant dense<0.000000e+00> : vector<1x128xf32>
    %dot_general3A_16 = tpu.matmul %get3A_7, %get3A_14, %dot_general3A_15 {dimension_numbers = #tpu.dot_dimension_numbers<[1], [0], [0], [1], [0, 0, 1, 1], [], []>, transpose_lhs_hint = false} : vector<1x128xf32>, vector<128x128xf32>, vector<1x128xf32> -> vector<1x128xf32>
    %add3A = arith.addf %dot_general3A_11, %dot_general3A_16 : vector<1x128xf32>
    %get3A_17 = arith.constant 0 : index
    %get3A_18 = arith.constant 0 : index
    %get3A_19 = vector.load %arg2[%get3A_17, %get3A_18] : memref<1x128xf32, #tpu.memory_space<vmem>>, vector<1x128xf32>
    %add3A_20 = arith.addf %add3A, %get3A_19 : vector<1x128xf32>
    %get3A_21 = arith.constant 256 : index
    %get3A_22 = arith.constant 0 : index
    %get3A_23 = vector.load %arg1[%get3A_21, %get3A_22] : memref<384x128xf32, #tpu.memory_space<vmem>>, vector<128x128xf32>
    %dot_general3A_24 = arith.constant dense<0.000000e+00> : vector<10000x128xf32>
    %dot_general3A_25 = tpu.matmul %get3A_1, %get3A_23, %dot_general3A_24 {dimension_numbers = #tpu.dot_dimension_numbers<[1], [0], [0], [1], [0, 0, 1, 1], [], []>, transpose_lhs_hint = false} : vector<10000x128xf32>, vector<128x128xf32>, vector<10000x128xf32> -> vector<10000x128xf32>
    %add3A_26 = vector.broadcast %add3A_20 : vector<1x128xf32> to vector<10000x128xf32>
    %add3A_27 = arith.addf %add3A_26, %dot_general3A_25 : vector<10000x128xf32>
    %max3A = arith.constant 0.000000e+00 : f32
    %max3A_28 = vector.broadcast %max3A : f32 to vector<10000x128xf32>
    %max3A_29 = arith.maximumf %add3A_27, %max3A_28 : vector<10000x128xf32>
    %reduce_sum3A_30 = arith.constant dense<0.000000e+00> : vector<128xf32>
    %reduce_sum3A_31 = vector.multi_reduction <add>, %max3A_29, %reduce_sum3A_30 [0] : vector<10000x128xf32> to vector<128xf32>
    %broadcast_in_dim3A_32 = vector.shape_cast %reduce_sum3A_31 : vector<128xf32> to vector<1x128xf32>
    %get3A_33 = arith.constant 0 : index
    %get3A_34 = arith.constant 0 : index
    %get3A_35 = vector.load %arg3[%get3A_33, %get3A_34] : memref<128x20xf32, #tpu.memory_space<vmem>>, vector<128x20xf32>
    %dot_general3A_36 = arith.constant dense<0.000000e+00> : vector<1x20xf32>
    %dot_general3A_37 = tpu.matmul %broadcast_in_dim3A_32, %get3A_35, %dot_general3A_36 {dimension_numbers = #tpu.dot_dimension_numbers<[1], [0], [0], [1], [0, 0, 1, 1], [], []>, transpose_lhs_hint = false} : vector<1x128xf32>, vector<128x20xf32>, vector<1x20xf32> -> vector<1x20xf32>
    %get3A_38 = arith.constant 0 : index
    %get3A_39 = arith.constant 0 : index
    %get3A_40 = vector.load %arg4[%get3A_38, %get3A_39] : memref<1x20xf32, #tpu.memory_space<vmem>>, vector<1x20xf32>
    %mul3A_41 = arith.constant 1.000000e+04 : f32
    %mul3A_42 = vector.broadcast %mul3A_41 : f32 to vector<1x20xf32>
    %mul3A_43 = arith.mulf %mul3A_42, %get3A_40 : vector<1x20xf32>
    %add3A_44 = arith.addf %dot_general3A_37, %mul3A_43 : vector<1x20xf32>
    %reduce_max3A = arith.constant dense<0xFF800000> : vector<1xf32>
    %reduce_max3A_45 = vector.multi_reduction <maximumf>, %add3A_44, %reduce_max3A [1] : vector<1x20xf32> to vector<1xf32>
    %broadcast_in_dim3A_46 = vector.shape_cast %reduce_max3A_45 : vector<1xf32> to vector<1x1xf32>
    %sub3A = vector.broadcast %broadcast_in_dim3A_46 : vector<1x1xf32> to vector<1x20xf32>
    %sub3A_47 = arith.subf %add3A_44, %sub3A : vector<1x20xf32>
    %exp3A = math.exp %sub3A_47 : vector<1x20xf32>
    %reduce_sum3A_48 = arith.constant dense<0.000000e+00> : vector<1xf32>
    %reduce_sum3A_49 = vector.multi_reduction <add>, %exp3A, %reduce_sum3A_48 [1] : vector<1x20xf32> to vector<1xf32>
    %broadcast_in_dim3A_50 = vector.shape_cast %reduce_sum3A_49 : vector<1xf32> to vector<1x1xf32>
    %div3A = vector.broadcast %broadcast_in_dim3A_50 : vector<1x1xf32> to vector<1x20xf32>
    %div3A_51 = arith.divf %exp3A, %div3A : vector<1x20xf32>
    %swap3A = arith.constant 0 : index
    %swap3A_52 = arith.constant 0 : index
    %swap3A_53 = vector.load %arg7[%swap3A, %swap3A_52] : memref<1x20xf32, #tpu.memory_space<vmem>>, vector<1x20xf32>
    tpu.vector_store %arg7[%swap3A, %swap3A_52], %div3A_51 {strides = array<i32>} : memref<1x20xf32, #tpu.memory_space<vmem>>, vector<1x20xf32>,
    %swap3A_54 = arith.constant 0 : index
    %swap3A_55 = arith.constant 0 : index
    %swap3A_56 = vector.load %arg5[%swap3A_54, %swap3A_55] : memref<1x128xf32, #tpu.memory_space<vmem>>, vector<1x128xf32>
    tpu.vector_store %arg5[%swap3A_54, %swap3A_55], %mul3A_4 {strides = array<i32>} : memref<1x128xf32, #tpu.memory_space<vmem>>, vector<1x128xf32>,
    %swap3A_57 = arith.constant 0 : index
    %swap3A_58 = arith.constant 0 : index
    %swap3A_59 = vector.load %arg6[%swap3A_57, %swap3A_58] : memref<1x128xf32, #tpu.memory_space<vmem>>, vector<1x128xf32>
    tpu.vector_store %arg6[%swap3A_57, %swap3A_58], %get3A_7 {strides = array<i32>} : memref<1x128xf32, #tpu.memory_space<vmem>>, vector<1x128xf32>,
    return
  }
}

module attributes {stable_mosaic.version = 14 : i64} {
  func.func @_out_body(%arg0: i32, %arg1: memref<2000x128xf32, #tpu.memory_space<vmem>>, %arg2: memref<1x128xf32, #tpu.memory_space<vmem>>, %arg3: memref<1x20xf32, #tpu.memory_space<vmem>>, %arg4: memref<256x128xf32, #tpu.memory_space<vmem>>, %arg5: memref<1x128xf32, #tpu.memory_space<vmem>>, %arg6: memref<128x10xf32, #tpu.memory_space<vmem>>, %arg7: memref<1x10xf32, #tpu.memory_space<vmem>>, %arg8: memref<128x128xf32, #tpu.memory_space<vmem>>, %arg9: memref<1x128xf32, #tpu.memory_space<vmem>>, %arg10: memref<128x100xf32, #tpu.memory_space<vmem>>, %arg11: memref<1x100xf32, #tpu.memory_space<vmem>>, %arg12: memref<2000x10xf32, #tpu.memory_space<vmem>>, %arg13: memref<2000x5xf32, #tpu.memory_space<vmem>>) attributes {dimension_semantics = [#tpu.dimension_semantics<arbitrary>], iteration_bounds = array<i64: 5>, scalar_prefetch = 0 : i64, scratch_operands = 0 : i64, tpu.core_type = #tpu.core_type<tc>, window_params = [{transform_indices = @transform_0, window_bounds = array<i64: 2000, 128>}, {pipeline_mode = #tpu.pipeline_mode<synchronous>, transform_indices = @transform_1, window_bounds = array<i64: 1, 128>}, {pipeline_mode = #tpu.pipeline_mode<synchronous>, transform_indices = @transform_2, window_bounds = array<i64: 1, 20>}, {pipeline_mode = #tpu.pipeline_mode<synchronous>, transform_indices = @transform_3, window_bounds = array<i64: 256, 128>}, {pipeline_mode = #tpu.pipeline_mode<synchronous>, transform_indices = @transform_4, window_bounds = array<i64: 1, 128>}, {pipeline_mode = #tpu.pipeline_mode<synchronous>, transform_indices = @transform_5, window_bounds = array<i64: 128, 10>}, {pipeline_mode = #tpu.pipeline_mode<synchronous>, transform_indices = @transform_6, window_bounds = array<i64: 1, 10>}, {pipeline_mode = #tpu.pipeline_mode<synchronous>, transform_indices = @transform_7, window_bounds = array<i64: 128, 128>}, {pipeline_mode = #tpu.pipeline_mode<synchronous>, transform_indices = @transform_8, window_bounds = array<i64: 1, 128>}, {pipeline_mode = #tpu.pipeline_mode<synchronous>, transform_indices = @transform_9, window_bounds = array<i64: 128, 100>}, {pipeline_mode = #tpu.pipeline_mode<synchronous>, transform_indices = @transform_10, window_bounds = array<i64: 1, 100>}, {transform_indices = @transform_11, window_bounds = array<i64: 2000, 10>}, {transform_indices = @transform_12, window_bounds = array<i64: 2000, 5>}]} {
    %get3A = arith.constant 0 : index
    %get3A_0 = arith.constant 0 : index
    %get3A_1 = vector.load %arg1[%get3A, %get3A_0] : memref<2000x128xf32, #tpu.memory_space<vmem>>, vector<2000x128xf32>
    %get3A_2 = arith.constant 0 : index
    %get3A_3 = arith.constant 0 : index
    %get3A_4 = vector.load %arg2[%get3A_2, %get3A_3] : memref<1x128xf32, #tpu.memory_space<vmem>>, vector<1x128xf32>
    %get3A_5 = arith.constant 0 : index
    %get3A_6 = arith.constant 0 : index
    %get3A_7 = vector.load %arg4[%get3A_5, %get3A_6] : memref<256x128xf32, #tpu.memory_space<vmem>>, vector<128x128xf32>
    %dot_general3A = arith.constant dense<0.000000e+00> : vector<1x128xf32>
    %dot_general3A_8 = tpu.matmul %get3A_4, %get3A_7, %dot_general3A {dimension_numbers = #tpu.dot_dimension_numbers<[1], [0], [0], [1], [0, 0, 1, 1], [], []>, transpose_lhs_hint = false} : vector<1x128xf32>, vector<128x128xf32>, vector<1x128xf32> -> vector<1x128xf32>
    %get3A_9 = arith.constant 0 : index
    %get3A_10 = arith.constant 0 : index
    %get3A_11 = vector.load %arg5[%get3A_9, %get3A_10] : memref<1x128xf32, #tpu.memory_space<vmem>>, vector<1x128xf32>
    %add3A = arith.addf %dot_general3A_8, %get3A_11 : vector<1x128xf32>
    %get3A_12 = arith.constant 128 : index
    %get3A_13 = arith.constant 0 : index
    %get3A_14 = vector.load %arg4[%get3A_12, %get3A_13] : memref<256x128xf32, #tpu.memory_space<vmem>>, vector<128x128xf32>
    %dot_general3A_15 = arith.constant dense<0.000000e+00> : vector<2000x128xf32>
    %dot_general3A_16 = tpu.matmul %get3A_1, %get3A_14, %dot_general3A_15 {dimension_numbers = #tpu.dot_dimension_numbers<[1], [0], [0], [1], [0, 0, 1, 1], [], []>, transpose_lhs_hint = false} : vector<2000x128xf32>, vector<128x128xf32>, vector<2000x128xf32> -> vector<2000x128xf32>
    %add3A_17 = vector.broadcast %add3A : vector<1x128xf32> to vector<2000x128xf32>
    %add3A_18 = arith.addf %add3A_17, %dot_general3A_16 : vector<2000x128xf32>
    %max3A = arith.constant 0.000000e+00 : f32
    %max3A_19 = vector.broadcast %max3A : f32 to vector<2000x128xf32>
    %max3A_20 = arith.maximumf %add3A_18, %max3A_19 : vector<2000x128xf32>
    %get3A_21 = arith.constant 0 : index
    %get3A_22 = arith.constant 0 : index
    %get3A_23 = vector.load %arg6[%get3A_21, %get3A_22] : memref<128x10xf32, #tpu.memory_space<vmem>>, vector<128x10xf32>
    %dot_general3A_24 = arith.constant dense<0.000000e+00> : vector<2000x10xf32>
    %dot_general3A_25 = tpu.matmul %max3A_20, %get3A_23, %dot_general3A_24 {dimension_numbers = #tpu.dot_dimension_numbers<[1], [0], [0], [1], [0, 0, 1, 1], [], []>, transpose_lhs_hint = false} : vector<2000x128xf32>, vector<128x10xf32>, vector<2000x10xf32> -> vector<2000x10xf32>
    %get3A_26 = arith.constant 0 : index
    %get3A_27 = arith.constant 0 : index
    %get3A_28 = vector.load %arg7[%get3A_26, %get3A_27] : memref<1x10xf32, #tpu.memory_space<vmem>>, vector<1x10xf32>
    %add3A_29 = vector.broadcast %get3A_28 : vector<1x10xf32> to vector<2000x10xf32>
    %add3A_30 = arith.addf %dot_general3A_25, %add3A_29 : vector<2000x10xf32>
    %reduce_max3A = arith.constant dense<0xFF800000> : vector<2000xf32>
    %reduce_max3A_31 = vector.multi_reduction <maximumf>, %add3A_30, %reduce_max3A [1] : vector<2000x10xf32> to vector<2000xf32>
    %broadcast_in_dim3A = vector.shape_cast %reduce_max3A_31 : vector<2000xf32> to vector<2000x1xf32>
    %sub3A = vector.broadcast %broadcast_in_dim3A : vector<2000x1xf32> to vector<2000x10xf32>
    %sub3A_32 = arith.subf %add3A_30, %sub3A : vector<2000x10xf32>
    %exp3A = math.exp %sub3A_32 : vector<2000x10xf32>
    %reduce_sum3A = arith.constant dense<0.000000e+00> : vector<2000xf32>
    %reduce_sum3A_33 = vector.multi_reduction <add>, %exp3A, %reduce_sum3A [1] : vector<2000x10xf32> to vector<2000xf32>
    %broadcast_in_dim3A_34 = vector.shape_cast %reduce_sum3A_33 : vector<2000xf32> to vector<2000x1xf32>
    %div3A = vector.broadcast %broadcast_in_dim3A_34 : vector<2000x1xf32> to vector<2000x10xf32>
    %div3A_35 = arith.divf %exp3A, %div3A : vector<2000x10xf32>
    %swap3A = arith.constant 0 : index
    %swap3A_36 = arith.constant 0 : index
    %swap3A_37 = vector.load %arg12[%swap3A, %swap3A_36] : memref<2000x10xf32, #tpu.memory_space<vmem>>, vector<2000x10xf32>
    tpu.vector_store %arg12[%swap3A, %swap3A_36], %div3A_35 {strides = array<i32>} : memref<2000x10xf32, #tpu.memory_space<vmem>>, vector<2000x10xf32>,
    %get3A_38 = arith.constant 0 : index
    %get3A_39 = arith.constant 0 : index
    %get3A_40 = vector.load %arg8[%get3A_38, %get3A_39] : memref<128x128xf32, #tpu.memory_space<vmem>>, vector<128x128xf32>
    %dot_general3A_41 = arith.constant dense<0.000000e+00> : vector<2000x128xf32>
    %dot_general3A_42 = tpu.matmul %get3A_1, %get3A_40, %dot_general3A_41 {dimension_numbers = #tpu.dot_dimension_numbers<[1], [0], [0], [1], [0, 0, 1, 1], [], []>, transpose_lhs_hint = false} : vector<2000x128xf32>, vector<128x128xf32>, vector<2000x128xf32> -> vector<2000x128xf32>
    %get3A_43 = arith.constant 0 : index
    %get3A_44 = arith.constant 0 : index
    %get3A_45 = vector.load %arg9[%get3A_43, %get3A_44] : memref<1x128xf32, #tpu.memory_space<vmem>>, vector<1x128xf32>
    %add3A_46 = vector.broadcast %get3A_45 : vector<1x128xf32> to vector<2000x128xf32>
    %add3A_47 = arith.addf %dot_general3A_42, %add3A_46 : vector<2000x128xf32>
    %max3A_48 = arith.constant 0.000000e+00 : f32
    %max3A_49 = vector.broadcast %max3A_48 : f32 to vector<2000x128xf32>
    %max3A_50 = arith.maximumf %add3A_47, %max3A_49 : vector<2000x128xf32>
    %get3A_51 = arith.constant 0 : index
    %get3A_52 = arith.constant 0 : index
    %get3A_53 = vector.load %arg10[%get3A_51, %get3A_52] : memref<128x100xf32, #tpu.memory_space<vmem>>, vector<128x100xf32>
    %dot_general3A_54 = arith.constant dense<0.000000e+00> : vector<2000x100xf32>
    %dot_general3A_55 = tpu.matmul %max3A_50, %get3A_53, %dot_general3A_54 {dimension_numbers = #tpu.dot_dimension_numbers<[1], [0], [0], [1], [0, 0, 1, 1], [], []>, transpose_lhs_hint = false} : vector<2000x128xf32>, vector<128x100xf32>, vector<2000x100xf32> -> vector<2000x100xf32>
    %get3A_56 = arith.constant 0 : index
    %get3A_57 = arith.constant 0 : index
    %get3A_58 = vector.load %arg11[%get3A_56, %get3A_57] : memref<1x100xf32, #tpu.memory_space<vmem>>, vector<1x100xf32>
    %add3A_59 = vector.broadcast %get3A_58 : vector<1x100xf32> to vector<2000x100xf32>
    %add3A_60 = arith.addf %dot_general3A_55, %add3A_59 : vector<2000x100xf32>
    %get3A_61 = arith.constant 0 : index
    %get3A_62 = arith.constant 0 : index
    %get3A_63 = vector.load %arg3[%get3A_61, %get3A_62] : memref<1x20xf32, #tpu.memory_space<vmem>>, vector<1x20xf32>
    %slice3A = vector.extract_strided_slice %add3A_60 {offsets = [0, 0], sizes = [2000, 20], strides = [1, 1]} : vector<2000x100xf32> to vector<2000x20xf32>
    %slice3A_64 = vector.extract_strided_slice %add3A_60 {offsets = [0, 20], sizes = [2000, 20], strides = [1, 1]} : vector<2000x100xf32> to vector<2000x20xf32>
    %slice3A_65 = vector.extract_strided_slice %add3A_60 {offsets = [0, 40], sizes = [2000, 20], strides = [1, 1]} : vector<2000x100xf32> to vector<2000x20xf32>
    %slice3A_66 = vector.extract_strided_slice %add3A_60 {offsets = [0, 60], sizes = [2000, 20], strides = [1, 1]} : vector<2000x100xf32> to vector<2000x20xf32>
    %slice3A_67 = vector.extract_strided_slice %add3A_60 {offsets = [0, 80], sizes = [2000, 20], strides = [1, 1]} : vector<2000x100xf32> to vector<2000x20xf32>
    %max3A_68 = arith.maximumf %slice3A, %slice3A_64 : vector<2000x20xf32>
    %max3A_69 = arith.maximumf %max3A_68, %slice3A_65 : vector<2000x20xf32>
    %max3A_70 = arith.maximumf %max3A_69, %slice3A_66 : vector<2000x20xf32>
    %max3A_71 = arith.maximumf %max3A_70, %slice3A_67 : vector<2000x20xf32>
    %sub3A_72 = arith.subf %slice3A, %max3A_71 : vector<2000x20xf32>
    %exp3A_73 = math.exp %sub3A_72 : vector<2000x20xf32>
    %sub3A_74 = arith.subf %slice3A_64, %max3A_71 : vector<2000x20xf32>
    %exp3A_75 = math.exp %sub3A_74 : vector<2000x20xf32>
    %sub3A_76 = arith.subf %slice3A_65, %max3A_71 : vector<2000x20xf32>
    %exp3A_77 = math.exp %sub3A_76 : vector<2000x20xf32>
    %sub3A_78 = arith.subf %slice3A_66, %max3A_71 : vector<2000x20xf32>
    %exp3A_79 = math.exp %sub3A_78 : vector<2000x20xf32>
    %sub3A_80 = arith.subf %slice3A_67, %max3A_71 : vector<2000x20xf32>
    %exp3A_81 = math.exp %sub3A_80 : vector<2000x20xf32>
    %add3A_82 = arith.addf %exp3A_73, %exp3A_75 : vector<2000x20xf32>
    %add3A_83 = arith.addf %add3A_82, %exp3A_77 : vector<2000x20xf32>
    %add3A_84 = arith.addf %add3A_83, %exp3A_79 : vector<2000x20xf32>
    %add3A_85 = arith.addf %add3A_84, %exp3A_81 : vector<2000x20xf32>
    %div3A_86 = arith.divf %exp3A_73, %add3A_85 : vector<2000x20xf32>
    %mul3A = vector.broadcast %get3A_63 : vector<1x20xf32> to vector<2000x20xf32>
    %mul3A_87 = arith.mulf %div3A_86, %mul3A : vector<2000x20xf32>
    %reduce_sum3A_88 = arith.constant dense<0.000000e+00> : vector<2000xf32>
    %reduce_sum3A_89 = vector.multi_reduction <add>, %mul3A_87, %reduce_sum3A_88 [1] : vector<2000x20xf32> to vector<2000xf32>
    %broadcast_in_dim3A_90 = vector.shape_cast %reduce_sum3A_89 : vector<2000xf32> to vector<2000x1xf32>
    %div3A_91 = arith.divf %exp3A_75, %add3A_85 : vector<2000x20xf32>
    %mul3A_92 = vector.broadcast %get3A_63 : vector<1x20xf32> to vector<2000x20xf32>
    %mul3A_93 = arith.mulf %div3A_91, %mul3A_92 : vector<2000x20xf32>
    %reduce_sum3A_94 = arith.constant dense<0.000000e+00> : vector<2000xf32>
    %reduce_sum3A_95 = vector.multi_reduction <add>, %mul3A_93, %reduce_sum3A_94 [1] : vector<2000x20xf32> to vector<2000xf32>
    %broadcast_in_dim3A_96 = vector.shape_cast %reduce_sum3A_95 : vector<2000xf32> to vector<2000x1xf32>
    %div3A_97 = arith.divf %exp3A_77, %add3A_85 : vector<2000x20xf32>
    %mul3A_98 = vector.broadcast %get3A_63 : vector<1x20xf32> to vector<2000x20xf32>
    %mul3A_99 = arith.mulf %div3A_97, %mul3A_98 : vector<2000x20xf32>
    %reduce_sum3A_100 = arith.constant dense<0.000000e+00> : vector<2000xf32>
    %reduce_sum3A_101 = vector.multi_reduction <add>, %mul3A_99, %reduce_sum3A_100 [1] : vector<2000x20xf32> to vector<2000xf32>
    %broadcast_in_dim3A_102 = vector.shape_cast %reduce_sum3A_101 : vector<2000xf32> to vector<2000x1xf32>
    %div3A_103 = arith.divf %exp3A_79, %add3A_85 : vector<2000x20xf32>
    %mul3A_104 = vector.broadcast %get3A_63 : vector<1x20xf32> to vector<2000x20xf32>
    %mul3A_105 = arith.mulf %div3A_103, %mul3A_104 : vector<2000x20xf32>
    %reduce_sum3A_106 = arith.constant dense<0.000000e+00> : vector<2000xf32>
    %reduce_sum3A_107 = vector.multi_reduction <add>, %mul3A_105, %reduce_sum3A_106 [1] : vector<2000x20xf32> to vector<2000xf32>
    %broadcast_in_dim3A_108 = vector.shape_cast %reduce_sum3A_107 : vector<2000xf32> to vector<2000x1xf32>
    %div3A_109 = arith.divf %exp3A_81, %add3A_85 : vector<2000x20xf32>
    %mul3A_110 = vector.broadcast %get3A_63 : vector<1x20xf32> to vector<2000x20xf32>
    %mul3A_111 = arith.mulf %div3A_109, %mul3A_110 : vector<2000x20xf32>
    %reduce_sum3A_112 = arith.constant dense<0.000000e+00> : vector<2000xf32>
    %reduce_sum3A_113 = vector.multi_reduction <add>, %mul3A_111, %reduce_sum3A_112 [1] : vector<2000x20xf32> to vector<2000xf32>
    %broadcast_in_dim3A_114 = vector.shape_cast %reduce_sum3A_113 : vector<2000xf32> to vector<2000x1xf32>
    %concatenate3A = tpu.concatenate %broadcast_in_dim3A_90, %broadcast_in_dim3A_96, %broadcast_in_dim3A_102, %broadcast_in_dim3A_108, %broadcast_in_dim3A_114 in 1 : vector<2000x1xf32>, vector<2000x1xf32>, vector<2000x1xf32>, vector<2000x1xf32>, vector<2000x1xf32> -> vector<2000x5xf32>
    %swap3A_115 = arith.constant 0 : index
    %swap3A_116 = arith.constant 0 : index
    %swap3A_117 = vector.load %arg13[%swap3A_115, %swap3A_116] : memref<2000x5xf32, #tpu.memory_space<vmem>>, vector<2000x5xf32>
    tpu.vector_store %arg13[%swap3A_115, %swap3A_116], %concatenate3A {strides = array<i32>} : memref<2000x5xf32, #tpu.memory_space<vmem>>, vector<2000x5xf32>,
    return
  }
  func.func @transform_0(%arg0: i32) -> (i32, i32) {
    %c0_i32 = arith.constant 0 : i32
    %c0_i32_0 = arith.constant 0 : i32
    return %arg0, %c0_i32 : i32, i32
  }
  func.func @transform_1(%arg0: i32) -> (i32, i32) {
    %c0_i32 = arith.constant 0 : i32
    %c0_i32_0 = arith.constant 0 : i32
    %c0_i32_1 = arith.constant 0 : i32
    return %c0_i32, %c0_i32_0 : i32, i32
  }
  func.func @transform_2(%arg0: i32) -> (i32, i32) {
    %c0_i32 = arith.constant 0 : i32
    %c0_i32_0 = arith.constant 0 : i32
    %c0_i32_1 = arith.constant 0 : i32
    return %c0_i32, %c0_i32_0 : i32, i32
  }
  func.func @transform_3(%arg0: i32) -> (i32, i32) {
    %c0_i32 = arith.constant 0 : i32
    %c0_i32_0 = arith.constant 0 : i32
    %c0_i32_1 = arith.constant 0 : i32
    return %c0_i32, %c0_i32_0 : i32, i32
  }
  func.func @transform_4(%arg0: i32) -> (i32, i32) {
    %c0_i32 = arith.constant 0 : i32
    %c0_i32_0 = arith.constant 0 : i32
    %c0_i32_1 = arith.constant 0 : i32
    return %c0_i32, %c0_i32_0 : i32, i32
  }
  func.func @transform_5(%arg0: i32) -> (i32, i32) {
    %c0_i32 = arith.constant 0 : i32
    %c0_i32_0 = arith.constant 0 : i32
    %c0_i32_1 = arith.constant 0 : i32
    return %c0_i32, %c0_i32_0 : i32, i32
  }
  func.func @transform_6(%arg0: i32) -> (i32, i32) {
    %c0_i32 = arith.constant 0 : i32
    %c0_i32_0 = arith.constant 0 : i32
    %c0_i32_1 = arith.constant 0 : i32
    return %c0_i32, %c0_i32_0 : i32, i32
  }
  func.func @transform_7(%arg0: i32) -> (i32, i32) {
    %c0_i32 = arith.constant 0 : i32
    %c0_i32_0 = arith.constant 0 : i32
    %c0_i32_1 = arith.constant 0 : i32
    return %c0_i32, %c0_i32_0 : i32, i32
  }
  func.func @transform_8(%arg0: i32) -> (i32, i32) {
    %c0_i32 = arith.constant 0 : i32
    %c0_i32_0 = arith.constant 0 : i32
    %c0_i32_1 = arith.constant 0 : i32
    return %c0_i32, %c0_i32_0 : i32, i32
  }
  func.func @transform_9(%arg0: i32) -> (i32, i32) {
    %c0_i32 = arith.constant 0 : i32
    %c0_i32_0 = arith.constant 0 : i32
    %c0_i32_1 = arith.constant 0 : i32
    return %c0_i32, %c0_i32_0 : i32, i32
  }
  func.func @transform_10(%arg0: i32) -> (i32, i32) {
    %c0_i32 = arith.constant 0 : i32
    %c0_i32_0 = arith.constant 0 : i32
    %c0_i32_1 = arith.constant 0 : i32
    return %c0_i32, %c0_i32_0 : i32, i32
  }
  func.func @transform_11(%arg0: i32) -> (i32, i32) {
    %c0_i32 = arith.constant 0 : i32
    %c0_i32_0 = arith.constant 0 : i32
    return %arg0, %c0_i32 : i32, i32
  }
  func.func @transform_12(%arg0: i32) -> (i32, i32) {
    %c0_i32 = arith.constant 0 : i32
    %c0_i32_0 = arith.constant 0 : i32
    return %arg0, %c0_i32 : i32, i32
  }
}

</mosaic_0001>

<sc_bundles>
// kernel: kernel.25.cloned.1.call-start
scs
__scs_entry_jumppad:
0x0: {  	(pc) =	sbr.rel $0x88, $3  }
0x1: {  	(tag) =	ssettag $0x0;
	lr =	simm.s32 $0x1  }
0x2: {  	[smem:$0x3F82] =	sst lr;
	_ =	strace $0xD0000000  }
0x3: {  	_ = 	snop  }
0x4: {  	_ = 	snop  }
0x5: {  	_ = 	snop  }
0x6: {  	_ = 	snop  }
0x7: {  	_ = 	snop  }
__scs_overlays_trampoline_lowered:
0x8: {  	[smem:$0x3F91] =	sst s0  }
0x9: {  	[smem:$0x3F92] =	sst s1  }
0xa: {  	[smem:$0x3F93] =	sst s2  }
0xb: {  	[smem:$0x3F94] =	sst s3  }
0xc: {  	[smem:$0x3F95] =	sst s4  }
0xd: {  	[smem:$0x3F96] =	sst s5  }
0xe: {  	[smem:$0x3F97] =	sst s6  }
0xf: {  	[smem:$0x3F98] =	sst s7  }
0x10: {  	[smem:$0x3F99] =	sst s8  }
0x11: {  	[smem:$0x3F9A] =	sst s9;
	s0 =	simm.s32 @!p0 $0x0  }
0x12: {  	s1 =	sld [smem:$0x3F80];
	s0 =	simm.s32 @p0 $0x1  }
0x13: {  	[smem:$0x3F9B] =	sst s0;
	s0 =	simm.s32 @!p1 $0x0  }
0x14: {  	s2 =	sld [smem:$0x3F7F];
	s0 =	simm.s32 @p1 $0x1  }
0x15: {  	[smem:$0x3F9C] =	sst s0;
	s0 =	simm.s32 @!p2 $0x0  }
0x16: {  	s3 =	sld [smem:$0x3FDB];
	s0 =	simm.s32 @p2 $0x1  }
0x17: {  	s4 =	simm.s32 $0x1BF5;
	[smem:$0x3F9E] =	sst s0  }
0x18: {  	s0 =	sld [smem:$0x3F81];
	_ =	swait.ge [sflag:s4], $0x0  }
0x19: {  	s7 =	sld [smem:$0x3F82]  }
0x1a: {  	s8 =	sadd.s32 $0xFFFFE003, lr  }
0x1b: {  	s9 =	sadd.s32 $0xFFFFFEF7, lr;
	s5 =	simm.s32 $0xFFFFFFFF;
	p2 =	slt.u32 s8, $0xFFFFF086  }
0x1c: {  	p1 =	slt.u32 s9, $0xF7A;
	s5 =	simm.s32 @!p2 $0x0  }
0x1d: {  	s5 =	simm.s32 @p1 $0x1;
	p0 =	seq.s32 s7, s2  }
0x1e: {  	s7 =	smul.u32 @!p0 $0xF7A, s2;
	p2 =	seq.s32 @!p0 s5, $0x0  }
0x1f: {  	s9 =	smul.u32 $0xF7A, s1;
	s8 =	simm.s32 @!p0 $0x1BF5;
	p2 =	por !p2, p0  }
0x20: {  	[sflag:s8] =	ssyncset.s32 @!p0 $0xFFFFF086;
	s6 =	sadd.s32 @!p0 s3, s7;
	s7 =	simm.s32 @!p0 $0x108  }
0x21: {  	s3 =	sadd.s32 s3, s9;
	s6 =	sadd.s32 @!p0 $0x88, s6;
	s7 =	simm.s32 @p2 $0x1082  }
0x22: {  	[simem:s7], [sflag:s8] =	dma.local @!p0 [hbm:s6], $0xF7A  }
0x23: {  	s9 =	sor.u32 $0xD0000000, s2;
	s6 =	simm.s32 $0x108;
	_ =	swait.ge @!p0 [sflag:s8], $0x0  }
0x24: {  	s3 =	sadd.s32 $0x88, s3;
	s6 =	simm.s32 @!p1 $0x1082;
	[sflag:s4] =	ssyncset.s32 $0xFFFFF086  }
0x25: {  	[simem:s6], [sflag:s4] =	dma.local [hbm:s3], $0xF7A  }
0x26: {  	[smem:$0x3F82] =	sst s1;
	(tag) =	ssettag s2;
	_ =	strace s9  }
0x27: {  	s1 =	sld [smem:$0x3F92]  }
0x28: {  	s2 =	sld [smem:$0x3F93]  }
0x29: {  	s4 =	sld [smem:$0x3F95]  }
0x2a: {  	p0 =	seq.s32 s5, $0x0;
	s5 =	sld [smem:$0x3F96]  }
0x2b: {  	s6 =	sld [smem:$0x3F97]  }
0x2c: {  	s7 =	sld [smem:$0x3F98]  }
0x2d: {  	s3 =	simm.s32 $0x108;
	s8 =	sld [smem:$0x3F99]  }
0x2e: {  	s3 =	simm.s32 @!p0 $0x1082;
	s9 =	sld [smem:$0x3F9A]  }
0x2f: {  	lr =	sadd.s32 s0, s3;
	s0 =	sld [smem:$0x3F91]  }
0x30: {  	s3 =	sld [smem:$0x3F94]  }
0x31: {  	[smem:$0x3F9D] =	sst s10  }
0x32: {  	s10 =	sld [smem:$0x3F9B];
	_ =	sdelay $0x3  }
0x33: {  	p0 =	seq.s32 s10, $0x1;
	s10 =	sld [smem:$0x3F9D];
	_ =	sdelay $0x3  }
0x34: {  	[smem:$0x3F9D] =	sst s10  }
0x35: {  	s10 =	sld [smem:$0x3F9C];
	_ =	sdelay $0x3  }
0x36: {  	p1 =	seq.s32 s10, $0x1;
	s10 =	sld [smem:$0x3F9D];
	_ =	sdelay $0x3  }
0x37: {  	[smem:$0x3F9D] =	sst s10  }
0x38: {  	s10 =	sld [smem:$0x3F9E]  }
0x39: {  	_ = 	snop;
	(pc) =	sbr.ind lr, $3  }
0x3a: {  	_ = 	snop  }
0x3b: {  	_ = 	snop  }
0x3c: {  	p2 =	seq.s32 s10, $0x1;
	s10 =	sld [smem:$0x3F9D]  }
0x3d: {  	_ =	shalt  }
0x3e: {  	_ =	shalt  }
0x3f: {  	_ =	shalt  }
0x40: {  	_ =	shalt  }
0x41: {  	_ =	shalt  }
0x42: {  	_ =	shalt  }
0x43: {  	_ =	shalt  }
0x44: {  	_ =	shalt  }
0x45: {  	_ =	shalt  }
0x46: {  	_ =	shalt  }
0x47: {  	_ =	shalt  }
0x48: {  	_ =	shalt  }
0x49: {  	_ =	shalt  }
0x4a: {  	_ =	shalt  }
0x4b: {  	_ =	shalt  }
0x4c: {  	_ =	shalt  }
0x4d: {  	_ =	shalt  }
0x4e: {  	_ =	shalt  }
0x4f: {  	_ =	shalt  }
0x50: {  	_ =	shalt  }
0x51: {  	_ =	shalt  }
0x52: {  	_ =	shalt  }
0x53: {  	_ =	shalt  }
0x54: {  	_ =	shalt  }
0x55: {  	_ =	shalt  }
0x56: {  	_ =	shalt  }
0x57: {  	_ =	shalt  }
0x58: {  	_ =	shalt  }
0x59: {  	_ =	shalt  }
0x5a: {  	_ =	shalt  }
0x5b: {  	_ =	shalt  }
0x5c: {  	_ =	shalt  }
0x5d: {  	_ =	shalt  }
0x5e: {  	_ =	shalt  }
0x5f: {  	_ =	shalt  }
0x60: {  	_ =	shalt  }
0x61: {  	_ =	shalt  }
0x62: {  	_ =	shalt  }
0x63: {  	_ =	shalt  }
0x64: {  	_ =	shalt  }
0x65: {  	_ =	shalt  }
0x66: {  	_ =	shalt  }
0x67: {  	_ =	shalt  }
0x68: {  	_ =	shalt  }
0x69: {  	_ =	shalt  }
0x6a: {  	_ =	shalt  }
0x6b: {  	_ =	shalt  }
0x6c: {  	_ =	shalt  }
0x6d: {  	_ =	shalt  }
0x6e: {  	_ =	shalt  }
0x6f: {  	_ =	shalt  }
0x70: {  	_ =	shalt  }
0x71: {  	_ =	shalt  }
0x72: {  	_ =	shalt  }
0x73: {  	_ =	shalt  }
0x74: {  	_ =	shalt  }
0x75: {  	_ =	shalt  }
0x76: {  	_ =	shalt  }
0x77: {  	_ =	shalt  }
0x78: {  	_ =	shalt  }
0x79: {  	_ =	shalt  }
0x7a: {  	_ =	shalt  }
0x7b: {  	_ =	shalt  }
0x7c: {  	_ =	shalt  }
0x7d: {  	_ =	shalt  }
0x7e: {  	_ =	shalt  }
0x7f: {  	_ =	shalt  }
0x80: {  	_ =	shalt  }
0x81: {  	_ =	shalt  }
0x82: {  	_ =	shalt  }
0x83: {  	_ =	shalt  }
0x84: {  	_ =	shalt  }
0x85: {  	_ =	shalt  }
0x86: {  	_ =	shalt  }
0x87: {  	_ =	shalt  }
.Lfunc_end0:
.L_simem_size_0:
called_computation_lowered:
.L_overlay_start_0:
0x88: {  	s2 =	sld [smem:$0x3FD9]  }
0x89: {  	s3 =	sld [smem:$0x3FFE];
	_ =	sdelay $0x1  }
0x8a: {  	s1 =	srdreg.scid  }
0x8b: {  	s0 =	sand.u32 $0x1, s1  }
0x8c: {  	s16 =	sshll.u32 s0, $0xA;
	s2 =	sadd.s32 s3, s2  }
0x8d: {  	s2 =	sadd.s32 s2, s16  }
0x8e: {  	[smem:$0x3FA9] =	sst s2  }
0x8f: {  	_ = 	snop  }
0x90: {  	(tm) =	ssettm $0x1  }
0x91: {  	s17 =	sld [smem:$0x3FFB];
	_ =	sdelay $0x3  }
0x92: {  	_ =	strace s17  }
0x93: {  	s2 =	sld [smem:$0x3FFC];
	_ =	sdelay $0x3  }
0x94: {  	_ =	strace s2  }
0x95: {  	s2 =	sld [smem:$0x3FFD];
	_ =	sdelay $0x3  }
0x96: {  	_ =	strace s2  }
0x97: {  	_ =	strace $0x8FFFFFFF  }
0x98: {  	s18 =	sld [smem:$0x3FDB];
	_ =	sdelay $0x1  }
0x99: {  	s19 =	simm.s32 $_scs_section_size  }
0x9a: {  	s4 =	simm.s32 $_size__tile_overlayer_lowered;
	s5 =	simm.s32 $_tile_overlayer_lowered  }
0x9b: {  	s22 =	simm.s32 $0x1BFF;
	s21 =	sshll.u32 s5, $0x1;
	s2 =	sadd.s32 s19, s18  }
0x9c: {  	s6 =	simm.s32 $0x0;
	s20 =	sshll.u32 s4, $0x1;
	s4 =	sadd.s32 s21, s2  }
0x9d: {  	[timem:s6], [sflag:s22] =	dma.local [hbm:s4], s20  }
0x9e: {  	_ =	swait.ge [sflag:s22], s20  }
0x9f: {  	s3 =	ssub.s32 $0x0, s20;
	[sflag:s22] =	ssyncset.done $0x0  }
0xa0: {  	[sflag:s22] =	ssyncadd.s32 s3;
	_ =	sdelay $0x1  }
0xa1: {  	s23 =	simm.s32 $0x1B8B  }
0xa2: {  	_ =	swait.ge [sflag:s23], $0x1  }
0xa3: {  	[sflag:s23] =	ssyncset.done $0x0  }
0xa4: {  	s25 =	simm.s32 $0x1B8E;
	s24 =	sld [smem:$0x3FFE];
	[sflag:s23] =	ssyncadd.s32 $0xFFFFFFFF  }
0xa5: {  	s26 =	simm.s32 $execute0_lowered;
	[smem:$0x3FD2] =	sst s25  }
0xa6: {  	s4 =	sshll.u32 s26, $0x1;
	_ =	strace $0x80000046;
	[dreg:$0x1] =	wrdreg $0xFFFFFFFF  }
0xa7: {  	s28 =	simm.s32 $_size_execute0_lowered;
	s2 =	sadd.s32 s2, s4;
	[dreg:$0x0] =	wrdreg $0x0  }
0xa8: {  	s4 =	sshll.u32 s28, $0x1;
	[dreg:$0x2] =	wrdreg s2  }
0xa9: {  	[dreg:$0x3] =	wrdreg s4  }
0xaa: {  	[dreg:$0x4] =	wrdreg $0xC0  }
0xab: {  	_ =	task [dreg:s6], $0x5FFFF  }
0xac: {  	[dreg:$0x1] =	wrdreg $0xFFFFFFFF  }
0xad: {  	[dreg:$0x0] =	wrdreg $0x60  }
0xae: {  	[dreg:$0x2] =	wrdreg s24  }
0xaf: {  	[dreg:$0x3] =	wrdreg $0x9  }
0xb0: {  	_ =	task.clear_ibuf [dreg:s6], $0x4FFFF;
	_ =	strace $0x90000046  }
0xb1: {  	s29 =	simm.s32 $0x9;
	_ =	strace $0x80000048  }
0xb2: {  	_ =	swait.ge [sflag:s29], $0x1  }
0xb3: {  	[sflag:s29] =	ssyncadd.s32 $0xFFFFFFFF  }
0xb4: {  	_ =	strace $0x90000048  }
0xb5: {  	_ =	sfence  }
0xb6: {  	s30 =	sld [smem:$0x0];
	_ =	sdelay $0x2  }
0xb7: {  	s31 =	sshll.u32 s1, $0xD;
	s1 =	sshrl.u32 s1, $0x2  }
0xb8: {  	s3 =	sand.u32 $0x4000, s31;
	s1 =	sadd.s32 s1, s30  }
0xb9: {  	s0 =	sor.u32 s3, s0;
	s1 =	sshll.u32 s1, $0x11  }
0xba: {  	s0 =	sor.u32 s1, s0  }
0xbb: {  	s0 =	sadd.s32 $0x8F2B, s0  }
0xbc: {  	[sflag:s0] =	ssyncadd.remote.s32 $0x1  }
0xbd: {  	_ =	sfence.sel $0xFFFF  }
0xbe: {  	[dreg:$0x0] =	wrdreg $0xFFFFFFFF;
	(pc) =	sbr.abs _section_cstart, $3  }
0xbf: {  	[dreg:$0x1] =	wrdreg $0xFFFFFFFF  }
0xc0: {  	_ =	task.clear_ibuf [dreg:s6], $0x2FFFF;
	_ =	strace $0x9FFFFFFF  }
0xc1: {  	(tm) =	ssettm $0x7FFFFFFF  }
tec
execute0_lowered:
.L_overlay_start_1:
0x0: {  	(tag) =	ssettag $0x1  }
0x1: {  	s1 =	srdreg.scid  }
0x2: {  	s0 =	stileid.u32;
	s4 =	rddreg [dreg:$0x0];
	s2 =	simm.s32 $0x0  }
0x3: {  	s11 =	simm.s32 $0xD000;
	s12 =	simm.s32 $0x11000;
	s13 =	simm.s32 $0x1  }
0x4: {  	s14 =	simm.s32 $0x0;
	s5 =	sand.u32 $0x1, s1;
	s1 =	rddreg [dreg:$0x1]  }
0x5: {  	s3 =	sshll.u32 s0, $0x1;
	[smem:$0x7FF] =	sst s2;
	s7 =	smul.u32 $0xA0000, s0  }
0x6: {  	s3 =	sor.u32 s5, s3;
	_ =	strace $0x80000047;
	s10 =	smul.u32 $0x50000, s5  }
0x7: {  	s8 =	ssub.s32 $0x2, s5;
	s6 =	smul.u32 $0xA00, s3;
	s3 =	sadd.s32 $0x32A00, s4  }
0x8: {  	s9 =	sshrl.u32 s8, $0x1;
	s30 =	sadd.s32 s7, s4;
	s7 =	simm.s32 $0x2  }
0x9: {  	s31 =	ssub.s32 s8, s9;
	s8 =	simm.s32 $0x80;
	s9 =	simm.s32 $0x5000  }
0xa: {  	s29 =	sadd.s32 s6, s4;
	s5 =	smax.u32 s31, $0x1;
	s6 =	sadd.s32 s10, s30  }
0xb: {  	s10 =	simm.s32 $0x9000;
	s4 =	sadd.s32 $0x1EA00, s29;
	s6 =	sadd.s32 $0x5B400, s6  }
.LBB2_1:
0xc: {  	[tilespmem:s2], [sflag:$0x2] =	stream.linear.gather [hbm4b:s4+s2], $0x5000, $0x38;
	[tilespmem:$0x15000] =	vst v63  }
0xd: {  	_ =	swait.ge [sflag:s7], $0x5000  }
0xe: {  	[sflag:s7] =	ssyncset.done $0x0  }
0xf: {  	s15 =	simm.s32 $0x0;
	[sflag:s7] =	ssyncadd.s32 $0xFFFFB000  }
0x10: {  	[tilespmem:s9], [sflag:$0x1] =	stream.indirect.gather [hbm4b:s3+s8], $0x80, s15, s8, $0xb8;
	[tilespmem:$0x15000] =	vst v63  }
0x11: {  	s25 =	simm.s32 $0x80  }
0x12: {  	[tilespmem:s10], [sflag:$0x1] =	stream.indirect.gather [hbm4b:s3+s8], $0x80, s25, s8, $0xb8;
	[tilespmem:$0x15000] =	vst v63  }
0x13: {  	s26 =	simm.s32 $0x100  }
0x14: {  	[tilespmem:s11], [sflag:$0x1] =	stream.indirect.gather [hbm4b:s3+s8], $0x80, s26, s8, $0xb8;
	[tilespmem:$0x15000] =	vst v63  }
0x15: {  	s28 =	simm.s32 $0x180  }
0x16: {  	[tilespmem:s12], [sflag:$0x1] =	stream.indirect.gather [hbm4b:s3+s8], $0x80, s28, s8, $0xb8;
	[tilespmem:$0x15000] =	vst v63  }
0x17: {  	_ =	swait.ge [sflag:s13], $0x4000  }
0x18: {  	[sflag:s13] =	ssyncset.done $0x0  }
0x19: {  	s29 =	sadd.s32 $0xFFFFE800, s6;
	[sflag:s13] =	ssyncadd.s32 $0xFFFFC000  }
0x1a: {  	[hbm4b:s29+s2] =	stream.linear.scatter [tilespmem:s9], [sflag:$0x2], $0x4000, $0x38;
	[tilespmem:$0x15000] =	vst v63  }
0x1b: {  	_ =	swait.ge [sflag:s7], $0x4000  }
0x1c: {  	[sflag:s7] =	ssyncset.done $0x0  }
0x1d: {  	[sflag:s7] =	ssyncadd.s32 $0xFFFFC000  }
0x1e: {  	_ =	swait.ge [sflag:s13], $0x4000  }
0x1f: {  	[sflag:s13] =	ssyncset.done $0x0  }
0x20: {  	s30 =	sadd.s32 $0xFFFFF000, s6;
	[sflag:s13] =	ssyncadd.s32 $0xFFFFC000  }
0x21: {  	[hbm4b:s30+s2] =	stream.linear.scatter [tilespmem:s10], [sflag:$0x2], $0x4000, $0x38;
	[tilespmem:$0x15000] =	vst v63  }
0x22: {  	_ =	swait.ge [sflag:s7], $0x4000  }
0x23: {  	[sflag:s7] =	ssyncset.done $0x0  }
0x24: {  	[sflag:s7] =	ssyncadd.s32 $0xFFFFC000  }
0x25: {  	_ =	swait.ge [sflag:s13], $0x4000  }
0x26: {  	[sflag:s13] =	ssyncset.done $0x0  }
0x27: {  	s31 =	sadd.s32 $0xFFFFF800, s6;
	[sflag:s13] =	ssyncadd.s32 $0xFFFFC000  }
0x28: {  	[hbm4b:s31+s2] =	stream.linear.scatter [tilespmem:s11], [sflag:$0x2], $0x4000, $0x38;
	[tilespmem:$0x15000] =	vst v63  }
0x29: {  	_ =	swait.ge [sflag:s7], $0x4000  }
0x2a: {  	[sflag:s7] =	ssyncset.done $0x0  }
0x2b: {  	[sflag:s7] =	ssyncadd.s32 $0xFFFFC000  }
0x2c: {  	_ =	swait.ge [sflag:s13], $0x4000  }
0x2d: {  	[sflag:s13] =	ssyncset.done $0x0  }
0x2e: {  	[sflag:s13] =	ssyncadd.s32 $0xFFFFC000  }
0x2f: {  	[hbm4b:s6+s2] =	stream.linear.scatter [tilespmem:s12], [sflag:$0x2], $0x4000, $0x38;
	[tilespmem:$0x15000] =	vst v63  }
0x30: {  	s16 =	simm.s32 $0x800;
	_ =	swait.ge [sflag:s7], $0x4000  }
0x31: {  	s18 =	simm.s32 $0x1000;
	s15 =	sadd.s32 $0x2000, s6;
	[sflag:s7] =	ssyncset.done $0x0  }
.LBB2_2:
0x32: {  	s19 =	sshra.s32 s16, $0x2  }
0x33: {  	[sflag:s7] =	ssyncadd.s32 $0xFFFFC000;
	s16 =	smov.u32 s18;
	s17 =	sadd.s32 $0x800, s18  }
0x34: {  	[tilespmem:s9], [sflag:$0x1] =	stream.indirect.gather [hbm4b:s3+s8], $0x80, s19, s8, $0xb8;
	[tilespmem:$0x15000] =	vst v63  }
0x35: {  	p0 =	sne.s32 s18, $0x13800;
	s18 =	sadd.s32 $0x80, s19  }
0x36: {  	[tilespmem:s10], [sflag:$0x1] =	stream.indirect.gather [hbm4b:s3+s8], $0x80, s18, s8, $0xb8;
	[tilespmem:$0x15000] =	vst v63  }
0x37: {  	s18 =	sadd.s32 $0x100, s19  }
0x38: {  	[tilespmem:s11], [sflag:$0x1] =	stream.indirect.gather [hbm4b:s3+s8], $0x80, s18, s8, $0xb8;
	[tilespmem:$0x15000] =	vst v63  }
0x39: {  	s18 =	sadd.s32 $0x180, s19  }
0x3a: {  	[tilespmem:s12], [sflag:$0x1] =	stream.indirect.gather [hbm4b:s3+s8], $0x80, s18, s8, $0xb8;
	[tilespmem:$0x15000] =	vst v63  }
0x3b: {  	_ =	swait.ge [sflag:s13], $0x4000  }
0x3c: {  	[sflag:s13] =	ssyncset.done $0x0  }
0x3d: {  	s18 =	sadd.s32 $0xFFFFE800, s15;
	[sflag:s13] =	ssyncadd.s32 $0xFFFFC000  }
0x3e: {  	[hbm4b:s18+s2] =	stream.linear.scatter [tilespmem:s9], [sflag:$0x2], $0x4000, $0x38;
	[tilespmem:$0x15000] =	vst v63  }
0x3f: {  	_ =	swait.ge [sflag:s7], $0x4000  }
0x40: {  	[sflag:s7] =	ssyncset.done $0x0  }
0x41: {  	[sflag:s7] =	ssyncadd.s32 $0xFFFFC000  }
0x42: {  	_ =	swait.ge [sflag:s13], $0x4000  }
0x43: {  	[sflag:s13] =	ssyncset.done $0x0  }
0x44: {  	s18 =	sadd.s32 $0xFFFFF000, s15;
	[sflag:s13] =	ssyncadd.s32 $0xFFFFC000  }
0x45: {  	[hbm4b:s18+s2] =	stream.linear.scatter [tilespmem:s10], [sflag:$0x2], $0x4000, $0x38;
	[tilespmem:$0x15000] =	vst v63  }
0x46: {  	_ =	swait.ge [sflag:s7], $0x4000  }
0x47: {  	[sflag:s7] =	ssyncset.done $0x0  }
0x48: {  	[sflag:s7] =	ssyncadd.s32 $0xFFFFC000  }
0x49: {  	_ =	swait.ge [sflag:s13], $0x4000  }
0x4a: {  	[sflag:s13] =	ssyncset.done $0x0  }
0x4b: {  	s18 =	sadd.s32 $0xFFFFF800, s15;
	[sflag:s13] =	ssyncadd.s32 $0xFFFFC000  }
0x4c: {  	[hbm4b:s18+s2] =	stream.linear.scatter [tilespmem:s11], [sflag:$0x2], $0x4000, $0x38;
	[tilespmem:$0x15000] =	vst v63  }
0x4d: {  	_ =	swait.ge [sflag:s7], $0x4000  }
0x4e: {  	[sflag:s7] =	ssyncset.done $0x0  }
0x4f: {  	[sflag:s7] =	ssyncadd.s32 $0xFFFFC000  }
0x50: {  	_ =	swait.ge [sflag:s13], $0x4000  }
.Ltmp0:
0x51: {  	[sflag:s13] =	ssyncset.done $0x0;
	(pc) =	sbr.rel @p0 .LBB2_2-.Ltmp0, $4  }
0x52: {  	[sflag:s13] =	ssyncadd.s32 $0xFFFFC000  }
0x53: {  	[hbm4b:s15+s2] =	stream.linear.scatter [tilespmem:s12], [sflag:$0x2], $0x4000, $0x38;
	[tilespmem:$0x15000] =	vst v63  }
0x54: {  	_ =	swait.ge [sflag:s7], $0x4000  }
0x55: {  	s18 =	smov.u32 s17;
	s15 =	sadd.s32 $0x2000, s15;
	[sflag:s7] =	ssyncset.done $0x0  }
0x56: {  	s16 =	sshra.s32 s16, $0x2;
	[sflag:s7] =	ssyncadd.s32 $0xFFFFC000  }
0x57: {  	[tilespmem:s9], [sflag:$0x1] =	stream.indirect.gather [hbm4b:s3+s8], $0x80, s16, s8, $0xb8;
	[tilespmem:$0x15000] =	vst v63  }
0x58: {  	s17 =	sadd.s32 $0x80, s16  }
0x59: {  	[tilespmem:s10], [sflag:$0x1] =	stream.indirect.gather [hbm4b:s3+s8], $0x80, s17, s8, $0xb8;
	[tilespmem:$0x15000] =	vst v63  }
0x5a: {  	s28 =	sadd.s32 $0x100, s16  }
0x5b: {  	[tilespmem:s11], [sflag:$0x1] =	stream.indirect.gather [hbm4b:s3+s8], $0x80, s28, s8, $0xb8;
	[tilespmem:$0x15000] =	vst v63  }
0x5c: {  	s16 =	sadd.s32 $0x180, s16  }
0x5d: {  	[tilespmem:s12], [sflag:$0x1] =	stream.indirect.gather [hbm4b:s3+s8], $0x80, s16, s8, $0xb8;
	[tilespmem:$0x15000] =	vst v63  }
0x5e: {  	_ =	swait.ge [sflag:s13], $0x4000  }
0x5f: {  	[sflag:s13] =	ssyncset.done $0x0  }
0x60: {  	s29 =	sadd.s32 $0xFFFFE800, s15;
	[sflag:s13] =	ssyncadd.s32 $0xFFFFC000  }
0x61: {  	[hbm4b:s29+s2] =	stream.linear.scatter [tilespmem:s9], [sflag:$0x2], $0x4000, $0x38;
	[tilespmem:$0x15000] =	vst v63  }
0x62: {  	_ =	swait.ge [sflag:s7], $0x4000  }
0x63: {  	[sflag:s7] =	ssyncset.done $0x0  }
0x64: {  	[sflag:s7] =	ssyncadd.s32 $0xFFFFC000  }
0x65: {  	_ =	swait.ge [sflag:s13], $0x4000  }
0x66: {  	[sflag:s13] =	ssyncset.done $0x0  }
0x67: {  	s30 =	sadd.s32 $0xFFFFF000, s15;
	[sflag:s13] =	ssyncadd.s32 $0xFFFFC000  }
0x68: {  	[hbm4b:s30+s2] =	stream.linear.scatter [tilespmem:s10], [sflag:$0x2], $0x4000, $0x38;
	[tilespmem:$0x15000] =	vst v63  }
0x69: {  	_ =	swait.ge [sflag:s7], $0x4000  }
0x6a: {  	[sflag:s7] =	ssyncset.done $0x0  }
0x6b: {  	[sflag:s7] =	ssyncadd.s32 $0xFFFFC000  }
0x6c: {  	_ =	swait.ge [sflag:s13], $0x4000  }
0x6d: {  	[sflag:s13] =	ssyncset.done $0x0  }
0x6e: {  	s31 =	sadd.s32 $0xFFFFF800, s15;
	[sflag:s13] =	ssyncadd.s32 $0xFFFFC000  }
0x6f: {  	[hbm4b:s31+s2] =	stream.linear.scatter [tilespmem:s11], [sflag:$0x2], $0x4000, $0x38;
	[tilespmem:$0x15000] =	vst v63  }
0x70: {  	_ =	swait.ge [sflag:s7], $0x4000  }
0x71: {  	[sflag:s7] =	ssyncset.done $0x0  }
0x72: {  	[sflag:s7] =	ssyncadd.s32 $0xFFFFC000  }
0x73: {  	s14 =	sadd.s32 $0x1, s14;
	_ =	swait.ge [sflag:s13], $0x4000  }
0x74: {  	p0 =	sne.s32 s14, s5;
	[sflag:s13] =	ssyncset.done $0x0  }
.Ltmp1:
0x75: {  	[sflag:s13] =	ssyncadd.s32 $0xFFFFC000;
	(pc) =	sbr.rel @p0 .LBB2_1-.Ltmp1, $4  }
0x76: {  	[hbm4b:s15+s2] =	stream.linear.scatter [tilespmem:s12], [sflag:$0x2], $0x4000, $0x38;
	[tilespmem:$0x15000] =	vst v63  }
0x77: {  	_ =	swait.ge [sflag:s7], $0x4000  }
0x78: {  	[sflag:s7] =	ssyncset.done $0x0  }
0x79: {  	[sflag:s7] =	ssyncadd.s32 $0xFFFFC000  }
0x7a: {  	_ =	sfence.sel $0x180000  }
0x7b: {  	[bflag:$0x0] =	sbarrier.arrive $0xFFFF  }
0x7c: {  	p0 =	sne.s32 s0, $0x0;
	_ =	strace $0x90000047  }
0x7d: {  	s0 =	sadd.s32 @!p0 $0x100000, s1;
	[bflag:$0x2] =	sbarrier.arrive $0xFFFF  }
0x7e: {  	[sflag:s0] =	ssyncadd.tile.s32 @!p0 $0x1;
	_ =	shalt  }
.Lfunc_end2:
_tile_overlayer_lowered:
.L_overlay_start_2:
0x7f: {  	(tag) =	ssettag $0x2  }
0x80: {  	s0 =	rddreg [dreg:$0x0];
	s2 =	stileid.u32  }
0x81: {  	s1 =	rddreg [dreg:$0x1];
	p0 =	sne.s32 s2, $0x0  }
0x82: {  	s3 =	rddreg [dreg:$0x2];
	[bflag:$0x3] =	sbarrier.arrive $0xFFFF;
	s2 =	simm.s32 @!p0 $0x1C02  }
0x83: {  	[timem:s3], [sflag:s2] =	dma.local @!p0 [hbm:s0], s1  }
0x84: {  	s0 =	simm.s32 @!p0 $0x2  }
0x85: {  	_ =	swait.ge @!p0 [sflag:s0], s1  }
0x86: {  	s1 =	ssub.s32 @!p0 $0x0, s1;
	[sflag:s0] =	ssyncset.done @!p0 $0x0  }
0x87: {  	[sflag:s0] =	ssyncadd.s32 @!p0 s1  }
0x88: {  	[bflag:$0x3] =	sbarrier.arrive $0xFFFF  }
0x89: {  	_ =	shalt  }

// kernel: kernel.28.cloned.1.call-start
scs
__scs_entry_jumppad:
0x0: {  	(pc) =	sbr.rel $0x88, $3  }
0x1: {  	(tag) =	ssettag $0x0;
	lr =	simm.s32 $0x1  }
0x2: {  	[smem:$0x3F82] =	sst lr;
	_ =	strace $0xD0000000  }
0x3: {  	_ = 	snop  }
0x4: {  	_ = 	snop  }
0x5: {  	_ = 	snop  }
0x6: {  	_ = 	snop  }
0x7: {  	_ = 	snop  }
__scs_overlays_trampoline_lowered:
0x8: {  	[smem:$0x3F91] =	sst s0  }
0x9: {  	[smem:$0x3F92] =	sst s1  }
0xa: {  	[smem:$0x3F93] =	sst s2  }
0xb: {  	[smem:$0x3F94] =	sst s3  }
0xc: {  	[smem:$0x3F95] =	sst s4  }
0xd: {  	[smem:$0x3F96] =	sst s5  }
0xe: {  	[smem:$0x3F97] =	sst s6  }
0xf: {  	[smem:$0x3F98] =	sst s7  }
0x10: {  	[smem:$0x3F99] =	sst s8  }
0x11: {  	[smem:$0x3F9A] =	sst s9;
	s0 =	simm.s32 @!p0 $0x0  }
0x12: {  	s1 =	sld [smem:$0x3F80];
	s0 =	simm.s32 @p0 $0x1  }
0x13: {  	[smem:$0x3F9B] =	sst s0;
	s0 =	simm.s32 @!p1 $0x0  }
0x14: {  	s2 =	sld [smem:$0x3F7F];
	s0 =	simm.s32 @p1 $0x1  }
0x15: {  	[smem:$0x3F9C] =	sst s0;
	s0 =	simm.s32 @!p2 $0x0  }
0x16: {  	s3 =	sld [smem:$0x3FDB];
	s0 =	simm.s32 @p2 $0x1  }
0x17: {  	s4 =	simm.s32 $0x1BF5;
	[smem:$0x3F9E] =	sst s0  }
0x18: {  	s0 =	sld [smem:$0x3F81];
	_ =	swait.ge [sflag:s4], $0x0  }
0x19: {  	s7 =	sld [smem:$0x3F82]  }
0x1a: {  	s8 =	sadd.s32 $0xFFFFE003, lr  }
0x1b: {  	s9 =	sadd.s32 $0xFFFFFEF7, lr;
	s5 =	simm.s32 $0xFFFFFFFF;
	p2 =	slt.u32 s8, $0xFFFFF086  }
0x1c: {  	p1 =	slt.u32 s9, $0xF7A;
	s5 =	simm.s32 @!p2 $0x0  }
0x1d: {  	s5 =	simm.s32 @p1 $0x1;
	p0 =	seq.s32 s7, s2  }
0x1e: {  	s7 =	smul.u32 @!p0 $0xF7A, s2;
	p2 =	seq.s32 @!p0 s5, $0x0  }
0x1f: {  	s9 =	smul.u32 $0xF7A, s1;
	s8 =	simm.s32 @!p0 $0x1BF5;
	p2 =	por !p2, p0  }
0x20: {  	[sflag:s8] =	ssyncset.s32 @!p0 $0xFFFFF086;
	s6 =	sadd.s32 @!p0 s3, s7;
	s7 =	simm.s32 @!p0 $0x108  }
0x21: {  	s3 =	sadd.s32 s3, s9;
	s6 =	sadd.s32 @!p0 $0x88, s6;
	s7 =	simm.s32 @p2 $0x1082  }
0x22: {  	[simem:s7], [sflag:s8] =	dma.local @!p0 [hbm:s6], $0xF7A  }
0x23: {  	s9 =	sor.u32 $0xD0000000, s2;
	s6 =	simm.s32 $0x108;
	_ =	swait.ge @!p0 [sflag:s8], $0x0  }
0x24: {  	s3 =	sadd.s32 $0x88, s3;
	s6 =	simm.s32 @!p1 $0x1082;
	[sflag:s4] =	ssyncset.s32 $0xFFFFF086  }
0x25: {  	[simem:s6], [sflag:s4] =	dma.local [hbm:s3], $0xF7A  }
0x26: {  	[smem:$0x3F82] =	sst s1;
	(tag) =	ssettag s2;
	_ =	strace s9  }
0x27: {  	s1 =	sld [smem:$0x3F92]  }
0x28: {  	s2 =	sld [smem:$0x3F93]  }
0x29: {  	s4 =	sld [smem:$0x3F95]  }
0x2a: {  	p0 =	seq.s32 s5, $0x0;
	s5 =	sld [smem:$0x3F96]  }
0x2b: {  	s6 =	sld [smem:$0x3F97]  }
0x2c: {  	s7 =	sld [smem:$0x3F98]  }
0x2d: {  	s3 =	simm.s32 $0x108;
	s8 =	sld [smem:$0x3F99]  }
0x2e: {  	s3 =	simm.s32 @!p0 $0x1082;
	s9 =	sld [smem:$0x3F9A]  }
0x2f: {  	lr =	sadd.s32 s0, s3;
	s0 =	sld [smem:$0x3F91]  }
0x30: {  	s3 =	sld [smem:$0x3F94]  }
0x31: {  	[smem:$0x3F9D] =	sst s10  }
0x32: {  	s10 =	sld [smem:$0x3F9B];
	_ =	sdelay $0x3  }
0x33: {  	p0 =	seq.s32 s10, $0x1;
	s10 =	sld [smem:$0x3F9D];
	_ =	sdelay $0x3  }
0x34: {  	[smem:$0x3F9D] =	sst s10  }
0x35: {  	s10 =	sld [smem:$0x3F9C];
	_ =	sdelay $0x3  }
0x36: {  	p1 =	seq.s32 s10, $0x1;
	s10 =	sld [smem:$0x3F9D];
	_ =	sdelay $0x3  }
0x37: {  	[smem:$0x3F9D] =	sst s10  }
0x38: {  	s10 =	sld [smem:$0x3F9E]  }
0x39: {  	_ = 	snop;
	(pc) =	sbr.ind lr, $3  }
0x3a: {  	_ = 	snop  }
0x3b: {  	_ = 	snop  }
0x3c: {  	p2 =	seq.s32 s10, $0x1;
	s10 =	sld [smem:$0x3F9D]  }
0x3d: {  	_ =	shalt  }
0x3e: {  	_ =	shalt  }
0x3f: {  	_ =	shalt  }
0x40: {  	_ =	shalt  }
0x41: {  	_ =	shalt  }
0x42: {  	_ =	shalt  }
0x43: {  	_ =	shalt  }
0x44: {  	_ =	shalt  }
0x45: {  	_ =	shalt  }
0x46: {  	_ =	shalt  }
0x47: {  	_ =	shalt  }
0x48: {  	_ =	shalt  }
0x49: {  	_ =	shalt  }
0x4a: {  	_ =	shalt  }
0x4b: {  	_ =	shalt  }
0x4c: {  	_ =	shalt  }
0x4d: {  	_ =	shalt  }
0x4e: {  	_ =	shalt  }
0x4f: {  	_ =	shalt  }
0x50: {  	_ =	shalt  }
0x51: {  	_ =	shalt  }
0x52: {  	_ =	shalt  }
0x53: {  	_ =	shalt  }
0x54: {  	_ =	shalt  }
0x55: {  	_ =	shalt  }
0x56: {  	_ =	shalt  }
0x57: {  	_ =	shalt  }
0x58: {  	_ =	shalt  }
0x59: {  	_ =	shalt  }
0x5a: {  	_ =	shalt  }
0x5b: {  	_ =	shalt  }
0x5c: {  	_ =	shalt  }
0x5d: {  	_ =	shalt  }
0x5e: {  	_ =	shalt  }
0x5f: {  	_ =	shalt  }
0x60: {  	_ =	shalt  }
0x61: {  	_ =	shalt  }
0x62: {  	_ =	shalt  }
0x63: {  	_ =	shalt  }
0x64: {  	_ =	shalt  }
0x65: {  	_ =	shalt  }
0x66: {  	_ =	shalt  }
0x67: {  	_ =	shalt  }
0x68: {  	_ =	shalt  }
0x69: {  	_ =	shalt  }
0x6a: {  	_ =	shalt  }
0x6b: {  	_ =	shalt  }
0x6c: {  	_ =	shalt  }
0x6d: {  	_ =	shalt  }
0x6e: {  	_ =	shalt  }
0x6f: {  	_ =	shalt  }
0x70: {  	_ =	shalt  }
0x71: {  	_ =	shalt  }
0x72: {  	_ =	shalt  }
0x73: {  	_ =	shalt  }
0x74: {  	_ =	shalt  }
0x75: {  	_ =	shalt  }
0x76: {  	_ =	shalt  }
0x77: {  	_ =	shalt  }
0x78: {  	_ =	shalt  }
0x79: {  	_ =	shalt  }
0x7a: {  	_ =	shalt  }
0x7b: {  	_ =	shalt  }
0x7c: {  	_ =	shalt  }
0x7d: {  	_ =	shalt  }
0x7e: {  	_ =	shalt  }
0x7f: {  	_ =	shalt  }
0x80: {  	_ =	shalt  }
0x81: {  	_ =	shalt  }
0x82: {  	_ =	shalt  }
0x83: {  	_ =	shalt  }
0x84: {  	_ =	shalt  }
0x85: {  	_ =	shalt  }
0x86: {  	_ =	shalt  }
0x87: {  	_ =	shalt  }
.Lfunc_end0:
.L_simem_size_0:
called_computation.1_lowered:
.L_overlay_start_0:
0x88: {  	s2 =	sld [smem:$0x3FD9]  }
0x89: {  	s3 =	sld [smem:$0x3FFE];
	_ =	sdelay $0x1  }
0x8a: {  	s1 =	srdreg.scid  }
0x8b: {  	s0 =	sand.u32 $0x1, s1  }
0x8c: {  	s16 =	sshll.u32 s0, $0xA;
	s2 =	sadd.s32 s3, s2  }
0x8d: {  	s2 =	sadd.s32 s2, s16  }
0x8e: {  	[smem:$0x3FA9] =	sst s2  }
0x8f: {  	_ = 	snop  }
0x90: {  	(tm) =	ssettm $0x1  }
0x91: {  	s17 =	sld [smem:$0x3FFB];
	_ =	sdelay $0x3  }
0x92: {  	_ =	strace s17  }
0x93: {  	s2 =	sld [smem:$0x3FFC];
	_ =	sdelay $0x3  }
0x94: {  	_ =	strace s2  }
0x95: {  	s2 =	sld [smem:$0x3FFD];
	_ =	sdelay $0x3  }
0x96: {  	_ =	strace s2  }
0x97: {  	_ =	strace $0x8FFFFFFF  }
0x98: {  	s18 =	sld [smem:$0x3FDB];
	_ =	sdelay $0x1  }
0x99: {  	s19 =	simm.s32 $_scs_section_size  }
0x9a: {  	s4 =	simm.s32 $_size__tile_overlayer_lowered;
	s5 =	simm.s32 $_tile_overlayer_lowered  }
0x9b: {  	s22 =	simm.s32 $0x1BFF;
	s21 =	sshll.u32 s5, $0x1;
	s2 =	sadd.s32 s19, s18  }
0x9c: {  	s6 =	simm.s32 $0x0;
	s20 =	sshll.u32 s4, $0x1;
	s4 =	sadd.s32 s21, s2  }
0x9d: {  	[timem:s6], [sflag:s22] =	dma.local [hbm:s4], s20  }
0x9e: {  	_ =	swait.ge [sflag:s22], s20  }
0x9f: {  	s3 =	ssub.s32 $0x0, s20;
	[sflag:s22] =	ssyncset.done $0x0  }
0xa0: {  	[sflag:s22] =	ssyncadd.s32 s3;
	_ =	sdelay $0x1  }
0xa1: {  	s23 =	simm.s32 $0x1B8B  }
0xa2: {  	_ =	swait.ge [sflag:s23], $0x1  }
0xa3: {  	[sflag:s23] =	ssyncset.done $0x0  }
0xa4: {  	s25 =	simm.s32 $0x1B8E;
	s24 =	sld [smem:$0x3FFE];
	[sflag:s23] =	ssyncadd.s32 $0xFFFFFFFF  }
0xa5: {  	s26 =	simm.s32 $execute0_lowered;
	[smem:$0x3FD2] =	sst s25  }
0xa6: {  	s4 =	sshll.u32 s26, $0x1;
	_ =	strace $0x80000049;
	[dreg:$0x1] =	wrdreg $0xFFFFFFFF  }
0xa7: {  	s28 =	simm.s32 $_size_execute0_lowered;
	s2 =	sadd.s32 s2, s4;
	[dreg:$0x0] =	wrdreg $0x0  }
0xa8: {  	s4 =	sshll.u32 s28, $0x1;
	[dreg:$0x2] =	wrdreg s2  }
0xa9: {  	[dreg:$0x3] =	wrdreg s4  }
0xaa: {  	[dreg:$0x4] =	wrdreg $0xC0  }
0xab: {  	_ =	task [dreg:s6], $0x5FFFF  }
0xac: {  	[dreg:$0x1] =	wrdreg $0xFFFFFFFF  }
0xad: {  	[dreg:$0x0] =	wrdreg $0x60  }
0xae: {  	[dreg:$0x2] =	wrdreg s24  }
0xaf: {  	[dreg:$0x3] =	wrdreg $0x68000  }
0xb0: {  	[dreg:$0x4] =	wrdreg $0x9  }
0xb1: {  	_ =	task.clear_ibuf [dreg:s6], $0x5FFFF;
	_ =	strace $0x90000049  }
0xb2: {  	s29 =	simm.s32 $0x9;
	_ =	strace $0x8000004B  }
0xb3: {  	_ =	swait.ge [sflag:s29], $0x1  }
0xb4: {  	[sflag:s29] =	ssyncadd.s32 $0xFFFFFFFF  }
0xb5: {  	_ =	strace $0x9000004B  }
0xb6: {  	_ =	sfence  }
0xb7: {  	s30 =	sld [smem:$0x0];
	_ =	sdelay $0x2  }
0xb8: {  	s31 =	sshll.u32 s1, $0xD;
	s1 =	sshrl.u32 s1, $0x2  }
0xb9: {  	s3 =	sand.u32 $0x4000, s31;
	s1 =	sadd.s32 s1, s30  }
0xba: {  	s0 =	sor.u32 s3, s0;
	s1 =	sshll.u32 s1, $0x11  }
0xbb: {  	s0 =	sor.u32 s1, s0  }
0xbc: {  	s0 =	sadd.s32 $0x8F2B, s0  }
0xbd: {  	[sflag:s0] =	ssyncadd.remote.s32 $0x1  }
0xbe: {  	_ =	sfence.sel $0xFFFF  }
0xbf: {  	[dreg:$0x0] =	wrdreg $0xFFFFFFFF;
	(pc) =	sbr.abs _section_cstart, $3  }
0xc0: {  	[dreg:$0x1] =	wrdreg $0xFFFFFFFF  }
0xc1: {  	_ =	task.clear_ibuf [dreg:s6], $0x2FFFF;
	_ =	strace $0x9FFFFFFF  }
0xc2: {  	(tm) =	ssettm $0x7FFFFFFF  }
0xc3: {  	_ =	shalt  }
tec
execute0_lowered:
.L_overlay_start_1:
0x0: {  	(tag) =	ssettag $0x1  }
0x1: {  	s0 =	stileid.u32  }
0x2: {  	s1 =	srdreg.scid;
	s4 =	rddreg [dreg:$0x0]  }
0x3: {  	s2 =	rddreg [dreg:$0x1];
	s3 =	simm.s32 $0x0;
	s13 =	simm.s32 $0x80  }
0x4: {  	s14 =	simm.s32 $0x0;
	s5 =	sand.u32 $0x1, s1;
	s6 =	smul.u32 $0x50000, s0  }
0x5: {  	s24 =	sshll.u32 s0, $0x1;
	s1 =	rddreg [dreg:$0x2];
	s8 =	smul.u32 $0x13C00, s0  }
0x6: {  	[smem:$0x7FF] =	sst s3;
	s11 =	smul.u32 $0x4F000, s0;
	s29 =	sshll.u32 s0, $0x6  }
0x7: {  	s7 =	sor.u32 s5, s24;
	_ =	strace $0x8000004A;
	s9 =	smul.u32 $0x13C000, s5  }
0x8: {  	s28 =	ssub.s32 $0x2, s5;
	s30 =	smul.u32 $0x28000, s5;
	s5 =	sor.u32 $0x1C01, s29  }
0x9: {  	s7 =	smul.u32 $0x500, s7;
	s10 =	sadd.s32 s6, s4;
	s26 =	sshrl.u32 s8, $0x3  }
0xa: {  	s12 =	sshrl.u32 s28, $0x1;
	s11 =	sshrl.u32 s11, $0x2;
	s8 =	sadd.s32 s8, s9  }
0xb: {  	s9 =	ssub.s32 s28, s12;
	s11 =	sadd.s32 s11, s2;
	s31 =	sadd.s32 s30, s10  }
0xc: {  	s12 =	simm.s32 $0x2800;
	s25 =	sadd.s32 s7, s4;
	s7 =	sadd.s32 s26, s4  }
0xd: {  	s8 =	sshrl.u32 s8, $0x3;
	s10 =	sshrl.u32 s11, $0x3;
	s11 =	simm.s32 $0x1  }
0xe: {  	s8 =	sadd.s32 s8, s4;
	s4 =	sadd.s32 $0x559C00, s7;
	s6 =	sadd.s32 $0xF6D400, s25  }
0xf: {  	s7 =	sadd.s32 $0x581400, s8;
	s8 =	smax.u32 s9, $0x1;
	s9 =	sadd.s32 $0x59C00, s31  }
.LBB2_1:
0x10: {  	[spmem:s10], [sflag:s5] =	dma.local [hbm:s4], $0x2780  }
0x11: {  	_ =	swait.ge [sflag:s11], $0x2780  }
0x12: {  	[sflag:s11] =	ssyncset.done $0x0  }
0x13: {  	[sflag:s11] =	ssyncadd.s32 $0xFFFFD880  }
0x14: {  	[tilespmem:s3], [sflag:$0x1] =	stream.linear.gather [hbm4b:s6+s3], $0x2800, $0x38;
	[tilespmem:$0x1A400] =	vst v63  }
0x15: {  	_ =	swait.ge [sflag:s11], $0x2800  }
0x16: {  	[sflag:s11] =	ssyncset.done $0x0  }
0x17: {  	[sflag:s11] =	ssyncadd.s32 $0xFFFFD800  }
0x18: {  	[bflag:$0x0] =	sbarrier.arrive $0xFFFF  }
0x19: {  	[tilespmem:s12], [sflag:$0x1] =	stream.linear.gather [hbm4b:s9+s3], $0x4000, $0x38;
	[tilespmem:$0x1A400] =	vst v63  }
0x1a: {  	_ =	swait.ge [sflag:s11], $0x4000  }
0x1b: {  	[sflag:s11] =	ssyncset.done $0x0  }
0x1c: {  	s15 =	simm.s32 $0x0;
	[sflag:s11] =	ssyncadd.s32 $0xFFFFC000  }
0x1d: {  	[spmem:s2] =	stream.indirect.scatter.add.f32 [tilespmem:s12], [sflag:$0x1], $0x80, s15, s13, $0xb8;
	[tilespmem:$0x1A400] =	vst v63  }
0x1e: {  	_ =	swait.ge [sflag:s11], $0x4000  }
0x1f: {  	s16 =	smov.u32 s9;
	s15 =	simm.s32 $0x200;
	[sflag:s11] =	ssyncset.done $0x0  }
.LBB2_2:
0x20: {  	p0 =	sne.s32 s15, $0x9E00;
	[sflag:s11] =	ssyncadd.s32 $0xFFFFC000;
	s16 =	sadd.s32 $0x800, s16  }
0x21: {  	[tilespmem:s12], [sflag:$0x1] =	stream.linear.gather [hbm4b:s16+s3], $0x4000, $0x38;
	[tilespmem:$0x1A400] =	vst v63  }
0x22: {  	s17 =	smov.u32 s15;
	s15 =	sadd.s32 $0x200, s15;
	_ =	swait.ge [sflag:s11], $0x4000  }
.Ltmp0:
0x23: {  	[sflag:s11] =	ssyncset.done $0x0;
	(pc) =	sbr.rel @p0 .LBB2_2-.Ltmp0, $4  }
0x24: {  	s17 =	sshra.s32 s17, $0x2;
	[sflag:s11] =	ssyncadd.s32 $0xFFFFC000  }
0x25: {  	[spmem:s2] =	stream.indirect.scatter.add.f32 [tilespmem:s12], [sflag:$0x1], $0x80, s17, s13, $0xb8;
	[tilespmem:$0x1A400] =	vst v63  }
0x26: {  	_ =	swait.ge [sflag:s11], $0x4000  }
0x27: {  	[sflag:s11] =	ssyncset.done $0x0  }
0x28: {  	s14 =	sadd.s32 $0x1, s14  }
0x29: {  	[sflag:s11] =	ssyncadd.s32 $0xFFFFC000;
	p0 =	sne.s32 s14, s8  }
.Ltmp1:
0x2a: {  	[bflag:$0x0] =	sbarrier.arrive $0xFFFF;
	(pc) =	sbr.rel @p0 .LBB2_1-.Ltmp1, $4  }
0x2b: {  	[hbm:s7], [sflag:s5] =	dma.local [spmem:s10], $0x2780  }
0x2c: {  	_ =	swait.ge [sflag:s11], $0x2780  }
0x2d: {  	[sflag:s11] =	ssyncset.done $0x0  }
0x2e: {  	[sflag:s11] =	ssyncadd.s32 $0xFFFFD880  }
0x2f: {  	_ =	sfence.sel $0x180000  }
0x30: {  	[bflag:$0x0] =	sbarrier.arrive $0xFFFF  }
0x31: {  	p0 =	sne.s32 s0, $0x0;
	_ =	strace $0x9000004A  }
0x32: {  	s0 =	sadd.s32 @!p0 $0x100000, s1;
	[bflag:$0x2] =	sbarrier.arrive $0xFFFF  }
0x33: {  	[sflag:s0] =	ssyncadd.tile.s32 @!p0 $0x1;
	_ =	shalt  }
.Lfunc_end2:
_tile_overlayer_lowered:
.L_overlay_start_2:
0x34: {  	(tag) =	ssettag $0x2  }
0x35: {  	s0 =	rddreg [dreg:$0x0];
	s2 =	stileid.u32  }
0x36: {  	s1 =	rddreg [dreg:$0x1];
	p0 =	sne.s32 s2, $0x0  }
0x37: {  	s3 =	rddreg [dreg:$0x2];
	[bflag:$0x3] =	sbarrier.arrive $0xFFFF;
	s2 =	simm.s32 @!p0 $0x1C01  }
0x38: {  	[timem:s3], [sflag:s2] =	dma.local @!p0 [hbm:s0], s1  }
0x39: {  	s0 =	simm.s32 @!p0 $0x1  }
0x3a: {  	_ =	swait.ge @!p0 [sflag:s0], s1  }
0x3b: {  	s1 =	ssub.s32 @!p0 $0x0, s1;
	[sflag:s0] =	ssyncset.done @!p0 $0x0  }
0x3c: {  	[sflag:s0] =	ssyncadd.s32 @!p0 s1  }
0x3d: {  	[bflag:$0x3] =	sbarrier.arrive $0xFFFF  }
0x3e: {  	_ =	shalt  }

// kernel: kernel.31.cloned.1.call-start
scs
__scs_entry_jumppad:
0x0: {  	(pc) =	sbr.rel $0x88, $3  }
0x1: {  	(tag) =	ssettag $0x0;
	lr =	simm.s32 $0x1  }
0x2: {  	[smem:$0x3F82] =	sst lr;
	_ =	strace $0xD0000000  }
0x3: {  	_ = 	snop  }
0x4: {  	_ = 	snop  }
0x5: {  	_ = 	snop  }
0x6: {  	_ = 	snop  }
0x7: {  	_ = 	snop  }
__scs_overlays_trampoline_lowered:
0x8: {  	[smem:$0x3F91] =	sst s0  }
0x9: {  	[smem:$0x3F92] =	sst s1  }
0xa: {  	[smem:$0x3F93] =	sst s2  }
0xb: {  	[smem:$0x3F94] =	sst s3  }
0xc: {  	[smem:$0x3F95] =	sst s4  }
0xd: {  	[smem:$0x3F96] =	sst s5  }
0xe: {  	[smem:$0x3F97] =	sst s6  }
0xf: {  	[smem:$0x3F98] =	sst s7  }
0x10: {  	[smem:$0x3F99] =	sst s8  }
0x11: {  	[smem:$0x3F9A] =	sst s9;
	s0 =	simm.s32 @!p0 $0x0  }
0x12: {  	s1 =	sld [smem:$0x3F80];
	s0 =	simm.s32 @p0 $0x1  }
0x13: {  	[smem:$0x3F9B] =	sst s0;
	s0 =	simm.s32 @!p1 $0x0  }
0x14: {  	s2 =	sld [smem:$0x3F7F];
	s0 =	simm.s32 @p1 $0x1  }
0x15: {  	[smem:$0x3F9C] =	sst s0;
	s0 =	simm.s32 @!p2 $0x0  }
0x16: {  	s3 =	sld [smem:$0x3FDB];
	s0 =	simm.s32 @p2 $0x1  }
0x17: {  	s4 =	simm.s32 $0x1BF5;
	[smem:$0x3F9E] =	sst s0  }
0x18: {  	s0 =	sld [smem:$0x3F81];
	_ =	swait.ge [sflag:s4], $0x0  }
0x19: {  	s7 =	sld [smem:$0x3F82]  }
0x1a: {  	s8 =	sadd.s32 $0xFFFFE003, lr  }
0x1b: {  	s9 =	sadd.s32 $0xFFFFFEF7, lr;
	s5 =	simm.s32 $0xFFFFFFFF;
	p2 =	slt.u32 s8, $0xFFFFF086  }
0x1c: {  	p1 =	slt.u32 s9, $0xF7A;
	s5 =	simm.s32 @!p2 $0x0  }
0x1d: {  	s5 =	simm.s32 @p1 $0x1;
	p0 =	seq.s32 s7, s2  }
0x1e: {  	s7 =	smul.u32 @!p0 $0xF7A, s2;
	p2 =	seq.s32 @!p0 s5, $0x0  }
0x1f: {  	s9 =	smul.u32 $0xF7A, s1;
	s8 =	simm.s32 @!p0 $0x1BF5;
	p2 =	por !p2, p0  }
0x20: {  	[sflag:s8] =	ssyncset.s32 @!p0 $0xFFFFF086;
	s6 =	sadd.s32 @!p0 s3, s7;
	s7 =	simm.s32 @!p0 $0x108  }
0x21: {  	s3 =	sadd.s32 s3, s9;
	s6 =	sadd.s32 @!p0 $0x88, s6;
	s7 =	simm.s32 @p2 $0x1082  }
0x22: {  	[simem:s7], [sflag:s8] =	dma.local @!p0 [hbm:s6], $0xF7A  }
0x23: {  	s9 =	sor.u32 $0xD0000000, s2;
	s6 =	simm.s32 $0x108;
	_ =	swait.ge @!p0 [sflag:s8], $0x0  }
0x24: {  	s3 =	sadd.s32 $0x88, s3;
	s6 =	simm.s32 @!p1 $0x1082;
	[sflag:s4] =	ssyncset.s32 $0xFFFFF086  }
0x25: {  	[simem:s6], [sflag:s4] =	dma.local [hbm:s3], $0xF7A  }
0x26: {  	[smem:$0x3F82] =	sst s1;
	(tag) =	ssettag s2;
	_ =	strace s9  }
0x27: {  	s1 =	sld [smem:$0x3F92]  }
0x28: {  	s2 =	sld [smem:$0x3F93]  }
0x29: {  	s4 =	sld [smem:$0x3F95]  }
0x2a: {  	p0 =	seq.s32 s5, $0x0;
	s5 =	sld [smem:$0x3F96]  }
0x2b: {  	s6 =	sld [smem:$0x3F97]  }
0x2c: {  	s7 =	sld [smem:$0x3F98]  }
0x2d: {  	s3 =	simm.s32 $0x108;
	s8 =	sld [smem:$0x3F99]  }
0x2e: {  	s3 =	simm.s32 @!p0 $0x1082;
	s9 =	sld [smem:$0x3F9A]  }
0x2f: {  	lr =	sadd.s32 s0, s3;
	s0 =	sld [smem:$0x3F91]  }
0x30: {  	s3 =	sld [smem:$0x3F94]  }
0x31: {  	[smem:$0x3F9D] =	sst s10  }
0x32: {  	s10 =	sld [smem:$0x3F9B];
	_ =	sdelay $0x3  }
0x33: {  	p0 =	seq.s32 s10, $0x1;
	s10 =	sld [smem:$0x3F9D];
	_ =	sdelay $0x3  }
0x34: {  	[smem:$0x3F9D] =	sst s10  }
0x35: {  	s10 =	sld [smem:$0x3F9C];
	_ =	sdelay $0x3  }
0x36: {  	p1 =	seq.s32 s10, $0x1;
	s10 =	sld [smem:$0x3F9D];
	_ =	sdelay $0x3  }
0x37: {  	[smem:$0x3F9D] =	sst s10  }
0x38: {  	s10 =	sld [smem:$0x3F9E]  }
0x39: {  	_ = 	snop;
	(pc) =	sbr.ind lr, $3  }
0x3a: {  	_ = 	snop  }
0x3b: {  	_ = 	snop  }
0x3c: {  	p2 =	seq.s32 s10, $0x1;
	s10 =	sld [smem:$0x3F9D]  }
0x3d: {  	_ =	shalt  }
0x3e: {  	_ =	shalt  }
0x3f: {  	_ =	shalt  }
0x40: {  	_ =	shalt  }
0x41: {  	_ =	shalt  }
0x42: {  	_ =	shalt  }
0x43: {  	_ =	shalt  }
0x44: {  	_ =	shalt  }
0x45: {  	_ =	shalt  }
0x46: {  	_ =	shalt  }
0x47: {  	_ =	shalt  }
0x48: {  	_ =	shalt  }
0x49: {  	_ =	shalt  }
0x4a: {  	_ =	shalt  }
0x4b: {  	_ =	shalt  }
0x4c: {  	_ =	shalt  }
0x4d: {  	_ =	shalt  }
0x4e: {  	_ =	shalt  }
0x4f: {  	_ =	shalt  }
0x50: {  	_ =	shalt  }
0x51: {  	_ =	shalt  }
0x52: {  	_ =	shalt  }
0x53: {  	_ =	shalt  }
0x54: {  	_ =	shalt  }
0x55: {  	_ =	shalt  }
0x56: {  	_ =	shalt  }
0x57: {  	_ =	shalt  }
0x58: {  	_ =	shalt  }
0x59: {  	_ =	shalt  }
0x5a: {  	_ =	shalt  }
0x5b: {  	_ =	shalt  }
0x5c: {  	_ =	shalt  }
0x5d: {  	_ =	shalt  }
0x5e: {  	_ =	shalt  }
0x5f: {  	_ =	shalt  }
0x60: {  	_ =	shalt  }
0x61: {  	_ =	shalt  }
0x62: {  	_ =	shalt  }
0x63: {  	_ =	shalt  }
0x64: {  	_ =	shalt  }
0x65: {  	_ =	shalt  }
0x66: {  	_ =	shalt  }
0x67: {  	_ =	shalt  }
0x68: {  	_ =	shalt  }
0x69: {  	_ =	shalt  }
0x6a: {  	_ =	shalt  }
0x6b: {  	_ =	shalt  }
0x6c: {  	_ =	shalt  }
0x6d: {  	_ =	shalt  }
0x6e: {  	_ =	shalt  }
0x6f: {  	_ =	shalt  }
0x70: {  	_ =	shalt  }
0x71: {  	_ =	shalt  }
0x72: {  	_ =	shalt  }
0x73: {  	_ =	shalt  }
0x74: {  	_ =	shalt  }
0x75: {  	_ =	shalt  }
0x76: {  	_ =	shalt  }
0x77: {  	_ =	shalt  }
0x78: {  	_ =	shalt  }
0x79: {  	_ =	shalt  }
0x7a: {  	_ =	shalt  }
0x7b: {  	_ =	shalt  }
0x7c: {  	_ =	shalt  }
0x7d: {  	_ =	shalt  }
0x7e: {  	_ =	shalt  }
0x7f: {  	_ =	shalt  }
0x80: {  	_ =	shalt  }
0x81: {  	_ =	shalt  }
0x82: {  	_ =	shalt  }
0x83: {  	_ =	shalt  }
0x84: {  	_ =	shalt  }
0x85: {  	_ =	shalt  }
0x86: {  	_ =	shalt  }
0x87: {  	_ =	shalt  }
.Lfunc_end0:
.L_simem_size_0:
called_computation.2_lowered:
.L_overlay_start_0:
0x88: {  	s2 =	sld [smem:$0x3FD9]  }
0x89: {  	s3 =	sld [smem:$0x3FFE];
	_ =	sdelay $0x1  }
0x8a: {  	s1 =	srdreg.scid  }
0x8b: {  	s0 =	sand.u32 $0x1, s1  }
0x8c: {  	s16 =	sshll.u32 s0, $0xA;
	s2 =	sadd.s32 s3, s2  }
0x8d: {  	s2 =	sadd.s32 s2, s16  }
0x8e: {  	[smem:$0x3FA9] =	sst s2  }
0x8f: {  	_ = 	snop  }
0x90: {  	(tm) =	ssettm $0x1  }
0x91: {  	s17 =	sld [smem:$0x3FFB];
	_ =	sdelay $0x3  }
0x92: {  	_ =	strace s17  }
0x93: {  	s2 =	sld [smem:$0x3FFC];
	_ =	sdelay $0x3  }
0x94: {  	_ =	strace s2  }
0x95: {  	s2 =	sld [smem:$0x3FFD];
	_ =	sdelay $0x3  }
0x96: {  	_ =	strace s2  }
0x97: {  	_ =	strace $0x8FFFFFFF  }
0x98: {  	s18 =	sld [smem:$0x3FDB];
	_ =	sdelay $0x1  }
0x99: {  	s19 =	simm.s32 $_scs_section_size  }
0x9a: {  	s4 =	simm.s32 $_size__tile_overlayer_lowered;
	s5 =	simm.s32 $_tile_overlayer_lowered  }
0x9b: {  	s22 =	simm.s32 $0x1BFF;
	s21 =	sshll.u32 s5, $0x1;
	s2 =	sadd.s32 s19, s18  }
0x9c: {  	s6 =	simm.s32 $0x0;
	s20 =	sshll.u32 s4, $0x1;
	s4 =	sadd.s32 s21, s2  }
0x9d: {  	[timem:s6], [sflag:s22] =	dma.local [hbm:s4], s20  }
0x9e: {  	_ =	swait.ge [sflag:s22], s20  }
0x9f: {  	s3 =	ssub.s32 $0x0, s20;
	[sflag:s22] =	ssyncset.done $0x0  }
0xa0: {  	[sflag:s22] =	ssyncadd.s32 s3;
	_ =	sdelay $0x1  }
0xa1: {  	s23 =	simm.s32 $0x1B8B  }
0xa2: {  	_ =	swait.ge [sflag:s23], $0x1  }
0xa3: {  	[sflag:s23] =	ssyncset.done $0x0  }
0xa4: {  	s25 =	simm.s32 $0x1B8E;
	s24 =	sld [smem:$0x3FFE];
	[sflag:s23] =	ssyncadd.s32 $0xFFFFFFFF  }
0xa5: {  	s26 =	simm.s32 $execute0_lowered;
	[smem:$0x3FD2] =	sst s25  }
0xa6: {  	s4 =	sshll.u32 s26, $0x1;
	_ =	strace $0x8000004C;
	[dreg:$0x1] =	wrdreg $0xFFFFFFFF  }
0xa7: {  	s28 =	simm.s32 $_size_execute0_lowered;
	s2 =	sadd.s32 s2, s4;
	[dreg:$0x0] =	wrdreg $0x0  }
0xa8: {  	s4 =	sshll.u32 s28, $0x1;
	[dreg:$0x2] =	wrdreg s2  }
0xa9: {  	[dreg:$0x3] =	wrdreg s4  }
0xaa: {  	[dreg:$0x4] =	wrdreg $0xC0  }
0xab: {  	_ =	task [dreg:s6], $0x5FFFF  }
0xac: {  	[dreg:$0x1] =	wrdreg $0xFFFFFFFF  }
0xad: {  	[dreg:$0x0] =	wrdreg $0x60  }
0xae: {  	[dreg:$0x2] =	wrdreg s24  }
0xaf: {  	[dreg:$0x3] =	wrdreg $0x9  }
0xb0: {  	_ =	task.clear_ibuf [dreg:s6], $0x4FFFF;
	_ =	strace $0x9000004C  }
0xb1: {  	s29 =	simm.s32 $0x9;
	_ =	strace $0x8000004E  }
0xb2: {  	_ =	swait.ge [sflag:s29], $0x1  }
0xb3: {  	[sflag:s29] =	ssyncadd.s32 $0xFFFFFFFF  }
0xb4: {  	_ =	strace $0x9000004E  }
0xb5: {  	_ =	sfence  }
0xb6: {  	s30 =	sld [smem:$0x0];
	_ =	sdelay $0x2  }
0xb7: {  	s31 =	sshll.u32 s1, $0xD;
	s1 =	sshrl.u32 s1, $0x2  }
0xb8: {  	s3 =	sand.u32 $0x4000, s31;
	s1 =	sadd.s32 s1, s30  }
0xb9: {  	s0 =	sor.u32 s3, s0;
	s1 =	sshll.u32 s1, $0x11  }
0xba: {  	s0 =	sor.u32 s1, s0  }
0xbb: {  	s0 =	sadd.s32 $0x8F2B, s0  }
0xbc: {  	[sflag:s0] =	ssyncadd.remote.s32 $0x1  }
0xbd: {  	_ =	sfence.sel $0xFFFF  }
0xbe: {  	[dreg:$0x0] =	wrdreg $0xFFFFFFFF;
	(pc) =	sbr.abs _section_cstart, $3  }
0xbf: {  	[dreg:$0x1] =	wrdreg $0xFFFFFFFF  }
0xc0: {  	_ =	task.clear_ibuf [dreg:s6], $0x2FFFF;
	_ =	strace $0x9FFFFFFF  }
0xc1: {  	(tm) =	ssettm $0x7FFFFFFF  }
tec
execute0_lowered:
.L_overlay_start_1:
0x0: {  	(tag) =	ssettag $0x1  }
0x1: {  	s1 =	srdreg.scid  }
0x2: {  	s0 =	stileid.u32;
	s4 =	rddreg [dreg:$0x0];
	s2 =	simm.s32 $0x0  }
0x3: {  	s11 =	simm.s32 $0xD000;
	s12 =	simm.s32 $0x11000;
	s13 =	simm.s32 $0x1  }
0x4: {  	s14 =	simm.s32 $0x0;
	s5 =	sand.u32 $0x1, s1;
	s1 =	rddreg [dreg:$0x1]  }
0x5: {  	s3 =	sshll.u32 s0, $0x1;
	[smem:$0x7FF] =	sst s2;
	s7 =	smul.u32 $0xA0000, s0  }
0x6: {  	s3 =	sor.u32 s5, s3;
	_ =	strace $0x8000004D;
	s10 =	smul.u32 $0x50000, s5  }
0x7: {  	s8 =	ssub.s32 $0x2, s5;
	s6 =	smul.u32 $0xA00, s3;
	s3 =	sadd.s32 $0x581400, s4  }
0x8: {  	s9 =	sshrl.u32 s8, $0x1;
	s30 =	sadd.s32 s7, s4;
	s7 =	simm.s32 $0x2  }
0x9: {  	s31 =	ssub.s32 s8, s9;
	s8 =	simm.s32 $0x80;
	s9 =	simm.s32 $0x5000  }
0xa: {  	s29 =	sadd.s32 s6, s4;
	s5 =	smax.u32 s31, $0x1;
	s6 =	sadd.s32 s10, s30  }
0xb: {  	s10 =	simm.s32 $0x9000;
	s4 =	sadd.s32 $0x1EA00, s29;
	s6 =	sadd.s32 $0xF78C00, s6  }
.LBB2_1:
0xc: {  	[tilespmem:s2], [sflag:$0x2] =	stream.linear.gather [hbm4b:s4+s2], $0x5000, $0x38;
	[tilespmem:$0x15000] =	vst v63  }
0xd: {  	_ =	swait.ge [sflag:s7], $0x5000  }
0xe: {  	[sflag:s7] =	ssyncset.done $0x0  }
0xf: {  	s15 =	simm.s32 $0x0;
	[sflag:s7] =	ssyncadd.s32 $0xFFFFB000  }
0x10: {  	[tilespmem:s9], [sflag:$0x1] =	stream.indirect.gather [hbm4b:s3+s8], $0x80, s15, s8, $0xb8;
	[tilespmem:$0x15000] =	vst v63  }
0x11: {  	s25 =	simm.s32 $0x80  }
0x12: {  	[tilespmem:s10], [sflag:$0x1] =	stream.indirect.gather [hbm4b:s3+s8], $0x80, s25, s8, $0xb8;
	[tilespmem:$0x15000] =	vst v63  }
0x13: {  	s26 =	simm.s32 $0x100  }
0x14: {  	[tilespmem:s11], [sflag:$0x1] =	stream.indirect.gather [hbm4b:s3+s8], $0x80, s26, s8, $0xb8;
	[tilespmem:$0x15000] =	vst v63  }
0x15: {  	s28 =	simm.s32 $0x180  }
0x16: {  	[tilespmem:s12], [sflag:$0x1] =	stream.indirect.gather [hbm4b:s3+s8], $0x80, s28, s8, $0xb8;
	[tilespmem:$0x15000] =	vst v63  }
0x17: {  	_ =	swait.ge [sflag:s13], $0x4000  }
0x18: {  	[sflag:s13] =	ssyncset.done $0x0  }
0x19: {  	s29 =	sadd.s32 $0xFFFFE800, s6;
	[sflag:s13] =	ssyncadd.s32 $0xFFFFC000  }
0x1a: {  	[hbm4b:s29+s2] =	stream.linear.scatter [tilespmem:s9], [sflag:$0x2], $0x4000, $0x38;
	[tilespmem:$0x15000] =	vst v63  }
0x1b: {  	_ =	swait.ge [sflag:s7], $0x4000  }
0x1c: {  	[sflag:s7] =	ssyncset.done $0x0  }
0x1d: {  	[sflag:s7] =	ssyncadd.s32 $0xFFFFC000  }
0x1e: {  	_ =	swait.ge [sflag:s13], $0x4000  }
0x1f: {  	[sflag:s13] =	ssyncset.done $0x0  }
0x20: {  	s30 =	sadd.s32 $0xFFFFF000, s6;
	[sflag:s13] =	ssyncadd.s32 $0xFFFFC000  }
0x21: {  	[hbm4b:s30+s2] =	stream.linear.scatter [tilespmem:s10], [sflag:$0x2], $0x4000, $0x38;
	[tilespmem:$0x15000] =	vst v63  }
0x22: {  	_ =	swait.ge [sflag:s7], $0x4000  }
0x23: {  	[sflag:s7] =	ssyncset.done $0x0  }
0x24: {  	[sflag:s7] =	ssyncadd.s32 $0xFFFFC000  }
0x25: {  	_ =	swait.ge [sflag:s13], $0x4000  }
0x26: {  	[sflag:s13] =	ssyncset.done $0x0  }
0x27: {  	s31 =	sadd.s32 $0xFFFFF800, s6;
	[sflag:s13] =	ssyncadd.s32 $0xFFFFC000  }
0x28: {  	[hbm4b:s31+s2] =	stream.linear.scatter [tilespmem:s11], [sflag:$0x2], $0x4000, $0x38;
	[tilespmem:$0x15000] =	vst v63  }
0x29: {  	_ =	swait.ge [sflag:s7], $0x4000  }
0x2a: {  	[sflag:s7] =	ssyncset.done $0x0  }
0x2b: {  	[sflag:s7] =	ssyncadd.s32 $0xFFFFC000  }
0x2c: {  	_ =	swait.ge [sflag:s13], $0x4000  }
0x2d: {  	[sflag:s13] =	ssyncset.done $0x0  }
0x2e: {  	[sflag:s13] =	ssyncadd.s32 $0xFFFFC000  }
0x2f: {  	[hbm4b:s6+s2] =	stream.linear.scatter [tilespmem:s12], [sflag:$0x2], $0x4000, $0x38;
	[tilespmem:$0x15000] =	vst v63  }
0x30: {  	s16 =	simm.s32 $0x800;
	_ =	swait.ge [sflag:s7], $0x4000  }
0x31: {  	s18 =	simm.s32 $0x1000;
	s15 =	sadd.s32 $0x2000, s6;
	[sflag:s7] =	ssyncset.done $0x0  }
.LBB2_2:
0x32: {  	s19 =	sshra.s32 s16, $0x2  }
0x33: {  	[sflag:s7] =	ssyncadd.s32 $0xFFFFC000;
	s16 =	smov.u32 s18;
	s17 =	sadd.s32 $0x800, s18  }
0x34: {  	[tilespmem:s9], [sflag:$0x1] =	stream.indirect.gather [hbm4b:s3+s8], $0x80, s19, s8, $0xb8;
	[tilespmem:$0x15000] =	vst v63  }
0x35: {  	p0 =	sne.s32 s18, $0x13800;
	s18 =	sadd.s32 $0x80, s19  }
0x36: {  	[tilespmem:s10], [sflag:$0x1] =	stream.indirect.gather [hbm4b:s3+s8], $0x80, s18, s8, $0xb8;
	[tilespmem:$0x15000] =	vst v63  }
0x37: {  	s18 =	sadd.s32 $0x100, s19  }
0x38: {  	[tilespmem:s11], [sflag:$0x1] =	stream.indirect.gather [hbm4b:s3+s8], $0x80, s18, s8, $0xb8;
	[tilespmem:$0x15000] =	vst v63  }
0x39: {  	s18 =	sadd.s32 $0x180, s19  }
0x3a: {  	[tilespmem:s12], [sflag:$0x1] =	stream.indirect.gather [hbm4b:s3+s8], $0x80, s18, s8, $0xb8;
	[tilespmem:$0x15000] =	vst v63  }
0x3b: {  	_ =	swait.ge [sflag:s13], $0x4000  }
0x3c: {  	[sflag:s13] =	ssyncset.done $0x0  }
0x3d: {  	s18 =	sadd.s32 $0xFFFFE800, s15;
	[sflag:s13] =	ssyncadd.s32 $0xFFFFC000  }
0x3e: {  	[hbm4b:s18+s2] =	stream.linear.scatter [tilespmem:s9], [sflag:$0x2], $0x4000, $0x38;
	[tilespmem:$0x15000] =	vst v63  }
0x3f: {  	_ =	swait.ge [sflag:s7], $0x4000  }
0x40: {  	[sflag:s7] =	ssyncset.done $0x0  }
0x41: {  	[sflag:s7] =	ssyncadd.s32 $0xFFFFC000  }
0x42: {  	_ =	swait.ge [sflag:s13], $0x4000  }
0x43: {  	[sflag:s13] =	ssyncset.done $0x0  }
0x44: {  	s18 =	sadd.s32 $0xFFFFF000, s15;
	[sflag:s13] =	ssyncadd.s32 $0xFFFFC000  }
0x45: {  	[hbm4b:s18+s2] =	stream.linear.scatter [tilespmem:s10], [sflag:$0x2], $0x4000, $0x38;
	[tilespmem:$0x15000] =	vst v63  }
0x46: {  	_ =	swait.ge [sflag:s7], $0x4000  }
0x47: {  	[sflag:s7] =	ssyncset.done $0x0  }
0x48: {  	[sflag:s7] =	ssyncadd.s32 $0xFFFFC000  }
0x49: {  	_ =	swait.ge [sflag:s13], $0x4000  }
0x4a: {  	[sflag:s13] =	ssyncset.done $0x0  }
0x4b: {  	s18 =	sadd.s32 $0xFFFFF800, s15;
	[sflag:s13] =	ssyncadd.s32 $0xFFFFC000  }
0x4c: {  	[hbm4b:s18+s2] =	stream.linear.scatter [tilespmem:s11], [sflag:$0x2], $0x4000, $0x38;
	[tilespmem:$0x15000] =	vst v63  }
0x4d: {  	_ =	swait.ge [sflag:s7], $0x4000  }
0x4e: {  	[sflag:s7] =	ssyncset.done $0x0  }
0x4f: {  	[sflag:s7] =	ssyncadd.s32 $0xFFFFC000  }
0x50: {  	_ =	swait.ge [sflag:s13], $0x4000  }
.Ltmp0:
0x51: {  	[sflag:s13] =	ssyncset.done $0x0;
	(pc) =	sbr.rel @p0 .LBB2_2-.Ltmp0, $4  }
0x52: {  	[sflag:s13] =	ssyncadd.s32 $0xFFFFC000  }
0x53: {  	[hbm4b:s15+s2] =	stream.linear.scatter [tilespmem:s12], [sflag:$0x2], $0x4000, $0x38;
	[tilespmem:$0x15000] =	vst v63  }
0x54: {  	_ =	swait.ge [sflag:s7], $0x4000  }
0x55: {  	s18 =	smov.u32 s17;
	s15 =	sadd.s32 $0x2000, s15;
	[sflag:s7] =	ssyncset.done $0x0  }
0x56: {  	s16 =	sshra.s32 s16, $0x2;
	[sflag:s7] =	ssyncadd.s32 $0xFFFFC000  }
0x57: {  	[tilespmem:s9], [sflag:$0x1] =	stream.indirect.gather [hbm4b:s3+s8], $0x80, s16, s8, $0xb8;
	[tilespmem:$0x15000] =	vst v63  }
0x58: {  	s17 =	sadd.s32 $0x80, s16  }
0x59: {  	[tilespmem:s10], [sflag:$0x1] =	stream.indirect.gather [hbm4b:s3+s8], $0x80, s17, s8, $0xb8;
	[tilespmem:$0x15000] =	vst v63  }
0x5a: {  	s28 =	sadd.s32 $0x100, s16  }
0x5b: {  	[tilespmem:s11], [sflag:$0x1] =	stream.indirect.gather [hbm4b:s3+s8], $0x80, s28, s8, $0xb8;
	[tilespmem:$0x15000] =	vst v63  }
0x5c: {  	s16 =	sadd.s32 $0x180, s16  }
0x5d: {  	[tilespmem:s12], [sflag:$0x1] =	stream.indirect.gather [hbm4b:s3+s8], $0x80, s16, s8, $0xb8;
	[tilespmem:$0x15000] =	vst v63  }
0x5e: {  	_ =	swait.ge [sflag:s13], $0x4000  }
0x5f: {  	[sflag:s13] =	ssyncset.done $0x0  }
0x60: {  	s29 =	sadd.s32 $0xFFFFE800, s15;
	[sflag:s13] =	ssyncadd.s32 $0xFFFFC000  }
0x61: {  	[hbm4b:s29+s2] =	stream.linear.scatter [tilespmem:s9], [sflag:$0x2], $0x4000, $0x38;
	[tilespmem:$0x15000] =	vst v63  }
0x62: {  	_ =	swait.ge [sflag:s7], $0x4000  }
0x63: {  	[sflag:s7] =	ssyncset.done $0x0  }
0x64: {  	[sflag:s7] =	ssyncadd.s32 $0xFFFFC000  }
0x65: {  	_ =	swait.ge [sflag:s13], $0x4000  }
0x66: {  	[sflag:s13] =	ssyncset.done $0x0  }
0x67: {  	s30 =	sadd.s32 $0xFFFFF000, s15;
	[sflag:s13] =	ssyncadd.s32 $0xFFFFC000  }
0x68: {  	[hbm4b:s30+s2] =	stream.linear.scatter [tilespmem:s10], [sflag:$0x2], $0x4000, $0x38;
	[tilespmem:$0x15000] =	vst v63  }
0x69: {  	_ =	swait.ge [sflag:s7], $0x4000  }
0x6a: {  	[sflag:s7] =	ssyncset.done $0x0  }
0x6b: {  	[sflag:s7] =	ssyncadd.s32 $0xFFFFC000  }
0x6c: {  	_ =	swait.ge [sflag:s13], $0x4000  }
0x6d: {  	[sflag:s13] =	ssyncset.done $0x0  }
0x6e: {  	s31 =	sadd.s32 $0xFFFFF800, s15;
	[sflag:s13] =	ssyncadd.s32 $0xFFFFC000  }
0x6f: {  	[hbm4b:s31+s2] =	stream.linear.scatter [tilespmem:s11], [sflag:$0x2], $0x4000, $0x38;
	[tilespmem:$0x15000] =	vst v63  }
0x70: {  	_ =	swait.ge [sflag:s7], $0x4000  }
0x71: {  	[sflag:s7] =	ssyncset.done $0x0  }
0x72: {  	[sflag:s7] =	ssyncadd.s32 $0xFFFFC000  }
0x73: {  	s14 =	sadd.s32 $0x1, s14;
	_ =	swait.ge [sflag:s13], $0x4000  }
0x74: {  	p0 =	sne.s32 s14, s5;
	[sflag:s13] =	ssyncset.done $0x0  }
.Ltmp1:
0x75: {  	[sflag:s13] =	ssyncadd.s32 $0xFFFFC000;
	(pc) =	sbr.rel @p0 .LBB2_1-.Ltmp1, $4  }
0x76: {  	[hbm4b:s15+s2] =	stream.linear.scatter [tilespmem:s12], [sflag:$0x2], $0x4000, $0x38;
	[tilespmem:$0x15000] =	vst v63  }
0x77: {  	_ =	swait.ge [sflag:s7], $0x4000  }
0x78: {  	[sflag:s7] =	ssyncset.done $0x0  }
0x79: {  	[sflag:s7] =	ssyncadd.s32 $0xFFFFC000  }
0x7a: {  	_ =	sfence.sel $0x180000  }
0x7b: {  	[bflag:$0x0] =	sbarrier.arrive $0xFFFF  }
0x7c: {  	p0 =	sne.s32 s0, $0x0;
	_ =	strace $0x9000004D  }
0x7d: {  	s0 =	sadd.s32 @!p0 $0x100000, s1;
	[bflag:$0x2] =	sbarrier.arrive $0xFFFF  }
0x7e: {  	[sflag:s0] =	ssyncadd.tile.s32 @!p0 $0x1;
	_ =	shalt  }
.Lfunc_end2:
_tile_overlayer_lowered:
.L_overlay_start_2:
0x7f: {  	(tag) =	ssettag $0x2  }
0x80: {  	s0 =	rddreg [dreg:$0x0];
	s2 =	stileid.u32  }
0x81: {  	s1 =	rddreg [dreg:$0x1];
	p0 =	sne.s32 s2, $0x0  }
0x82: {  	s3 =	rddreg [dreg:$0x2];
	[bflag:$0x3] =	sbarrier.arrive $0xFFFF;
	s2 =	simm.s32 @!p0 $0x1C02  }
0x83: {  	[timem:s3], [sflag:s2] =	dma.local @!p0 [hbm:s0], s1  }
0x84: {  	s0 =	simm.s32 @!p0 $0x2  }
0x85: {  	_ =	swait.ge @!p0 [sflag:s0], s1  }
0x86: {  	s1 =	ssub.s32 @!p0 $0x0, s1;
	[sflag:s0] =	ssyncset.done @!p0 $0x0  }
0x87: {  	[sflag:s0] =	ssyncadd.s32 @!p0 s1  }
0x88: {  	[bflag:$0x3] =	sbarrier.arrive $0xFFFF  }
0x89: {  	_ =	shalt  }

// kernel: kernel.34.cloned.1.call-start
scs
__scs_entry_jumppad:
0x0: {  	(pc) =	sbr.rel $0x88, $3  }
0x1: {  	(tag) =	ssettag $0x0;
	lr =	simm.s32 $0x1  }
0x2: {  	[smem:$0x3F82] =	sst lr;
	_ =	strace $0xD0000000  }
0x3: {  	_ = 	snop  }
0x4: {  	_ = 	snop  }
0x5: {  	_ = 	snop  }
0x6: {  	_ = 	snop  }
0x7: {  	_ = 	snop  }
__scs_overlays_trampoline_lowered:
0x8: {  	[smem:$0x3F91] =	sst s0  }
0x9: {  	[smem:$0x3F92] =	sst s1  }
0xa: {  	[smem:$0x3F93] =	sst s2  }
0xb: {  	[smem:$0x3F94] =	sst s3  }
0xc: {  	[smem:$0x3F95] =	sst s4  }
0xd: {  	[smem:$0x3F96] =	sst s5  }
0xe: {  	[smem:$0x3F97] =	sst s6  }
0xf: {  	[smem:$0x3F98] =	sst s7  }
0x10: {  	[smem:$0x3F99] =	sst s8  }
0x11: {  	[smem:$0x3F9A] =	sst s9;
	s0 =	simm.s32 @!p0 $0x0  }
0x12: {  	s1 =	sld [smem:$0x3F80];
	s0 =	simm.s32 @p0 $0x1  }
0x13: {  	[smem:$0x3F9B] =	sst s0;
	s0 =	simm.s32 @!p1 $0x0  }
0x14: {  	s2 =	sld [smem:$0x3F7F];
	s0 =	simm.s32 @p1 $0x1  }
0x15: {  	[smem:$0x3F9C] =	sst s0;
	s0 =	simm.s32 @!p2 $0x0  }
0x16: {  	s3 =	sld [smem:$0x3FDB];
	s0 =	simm.s32 @p2 $0x1  }
0x17: {  	s4 =	simm.s32 $0x1BF5;
	[smem:$0x3F9E] =	sst s0  }
0x18: {  	s0 =	sld [smem:$0x3F81];
	_ =	swait.ge [sflag:s4], $0x0  }
0x19: {  	s7 =	sld [smem:$0x3F82]  }
0x1a: {  	s8 =	sadd.s32 $0xFFFFE003, lr  }
0x1b: {  	s9 =	sadd.s32 $0xFFFFFEF7, lr;
	s5 =	simm.s32 $0xFFFFFFFF;
	p2 =	slt.u32 s8, $0xFFFFF086  }
0x1c: {  	p1 =	slt.u32 s9, $0xF7A;
	s5 =	simm.s32 @!p2 $0x0  }
0x1d: {  	s5 =	simm.s32 @p1 $0x1;
	p0 =	seq.s32 s7, s2  }
0x1e: {  	s7 =	smul.u32 @!p0 $0xF7A, s2;
	p2 =	seq.s32 @!p0 s5, $0x0  }
0x1f: {  	s9 =	smul.u32 $0xF7A, s1;
	s8 =	simm.s32 @!p0 $0x1BF5;
	p2 =	por !p2, p0  }
0x20: {  	[sflag:s8] =	ssyncset.s32 @!p0 $0xFFFFF086;
	s6 =	sadd.s32 @!p0 s3, s7;
	s7 =	simm.s32 @!p0 $0x108  }
0x21: {  	s3 =	sadd.s32 s3, s9;
	s6 =	sadd.s32 @!p0 $0x88, s6;
	s7 =	simm.s32 @p2 $0x1082  }
0x22: {  	[simem:s7], [sflag:s8] =	dma.local @!p0 [hbm:s6], $0xF7A  }
0x23: {  	s9 =	sor.u32 $0xD0000000, s2;
	s6 =	simm.s32 $0x108;
	_ =	swait.ge @!p0 [sflag:s8], $0x0  }
0x24: {  	s3 =	sadd.s32 $0x88, s3;
	s6 =	simm.s32 @!p1 $0x1082;
	[sflag:s4] =	ssyncset.s32 $0xFFFFF086  }
0x25: {  	[simem:s6], [sflag:s4] =	dma.local [hbm:s3], $0xF7A  }
0x26: {  	[smem:$0x3F82] =	sst s1;
	(tag) =	ssettag s2;
	_ =	strace s9  }
0x27: {  	s1 =	sld [smem:$0x3F92]  }
0x28: {  	s2 =	sld [smem:$0x3F93]  }
0x29: {  	s4 =	sld [smem:$0x3F95]  }
0x2a: {  	p0 =	seq.s32 s5, $0x0;
	s5 =	sld [smem:$0x3F96]  }
0x2b: {  	s6 =	sld [smem:$0x3F97]  }
0x2c: {  	s7 =	sld [smem:$0x3F98]  }
0x2d: {  	s3 =	simm.s32 $0x108;
	s8 =	sld [smem:$0x3F99]  }
0x2e: {  	s3 =	simm.s32 @!p0 $0x1082;
	s9 =	sld [smem:$0x3F9A]  }
0x2f: {  	lr =	sadd.s32 s0, s3;
	s0 =	sld [smem:$0x3F91]  }
0x30: {  	s3 =	sld [smem:$0x3F94]  }
0x31: {  	[smem:$0x3F9D] =	sst s10  }
0x32: {  	s10 =	sld [smem:$0x3F9B];
	_ =	sdelay $0x3  }
0x33: {  	p0 =	seq.s32 s10, $0x1;
	s10 =	sld [smem:$0x3F9D];
	_ =	sdelay $0x3  }
0x34: {  	[smem:$0x3F9D] =	sst s10  }
0x35: {  	s10 =	sld [smem:$0x3F9C];
	_ =	sdelay $0x3  }
0x36: {  	p1 =	seq.s32 s10, $0x1;
	s10 =	sld [smem:$0x3F9D];
	_ =	sdelay $0x3  }
0x37: {  	[smem:$0x3F9D] =	sst s10  }
0x38: {  	s10 =	sld [smem:$0x3F9E]  }
0x39: {  	_ = 	snop;
	(pc) =	sbr.ind lr, $3  }
0x3a: {  	_ = 	snop  }
0x3b: {  	_ = 	snop  }
0x3c: {  	p2 =	seq.s32 s10, $0x1;
	s10 =	sld [smem:$0x3F9D]  }
0x3d: {  	_ =	shalt  }
0x3e: {  	_ =	shalt  }
0x3f: {  	_ =	shalt  }
0x40: {  	_ =	shalt  }
0x41: {  	_ =	shalt  }
0x42: {  	_ =	shalt  }
0x43: {  	_ =	shalt  }
0x44: {  	_ =	shalt  }
0x45: {  	_ =	shalt  }
0x46: {  	_ =	shalt  }
0x47: {  	_ =	shalt  }
0x48: {  	_ =	shalt  }
0x49: {  	_ =	shalt  }
0x4a: {  	_ =	shalt  }
0x4b: {  	_ =	shalt  }
0x4c: {  	_ =	shalt  }
0x4d: {  	_ =	shalt  }
0x4e: {  	_ =	shalt  }
0x4f: {  	_ =	shalt  }
0x50: {  	_ =	shalt  }
0x51: {  	_ =	shalt  }
0x52: {  	_ =	shalt  }
0x53: {  	_ =	shalt  }
0x54: {  	_ =	shalt  }
0x55: {  	_ =	shalt  }
0x56: {  	_ =	shalt  }
0x57: {  	_ =	shalt  }
0x58: {  	_ =	shalt  }
0x59: {  	_ =	shalt  }
0x5a: {  	_ =	shalt  }
0x5b: {  	_ =	shalt  }
0x5c: {  	_ =	shalt  }
0x5d: {  	_ =	shalt  }
0x5e: {  	_ =	shalt  }
0x5f: {  	_ =	shalt  }
0x60: {  	_ =	shalt  }
0x61: {  	_ =	shalt  }
0x62: {  	_ =	shalt  }
0x63: {  	_ =	shalt  }
0x64: {  	_ =	shalt  }
0x65: {  	_ =	shalt  }
0x66: {  	_ =	shalt  }
0x67: {  	_ =	shalt  }
0x68: {  	_ =	shalt  }
0x69: {  	_ =	shalt  }
0x6a: {  	_ =	shalt  }
0x6b: {  	_ =	shalt  }
0x6c: {  	_ =	shalt  }
0x6d: {  	_ =	shalt  }
0x6e: {  	_ =	shalt  }
0x6f: {  	_ =	shalt  }
0x70: {  	_ =	shalt  }
0x71: {  	_ =	shalt  }
0x72: {  	_ =	shalt  }
0x73: {  	_ =	shalt  }
0x74: {  	_ =	shalt  }
0x75: {  	_ =	shalt  }
0x76: {  	_ =	shalt  }
0x77: {  	_ =	shalt  }
0x78: {  	_ =	shalt  }
0x79: {  	_ =	shalt  }
0x7a: {  	_ =	shalt  }
0x7b: {  	_ =	shalt  }
0x7c: {  	_ =	shalt  }
0x7d: {  	_ =	shalt  }
0x7e: {  	_ =	shalt  }
0x7f: {  	_ =	shalt  }
0x80: {  	_ =	shalt  }
0x81: {  	_ =	shalt  }
0x82: {  	_ =	shalt  }
0x83: {  	_ =	shalt  }
0x84: {  	_ =	shalt  }
0x85: {  	_ =	shalt  }
0x86: {  	_ =	shalt  }
0x87: {  	_ =	shalt  }
.Lfunc_end0:
.L_simem_size_0:
called_computation.3_lowered:
.L_overlay_start_0:
0x88: {  	s2 =	sld [smem:$0x3FD9]  }
0x89: {  	s3 =	sld [smem:$0x3FFE];
	_ =	sdelay $0x1  }
0x8a: {  	s1 =	srdreg.scid  }
0x8b: {  	s0 =	sand.u32 $0x1, s1  }
0x8c: {  	s16 =	sshll.u32 s0, $0xA;
	s2 =	sadd.s32 s3, s2  }
0x8d: {  	s2 =	sadd.s32 s2, s16  }
0x8e: {  	[smem:$0x3FA9] =	sst s2  }
0x8f: {  	_ = 	snop  }
0x90: {  	(tm) =	ssettm $0x1  }
0x91: {  	s17 =	sld [smem:$0x3FFB];
	_ =	sdelay $0x3  }
0x92: {  	_ =	strace s17  }
0x93: {  	s2 =	sld [smem:$0x3FFC];
	_ =	sdelay $0x3  }
0x94: {  	_ =	strace s2  }
0x95: {  	s2 =	sld [smem:$0x3FFD];
	_ =	sdelay $0x3  }
0x96: {  	_ =	strace s2  }
0x97: {  	_ =	strace $0x8FFFFFFF  }
0x98: {  	s18 =	sld [smem:$0x3FDB];
	_ =	sdelay $0x1  }
0x99: {  	s19 =	simm.s32 $_scs_section_size  }
0x9a: {  	s4 =	simm.s32 $_size__tile_overlayer_lowered;
	s5 =	simm.s32 $_tile_overlayer_lowered  }
0x9b: {  	s22 =	simm.s32 $0x1BFF;
	s21 =	sshll.u32 s5, $0x1;
	s2 =	sadd.s32 s19, s18  }
0x9c: {  	s6 =	simm.s32 $0x0;
	s20 =	sshll.u32 s4, $0x1;
	s4 =	sadd.s32 s21, s2  }
0x9d: {  	[timem:s6], [sflag:s22] =	dma.local [hbm:s4], s20  }
0x9e: {  	_ =	swait.ge [sflag:s22], s20  }
0x9f: {  	s3 =	ssub.s32 $0x0, s20;
	[sflag:s22] =	ssyncset.done $0x0  }
0xa0: {  	[sflag:s22] =	ssyncadd.s32 s3;
	_ =	sdelay $0x1  }
0xa1: {  	s23 =	simm.s32 $0x1B8B  }
0xa2: {  	_ =	swait.ge [sflag:s23], $0x1  }
0xa3: {  	[sflag:s23] =	ssyncset.done $0x0  }
0xa4: {  	s25 =	simm.s32 $0x1B8E;
	s24 =	sld [smem:$0x3FFE];
	[sflag:s23] =	ssyncadd.s32 $0xFFFFFFFF  }
0xa5: {  	s26 =	simm.s32 $execute0_lowered;
	[smem:$0x3FD2] =	sst s25  }
0xa6: {  	s4 =	sshll.u32 s26, $0x1;
	_ =	strace $0x8000004F;
	[dreg:$0x1] =	wrdreg $0xFFFFFFFF  }
0xa7: {  	s28 =	simm.s32 $_size_execute0_lowered;
	s2 =	sadd.s32 s2, s4;
	[dreg:$0x0] =	wrdreg $0x0  }
0xa8: {  	s4 =	sshll.u32 s28, $0x1;
	[dreg:$0x2] =	wrdreg s2  }
0xa9: {  	[dreg:$0x3] =	wrdreg s4  }
0xaa: {  	[dreg:$0x4] =	wrdreg $0xC0  }
0xab: {  	_ =	task [dreg:s6], $0x5FFFF  }
0xac: {  	[dreg:$0x1] =	wrdreg $0xFFFFFFFF  }
0xad: {  	[dreg:$0x0] =	wrdreg $0x60  }
0xae: {  	[dreg:$0x2] =	wrdreg s24  }
0xaf: {  	[dreg:$0x3] =	wrdreg $0x68000  }
0xb0: {  	[dreg:$0x4] =	wrdreg $0x9  }
0xb1: {  	_ =	task.clear_ibuf [dreg:s6], $0x5FFFF;
	_ =	strace $0x9000004F  }
0xb2: {  	s29 =	simm.s32 $0x9;
	_ =	strace $0x80000051  }
0xb3: {  	_ =	swait.ge [sflag:s29], $0x1  }
0xb4: {  	[sflag:s29] =	ssyncadd.s32 $0xFFFFFFFF  }
0xb5: {  	_ =	strace $0x90000051  }
0xb6: {  	_ =	sfence  }
0xb7: {  	s30 =	sld [smem:$0x0];
	_ =	sdelay $0x2  }
0xb8: {  	s31 =	sshll.u32 s1, $0xD;
	s1 =	sshrl.u32 s1, $0x2  }
0xb9: {  	s3 =	sand.u32 $0x4000, s31;
	s1 =	sadd.s32 s1, s30  }
0xba: {  	s0 =	sor.u32 s3, s0;
	s1 =	sshll.u32 s1, $0x11  }
0xbb: {  	s0 =	sor.u32 s1, s0  }
0xbc: {  	s0 =	sadd.s32 $0x8F2B, s0  }
0xbd: {  	[sflag:s0] =	ssyncadd.remote.s32 $0x1  }
0xbe: {  	_ =	sfence.sel $0xFFFF  }
0xbf: {  	[dreg:$0x0] =	wrdreg $0xFFFFFFFF;
	(pc) =	sbr.abs _section_cstart, $3  }
0xc0: {  	[dreg:$0x1] =	wrdreg $0xFFFFFFFF  }
0xc1: {  	_ =	task.clear_ibuf [dreg:s6], $0x2FFFF;
	_ =	strace $0x9FFFFFFF  }
0xc2: {  	(tm) =	ssettm $0x7FFFFFFF  }
0xc3: {  	_ =	shalt  }
tec
execute0_lowered:
.L_overlay_start_1:
0x0: {  	(tag) =	ssettag $0x1  }
0x1: {  	s0 =	stileid.u32  }
0x2: {  	s1 =	srdreg.scid;
	s4 =	rddreg [dreg:$0x0]  }
0x3: {  	s2 =	rddreg [dreg:$0x1];
	s3 =	simm.s32 $0x0;
	s13 =	simm.s32 $0x80  }
0x4: {  	s14 =	simm.s32 $0x0;
	s5 =	sand.u32 $0x1, s1;
	s6 =	smul.u32 $0x50000, s0  }
0x5: {  	s24 =	sshll.u32 s0, $0x1;
	s1 =	rddreg [dreg:$0x2];
	s8 =	smul.u32 $0x13C00, s0  }
0x6: {  	[smem:$0x7FF] =	sst s3;
	s11 =	smul.u32 $0x4F000, s0;
	s29 =	sshll.u32 s0, $0x6  }
0x7: {  	s7 =	sor.u32 s5, s24;
	_ =	strace $0x80000050;
	s9 =	smul.u32 $0x13C000, s5  }
0x8: {  	s28 =	ssub.s32 $0x2, s5;
	s30 =	smul.u32 $0x28000, s5;
	s5 =	sor.u32 $0x1C01, s29  }
0x9: {  	s7 =	smul.u32 $0x500, s7;
	s10 =	sadd.s32 s6, s4;
	s26 =	sshrl.u32 s8, $0x3  }
0xa: {  	s12 =	sshrl.u32 s28, $0x1;
	s11 =	sshrl.u32 s11, $0x2;
	s8 =	sadd.s32 s8, s9  }
0xb: {  	s9 =	ssub.s32 s28, s12;
	s11 =	sadd.s32 s11, s2;
	s31 =	sadd.s32 s30, s10  }
0xc: {  	s12 =	simm.s32 $0x2800;
	s25 =	sadd.s32 s7, s4;
	s7 =	sadd.s32 s26, s4  }
0xd: {  	s8 =	sshrl.u32 s8, $0x3;
	s10 =	sshrl.u32 s11, $0x3;
	s11 =	simm.s32 $0x1  }
0xe: {  	s8 =	sadd.s32 s8, s4;
	s4 =	sadd.s32 $0x559C00, s7;
	s6 =	sadd.s32 $0xF6D400, s25  }
0xf: {  	s7 =	sadd.s32 $0x5D4C00, s8;
	s8 =	smax.u32 s9, $0x1;
	s9 =	sadd.s32 $0xF77400, s31  }
.LBB2_1:
0x10: {  	[spmem:s10], [sflag:s5] =	dma.local [hbm:s4], $0x2780  }
0x11: {  	_ =	swait.ge [sflag:s11], $0x2780  }
0x12: {  	[sflag:s11] =	ssyncset.done $0x0  }
0x13: {  	[sflag:s11] =	ssyncadd.s32 $0xFFFFD880  }
0x14: {  	[tilespmem:s3], [sflag:$0x1] =	stream.linear.gather [hbm4b:s6+s3], $0x2800, $0x38;
	[tilespmem:$0x1A400] =	vst v63  }
0x15: {  	_ =	swait.ge [sflag:s11], $0x2800  }
0x16: {  	[sflag:s11] =	ssyncset.done $0x0  }
0x17: {  	[sflag:s11] =	ssyncadd.s32 $0xFFFFD800  }
0x18: {  	[bflag:$0x0] =	sbarrier.arrive $0xFFFF  }
0x19: {  	[tilespmem:s12], [sflag:$0x1] =	stream.linear.gather [hbm4b:s9+s3], $0x4000, $0x38;
	[tilespmem:$0x1A400] =	vst v63  }
0x1a: {  	_ =	swait.ge [sflag:s11], $0x4000  }
0x1b: {  	[sflag:s11] =	ssyncset.done $0x0  }
0x1c: {  	s15 =	simm.s32 $0x0;
	[sflag:s11] =	ssyncadd.s32 $0xFFFFC000  }
0x1d: {  	[spmem:s2] =	stream.indirect.scatter.add.f32 [tilespmem:s12], [sflag:$0x1], $0x80, s15, s13, $0xb8;
	[tilespmem:$0x1A400] =	vst v63  }
0x1e: {  	_ =	swait.ge [sflag:s11], $0x4000  }
0x1f: {  	s16 =	smov.u32 s9;
	s15 =	simm.s32 $0x200;
	[sflag:s11] =	ssyncset.done $0x0  }
.LBB2_2:
0x20: {  	p0 =	sne.s32 s15, $0x9E00;
	[sflag:s11] =	ssyncadd.s32 $0xFFFFC000;
	s16 =	sadd.s32 $0x800, s16  }
0x21: {  	[tilespmem:s12], [sflag:$0x1] =	stream.linear.gather [hbm4b:s16+s3], $0x4000, $0x38;
	[tilespmem:$0x1A400] =	vst v63  }
0x22: {  	s17 =	smov.u32 s15;
	s15 =	sadd.s32 $0x200, s15;
	_ =	swait.ge [sflag:s11], $0x4000  }
.Ltmp0:
0x23: {  	[sflag:s11] =	ssyncset.done $0x0;
	(pc) =	sbr.rel @p0 .LBB2_2-.Ltmp0, $4  }
0x24: {  	s17 =	sshra.s32 s17, $0x2;
	[sflag:s11] =	ssyncadd.s32 $0xFFFFC000  }
0x25: {  	[spmem:s2] =	stream.indirect.scatter.add.f32 [tilespmem:s12], [sflag:$0x1], $0x80, s17, s13, $0xb8;
	[tilespmem:$0x1A400] =	vst v63  }
0x26: {  	_ =	swait.ge [sflag:s11], $0x4000  }
0x27: {  	[sflag:s11] =	ssyncset.done $0x0  }
0x28: {  	s14 =	sadd.s32 $0x1, s14  }
0x29: {  	[sflag:s11] =	ssyncadd.s32 $0xFFFFC000;
	p0 =	sne.s32 s14, s8  }
.Ltmp1:
0x2a: {  	[bflag:$0x0] =	sbarrier.arrive $0xFFFF;
	(pc) =	sbr.rel @p0 .LBB2_1-.Ltmp1, $4  }
0x2b: {  	[hbm:s7], [sflag:s5] =	dma.local [spmem:s10], $0x2780  }
0x2c: {  	_ =	swait.ge [sflag:s11], $0x2780  }
0x2d: {  	[sflag:s11] =	ssyncset.done $0x0  }
0x2e: {  	[sflag:s11] =	ssyncadd.s32 $0xFFFFD880  }
0x2f: {  	_ =	sfence.sel $0x180000  }
0x30: {  	[bflag:$0x0] =	sbarrier.arrive $0xFFFF  }
0x31: {  	p0 =	sne.s32 s0, $0x0;
	_ =	strace $0x90000050  }
0x32: {  	s0 =	sadd.s32 @!p0 $0x100000, s1;
	[bflag:$0x2] =	sbarrier.arrive $0xFFFF  }
0x33: {  	[sflag:s0] =	ssyncadd.tile.s32 @!p0 $0x1;
	_ =	shalt  }
.Lfunc_end2:
_tile_overlayer_lowered:
.L_overlay_start_2:
0x34: {  	(tag) =	ssettag $0x2  }
0x35: {  	s0 =	rddreg [dreg:$0x0];
	s2 =	stileid.u32  }
0x36: {  	s1 =	rddreg [dreg:$0x1];
	p0 =	sne.s32 s2, $0x0  }
0x37: {  	s3 =	rddreg [dreg:$0x2];
	[bflag:$0x3] =	sbarrier.arrive $0xFFFF;
	s2 =	simm.s32 @!p0 $0x1C01  }
0x38: {  	[timem:s3], [sflag:s2] =	dma.local @!p0 [hbm:s0], s1  }
0x39: {  	s0 =	simm.s32 @!p0 $0x1  }
0x3a: {  	_ =	swait.ge @!p0 [sflag:s0], s1  }
0x3b: {  	s1 =	ssub.s32 @!p0 $0x0, s1;
	[sflag:s0] =	ssyncset.done @!p0 $0x0  }
0x3c: {  	[sflag:s0] =	ssyncadd.s32 @!p0 s1  }
0x3d: {  	[bflag:$0x3] =	sbarrier.arrive $0xFFFF  }
0x3e: {  	_ =	shalt  }

// kernel: kernel.37.cloned.1.call-start
scs
__scs_entry_jumppad:
0x0: {  	(pc) =	sbr.rel $0x88, $3  }
0x1: {  	(tag) =	ssettag $0x0;
	lr =	simm.s32 $0x1  }
0x2: {  	[smem:$0x3F82] =	sst lr;
	_ =	strace $0xD0000000  }
0x3: {  	_ = 	snop  }
0x4: {  	_ = 	snop  }
0x5: {  	_ = 	snop  }
0x6: {  	_ = 	snop  }
0x7: {  	_ = 	snop  }
__scs_overlays_trampoline_lowered:
0x8: {  	[smem:$0x3F91] =	sst s0  }
0x9: {  	[smem:$0x3F92] =	sst s1  }
0xa: {  	[smem:$0x3F93] =	sst s2  }
0xb: {  	[smem:$0x3F94] =	sst s3  }
0xc: {  	[smem:$0x3F95] =	sst s4  }
0xd: {  	[smem:$0x3F96] =	sst s5  }
0xe: {  	[smem:$0x3F97] =	sst s6  }
0xf: {  	[smem:$0x3F98] =	sst s7  }
0x10: {  	[smem:$0x3F99] =	sst s8  }
0x11: {  	[smem:$0x3F9A] =	sst s9;
	s0 =	simm.s32 @!p0 $0x0  }
0x12: {  	s1 =	sld [smem:$0x3F80];
	s0 =	simm.s32 @p0 $0x1  }
0x13: {  	[smem:$0x3F9B] =	sst s0;
	s0 =	simm.s32 @!p1 $0x0  }
0x14: {  	s2 =	sld [smem:$0x3F7F];
	s0 =	simm.s32 @p1 $0x1  }
0x15: {  	[smem:$0x3F9C] =	sst s0;
	s0 =	simm.s32 @!p2 $0x0  }
0x16: {  	s3 =	sld [smem:$0x3FDB];
	s0 =	simm.s32 @p2 $0x1  }
0x17: {  	s4 =	simm.s32 $0x1BF5;
	[smem:$0x3F9E] =	sst s0  }
0x18: {  	s0 =	sld [smem:$0x3F81];
	_ =	swait.ge [sflag:s4], $0x0  }
0x19: {  	s7 =	sld [smem:$0x3F82]  }
0x1a: {  	s8 =	sadd.s32 $0xFFFFE003, lr  }
0x1b: {  	s9 =	sadd.s32 $0xFFFFFEF7, lr;
	s5 =	simm.s32 $0xFFFFFFFF;
	p2 =	slt.u32 s8, $0xFFFFF086  }
0x1c: {  	p1 =	slt.u32 s9, $0xF7A;
	s5 =	simm.s32 @!p2 $0x0  }
0x1d: {  	s5 =	simm.s32 @p1 $0x1;
	p0 =	seq.s32 s7, s2  }
0x1e: {  	s7 =	smul.u32 @!p0 $0xF7A, s2;
	p2 =	seq.s32 @!p0 s5, $0x0  }
0x1f: {  	s9 =	smul.u32 $0xF7A, s1;
	s8 =	simm.s32 @!p0 $0x1BF5;
	p2 =	por !p2, p0  }
0x20: {  	[sflag:s8] =	ssyncset.s32 @!p0 $0xFFFFF086;
	s6 =	sadd.s32 @!p0 s3, s7;
	s7 =	simm.s32 @!p0 $0x108  }
0x21: {  	s3 =	sadd.s32 s3, s9;
	s6 =	sadd.s32 @!p0 $0x88, s6;
	s7 =	simm.s32 @p2 $0x1082  }
0x22: {  	[simem:s7], [sflag:s8] =	dma.local @!p0 [hbm:s6], $0xF7A  }
0x23: {  	s9 =	sor.u32 $0xD0000000, s2;
	s6 =	simm.s32 $0x108;
	_ =	swait.ge @!p0 [sflag:s8], $0x0  }
0x24: {  	s3 =	sadd.s32 $0x88, s3;
	s6 =	simm.s32 @!p1 $0x1082;
	[sflag:s4] =	ssyncset.s32 $0xFFFFF086  }
0x25: {  	[simem:s6], [sflag:s4] =	dma.local [hbm:s3], $0xF7A  }
0x26: {  	[smem:$0x3F82] =	sst s1;
	(tag) =	ssettag s2;
	_ =	strace s9  }
0x27: {  	s1 =	sld [smem:$0x3F92]  }
0x28: {  	s2 =	sld [smem:$0x3F93]  }
0x29: {  	s4 =	sld [smem:$0x3F95]  }
0x2a: {  	p0 =	seq.s32 s5, $0x0;
	s5 =	sld [smem:$0x3F96]  }
0x2b: {  	s6 =	sld [smem:$0x3F97]  }
0x2c: {  	s7 =	sld [smem:$0x3F98]  }
0x2d: {  	s3 =	simm.s32 $0x108;
	s8 =	sld [smem:$0x3F99]  }
0x2e: {  	s3 =	simm.s32 @!p0 $0x1082;
	s9 =	sld [smem:$0x3F9A]  }
0x2f: {  	lr =	sadd.s32 s0, s3;
	s0 =	sld [smem:$0x3F91]  }
0x30: {  	s3 =	sld [smem:$0x3F94]  }
0x31: {  	[smem:$0x3F9D] =	sst s10  }
0x32: {  	s10 =	sld [smem:$0x3F9B];
	_ =	sdelay $0x3  }
0x33: {  	p0 =	seq.s32 s10, $0x1;
	s10 =	sld [smem:$0x3F9D];
	_ =	sdelay $0x3  }
0x34: {  	[smem:$0x3F9D] =	sst s10  }
0x35: {  	s10 =	sld [smem:$0x3F9C];
	_ =	sdelay $0x3  }
0x36: {  	p1 =	seq.s32 s10, $0x1;
	s10 =	sld [smem:$0x3F9D];
	_ =	sdelay $0x3  }
0x37: {  	[smem:$0x3F9D] =	sst s10  }
0x38: {  	s10 =	sld [smem:$0x3F9E]  }
0x39: {  	_ = 	snop;
	(pc) =	sbr.ind lr, $3  }
0x3a: {  	_ = 	snop  }
0x3b: {  	_ = 	snop  }
0x3c: {  	p2 =	seq.s32 s10, $0x1;
	s10 =	sld [smem:$0x3F9D]  }
0x3d: {  	_ =	shalt  }
0x3e: {  	_ =	shalt  }
0x3f: {  	_ =	shalt  }
0x40: {  	_ =	shalt  }
0x41: {  	_ =	shalt  }
0x42: {  	_ =	shalt  }
0x43: {  	_ =	shalt  }
0x44: {  	_ =	shalt  }
0x45: {  	_ =	shalt  }
0x46: {  	_ =	shalt  }
0x47: {  	_ =	shalt  }
0x48: {  	_ =	shalt  }
0x49: {  	_ =	shalt  }
0x4a: {  	_ =	shalt  }
0x4b: {  	_ =	shalt  }
0x4c: {  	_ =	shalt  }
0x4d: {  	_ =	shalt  }
0x4e: {  	_ =	shalt  }
0x4f: {  	_ =	shalt  }
0x50: {  	_ =	shalt  }
0x51: {  	_ =	shalt  }
0x52: {  	_ =	shalt  }
0x53: {  	_ =	shalt  }
0x54: {  	_ =	shalt  }
0x55: {  	_ =	shalt  }
0x56: {  	_ =	shalt  }
0x57: {  	_ =	shalt  }
0x58: {  	_ =	shalt  }
0x59: {  	_ =	shalt  }
0x5a: {  	_ =	shalt  }
0x5b: {  	_ =	shalt  }
0x5c: {  	_ =	shalt  }
0x5d: {  	_ =	shalt  }
0x5e: {  	_ =	shalt  }
0x5f: {  	_ =	shalt  }
0x60: {  	_ =	shalt  }
0x61: {  	_ =	shalt  }
0x62: {  	_ =	shalt  }
0x63: {  	_ =	shalt  }
0x64: {  	_ =	shalt  }
0x65: {  	_ =	shalt  }
0x66: {  	_ =	shalt  }
0x67: {  	_ =	shalt  }
0x68: {  	_ =	shalt  }
0x69: {  	_ =	shalt  }
0x6a: {  	_ =	shalt  }
0x6b: {  	_ =	shalt  }
0x6c: {  	_ =	shalt  }
0x6d: {  	_ =	shalt  }
0x6e: {  	_ =	shalt  }
0x6f: {  	_ =	shalt  }
0x70: {  	_ =	shalt  }
0x71: {  	_ =	shalt  }
0x72: {  	_ =	shalt  }
0x73: {  	_ =	shalt  }
0x74: {  	_ =	shalt  }
0x75: {  	_ =	shalt  }
0x76: {  	_ =	shalt  }
0x77: {  	_ =	shalt  }
0x78: {  	_ =	shalt  }
0x79: {  	_ =	shalt  }
0x7a: {  	_ =	shalt  }
0x7b: {  	_ =	shalt  }
0x7c: {  	_ =	shalt  }
0x7d: {  	_ =	shalt  }
0x7e: {  	_ =	shalt  }
0x7f: {  	_ =	shalt  }
0x80: {  	_ =	shalt  }
0x81: {  	_ =	shalt  }
0x82: {  	_ =	shalt  }
0x83: {  	_ =	shalt  }
0x84: {  	_ =	shalt  }
0x85: {  	_ =	shalt  }
0x86: {  	_ =	shalt  }
0x87: {  	_ =	shalt  }
.Lfunc_end0:
.L_simem_size_0:
called_computation.4_lowered:
.L_overlay_start_0:
0x88: {  	s2 =	sld [smem:$0x3FD9]  }
0x89: {  	s3 =	sld [smem:$0x3FFE];
	_ =	sdelay $0x1  }
0x8a: {  	s1 =	srdreg.scid  }
0x8b: {  	s0 =	sand.u32 $0x1, s1  }
0x8c: {  	s16 =	sshll.u32 s0, $0xA;
	s2 =	sadd.s32 s3, s2  }
0x8d: {  	s2 =	sadd.s32 s2, s16  }
0x8e: {  	[smem:$0x3FA9] =	sst s2  }
0x8f: {  	_ = 	snop  }
0x90: {  	(tm) =	ssettm $0x1  }
0x91: {  	s17 =	sld [smem:$0x3FFB];
	_ =	sdelay $0x3  }
0x92: {  	_ =	strace s17  }
0x93: {  	s2 =	sld [smem:$0x3FFC];
	_ =	sdelay $0x3  }
0x94: {  	_ =	strace s2  }
0x95: {  	s2 =	sld [smem:$0x3FFD];
	_ =	sdelay $0x3  }
0x96: {  	_ =	strace s2  }
0x97: {  	_ =	strace $0x8FFFFFFF  }
0x98: {  	s18 =	sld [smem:$0x3FDB];
	_ =	sdelay $0x1  }
0x99: {  	s19 =	simm.s32 $_scs_section_size  }
0x9a: {  	s4 =	simm.s32 $_size__tile_overlayer_lowered;
	s5 =	simm.s32 $_tile_overlayer_lowered  }
0x9b: {  	s22 =	simm.s32 $0x1BFF;
	s21 =	sshll.u32 s5, $0x1;
	s2 =	sadd.s32 s19, s18  }
0x9c: {  	s6 =	simm.s32 $0x0;
	s20 =	sshll.u32 s4, $0x1;
	s4 =	sadd.s32 s21, s2  }
0x9d: {  	[timem:s6], [sflag:s22] =	dma.local [hbm:s4], s20  }
0x9e: {  	_ =	swait.ge [sflag:s22], s20  }
0x9f: {  	s3 =	ssub.s32 $0x0, s20;
	[sflag:s22] =	ssyncset.done $0x0  }
0xa0: {  	[sflag:s22] =	ssyncadd.s32 s3;
	_ =	sdelay $0x1  }
0xa1: {  	s23 =	simm.s32 $0x1B8B  }
0xa2: {  	_ =	swait.ge [sflag:s23], $0x1  }
0xa3: {  	[sflag:s23] =	ssyncset.done $0x0  }
0xa4: {  	s25 =	simm.s32 $0x1B8E;
	s24 =	sld [smem:$0x3FFE];
	[sflag:s23] =	ssyncadd.s32 $0xFFFFFFFF  }
0xa5: {  	s26 =	simm.s32 $execute0_lowered;
	[smem:$0x3FD2] =	sst s25  }
0xa6: {  	s4 =	sshll.u32 s26, $0x1;
	_ =	strace $0x80000052;
	[dreg:$0x1] =	wrdreg $0xFFFFFFFF  }
0xa7: {  	s28 =	simm.s32 $_size_execute0_lowered;
	s2 =	sadd.s32 s2, s4;
	[dreg:$0x0] =	wrdreg $0x0  }
0xa8: {  	s4 =	sshll.u32 s28, $0x1;
	[dreg:$0x2] =	wrdreg s2  }
0xa9: {  	[dreg:$0x3] =	wrdreg s4  }
0xaa: {  	[dreg:$0x4] =	wrdreg $0xC0  }
0xab: {  	_ =	task [dreg:s6], $0x5FFFF  }
0xac: {  	[dreg:$0x1] =	wrdreg $0xFFFFFFFF  }
0xad: {  	[dreg:$0x0] =	wrdreg $0x60  }
0xae: {  	[dreg:$0x2] =	wrdreg s24  }
0xaf: {  	[dreg:$0x3] =	wrdreg $0x9  }
0xb0: {  	_ =	task.clear_ibuf [dreg:s6], $0x4FFFF;
	_ =	strace $0x90000052  }
0xb1: {  	s29 =	simm.s32 $0x9;
	_ =	strace $0x80000054  }
0xb2: {  	_ =	swait.ge [sflag:s29], $0x1  }
0xb3: {  	[sflag:s29] =	ssyncadd.s32 $0xFFFFFFFF  }
0xb4: {  	_ =	strace $0x90000054  }
0xb5: {  	_ =	sfence  }
0xb6: {  	s30 =	sld [smem:$0x0];
	_ =	sdelay $0x2  }
0xb7: {  	s31 =	sshll.u32 s1, $0xD;
	s1 =	sshrl.u32 s1, $0x2  }
0xb8: {  	s3 =	sand.u32 $0x4000, s31;
	s1 =	sadd.s32 s1, s30  }
0xb9: {  	s0 =	sor.u32 s3, s0;
	s1 =	sshll.u32 s1, $0x11  }
0xba: {  	s0 =	sor.u32 s1, s0  }
0xbb: {  	s0 =	sadd.s32 $0x8F2B, s0  }
0xbc: {  	[sflag:s0] =	ssyncadd.remote.s32 $0x1  }
0xbd: {  	_ =	sfence.sel $0xFFFF  }
0xbe: {  	[dreg:$0x0] =	wrdreg $0xFFFFFFFF;
	(pc) =	sbr.abs _section_cstart, $3  }
0xbf: {  	[dreg:$0x1] =	wrdreg $0xFFFFFFFF  }
0xc0: {  	_ =	task.clear_ibuf [dreg:s6], $0x2FFFF;
	_ =	strace $0x9FFFFFFF  }
0xc1: {  	(tm) =	ssettm $0x7FFFFFFF  }
tec
execute0_lowered:
.L_overlay_start_1:
0x0: {  	(tag) =	ssettag $0x1  }
0x1: {  	s1 =	srdreg.scid  }
0x2: {  	s0 =	stileid.u32;
	s4 =	rddreg [dreg:$0x0];
	s2 =	simm.s32 $0x0  }
0x3: {  	s11 =	simm.s32 $0xD000;
	s12 =	simm.s32 $0x11000;
	s13 =	simm.s32 $0x1  }
0x4: {  	s14 =	simm.s32 $0x0;
	s5 =	sand.u32 $0x1, s1;
	s1 =	rddreg [dreg:$0x1]  }
0x5: {  	s3 =	sshll.u32 s0, $0x1;
	[smem:$0x7FF] =	sst s2;
	s7 =	smul.u32 $0xA0000, s0  }
0x6: {  	s3 =	sor.u32 s5, s3;
	_ =	strace $0x80000053;
	s10 =	smul.u32 $0x50000, s5  }
0x7: {  	s8 =	ssub.s32 $0x2, s5;
	s6 =	smul.u32 $0xA00, s3;
	s3 =	sadd.s32 $0x581400, s4  }
0x8: {  	s9 =	sshrl.u32 s8, $0x1;
	s30 =	sadd.s32 s7, s4;
	s7 =	simm.s32 $0x2  }
0x9: {  	s31 =	ssub.s32 s8, s9;
	s8 =	simm.s32 $0x80;
	s9 =	simm.s32 $0x5000  }
0xa: {  	s29 =	sadd.s32 s6, s4;
	s5 =	smax.u32 s31, $0x1;
	s6 =	sadd.s32 s10, s30  }
0xb: {  	s10 =	simm.s32 $0x9000;
	s4 =	sadd.s32 $0x1EA00, s29;
	s6 =	sadd.s32 $0xF78C00, s6  }
.LBB2_1:
0xc: {  	[tilespmem:s2], [sflag:$0x2] =	stream.linear.gather [hbm4b:s4+s2], $0x5000, $0x38;
	[tilespmem:$0x15000] =	vst v63  }
0xd: {  	_ =	swait.ge [sflag:s7], $0x5000  }
0xe: {  	[sflag:s7] =	ssyncset.done $0x0  }
0xf: {  	s15 =	simm.s32 $0x0;
	[sflag:s7] =	ssyncadd.s32 $0xFFFFB000  }
0x10: {  	[tilespmem:s9], [sflag:$0x1] =	stream.indirect.gather [hbm4b:s3+s8], $0x80, s15, s8, $0xb8;
	[tilespmem:$0x15000] =	vst v63  }
0x11: {  	s25 =	simm.s32 $0x80  }
0x12: {  	[tilespmem:s10], [sflag:$0x1] =	stream.indirect.gather [hbm4b:s3+s8], $0x80, s25, s8, $0xb8;
	[tilespmem:$0x15000] =	vst v63  }
0x13: {  	s26 =	simm.s32 $0x100  }
0x14: {  	[tilespmem:s11], [sflag:$0x1] =	stream.indirect.gather [hbm4b:s3+s8], $0x80, s26, s8, $0xb8;
	[tilespmem:$0x15000] =	vst v63  }
0x15: {  	s28 =	simm.s32 $0x180  }
0x16: {  	[tilespmem:s12], [sflag:$0x1] =	stream.indirect.gather [hbm4b:s3+s8], $0x80, s28, s8, $0xb8;
	[tilespmem:$0x15000] =	vst v63  }
0x17: {  	_ =	swait.ge [sflag:s13], $0x4000  }
0x18: {  	[sflag:s13] =	ssyncset.done $0x0  }
0x19: {  	s29 =	sadd.s32 $0xFFFFE800, s6;
	[sflag:s13] =	ssyncadd.s32 $0xFFFFC000  }
0x1a: {  	[hbm4b:s29+s2] =	stream.linear.scatter [tilespmem:s9], [sflag:$0x2], $0x4000, $0x38;
	[tilespmem:$0x15000] =	vst v63  }
0x1b: {  	_ =	swait.ge [sflag:s7], $0x4000  }
0x1c: {  	[sflag:s7] =	ssyncset.done $0x0  }
0x1d: {  	[sflag:s7] =	ssyncadd.s32 $0xFFFFC000  }
0x1e: {  	_ =	swait.ge [sflag:s13], $0x4000  }
0x1f: {  	[sflag:s13] =	ssyncset.done $0x0  }
0x20: {  	s30 =	sadd.s32 $0xFFFFF000, s6;
	[sflag:s13] =	ssyncadd.s32 $0xFFFFC000  }
0x21: {  	[hbm4b:s30+s2] =	stream.linear.scatter [tilespmem:s10], [sflag:$0x2], $0x4000, $0x38;
	[tilespmem:$0x15000] =	vst v63  }
0x22: {  	_ =	swait.ge [sflag:s7], $0x4000  }
0x23: {  	[sflag:s7] =	ssyncset.done $0x0  }
0x24: {  	[sflag:s7] =	ssyncadd.s32 $0xFFFFC000  }
0x25: {  	_ =	swait.ge [sflag:s13], $0x4000  }
0x26: {  	[sflag:s13] =	ssyncset.done $0x0  }
0x27: {  	s31 =	sadd.s32 $0xFFFFF800, s6;
	[sflag:s13] =	ssyncadd.s32 $0xFFFFC000  }
0x28: {  	[hbm4b:s31+s2] =	stream.linear.scatter [tilespmem:s11], [sflag:$0x2], $0x4000, $0x38;
	[tilespmem:$0x15000] =	vst v63  }
0x29: {  	_ =	swait.ge [sflag:s7], $0x4000  }
0x2a: {  	[sflag:s7] =	ssyncset.done $0x0  }
0x2b: {  	[sflag:s7] =	ssyncadd.s32 $0xFFFFC000  }
0x2c: {  	_ =	swait.ge [sflag:s13], $0x4000  }
0x2d: {  	[sflag:s13] =	ssyncset.done $0x0  }
0x2e: {  	[sflag:s13] =	ssyncadd.s32 $0xFFFFC000  }
0x2f: {  	[hbm4b:s6+s2] =	stream.linear.scatter [tilespmem:s12], [sflag:$0x2], $0x4000, $0x38;
	[tilespmem:$0x15000] =	vst v63  }
0x30: {  	s16 =	simm.s32 $0x800;
	_ =	swait.ge [sflag:s7], $0x4000  }
0x31: {  	s18 =	simm.s32 $0x1000;
	s15 =	sadd.s32 $0x2000, s6;
	[sflag:s7] =	ssyncset.done $0x0  }
.LBB2_2:
0x32: {  	s19 =	sshra.s32 s16, $0x2  }
0x33: {  	[sflag:s7] =	ssyncadd.s32 $0xFFFFC000;
	s16 =	smov.u32 s18;
	s17 =	sadd.s32 $0x800, s18  }
0x34: {  	[tilespmem:s9], [sflag:$0x1] =	stream.indirect.gather [hbm4b:s3+s8], $0x80, s19, s8, $0xb8;
	[tilespmem:$0x15000] =	vst v63  }
0x35: {  	p0 =	sne.s32 s18, $0x13800;
	s18 =	sadd.s32 $0x80, s19  }
0x36: {  	[tilespmem:s10], [sflag:$0x1] =	stream.indirect.gather [hbm4b:s3+s8], $0x80, s18, s8, $0xb8;
	[tilespmem:$0x15000] =	vst v63  }
0x37: {  	s18 =	sadd.s32 $0x100, s19  }
0x38: {  	[tilespmem:s11], [sflag:$0x1] =	stream.indirect.gather [hbm4b:s3+s8], $0x80, s18, s8, $0xb8;
	[tilespmem:$0x15000] =	vst v63  }
0x39: {  	s18 =	sadd.s32 $0x180, s19  }
0x3a: {  	[tilespmem:s12], [sflag:$0x1] =	stream.indirect.gather [hbm4b:s3+s8], $0x80, s18, s8, $0xb8;
	[tilespmem:$0x15000] =	vst v63  }
0x3b: {  	_ =	swait.ge [sflag:s13], $0x4000  }
0x3c: {  	[sflag:s13] =	ssyncset.done $0x0  }
0x3d: {  	s18 =	sadd.s32 $0xFFFFE800, s15;
	[sflag:s13] =	ssyncadd.s32 $0xFFFFC000  }
0x3e: {  	[hbm4b:s18+s2] =	stream.linear.scatter [tilespmem:s9], [sflag:$0x2], $0x4000, $0x38;
	[tilespmem:$0x15000] =	vst v63  }
0x3f: {  	_ =	swait.ge [sflag:s7], $0x4000  }
0x40: {  	[sflag:s7] =	ssyncset.done $0x0  }
0x41: {  	[sflag:s7] =	ssyncadd.s32 $0xFFFFC000  }
0x42: {  	_ =	swait.ge [sflag:s13], $0x4000  }
0x43: {  	[sflag:s13] =	ssyncset.done $0x0  }
0x44: {  	s18 =	sadd.s32 $0xFFFFF000, s15;
	[sflag:s13] =	ssyncadd.s32 $0xFFFFC000  }
0x45: {  	[hbm4b:s18+s2] =	stream.linear.scatter [tilespmem:s10], [sflag:$0x2], $0x4000, $0x38;
	[tilespmem:$0x15000] =	vst v63  }
0x46: {  	_ =	swait.ge [sflag:s7], $0x4000  }
0x47: {  	[sflag:s7] =	ssyncset.done $0x0  }
0x48: {  	[sflag:s7] =	ssyncadd.s32 $0xFFFFC000  }
0x49: {  	_ =	swait.ge [sflag:s13], $0x4000  }
0x4a: {  	[sflag:s13] =	ssyncset.done $0x0  }
0x4b: {  	s18 =	sadd.s32 $0xFFFFF800, s15;
	[sflag:s13] =	ssyncadd.s32 $0xFFFFC000  }
0x4c: {  	[hbm4b:s18+s2] =	stream.linear.scatter [tilespmem:s11], [sflag:$0x2], $0x4000, $0x38;
	[tilespmem:$0x15000] =	vst v63  }
0x4d: {  	_ =	swait.ge [sflag:s7], $0x4000  }
0x4e: {  	[sflag:s7] =	ssyncset.done $0x0  }
0x4f: {  	[sflag:s7] =	ssyncadd.s32 $0xFFFFC000  }
0x50: {  	_ =	swait.ge [sflag:s13], $0x4000  }
.Ltmp0:
0x51: {  	[sflag:s13] =	ssyncset.done $0x0;
	(pc) =	sbr.rel @p0 .LBB2_2-.Ltmp0, $4  }
0x52: {  	[sflag:s13] =	ssyncadd.s32 $0xFFFFC000  }
0x53: {  	[hbm4b:s15+s2] =	stream.linear.scatter [tilespmem:s12], [sflag:$0x2], $0x4000, $0x38;
	[tilespmem:$0x15000] =	vst v63  }
0x54: {  	_ =	swait.ge [sflag:s7], $0x4000  }
0x55: {  	s18 =	smov.u32 s17;
	s15 =	sadd.s32 $0x2000, s15;
	[sflag:s7] =	ssyncset.done $0x0  }
0x56: {  	s16 =	sshra.s32 s16, $0x2;
	[sflag:s7] =	ssyncadd.s32 $0xFFFFC000  }
0x57: {  	[tilespmem:s9], [sflag:$0x1] =	stream.indirect.gather [hbm4b:s3+s8], $0x80, s16, s8, $0xb8;
	[tilespmem:$0x15000] =	vst v63  }
0x58: {  	s17 =	sadd.s32 $0x80, s16  }
0x59: {  	[tilespmem:s10], [sflag:$0x1] =	stream.indirect.gather [hbm4b:s3+s8], $0x80, s17, s8, $0xb8;
	[tilespmem:$0x15000] =	vst v63  }
0x5a: {  	s28 =	sadd.s32 $0x100, s16  }
0x5b: {  	[tilespmem:s11], [sflag:$0x1] =	stream.indirect.gather [hbm4b:s3+s8], $0x80, s28, s8, $0xb8;
	[tilespmem:$0x15000] =	vst v63  }
0x5c: {  	s16 =	sadd.s32 $0x180, s16  }
0x5d: {  	[tilespmem:s12], [sflag:$0x1] =	stream.indirect.gather [hbm4b:s3+s8], $0x80, s16, s8, $0xb8;
	[tilespmem:$0x15000] =	vst v63  }
0x5e: {  	_ =	swait.ge [sflag:s13], $0x4000  }
0x5f: {  	[sflag:s13] =	ssyncset.done $0x0  }
0x60: {  	s29 =	sadd.s32 $0xFFFFE800, s15;
	[sflag:s13] =	ssyncadd.s32 $0xFFFFC000  }
0x61: {  	[hbm4b:s29+s2] =	stream.linear.scatter [tilespmem:s9], [sflag:$0x2], $0x4000, $0x38;
	[tilespmem:$0x15000] =	vst v63  }
0x62: {  	_ =	swait.ge [sflag:s7], $0x4000  }
0x63: {  	[sflag:s7] =	ssyncset.done $0x0  }
0x64: {  	[sflag:s7] =	ssyncadd.s32 $0xFFFFC000  }
0x65: {  	_ =	swait.ge [sflag:s13], $0x4000  }
0x66: {  	[sflag:s13] =	ssyncset.done $0x0  }
0x67: {  	s30 =	sadd.s32 $0xFFFFF000, s15;
	[sflag:s13] =	ssyncadd.s32 $0xFFFFC000  }
0x68: {  	[hbm4b:s30+s2] =	stream.linear.scatter [tilespmem:s10], [sflag:$0x2], $0x4000, $0x38;
	[tilespmem:$0x15000] =	vst v63  }
0x69: {  	_ =	swait.ge [sflag:s7], $0x4000  }
0x6a: {  	[sflag:s7] =	ssyncset.done $0x0  }
0x6b: {  	[sflag:s7] =	ssyncadd.s32 $0xFFFFC000  }
0x6c: {  	_ =	swait.ge [sflag:s13], $0x4000  }
0x6d: {  	[sflag:s13] =	ssyncset.done $0x0  }
0x6e: {  	s31 =	sadd.s32 $0xFFFFF800, s15;
	[sflag:s13] =	ssyncadd.s32 $0xFFFFC000  }
0x6f: {  	[hbm4b:s31+s2] =	stream.linear.scatter [tilespmem:s11], [sflag:$0x2], $0x4000, $0x38;
	[tilespmem:$0x15000] =	vst v63  }
0x70: {  	_ =	swait.ge [sflag:s7], $0x4000  }
0x71: {  	[sflag:s7] =	ssyncset.done $0x0  }
0x72: {  	[sflag:s7] =	ssyncadd.s32 $0xFFFFC000  }
0x73: {  	s14 =	sadd.s32 $0x1, s14;
	_ =	swait.ge [sflag:s13], $0x4000  }
0x74: {  	p0 =	sne.s32 s14, s5;
	[sflag:s13] =	ssyncset.done $0x0  }
.Ltmp1:
0x75: {  	[sflag:s13] =	ssyncadd.s32 $0xFFFFC000;
	(pc) =	sbr.rel @p0 .LBB2_1-.Ltmp1, $4  }
0x76: {  	[hbm4b:s15+s2] =	stream.linear.scatter [tilespmem:s12], [sflag:$0x2], $0x4000, $0x38;
	[tilespmem:$0x15000] =	vst v63  }
0x77: {  	_ =	swait.ge [sflag:s7], $0x4000  }
0x78: {  	[sflag:s7] =	ssyncset.done $0x0  }
0x79: {  	[sflag:s7] =	ssyncadd.s32 $0xFFFFC000  }
0x7a: {  	_ =	sfence.sel $0x180000  }
0x7b: {  	[bflag:$0x0] =	sbarrier.arrive $0xFFFF  }
0x7c: {  	p0 =	sne.s32 s0, $0x0;
	_ =	strace $0x90000053  }
0x7d: {  	s0 =	sadd.s32 @!p0 $0x100000, s1;
	[bflag:$0x2] =	sbarrier.arrive $0xFFFF  }
0x7e: {  	[sflag:s0] =	ssyncadd.tile.s32 @!p0 $0x1;
	_ =	shalt  }
.Lfunc_end2:
_tile_overlayer_lowered:
.L_overlay_start_2:
0x7f: {  	(tag) =	ssettag $0x2  }
0x80: {  	s0 =	rddreg [dreg:$0x0];
	s2 =	stileid.u32  }
0x81: {  	s1 =	rddreg [dreg:$0x1];
	p0 =	sne.s32 s2, $0x0  }
0x82: {  	s3 =	rddreg [dreg:$0x2];
	[bflag:$0x3] =	sbarrier.arrive $0xFFFF;
	s2 =	simm.s32 @!p0 $0x1C02  }
0x83: {  	[timem:s3], [sflag:s2] =	dma.local @!p0 [hbm:s0], s1  }
0x84: {  	s0 =	simm.s32 @!p0 $0x2  }
0x85: {  	_ =	swait.ge @!p0 [sflag:s0], s1  }
0x86: {  	s1 =	ssub.s32 @!p0 $0x0, s1;
	[sflag:s0] =	ssyncset.done @!p0 $0x0  }
0x87: {  	[sflag:s0] =	ssyncadd.s32 @!p0 s1  }
0x88: {  	[bflag:$0x3] =	sbarrier.arrive $0xFFFF  }
0x89: {  	_ =	shalt  }

// kernel: kernel.40.cloned.1.call-start
scs
__scs_entry_jumppad:
0x0: {  	(pc) =	sbr.rel $0x88, $3  }
0x1: {  	(tag) =	ssettag $0x0;
	lr =	simm.s32 $0x1  }
0x2: {  	[smem:$0x3F82] =	sst lr;
	_ =	strace $0xD0000000  }
0x3: {  	_ = 	snop  }
0x4: {  	_ = 	snop  }
0x5: {  	_ = 	snop  }
0x6: {  	_ = 	snop  }
0x7: {  	_ = 	snop  }
__scs_overlays_trampoline_lowered:
0x8: {  	[smem:$0x3F91] =	sst s0  }
0x9: {  	[smem:$0x3F92] =	sst s1  }
0xa: {  	[smem:$0x3F93] =	sst s2  }
0xb: {  	[smem:$0x3F94] =	sst s3  }
0xc: {  	[smem:$0x3F95] =	sst s4  }
0xd: {  	[smem:$0x3F96] =	sst s5  }
0xe: {  	[smem:$0x3F97] =	sst s6  }
0xf: {  	[smem:$0x3F98] =	sst s7  }
0x10: {  	[smem:$0x3F99] =	sst s8  }
0x11: {  	[smem:$0x3F9A] =	sst s9;
	s0 =	simm.s32 @!p0 $0x0  }
0x12: {  	s1 =	sld [smem:$0x3F80];
	s0 =	simm.s32 @p0 $0x1  }
0x13: {  	[smem:$0x3F9B] =	sst s0;
	s0 =	simm.s32 @!p1 $0x0  }
0x14: {  	s2 =	sld [smem:$0x3F7F];
	s0 =	simm.s32 @p1 $0x1  }
0x15: {  	[smem:$0x3F9C] =	sst s0;
	s0 =	simm.s32 @!p2 $0x0  }
0x16: {  	s3 =	sld [smem:$0x3FDB];
	s0 =	simm.s32 @p2 $0x1  }
0x17: {  	s4 =	simm.s32 $0x1BF5;
	[smem:$0x3F9E] =	sst s0  }
0x18: {  	s0 =	sld [smem:$0x3F81];
	_ =	swait.ge [sflag:s4], $0x0  }
0x19: {  	s7 =	sld [smem:$0x3F82]  }
0x1a: {  	s8 =	sadd.s32 $0xFFFFE003, lr  }
0x1b: {  	s9 =	sadd.s32 $0xFFFFFEF7, lr;
	s5 =	simm.s32 $0xFFFFFFFF;
	p2 =	slt.u32 s8, $0xFFFFF086  }
0x1c: {  	p1 =	slt.u32 s9, $0xF7A;
	s5 =	simm.s32 @!p2 $0x0  }
0x1d: {  	s5 =	simm.s32 @p1 $0x1;
	p0 =	seq.s32 s7, s2  }
0x1e: {  	s7 =	smul.u32 @!p0 $0xF7A, s2;
	p2 =	seq.s32 @!p0 s5, $0x0  }
0x1f: {  	s9 =	smul.u32 $0xF7A, s1;
	s8 =	simm.s32 @!p0 $0x1BF5;
	p2 =	por !p2, p0  }
0x20: {  	[sflag:s8] =	ssyncset.s32 @!p0 $0xFFFFF086;
	s6 =	sadd.s32 @!p0 s3, s7;
	s7 =	simm.s32 @!p0 $0x108  }
0x21: {  	s3 =	sadd.s32 s3, s9;
	s6 =	sadd.s32 @!p0 $0x88, s6;
	s7 =	simm.s32 @p2 $0x1082  }
0x22: {  	[simem:s7], [sflag:s8] =	dma.local @!p0 [hbm:s6], $0xF7A  }
0x23: {  	s9 =	sor.u32 $0xD0000000, s2;
	s6 =	simm.s32 $0x108;
	_ =	swait.ge @!p0 [sflag:s8], $0x0  }
0x24: {  	s3 =	sadd.s32 $0x88, s3;
	s6 =	simm.s32 @!p1 $0x1082;
	[sflag:s4] =	ssyncset.s32 $0xFFFFF086  }
0x25: {  	[simem:s6], [sflag:s4] =	dma.local [hbm:s3], $0xF7A  }
0x26: {  	[smem:$0x3F82] =	sst s1;
	(tag) =	ssettag s2;
	_ =	strace s9  }
0x27: {  	s1 =	sld [smem:$0x3F92]  }
0x28: {  	s2 =	sld [smem:$0x3F93]  }
0x29: {  	s4 =	sld [smem:$0x3F95]  }
0x2a: {  	p0 =	seq.s32 s5, $0x0;
	s5 =	sld [smem:$0x3F96]  }
0x2b: {  	s6 =	sld [smem:$0x3F97]  }
0x2c: {  	s7 =	sld [smem:$0x3F98]  }
0x2d: {  	s3 =	simm.s32 $0x108;
	s8 =	sld [smem:$0x3F99]  }
0x2e: {  	s3 =	simm.s32 @!p0 $0x1082;
	s9 =	sld [smem:$0x3F9A]  }
0x2f: {  	lr =	sadd.s32 s0, s3;
	s0 =	sld [smem:$0x3F91]  }
0x30: {  	s3 =	sld [smem:$0x3F94]  }
0x31: {  	[smem:$0x3F9D] =	sst s10  }
0x32: {  	s10 =	sld [smem:$0x3F9B];
	_ =	sdelay $0x3  }
0x33: {  	p0 =	seq.s32 s10, $0x1;
	s10 =	sld [smem:$0x3F9D];
	_ =	sdelay $0x3  }
0x34: {  	[smem:$0x3F9D] =	sst s10  }
0x35: {  	s10 =	sld [smem:$0x3F9C];
	_ =	sdelay $0x3  }
0x36: {  	p1 =	seq.s32 s10, $0x1;
	s10 =	sld [smem:$0x3F9D];
	_ =	sdelay $0x3  }
0x37: {  	[smem:$0x3F9D] =	sst s10  }
0x38: {  	s10 =	sld [smem:$0x3F9E]  }
0x39: {  	_ = 	snop;
	(pc) =	sbr.ind lr, $3  }
0x3a: {  	_ = 	snop  }
0x3b: {  	_ = 	snop  }
0x3c: {  	p2 =	seq.s32 s10, $0x1;
	s10 =	sld [smem:$0x3F9D]  }
0x3d: {  	_ =	shalt  }
0x3e: {  	_ =	shalt  }
0x3f: {  	_ =	shalt  }
0x40: {  	_ =	shalt  }
0x41: {  	_ =	shalt  }
0x42: {  	_ =	shalt  }
0x43: {  	_ =	shalt  }
0x44: {  	_ =	shalt  }
0x45: {  	_ =	shalt  }
0x46: {  	_ =	shalt  }
0x47: {  	_ =	shalt  }
0x48: {  	_ =	shalt  }
0x49: {  	_ =	shalt  }
0x4a: {  	_ =	shalt  }
0x4b: {  	_ =	shalt  }
0x4c: {  	_ =	shalt  }
0x4d: {  	_ =	shalt  }
0x4e: {  	_ =	shalt  }
0x4f: {  	_ =	shalt  }
0x50: {  	_ =	shalt  }
0x51: {  	_ =	shalt  }
0x52: {  	_ =	shalt  }
0x53: {  	_ =	shalt  }
0x54: {  	_ =	shalt  }
0x55: {  	_ =	shalt  }
0x56: {  	_ =	shalt  }
0x57: {  	_ =	shalt  }
0x58: {  	_ =	shalt  }
0x59: {  	_ =	shalt  }
0x5a: {  	_ =	shalt  }
0x5b: {  	_ =	shalt  }
0x5c: {  	_ =	shalt  }
0x5d: {  	_ =	shalt  }
0x5e: {  	_ =	shalt  }
0x5f: {  	_ =	shalt  }
0x60: {  	_ =	shalt  }
0x61: {  	_ =	shalt  }
0x62: {  	_ =	shalt  }
0x63: {  	_ =	shalt  }
0x64: {  	_ =	shalt  }
0x65: {  	_ =	shalt  }
0x66: {  	_ =	shalt  }
0x67: {  	_ =	shalt  }
0x68: {  	_ =	shalt  }
0x69: {  	_ =	shalt  }
0x6a: {  	_ =	shalt  }
0x6b: {  	_ =	shalt  }
0x6c: {  	_ =	shalt  }
0x6d: {  	_ =	shalt  }
0x6e: {  	_ =	shalt  }
0x6f: {  	_ =	shalt  }
0x70: {  	_ =	shalt  }
0x71: {  	_ =	shalt  }
0x72: {  	_ =	shalt  }
0x73: {  	_ =	shalt  }
0x74: {  	_ =	shalt  }
0x75: {  	_ =	shalt  }
0x76: {  	_ =	shalt  }
0x77: {  	_ =	shalt  }
0x78: {  	_ =	shalt  }
0x79: {  	_ =	shalt  }
0x7a: {  	_ =	shalt  }
0x7b: {  	_ =	shalt  }
0x7c: {  	_ =	shalt  }
0x7d: {  	_ =	shalt  }
0x7e: {  	_ =	shalt  }
0x7f: {  	_ =	shalt  }
0x80: {  	_ =	shalt  }
0x81: {  	_ =	shalt  }
0x82: {  	_ =	shalt  }
0x83: {  	_ =	shalt  }
0x84: {  	_ =	shalt  }
0x85: {  	_ =	shalt  }
0x86: {  	_ =	shalt  }
0x87: {  	_ =	shalt  }
.Lfunc_end0:
.L_simem_size_0:
called_computation.5_lowered:
.L_overlay_start_0:
0x88: {  	s2 =	sld [smem:$0x3FD9]  }
0x89: {  	s3 =	sld [smem:$0x3FFE];
	_ =	sdelay $0x1  }
0x8a: {  	s1 =	srdreg.scid  }
0x8b: {  	s0 =	sand.u32 $0x1, s1  }
0x8c: {  	s16 =	sshll.u32 s0, $0xA;
	s2 =	sadd.s32 s3, s2  }
0x8d: {  	s2 =	sadd.s32 s2, s16  }
0x8e: {  	[smem:$0x3FA9] =	sst s2  }
0x8f: {  	_ = 	snop  }
0x90: {  	(tm) =	ssettm $0x1  }
0x91: {  	s17 =	sld [smem:$0x3FFB];
	_ =	sdelay $0x3  }
0x92: {  	_ =	strace s17  }
0x93: {  	s2 =	sld [smem:$0x3FFC];
	_ =	sdelay $0x3  }
0x94: {  	_ =	strace s2  }
0x95: {  	s2 =	sld [smem:$0x3FFD];
	_ =	sdelay $0x3  }
0x96: {  	_ =	strace s2  }
0x97: {  	_ =	strace $0x8FFFFFFF  }
0x98: {  	s18 =	sld [smem:$0x3FDB];
	_ =	sdelay $0x1  }
0x99: {  	s19 =	simm.s32 $_scs_section_size  }
0x9a: {  	s4 =	simm.s32 $_size__tile_overlayer_lowered;
	s5 =	simm.s32 $_tile_overlayer_lowered  }
0x9b: {  	s22 =	simm.s32 $0x1BFF;
	s21 =	sshll.u32 s5, $0x1;
	s2 =	sadd.s32 s19, s18  }
0x9c: {  	s6 =	simm.s32 $0x0;
	s20 =	sshll.u32 s4, $0x1;
	s4 =	sadd.s32 s21, s2  }
0x9d: {  	[timem:s6], [sflag:s22] =	dma.local [hbm:s4], s20  }
0x9e: {  	_ =	swait.ge [sflag:s22], s20  }
0x9f: {  	s3 =	ssub.s32 $0x0, s20;
	[sflag:s22] =	ssyncset.done $0x0  }
0xa0: {  	[sflag:s22] =	ssyncadd.s32 s3;
	_ =	sdelay $0x1  }
0xa1: {  	s23 =	simm.s32 $0x1B8B  }
0xa2: {  	_ =	swait.ge [sflag:s23], $0x1  }
0xa3: {  	[sflag:s23] =	ssyncset.done $0x0  }
0xa4: {  	s25 =	simm.s32 $0x1B8E;
	s24 =	sld [smem:$0x3FFE];
	[sflag:s23] =	ssyncadd.s32 $0xFFFFFFFF  }
0xa5: {  	s26 =	simm.s32 $execute0_lowered;
	[smem:$0x3FD2] =	sst s25  }
0xa6: {  	s4 =	sshll.u32 s26, $0x1;
	_ =	strace $0x80000055;
	[dreg:$0x1] =	wrdreg $0xFFFFFFFF  }
0xa7: {  	s28 =	simm.s32 $_size_execute0_lowered;
	s2 =	sadd.s32 s2, s4;
	[dreg:$0x0] =	wrdreg $0x0  }
0xa8: {  	s4 =	sshll.u32 s28, $0x1;
	[dreg:$0x2] =	wrdreg s2  }
0xa9: {  	[dreg:$0x3] =	wrdreg s4  }
0xaa: {  	[dreg:$0x4] =	wrdreg $0xC0  }
0xab: {  	_ =	task [dreg:s6], $0x5FFFF  }
0xac: {  	[dreg:$0x1] =	wrdreg $0xFFFFFFFF  }
0xad: {  	[dreg:$0x0] =	wrdreg $0x60  }
0xae: {  	[dreg:$0x2] =	wrdreg s24  }
0xaf: {  	[dreg:$0x3] =	wrdreg $0x68000  }
0xb0: {  	[dreg:$0x4] =	wrdreg $0x9  }
0xb1: {  	_ =	task.clear_ibuf [dreg:s6], $0x5FFFF;
	_ =	strace $0x90000055  }
0xb2: {  	s29 =	simm.s32 $0x9;
	_ =	strace $0x80000057  }
0xb3: {  	_ =	swait.ge [sflag:s29], $0x1  }
0xb4: {  	[sflag:s29] =	ssyncadd.s32 $0xFFFFFFFF  }
0xb5: {  	_ =	strace $0x90000057  }
0xb6: {  	_ =	sfence  }
0xb7: {  	s30 =	sld [smem:$0x0];
	_ =	sdelay $0x2  }
0xb8: {  	s31 =	sshll.u32 s1, $0xD;
	s1 =	sshrl.u32 s1, $0x2  }
0xb9: {  	s3 =	sand.u32 $0x4000, s31;
	s1 =	sadd.s32 s1, s30  }
0xba: {  	s0 =	sor.u32 s3, s0;
	s1 =	sshll.u32 s1, $0x11  }
0xbb: {  	s0 =	sor.u32 s1, s0  }
0xbc: {  	s0 =	sadd.s32 $0x8F2B, s0  }
0xbd: {  	[sflag:s0] =	ssyncadd.remote.s32 $0x1  }
0xbe: {  	_ =	sfence.sel $0xFFFF  }
0xbf: {  	[dreg:$0x0] =	wrdreg $0xFFFFFFFF;
	(pc) =	sbr.abs _section_cstart, $3  }
0xc0: {  	[dreg:$0x1] =	wrdreg $0xFFFFFFFF  }
0xc1: {  	_ =	task.clear_ibuf [dreg:s6], $0x2FFFF;
	_ =	strace $0x9FFFFFFF  }
0xc2: {  	(tm) =	ssettm $0x7FFFFFFF  }
0xc3: {  	_ =	shalt  }
tec
execute0_lowered:
.L_overlay_start_1:
0x0: {  	(tag) =	ssettag $0x1  }
0x1: {  	s0 =	stileid.u32  }
0x2: {  	s1 =	srdreg.scid;
	s4 =	rddreg [dreg:$0x0]  }
0x3: {  	s2 =	rddreg [dreg:$0x1];
	s3 =	simm.s32 $0x0;
	s13 =	simm.s32 $0x80  }
0x4: {  	s14 =	simm.s32 $0x0;
	s5 =	sand.u32 $0x1, s1;
	s6 =	smul.u32 $0x50000, s0  }
0x5: {  	s24 =	sshll.u32 s0, $0x1;
	s1 =	rddreg [dreg:$0x2];
	s8 =	smul.u32 $0x13C00, s0  }
0x6: {  	[smem:$0x7FF] =	sst s3;
	s11 =	smul.u32 $0x4F000, s0;
	s29 =	sshll.u32 s0, $0x6  }
0x7: {  	s7 =	sor.u32 s5, s24;
	_ =	strace $0x80000056;
	s9 =	smul.u32 $0x13C000, s5  }
0x8: {  	s28 =	ssub.s32 $0x2, s5;
	s30 =	smul.u32 $0x28000, s5;
	s5 =	sor.u32 $0x1C01, s29  }
0x9: {  	s7 =	smul.u32 $0x500, s7;
	s10 =	sadd.s32 s6, s4;
	s26 =	sshrl.u32 s8, $0x3  }
0xa: {  	s12 =	sshrl.u32 s28, $0x1;
	s11 =	sshrl.u32 s11, $0x2;
	s8 =	sadd.s32 s8, s9  }
0xb: {  	s9 =	ssub.s32 s28, s12;
	s11 =	sadd.s32 s11, s2;
	s31 =	sadd.s32 s30, s10  }
0xc: {  	s12 =	simm.s32 $0x2800;
	s25 =	sadd.s32 s7, s4;
	s7 =	sadd.s32 s26, s4  }
0xd: {  	s8 =	sshrl.u32 s8, $0x3;
	s10 =	sshrl.u32 s11, $0x3;
	s11 =	simm.s32 $0x1  }
0xe: {  	s8 =	sadd.s32 s8, s4;
	s4 =	sadd.s32 $0x559C00, s7;
	s6 =	sadd.s32 $0xF6D400, s25  }
0xf: {  	s7 =	sadd.s32 $0x5D4C00, s8;
	s8 =	smax.u32 s9, $0x1;
	s9 =	sadd.s32 $0xF77400, s31  }
.LBB2_1:
0x10: {  	[spmem:s10], [sflag:s5] =	dma.local [hbm:s4], $0x2780  }
0x11: {  	_ =	swait.ge [sflag:s11], $0x2780  }
0x12: {  	[sflag:s11] =	ssyncset.done $0x0  }
0x13: {  	[sflag:s11] =	ssyncadd.s32 $0xFFFFD880  }
0x14: {  	[tilespmem:s3], [sflag:$0x1] =	stream.linear.gather [hbm4b:s6+s3], $0x2800, $0x38;
	[tilespmem:$0x1A400] =	vst v63  }
0x15: {  	_ =	swait.ge [sflag:s11], $0x2800  }
0x16: {  	[sflag:s11] =	ssyncset.done $0x0  }
0x17: {  	[sflag:s11] =	ssyncadd.s32 $0xFFFFD800  }
0x18: {  	[bflag:$0x0] =	sbarrier.arrive $0xFFFF  }
0x19: {  	[tilespmem:s12], [sflag:$0x1] =	stream.linear.gather [hbm4b:s9+s3], $0x4000, $0x38;
	[tilespmem:$0x1A400] =	vst v63  }
0x1a: {  	_ =	swait.ge [sflag:s11], $0x4000  }
0x1b: {  	[sflag:s11] =	ssyncset.done $0x0  }
0x1c: {  	s15 =	simm.s32 $0x0;
	[sflag:s11] =	ssyncadd.s32 $0xFFFFC000  }
0x1d: {  	[spmem:s2] =	stream.indirect.scatter.add.f32 [tilespmem:s12], [sflag:$0x1], $0x80, s15, s13, $0xb8;
	[tilespmem:$0x1A400] =	vst v63  }
0x1e: {  	_ =	swait.ge [sflag:s11], $0x4000  }
0x1f: {  	s16 =	smov.u32 s9;
	s15 =	simm.s32 $0x200;
	[sflag:s11] =	ssyncset.done $0x0  }
.LBB2_2:
0x20: {  	p0 =	sne.s32 s15, $0x9E00;
	[sflag:s11] =	ssyncadd.s32 $0xFFFFC000;
	s16 =	sadd.s32 $0x800, s16  }
0x21: {  	[tilespmem:s12], [sflag:$0x1] =	stream.linear.gather [hbm4b:s16+s3], $0x4000, $0x38;
	[tilespmem:$0x1A400] =	vst v63  }
0x22: {  	s17 =	smov.u32 s15;
	s15 =	sadd.s32 $0x200, s15;
	_ =	swait.ge [sflag:s11], $0x4000  }
.Ltmp0:
0x23: {  	[sflag:s11] =	ssyncset.done $0x0;
	(pc) =	sbr.rel @p0 .LBB2_2-.Ltmp0, $4  }
0x24: {  	s17 =	sshra.s32 s17, $0x2;
	[sflag:s11] =	ssyncadd.s32 $0xFFFFC000  }
0x25: {  	[spmem:s2] =	stream.indirect.scatter.add.f32 [tilespmem:s12], [sflag:$0x1], $0x80, s17, s13, $0xb8;
	[tilespmem:$0x1A400] =	vst v63  }
0x26: {  	_ =	swait.ge [sflag:s11], $0x4000  }
0x27: {  	[sflag:s11] =	ssyncset.done $0x0  }
0x28: {  	s14 =	sadd.s32 $0x1, s14  }
0x29: {  	[sflag:s11] =	ssyncadd.s32 $0xFFFFC000;
	p0 =	sne.s32 s14, s8  }
.Ltmp1:
0x2a: {  	[bflag:$0x0] =	sbarrier.arrive $0xFFFF;
	(pc) =	sbr.rel @p0 .LBB2_1-.Ltmp1, $4  }
0x2b: {  	[hbm:s7], [sflag:s5] =	dma.local [spmem:s10], $0x2780  }
0x2c: {  	_ =	swait.ge [sflag:s11], $0x2780  }
0x2d: {  	[sflag:s11] =	ssyncset.done $0x0  }
0x2e: {  	[sflag:s11] =	ssyncadd.s32 $0xFFFFD880  }
0x2f: {  	_ =	sfence.sel $0x180000  }
0x30: {  	[bflag:$0x0] =	sbarrier.arrive $0xFFFF  }
0x31: {  	p0 =	sne.s32 s0, $0x0;
	_ =	strace $0x90000056  }
0x32: {  	s0 =	sadd.s32 @!p0 $0x100000, s1;
	[bflag:$0x2] =	sbarrier.arrive $0xFFFF  }
0x33: {  	[sflag:s0] =	ssyncadd.tile.s32 @!p0 $0x1;
	_ =	shalt  }
.Lfunc_end2:
_tile_overlayer_lowered:
.L_overlay_start_2:
0x34: {  	(tag) =	ssettag $0x2  }
0x35: {  	s0 =	rddreg [dreg:$0x0];
	s2 =	stileid.u32  }
0x36: {  	s1 =	rddreg [dreg:$0x1];
	p0 =	sne.s32 s2, $0x0  }
0x37: {  	s3 =	rddreg [dreg:$0x2];
	[bflag:$0x3] =	sbarrier.arrive $0xFFFF;
	s2 =	simm.s32 @!p0 $0x1C01  }
0x38: {  	[timem:s3], [sflag:s2] =	dma.local @!p0 [hbm:s0], s1  }
0x39: {  	s0 =	simm.s32 @!p0 $0x1  }
0x3a: {  	_ =	swait.ge @!p0 [sflag:s0], s1  }
0x3b: {  	s1 =	ssub.s32 @!p0 $0x0, s1;
	[sflag:s0] =	ssyncset.done @!p0 $0x0  }
0x3c: {  	[sflag:s0] =	ssyncadd.s32 @!p0 s1  }
0x3d: {  	[bflag:$0x3] =	sbarrier.arrive $0xFFFF  }
0x3e: {  	_ =	shalt  }

// kernel: kernel.43.cloned.1.call-start
scs
__scs_entry_jumppad:
0x0: {  	(pc) =	sbr.rel $0x88, $3  }
0x1: {  	(tag) =	ssettag $0x0;
	lr =	simm.s32 $0x1  }
0x2: {  	[smem:$0x3F82] =	sst lr;
	_ =	strace $0xD0000000  }
0x3: {  	_ = 	snop  }
0x4: {  	_ = 	snop  }
0x5: {  	_ = 	snop  }
0x6: {  	_ = 	snop  }
0x7: {  	_ = 	snop  }
__scs_overlays_trampoline_lowered:
0x8: {  	[smem:$0x3F91] =	sst s0  }
0x9: {  	[smem:$0x3F92] =	sst s1  }
0xa: {  	[smem:$0x3F93] =	sst s2  }
0xb: {  	[smem:$0x3F94] =	sst s3  }
0xc: {  	[smem:$0x3F95] =	sst s4  }
0xd: {  	[smem:$0x3F96] =	sst s5  }
0xe: {  	[smem:$0x3F97] =	sst s6  }
0xf: {  	[smem:$0x3F98] =	sst s7  }
0x10: {  	[smem:$0x3F99] =	sst s8  }
0x11: {  	[smem:$0x3F9A] =	sst s9;
	s0 =	simm.s32 @!p0 $0x0  }
0x12: {  	s1 =	sld [smem:$0x3F80];
	s0 =	simm.s32 @p0 $0x1  }
0x13: {  	[smem:$0x3F9B] =	sst s0;
	s0 =	simm.s32 @!p1 $0x0  }
0x14: {  	s2 =	sld [smem:$0x3F7F];
	s0 =	simm.s32 @p1 $0x1  }
0x15: {  	[smem:$0x3F9C] =	sst s0;
	s0 =	simm.s32 @!p2 $0x0  }
0x16: {  	s3 =	sld [smem:$0x3FDB];
	s0 =	simm.s32 @p2 $0x1  }
0x17: {  	s4 =	simm.s32 $0x1BF5;
	[smem:$0x3F9E] =	sst s0  }
0x18: {  	s0 =	sld [smem:$0x3F81];
	_ =	swait.ge [sflag:s4], $0x0  }
0x19: {  	s7 =	sld [smem:$0x3F82]  }
0x1a: {  	s8 =	sadd.s32 $0xFFFFE003, lr  }
0x1b: {  	s9 =	sadd.s32 $0xFFFFFEF7, lr;
	s5 =	simm.s32 $0xFFFFFFFF;
	p2 =	slt.u32 s8, $0xFFFFF086  }
0x1c: {  	p1 =	slt.u32 s9, $0xF7A;
	s5 =	simm.s32 @!p2 $0x0  }
0x1d: {  	s5 =	simm.s32 @p1 $0x1;
	p0 =	seq.s32 s7, s2  }
0x1e: {  	s7 =	smul.u32 @!p0 $0xF7A, s2;
	p2 =	seq.s32 @!p0 s5, $0x0  }
0x1f: {  	s9 =	smul.u32 $0xF7A, s1;
	s8 =	simm.s32 @!p0 $0x1BF5;
	p2 =	por !p2, p0  }
0x20: {  	[sflag:s8] =	ssyncset.s32 @!p0 $0xFFFFF086;
	s6 =	sadd.s32 @!p0 s3, s7;
	s7 =	simm.s32 @!p0 $0x108  }
0x21: {  	s3 =	sadd.s32 s3, s9;
	s6 =	sadd.s32 @!p0 $0x88, s6;
	s7 =	simm.s32 @p2 $0x1082  }
0x22: {  	[simem:s7], [sflag:s8] =	dma.local @!p0 [hbm:s6], $0xF7A  }
0x23: {  	s9 =	sor.u32 $0xD0000000, s2;
	s6 =	simm.s32 $0x108;
	_ =	swait.ge @!p0 [sflag:s8], $0x0  }
0x24: {  	s3 =	sadd.s32 $0x88, s3;
	s6 =	simm.s32 @!p1 $0x1082;
	[sflag:s4] =	ssyncset.s32 $0xFFFFF086  }
0x25: {  	[simem:s6], [sflag:s4] =	dma.local [hbm:s3], $0xF7A  }
0x26: {  	[smem:$0x3F82] =	sst s1;
	(tag) =	ssettag s2;
	_ =	strace s9  }
0x27: {  	s1 =	sld [smem:$0x3F92]  }
0x28: {  	s2 =	sld [smem:$0x3F93]  }
0x29: {  	s4 =	sld [smem:$0x3F95]  }
0x2a: {  	p0 =	seq.s32 s5, $0x0;
	s5 =	sld [smem:$0x3F96]  }
0x2b: {  	s6 =	sld [smem:$0x3F97]  }
0x2c: {  	s7 =	sld [smem:$0x3F98]  }
0x2d: {  	s3 =	simm.s32 $0x108;
	s8 =	sld [smem:$0x3F99]  }
0x2e: {  	s3 =	simm.s32 @!p0 $0x1082;
	s9 =	sld [smem:$0x3F9A]  }
0x2f: {  	lr =	sadd.s32 s0, s3;
	s0 =	sld [smem:$0x3F91]  }
0x30: {  	s3 =	sld [smem:$0x3F94]  }
0x31: {  	[smem:$0x3F9D] =	sst s10  }
0x32: {  	s10 =	sld [smem:$0x3F9B];
	_ =	sdelay $0x3  }
0x33: {  	p0 =	seq.s32 s10, $0x1;
	s10 =	sld [smem:$0x3F9D];
	_ =	sdelay $0x3  }
0x34: {  	[smem:$0x3F9D] =	sst s10  }
0x35: {  	s10 =	sld [smem:$0x3F9C];
	_ =	sdelay $0x3  }
0x36: {  	p1 =	seq.s32 s10, $0x1;
	s10 =	sld [smem:$0x3F9D];
	_ =	sdelay $0x3  }
0x37: {  	[smem:$0x3F9D] =	sst s10  }
0x38: {  	s10 =	sld [smem:$0x3F9E]  }
0x39: {  	_ = 	snop;
	(pc) =	sbr.ind lr, $3  }
0x3a: {  	_ = 	snop  }
0x3b: {  	_ = 	snop  }
0x3c: {  	p2 =	seq.s32 s10, $0x1;
	s10 =	sld [smem:$0x3F9D]  }
0x3d: {  	_ =	shalt  }
0x3e: {  	_ =	shalt  }
0x3f: {  	_ =	shalt  }
0x40: {  	_ =	shalt  }
0x41: {  	_ =	shalt  }
0x42: {  	_ =	shalt  }
0x43: {  	_ =	shalt  }
0x44: {  	_ =	shalt  }
0x45: {  	_ =	shalt  }
0x46: {  	_ =	shalt  }
0x47: {  	_ =	shalt  }
0x48: {  	_ =	shalt  }
0x49: {  	_ =	shalt  }
0x4a: {  	_ =	shalt  }
0x4b: {  	_ =	shalt  }
0x4c: {  	_ =	shalt  }
0x4d: {  	_ =	shalt  }
0x4e: {  	_ =	shalt  }
0x4f: {  	_ =	shalt  }
0x50: {  	_ =	shalt  }
0x51: {  	_ =	shalt  }
0x52: {  	_ =	shalt  }
0x53: {  	_ =	shalt  }
0x54: {  	_ =	shalt  }
0x55: {  	_ =	shalt  }
0x56: {  	_ =	shalt  }
0x57: {  	_ =	shalt  }
0x58: {  	_ =	shalt  }
0x59: {  	_ =	shalt  }
0x5a: {  	_ =	shalt  }
0x5b: {  	_ =	shalt  }
0x5c: {  	_ =	shalt  }
0x5d: {  	_ =	shalt  }
0x5e: {  	_ =	shalt  }
0x5f: {  	_ =	shalt  }
0x60: {  	_ =	shalt  }
0x61: {  	_ =	shalt  }
0x62: {  	_ =	shalt  }
0x63: {  	_ =	shalt  }
0x64: {  	_ =	shalt  }
0x65: {  	_ =	shalt  }
0x66: {  	_ =	shalt  }
0x67: {  	_ =	shalt  }
0x68: {  	_ =	shalt  }
0x69: {  	_ =	shalt  }
0x6a: {  	_ =	shalt  }
0x6b: {  	_ =	shalt  }
0x6c: {  	_ =	shalt  }
0x6d: {  	_ =	shalt  }
0x6e: {  	_ =	shalt  }
0x6f: {  	_ =	shalt  }
0x70: {  	_ =	shalt  }
0x71: {  	_ =	shalt  }
0x72: {  	_ =	shalt  }
0x73: {  	_ =	shalt  }
0x74: {  	_ =	shalt  }
0x75: {  	_ =	shalt  }
0x76: {  	_ =	shalt  }
0x77: {  	_ =	shalt  }
0x78: {  	_ =	shalt  }
0x79: {  	_ =	shalt  }
0x7a: {  	_ =	shalt  }
0x7b: {  	_ =	shalt  }
0x7c: {  	_ =	shalt  }
0x7d: {  	_ =	shalt  }
0x7e: {  	_ =	shalt  }
0x7f: {  	_ =	shalt  }
0x80: {  	_ =	shalt  }
0x81: {  	_ =	shalt  }
0x82: {  	_ =	shalt  }
0x83: {  	_ =	shalt  }
0x84: {  	_ =	shalt  }
0x85: {  	_ =	shalt  }
0x86: {  	_ =	shalt  }
0x87: {  	_ =	shalt  }
.Lfunc_end0:
.L_simem_size_0:
called_computation.6_lowered:
.L_overlay_start_0:
0x88: {  	s2 =	sld [smem:$0x3FD9]  }
0x89: {  	s3 =	sld [smem:$0x3FFE];
	_ =	sdelay $0x1  }
0x8a: {  	s1 =	srdreg.scid  }
0x8b: {  	s0 =	sand.u32 $0x1, s1  }
0x8c: {  	s16 =	sshll.u32 s0, $0xA;
	s2 =	sadd.s32 s3, s2  }
0x8d: {  	s2 =	sadd.s32 s2, s16  }
0x8e: {  	[smem:$0x3FA9] =	sst s2  }
0x8f: {  	_ = 	snop  }
0x90: {  	(tm) =	ssettm $0x1  }
0x91: {  	s17 =	sld [smem:$0x3FFB];
	_ =	sdelay $0x3  }
0x92: {  	_ =	strace s17  }
0x93: {  	s2 =	sld [smem:$0x3FFC];
	_ =	sdelay $0x3  }
0x94: {  	_ =	strace s2  }
0x95: {  	s2 =	sld [smem:$0x3FFD];
	_ =	sdelay $0x3  }
0x96: {  	_ =	strace s2  }
0x97: {  	_ =	strace $0x8FFFFFFF  }
0x98: {  	s18 =	sld [smem:$0x3FDB];
	_ =	sdelay $0x1  }
0x99: {  	s19 =	simm.s32 $_scs_section_size  }
0x9a: {  	s4 =	simm.s32 $_size__tile_overlayer_lowered;
	s5 =	simm.s32 $_tile_overlayer_lowered  }
0x9b: {  	s22 =	simm.s32 $0x1BFF;
	s21 =	sshll.u32 s5, $0x1;
	s2 =	sadd.s32 s19, s18  }
0x9c: {  	s6 =	simm.s32 $0x0;
	s20 =	sshll.u32 s4, $0x1;
	s4 =	sadd.s32 s21, s2  }
0x9d: {  	[timem:s6], [sflag:s22] =	dma.local [hbm:s4], s20  }
0x9e: {  	_ =	swait.ge [sflag:s22], s20  }
0x9f: {  	s3 =	ssub.s32 $0x0, s20;
	[sflag:s22] =	ssyncset.done $0x0  }
0xa0: {  	[sflag:s22] =	ssyncadd.s32 s3;
	_ =	sdelay $0x1  }
0xa1: {  	s23 =	simm.s32 $0x1B8B  }
0xa2: {  	_ =	swait.ge [sflag:s23], $0x1  }
0xa3: {  	[sflag:s23] =	ssyncset.done $0x0  }
0xa4: {  	s25 =	simm.s32 $0x1B8E;
	s24 =	sld [smem:$0x3FFE];
	[sflag:s23] =	ssyncadd.s32 $0xFFFFFFFF  }
0xa5: {  	s26 =	simm.s32 $execute0_lowered;
	[smem:$0x3FD2] =	sst s25  }
0xa6: {  	s4 =	sshll.u32 s26, $0x1;
	_ =	strace $0x80000058;
	[dreg:$0x1] =	wrdreg $0xFFFFFFFF  }
0xa7: {  	s28 =	simm.s32 $_size_execute0_lowered;
	s2 =	sadd.s32 s2, s4;
	[dreg:$0x0] =	wrdreg $0x0  }
0xa8: {  	s4 =	sshll.u32 s28, $0x1;
	[dreg:$0x2] =	wrdreg s2  }
0xa9: {  	[dreg:$0x3] =	wrdreg s4  }
0xaa: {  	[dreg:$0x4] =	wrdreg $0xC0  }
0xab: {  	_ =	task [dreg:s6], $0x5FFFF  }
0xac: {  	[dreg:$0x1] =	wrdreg $0xFFFFFFFF  }
0xad: {  	[dreg:$0x0] =	wrdreg $0x60  }
0xae: {  	[dreg:$0x2] =	wrdreg s24  }
0xaf: {  	[dreg:$0x3] =	wrdreg $0x9  }
0xb0: {  	_ =	task.clear_ibuf [dreg:s6], $0x4FFFF;
	_ =	strace $0x90000058  }
0xb1: {  	s29 =	simm.s32 $0x9;
	_ =	strace $0x8000005A  }
0xb2: {  	_ =	swait.ge [sflag:s29], $0x1  }
0xb3: {  	[sflag:s29] =	ssyncadd.s32 $0xFFFFFFFF  }
0xb4: {  	_ =	strace $0x9000005A  }
0xb5: {  	_ =	sfence  }
0xb6: {  	s30 =	sld [smem:$0x0];
	_ =	sdelay $0x2  }
0xb7: {  	s31 =	sshll.u32 s1, $0xD;
	s1 =	sshrl.u32 s1, $0x2  }
0xb8: {  	s3 =	sand.u32 $0x4000, s31;
	s1 =	sadd.s32 s1, s30  }
0xb9: {  	s0 =	sor.u32 s3, s0;
	s1 =	sshll.u32 s1, $0x11  }
0xba: {  	s0 =	sor.u32 s1, s0  }
0xbb: {  	s0 =	sadd.s32 $0x8F2B, s0  }
0xbc: {  	[sflag:s0] =	ssyncadd.remote.s32 $0x1  }
0xbd: {  	_ =	sfence.sel $0xFFFF  }
0xbe: {  	[dreg:$0x0] =	wrdreg $0xFFFFFFFF;
	(pc) =	sbr.abs _section_cstart, $3  }
0xbf: {  	[dreg:$0x1] =	wrdreg $0xFFFFFFFF  }
0xc0: {  	_ =	task.clear_ibuf [dreg:s6], $0x2FFFF;
	_ =	strace $0x9FFFFFFF  }
0xc1: {  	(tm) =	ssettm $0x7FFFFFFF  }
tec
execute0_lowered:
.L_overlay_start_1:
0x0: {  	(tag) =	ssettag $0x1  }
0x1: {  	s1 =	srdreg.scid  }
0x2: {  	s0 =	stileid.u32;
	s4 =	rddreg [dreg:$0x0];
	s2 =	simm.s32 $0x0  }
0x3: {  	s11 =	simm.s32 $0xD000;
	s12 =	simm.s32 $0x11000;
	s13 =	simm.s32 $0x1  }
0x4: {  	s14 =	simm.s32 $0x0;
	s5 =	sand.u32 $0x1, s1;
	s1 =	rddreg [dreg:$0x1]  }
0x5: {  	s3 =	sshll.u32 s0, $0x1;
	[smem:$0x7FF] =	sst s2;
	s7 =	smul.u32 $0xA0000, s0  }
0x6: {  	s3 =	sor.u32 s5, s3;
	_ =	strace $0x80000059;
	s10 =	smul.u32 $0x50000, s5  }
0x7: {  	s8 =	ssub.s32 $0x2, s5;
	s6 =	smul.u32 $0xA00, s3;
	s3 =	sadd.s32 $0x581400, s4  }
0x8: {  	s9 =	sshrl.u32 s8, $0x1;
	s30 =	sadd.s32 s7, s4;
	s7 =	simm.s32 $0x2  }
0x9: {  	s31 =	ssub.s32 s8, s9;
	s8 =	simm.s32 $0x80;
	s9 =	simm.s32 $0x5000  }
0xa: {  	s29 =	sadd.s32 s6, s4;
	s5 =	smax.u32 s31, $0x1;
	s6 =	sadd.s32 s10, s30  }
0xb: {  	s10 =	simm.s32 $0x9000;
	s4 =	sadd.s32 $0x1EA00, s29;
	s6 =	sadd.s32 $0xF78C00, s6  }
.LBB2_1:
0xc: {  	[tilespmem:s2], [sflag:$0x2] =	stream.linear.gather [hbm4b:s4+s2], $0x5000, $0x38;
	[tilespmem:$0x15000] =	vst v63  }
0xd: {  	_ =	swait.ge [sflag:s7], $0x5000  }
0xe: {  	[sflag:s7] =	ssyncset.done $0x0  }
0xf: {  	s15 =	simm.s32 $0x0;
	[sflag:s7] =	ssyncadd.s32 $0xFFFFB000  }
0x10: {  	[tilespmem:s9], [sflag:$0x1] =	stream.indirect.gather [hbm4b:s3+s8], $0x80, s15, s8, $0xb8;
	[tilespmem:$0x15000] =	vst v63  }
0x11: {  	s25 =	simm.s32 $0x80  }
0x12: {  	[tilespmem:s10], [sflag:$0x1] =	stream.indirect.gather [hbm4b:s3+s8], $0x80, s25, s8, $0xb8;
	[tilespmem:$0x15000] =	vst v63  }
0x13: {  	s26 =	simm.s32 $0x100  }
0x14: {  	[tilespmem:s11], [sflag:$0x1] =	stream.indirect.gather [hbm4b:s3+s8], $0x80, s26, s8, $0xb8;
	[tilespmem:$0x15000] =	vst v63  }
0x15: {  	s28 =	simm.s32 $0x180  }
0x16: {  	[tilespmem:s12], [sflag:$0x1] =	stream.indirect.gather [hbm4b:s3+s8], $0x80, s28, s8, $0xb8;
	[tilespmem:$0x15000] =	vst v63  }
0x17: {  	_ =	swait.ge [sflag:s13], $0x4000  }
0x18: {  	[sflag:s13] =	ssyncset.done $0x0  }
0x19: {  	s29 =	sadd.s32 $0xFFFFE800, s6;
	[sflag:s13] =	ssyncadd.s32 $0xFFFFC000  }
0x1a: {  	[hbm4b:s29+s2] =	stream.linear.scatter [tilespmem:s9], [sflag:$0x2], $0x4000, $0x38;
	[tilespmem:$0x15000] =	vst v63  }
0x1b: {  	_ =	swait.ge [sflag:s7], $0x4000  }
0x1c: {  	[sflag:s7] =	ssyncset.done $0x0  }
0x1d: {  	[sflag:s7] =	ssyncadd.s32 $0xFFFFC000  }
0x1e: {  	_ =	swait.ge [sflag:s13], $0x4000  }
0x1f: {  	[sflag:s13] =	ssyncset.done $0x0  }
0x20: {  	s30 =	sadd.s32 $0xFFFFF000, s6;
	[sflag:s13] =	ssyncadd.s32 $0xFFFFC000  }
0x21: {  	[hbm4b:s30+s2] =	stream.linear.scatter [tilespmem:s10], [sflag:$0x2], $0x4000, $0x38;
	[tilespmem:$0x15000] =	vst v63  }
0x22: {  	_ =	swait.ge [sflag:s7], $0x4000  }
0x23: {  	[sflag:s7] =	ssyncset.done $0x0  }
0x24: {  	[sflag:s7] =	ssyncadd.s32 $0xFFFFC000  }
0x25: {  	_ =	swait.ge [sflag:s13], $0x4000  }
0x26: {  	[sflag:s13] =	ssyncset.done $0x0  }
0x27: {  	s31 =	sadd.s32 $0xFFFFF800, s6;
	[sflag:s13] =	ssyncadd.s32 $0xFFFFC000  }
0x28: {  	[hbm4b:s31+s2] =	stream.linear.scatter [tilespmem:s11], [sflag:$0x2], $0x4000, $0x38;
	[tilespmem:$0x15000] =	vst v63  }
0x29: {  	_ =	swait.ge [sflag:s7], $0x4000  }
0x2a: {  	[sflag:s7] =	ssyncset.done $0x0  }
0x2b: {  	[sflag:s7] =	ssyncadd.s32 $0xFFFFC000  }
0x2c: {  	_ =	swait.ge [sflag:s13], $0x4000  }
0x2d: {  	[sflag:s13] =	ssyncset.done $0x0  }
0x2e: {  	[sflag:s13] =	ssyncadd.s32 $0xFFFFC000  }
0x2f: {  	[hbm4b:s6+s2] =	stream.linear.scatter [tilespmem:s12], [sflag:$0x2], $0x4000, $0x38;
	[tilespmem:$0x15000] =	vst v63  }
0x30: {  	s16 =	simm.s32 $0x800;
	_ =	swait.ge [sflag:s7], $0x4000  }
0x31: {  	s18 =	simm.s32 $0x1000;
	s15 =	sadd.s32 $0x2000, s6;
	[sflag:s7] =	ssyncset.done $0x0  }
.LBB2_2:
0x32: {  	s19 =	sshra.s32 s16, $0x2  }
0x33: {  	[sflag:s7] =	ssyncadd.s32 $0xFFFFC000;
	s16 =	smov.u32 s18;
	s17 =	sadd.s32 $0x800, s18  }
0x34: {  	[tilespmem:s9], [sflag:$0x1] =	stream.indirect.gather [hbm4b:s3+s8], $0x80, s19, s8, $0xb8;
	[tilespmem:$0x15000] =	vst v63  }
0x35: {  	p0 =	sne.s32 s18, $0x13800;
	s18 =	sadd.s32 $0x80, s19  }
0x36: {  	[tilespmem:s10], [sflag:$0x1] =	stream.indirect.gather [hbm4b:s3+s8], $0x80, s18, s8, $0xb8;
	[tilespmem:$0x15000] =	vst v63  }
0x37: {  	s18 =	sadd.s32 $0x100, s19  }
0x38: {  	[tilespmem:s11], [sflag:$0x1] =	stream.indirect.gather [hbm4b:s3+s8], $0x80, s18, s8, $0xb8;
	[tilespmem:$0x15000] =	vst v63  }
0x39: {  	s18 =	sadd.s32 $0x180, s19  }
0x3a: {  	[tilespmem:s12], [sflag:$0x1] =	stream.indirect.gather [hbm4b:s3+s8], $0x80, s18, s8, $0xb8;
	[tilespmem:$0x15000] =	vst v63  }
0x3b: {  	_ =	swait.ge [sflag:s13], $0x4000  }
0x3c: {  	[sflag:s13] =	ssyncset.done $0x0  }
0x3d: {  	s18 =	sadd.s32 $0xFFFFE800, s15;
	[sflag:s13] =	ssyncadd.s32 $0xFFFFC000  }
0x3e: {  	[hbm4b:s18+s2] =	stream.linear.scatter [tilespmem:s9], [sflag:$0x2], $0x4000, $0x38;
	[tilespmem:$0x15000] =	vst v63  }
0x3f: {  	_ =	swait.ge [sflag:s7], $0x4000  }
0x40: {  	[sflag:s7] =	ssyncset.done $0x0  }
0x41: {  	[sflag:s7] =	ssyncadd.s32 $0xFFFFC000  }
0x42: {  	_ =	swait.ge [sflag:s13], $0x4000  }
0x43: {  	[sflag:s13] =	ssyncset.done $0x0  }
0x44: {  	s18 =	sadd.s32 $0xFFFFF000, s15;
	[sflag:s13] =	ssyncadd.s32 $0xFFFFC000  }
0x45: {  	[hbm4b:s18+s2] =	stream.linear.scatter [tilespmem:s10], [sflag:$0x2], $0x4000, $0x38;
	[tilespmem:$0x15000] =	vst v63  }
0x46: {  	_ =	swait.ge [sflag:s7], $0x4000  }
0x47: {  	[sflag:s7] =	ssyncset.done $0x0  }
0x48: {  	[sflag:s7] =	ssyncadd.s32 $0xFFFFC000  }
0x49: {  	_ =	swait.ge [sflag:s13], $0x4000  }
0x4a: {  	[sflag:s13] =	ssyncset.done $0x0  }
0x4b: {  	s18 =	sadd.s32 $0xFFFFF800, s15;
	[sflag:s13] =	ssyncadd.s32 $0xFFFFC000  }
0x4c: {  	[hbm4b:s18+s2] =	stream.linear.scatter [tilespmem:s11], [sflag:$0x2], $0x4000, $0x38;
	[tilespmem:$0x15000] =	vst v63  }
0x4d: {  	_ =	swait.ge [sflag:s7], $0x4000  }
0x4e: {  	[sflag:s7] =	ssyncset.done $0x0  }
0x4f: {  	[sflag:s7] =	ssyncadd.s32 $0xFFFFC000  }
0x50: {  	_ =	swait.ge [sflag:s13], $0x4000  }
.Ltmp0:
0x51: {  	[sflag:s13] =	ssyncset.done $0x0;
	(pc) =	sbr.rel @p0 .LBB2_2-.Ltmp0, $4  }
0x52: {  	[sflag:s13] =	ssyncadd.s32 $0xFFFFC000  }
0x53: {  	[hbm4b:s15+s2] =	stream.linear.scatter [tilespmem:s12], [sflag:$0x2], $0x4000, $0x38;
	[tilespmem:$0x15000] =	vst v63  }
0x54: {  	_ =	swait.ge [sflag:s7], $0x4000  }
0x55: {  	s18 =	smov.u32 s17;
	s15 =	sadd.s32 $0x2000, s15;
	[sflag:s7] =	ssyncset.done $0x0  }
0x56: {  	s16 =	sshra.s32 s16, $0x2;
	[sflag:s7] =	ssyncadd.s32 $0xFFFFC000  }
0x57: {  	[tilespmem:s9], [sflag:$0x1] =	stream.indirect.gather [hbm4b:s3+s8], $0x80, s16, s8, $0xb8;
	[tilespmem:$0x15000] =	vst v63  }
0x58: {  	s17 =	sadd.s32 $0x80, s16  }
0x59: {  	[tilespmem:s10], [sflag:$0x1] =	stream.indirect.gather [hbm4b:s3+s8], $0x80, s17, s8, $0xb8;
	[tilespmem:$0x15000] =	vst v63  }
0x5a: {  	s28 =	sadd.s32 $0x100, s16  }
0x5b: {  	[tilespmem:s11], [sflag:$0x1] =	stream.indirect.gather [hbm4b:s3+s8], $0x80, s28, s8, $0xb8;
	[tilespmem:$0x15000] =	vst v63  }
0x5c: {  	s16 =	sadd.s32 $0x180, s16  }
0x5d: {  	[tilespmem:s12], [sflag:$0x1] =	stream.indirect.gather [hbm4b:s3+s8], $0x80, s16, s8, $0xb8;
	[tilespmem:$0x15000] =	vst v63  }
0x5e: {  	_ =	swait.ge [sflag:s13], $0x4000  }
0x5f: {  	[sflag:s13] =	ssyncset.done $0x0  }
0x60: {  	s29 =	sadd.s32 $0xFFFFE800, s15;
	[sflag:s13] =	ssyncadd.s32 $0xFFFFC000  }
0x61: {  	[hbm4b:s29+s2] =	stream.linear.scatter [tilespmem:s9], [sflag:$0x2], $0x4000, $0x38;
	[tilespmem:$0x15000] =	vst v63  }
0x62: {  	_ =	swait.ge [sflag:s7], $0x4000  }
0x63: {  	[sflag:s7] =	ssyncset.done $0x0  }
0x64: {  	[sflag:s7] =	ssyncadd.s32 $0xFFFFC000  }
0x65: {  	_ =	swait.ge [sflag:s13], $0x4000  }
0x66: {  	[sflag:s13] =	ssyncset.done $0x0  }
0x67: {  	s30 =	sadd.s32 $0xFFFFF000, s15;
	[sflag:s13] =	ssyncadd.s32 $0xFFFFC000  }
0x68: {  	[hbm4b:s30+s2] =	stream.linear.scatter [tilespmem:s10], [sflag:$0x2], $0x4000, $0x38;
	[tilespmem:$0x15000] =	vst v63  }
0x69: {  	_ =	swait.ge [sflag:s7], $0x4000  }
0x6a: {  	[sflag:s7] =	ssyncset.done $0x0  }
0x6b: {  	[sflag:s7] =	ssyncadd.s32 $0xFFFFC000  }
0x6c: {  	_ =	swait.ge [sflag:s13], $0x4000  }
0x6d: {  	[sflag:s13] =	ssyncset.done $0x0  }
0x6e: {  	s31 =	sadd.s32 $0xFFFFF800, s15;
	[sflag:s13] =	ssyncadd.s32 $0xFFFFC000  }
0x6f: {  	[hbm4b:s31+s2] =	stream.linear.scatter [tilespmem:s11], [sflag:$0x2], $0x4000, $0x38;
	[tilespmem:$0x15000] =	vst v63  }
0x70: {  	_ =	swait.ge [sflag:s7], $0x4000  }
0x71: {  	[sflag:s7] =	ssyncset.done $0x0  }
0x72: {  	[sflag:s7] =	ssyncadd.s32 $0xFFFFC000  }
0x73: {  	s14 =	sadd.s32 $0x1, s14;
	_ =	swait.ge [sflag:s13], $0x4000  }
0x74: {  	p0 =	sne.s32 s14, s5;
	[sflag:s13] =	ssyncset.done $0x0  }
.Ltmp1:
0x75: {  	[sflag:s13] =	ssyncadd.s32 $0xFFFFC000;
	(pc) =	sbr.rel @p0 .LBB2_1-.Ltmp1, $4  }
0x76: {  	[hbm4b:s15+s2] =	stream.linear.scatter [tilespmem:s12], [sflag:$0x2], $0x4000, $0x38;
	[tilespmem:$0x15000] =	vst v63  }
0x77: {  	_ =	swait.ge [sflag:s7], $0x4000  }
0x78: {  	[sflag:s7] =	ssyncset.done $0x0  }
0x79: {  	[sflag:s7] =	ssyncadd.s32 $0xFFFFC000  }
0x7a: {  	_ =	sfence.sel $0x180000  }
0x7b: {  	[bflag:$0x0] =	sbarrier.arrive $0xFFFF  }
0x7c: {  	p0 =	sne.s32 s0, $0x0;
	_ =	strace $0x90000059  }
0x7d: {  	s0 =	sadd.s32 @!p0 $0x100000, s1;
	[bflag:$0x2] =	sbarrier.arrive $0xFFFF  }
0x7e: {  	[sflag:s0] =	ssyncadd.tile.s32 @!p0 $0x1;
	_ =	shalt  }
.Lfunc_end2:
_tile_overlayer_lowered:
.L_overlay_start_2:
0x7f: {  	(tag) =	ssettag $0x2  }
0x80: {  	s0 =	rddreg [dreg:$0x0];
	s2 =	stileid.u32  }
0x81: {  	s1 =	rddreg [dreg:$0x1];
	p0 =	sne.s32 s2, $0x0  }
0x82: {  	s3 =	rddreg [dreg:$0x2];
	[bflag:$0x3] =	sbarrier.arrive $0xFFFF;
	s2 =	simm.s32 @!p0 $0x1C02  }
0x83: {  	[timem:s3], [sflag:s2] =	dma.local @!p0 [hbm:s0], s1  }
0x84: {  	s0 =	simm.s32 @!p0 $0x2  }
0x85: {  	_ =	swait.ge @!p0 [sflag:s0], s1  }
0x86: {  	s1 =	ssub.s32 @!p0 $0x0, s1;
	[sflag:s0] =	ssyncset.done @!p0 $0x0  }
0x87: {  	[sflag:s0] =	ssyncadd.s32 @!p0 s1  }
0x88: {  	[bflag:$0x3] =	sbarrier.arrive $0xFFFF  }
0x89: {  	_ =	shalt  }

// kernel: kernel.46.cloned.1.call-start
scs
__scs_entry_jumppad:
0x0: {  	(pc) =	sbr.rel $0x88, $3  }
0x1: {  	(tag) =	ssettag $0x0;
	lr =	simm.s32 $0x1  }
0x2: {  	[smem:$0x3F82] =	sst lr;
	_ =	strace $0xD0000000  }
0x3: {  	_ = 	snop  }
0x4: {  	_ = 	snop  }
0x5: {  	_ = 	snop  }
0x6: {  	_ = 	snop  }
0x7: {  	_ = 	snop  }
__scs_overlays_trampoline_lowered:
0x8: {  	[smem:$0x3F91] =	sst s0  }
0x9: {  	[smem:$0x3F92] =	sst s1  }
0xa: {  	[smem:$0x3F93] =	sst s2  }
0xb: {  	[smem:$0x3F94] =	sst s3  }
0xc: {  	[smem:$0x3F95] =	sst s4  }
0xd: {  	[smem:$0x3F96] =	sst s5  }
0xe: {  	[smem:$0x3F97] =	sst s6  }
0xf: {  	[smem:$0x3F98] =	sst s7  }
0x10: {  	[smem:$0x3F99] =	sst s8  }
0x11: {  	[smem:$0x3F9A] =	sst s9;
	s0 =	simm.s32 @!p0 $0x0  }
0x12: {  	s1 =	sld [smem:$0x3F80];
	s0 =	simm.s32 @p0 $0x1  }
0x13: {  	[smem:$0x3F9B] =	sst s0;
	s0 =	simm.s32 @!p1 $0x0  }
0x14: {  	s2 =	sld [smem:$0x3F7F];
	s0 =	simm.s32 @p1 $0x1  }
0x15: {  	[smem:$0x3F9C] =	sst s0;
	s0 =	simm.s32 @!p2 $0x0  }
0x16: {  	s3 =	sld [smem:$0x3FDB];
	s0 =	simm.s32 @p2 $0x1  }
0x17: {  	s4 =	simm.s32 $0x1BF5;
	[smem:$0x3F9E] =	sst s0  }
0x18: {  	s0 =	sld [smem:$0x3F81];
	_ =	swait.ge [sflag:s4], $0x0  }
0x19: {  	s7 =	sld [smem:$0x3F82]  }
0x1a: {  	s8 =	sadd.s32 $0xFFFFE003, lr  }
0x1b: {  	s9 =	sadd.s32 $0xFFFFFEF7, lr;
	s5 =	simm.s32 $0xFFFFFFFF;
	p2 =	slt.u32 s8, $0xFFFFF086  }
0x1c: {  	p1 =	slt.u32 s9, $0xF7A;
	s5 =	simm.s32 @!p2 $0x0  }
0x1d: {  	s5 =	simm.s32 @p1 $0x1;
	p0 =	seq.s32 s7, s2  }
0x1e: {  	s7 =	smul.u32 @!p0 $0xF7A, s2;
	p2 =	seq.s32 @!p0 s5, $0x0  }
0x1f: {  	s9 =	smul.u32 $0xF7A, s1;
	s8 =	simm.s32 @!p0 $0x1BF5;
	p2 =	por !p2, p0  }
0x20: {  	[sflag:s8] =	ssyncset.s32 @!p0 $0xFFFFF086;
	s6 =	sadd.s32 @!p0 s3, s7;
	s7 =	simm.s32 @!p0 $0x108  }
0x21: {  	s3 =	sadd.s32 s3, s9;
	s6 =	sadd.s32 @!p0 $0x88, s6;
	s7 =	simm.s32 @p2 $0x1082  }
0x22: {  	[simem:s7], [sflag:s8] =	dma.local @!p0 [hbm:s6], $0xF7A  }
0x23: {  	s9 =	sor.u32 $0xD0000000, s2;
	s6 =	simm.s32 $0x108;
	_ =	swait.ge @!p0 [sflag:s8], $0x0  }
0x24: {  	s3 =	sadd.s32 $0x88, s3;
	s6 =	simm.s32 @!p1 $0x1082;
	[sflag:s4] =	ssyncset.s32 $0xFFFFF086  }
0x25: {  	[simem:s6], [sflag:s4] =	dma.local [hbm:s3], $0xF7A  }
0x26: {  	[smem:$0x3F82] =	sst s1;
	(tag) =	ssettag s2;
	_ =	strace s9  }
0x27: {  	s1 =	sld [smem:$0x3F92]  }
0x28: {  	s2 =	sld [smem:$0x3F93]  }
0x29: {  	s4 =	sld [smem:$0x3F95]  }
0x2a: {  	p0 =	seq.s32 s5, $0x0;
	s5 =	sld [smem:$0x3F96]  }
0x2b: {  	s6 =	sld [smem:$0x3F97]  }
0x2c: {  	s7 =	sld [smem:$0x3F98]  }
0x2d: {  	s3 =	simm.s32 $0x108;
	s8 =	sld [smem:$0x3F99]  }
0x2e: {  	s3 =	simm.s32 @!p0 $0x1082;
	s9 =	sld [smem:$0x3F9A]  }
0x2f: {  	lr =	sadd.s32 s0, s3;
	s0 =	sld [smem:$0x3F91]  }
0x30: {  	s3 =	sld [smem:$0x3F94]  }
0x31: {  	[smem:$0x3F9D] =	sst s10  }
0x32: {  	s10 =	sld [smem:$0x3F9B];
	_ =	sdelay $0x3  }
0x33: {  	p0 =	seq.s32 s10, $0x1;
	s10 =	sld [smem:$0x3F9D];
	_ =	sdelay $0x3  }
0x34: {  	[smem:$0x3F9D] =	sst s10  }
0x35: {  	s10 =	sld [smem:$0x3F9C];
	_ =	sdelay $0x3  }
0x36: {  	p1 =	seq.s32 s10, $0x1;
	s10 =	sld [smem:$0x3F9D];
	_ =	sdelay $0x3  }
0x37: {  	[smem:$0x3F9D] =	sst s10  }
0x38: {  	s10 =	sld [smem:$0x3F9E]  }
0x39: {  	_ = 	snop;
	(pc) =	sbr.ind lr, $3  }
0x3a: {  	_ = 	snop  }
0x3b: {  	_ = 	snop  }
0x3c: {  	p2 =	seq.s32 s10, $0x1;
	s10 =	sld [smem:$0x3F9D]  }
0x3d: {  	_ =	shalt  }
0x3e: {  	_ =	shalt  }
0x3f: {  	_ =	shalt  }
0x40: {  	_ =	shalt  }
0x41: {  	_ =	shalt  }
0x42: {  	_ =	shalt  }
0x43: {  	_ =	shalt  }
0x44: {  	_ =	shalt  }
0x45: {  	_ =	shalt  }
0x46: {  	_ =	shalt  }
0x47: {  	_ =	shalt  }
0x48: {  	_ =	shalt  }
0x49: {  	_ =	shalt  }
0x4a: {  	_ =	shalt  }
0x4b: {  	_ =	shalt  }
0x4c: {  	_ =	shalt  }
0x4d: {  	_ =	shalt  }
0x4e: {  	_ =	shalt  }
0x4f: {  	_ =	shalt  }
0x50: {  	_ =	shalt  }
0x51: {  	_ =	shalt  }
0x52: {  	_ =	shalt  }
0x53: {  	_ =	shalt  }
0x54: {  	_ =	shalt  }
0x55: {  	_ =	shalt  }
0x56: {  	_ =	shalt  }
0x57: {  	_ =	shalt  }
0x58: {  	_ =	shalt  }
0x59: {  	_ =	shalt  }
0x5a: {  	_ =	shalt  }
0x5b: {  	_ =	shalt  }
0x5c: {  	_ =	shalt  }
0x5d: {  	_ =	shalt  }
0x5e: {  	_ =	shalt  }
0x5f: {  	_ =	shalt  }
0x60: {  	_ =	shalt  }
0x61: {  	_ =	shalt  }
0x62: {  	_ =	shalt  }
0x63: {  	_ =	shalt  }
0x64: {  	_ =	shalt  }
0x65: {  	_ =	shalt  }
0x66: {  	_ =	shalt  }
0x67: {  	_ =	shalt  }
0x68: {  	_ =	shalt  }
0x69: {  	_ =	shalt  }
0x6a: {  	_ =	shalt  }
0x6b: {  	_ =	shalt  }
0x6c: {  	_ =	shalt  }
0x6d: {  	_ =	shalt  }
0x6e: {  	_ =	shalt  }
0x6f: {  	_ =	shalt  }
0x70: {  	_ =	shalt  }
0x71: {  	_ =	shalt  }
0x72: {  	_ =	shalt  }
0x73: {  	_ =	shalt  }
0x74: {  	_ =	shalt  }
0x75: {  	_ =	shalt  }
0x76: {  	_ =	shalt  }
0x77: {  	_ =	shalt  }
0x78: {  	_ =	shalt  }
0x79: {  	_ =	shalt  }
0x7a: {  	_ =	shalt  }
0x7b: {  	_ =	shalt  }
0x7c: {  	_ =	shalt  }
0x7d: {  	_ =	shalt  }
0x7e: {  	_ =	shalt  }
0x7f: {  	_ =	shalt  }
0x80: {  	_ =	shalt  }
0x81: {  	_ =	shalt  }
0x82: {  	_ =	shalt  }
0x83: {  	_ =	shalt  }
0x84: {  	_ =	shalt  }
0x85: {  	_ =	shalt  }
0x86: {  	_ =	shalt  }
0x87: {  	_ =	shalt  }
.Lfunc_end0:
.L_simem_size_0:
called_computation.7_lowered:
.L_overlay_start_0:
0x88: {  	s2 =	sld [smem:$0x3FD9]  }
0x89: {  	s3 =	sld [smem:$0x3FFE];
	_ =	sdelay $0x1  }
0x8a: {  	s1 =	srdreg.scid  }
0x8b: {  	s0 =	sand.u32 $0x1, s1  }
0x8c: {  	s16 =	sshll.u32 s0, $0xA;
	s2 =	sadd.s32 s3, s2  }
0x8d: {  	s2 =	sadd.s32 s2, s16  }
0x8e: {  	[smem:$0x3FA9] =	sst s2  }
0x8f: {  	_ = 	snop  }
0x90: {  	(tm) =	ssettm $0x1  }
0x91: {  	s17 =	sld [smem:$0x3FFB];
	_ =	sdelay $0x3  }
0x92: {  	_ =	strace s17  }
0x93: {  	s2 =	sld [smem:$0x3FFC];
	_ =	sdelay $0x3  }
0x94: {  	_ =	strace s2  }
0x95: {  	s2 =	sld [smem:$0x3FFD];
	_ =	sdelay $0x3  }
0x96: {  	_ =	strace s2  }
0x97: {  	_ =	strace $0x8FFFFFFF  }
0x98: {  	s18 =	sld [smem:$0x3FDB];
	_ =	sdelay $0x1  }
0x99: {  	s19 =	simm.s32 $_scs_section_size  }
0x9a: {  	s4 =	simm.s32 $_size__tile_overlayer_lowered;
	s5 =	simm.s32 $_tile_overlayer_lowered  }
0x9b: {  	s22 =	simm.s32 $0x1BFF;
	s21 =	sshll.u32 s5, $0x1;
	s2 =	sadd.s32 s19, s18  }
0x9c: {  	s6 =	simm.s32 $0x0;
	s20 =	sshll.u32 s4, $0x1;
	s4 =	sadd.s32 s21, s2  }
0x9d: {  	[timem:s6], [sflag:s22] =	dma.local [hbm:s4], s20  }
0x9e: {  	_ =	swait.ge [sflag:s22], s20  }
0x9f: {  	s3 =	ssub.s32 $0x0, s20;
	[sflag:s22] =	ssyncset.done $0x0  }
0xa0: {  	[sflag:s22] =	ssyncadd.s32 s3;
	_ =	sdelay $0x1  }
0xa1: {  	s23 =	simm.s32 $0x1B8B  }
0xa2: {  	_ =	swait.ge [sflag:s23], $0x1  }
0xa3: {  	[sflag:s23] =	ssyncset.done $0x0  }
0xa4: {  	s25 =	simm.s32 $0x1B8E;
	s24 =	sld [smem:$0x3FFE];
	[sflag:s23] =	ssyncadd.s32 $0xFFFFFFFF  }
0xa5: {  	s26 =	simm.s32 $execute0_lowered;
	[smem:$0x3FD2] =	sst s25  }
0xa6: {  	s4 =	sshll.u32 s26, $0x1;
	_ =	strace $0x8000005B;
	[dreg:$0x1] =	wrdreg $0xFFFFFFFF  }
0xa7: {  	s28 =	simm.s32 $_size_execute0_lowered;
	s2 =	sadd.s32 s2, s4;
	[dreg:$0x0] =	wrdreg $0x0  }
0xa8: {  	s4 =	sshll.u32 s28, $0x1;
	[dreg:$0x2] =	wrdreg s2  }
0xa9: {  	[dreg:$0x3] =	wrdreg s4  }
0xaa: {  	[dreg:$0x4] =	wrdreg $0xC0  }
0xab: {  	_ =	task [dreg:s6], $0x5FFFF  }
0xac: {  	[dreg:$0x1] =	wrdreg $0xFFFFFFFF  }
0xad: {  	[dreg:$0x0] =	wrdreg $0x60  }
0xae: {  	[dreg:$0x2] =	wrdreg s24  }
0xaf: {  	[dreg:$0x3] =	wrdreg $0x68000  }
0xb0: {  	[dreg:$0x4] =	wrdreg $0x9  }
0xb1: {  	_ =	task.clear_ibuf [dreg:s6], $0x5FFFF;
	_ =	strace $0x9000005B  }
0xb2: {  	s29 =	simm.s32 $0x9;
	_ =	strace $0x8000005D  }
0xb3: {  	_ =	swait.ge [sflag:s29], $0x1  }
0xb4: {  	[sflag:s29] =	ssyncadd.s32 $0xFFFFFFFF  }
0xb5: {  	_ =	strace $0x9000005D  }
0xb6: {  	_ =	sfence  }
0xb7: {  	s30 =	sld [smem:$0x0];
	_ =	sdelay $0x2  }
0xb8: {  	s31 =	sshll.u32 s1, $0xD;
	s1 =	sshrl.u32 s1, $0x2  }
0xb9: {  	s3 =	sand.u32 $0x4000, s31;
	s1 =	sadd.s32 s1, s30  }
0xba: {  	s0 =	sor.u32 s3, s0;
	s1 =	sshll.u32 s1, $0x11  }
0xbb: {  	s0 =	sor.u32 s1, s0  }
0xbc: {  	s0 =	sadd.s32 $0x8F2B, s0  }
0xbd: {  	[sflag:s0] =	ssyncadd.remote.s32 $0x1  }
0xbe: {  	_ =	sfence.sel $0xFFFF  }
0xbf: {  	[dreg:$0x0] =	wrdreg $0xFFFFFFFF;
	(pc) =	sbr.abs _section_cstart, $3  }
0xc0: {  	[dreg:$0x1] =	wrdreg $0xFFFFFFFF  }
0xc1: {  	_ =	task.clear_ibuf [dreg:s6], $0x2FFFF;
	_ =	strace $0x9FFFFFFF  }
0xc2: {  	(tm) =	ssettm $0x7FFFFFFF  }
0xc3: {  	_ =	shalt  }
tec
execute0_lowered:
.L_overlay_start_1:
0x0: {  	(tag) =	ssettag $0x1  }
0x1: {  	s0 =	stileid.u32  }
0x2: {  	s1 =	srdreg.scid;
	s4 =	rddreg [dreg:$0x0]  }
0x3: {  	s2 =	rddreg [dreg:$0x1];
	s3 =	simm.s32 $0x0;
	s13 =	simm.s32 $0x80  }
0x4: {  	s14 =	simm.s32 $0x0;
	s5 =	sand.u32 $0x1, s1;
	s6 =	smul.u32 $0x50000, s0  }
0x5: {  	s24 =	sshll.u32 s0, $0x1;
	s1 =	rddreg [dreg:$0x2];
	s8 =	smul.u32 $0x13C00, s0  }
0x6: {  	[smem:$0x7FF] =	sst s3;
	s11 =	smul.u32 $0x4F000, s0;
	s29 =	sshll.u32 s0, $0x6  }
0x7: {  	s7 =	sor.u32 s5, s24;
	_ =	strace $0x8000005C;
	s9 =	smul.u32 $0x13C000, s5  }
0x8: {  	s28 =	ssub.s32 $0x2, s5;
	s30 =	smul.u32 $0x28000, s5;
	s5 =	sor.u32 $0x1C01, s29  }
0x9: {  	s7 =	smul.u32 $0x500, s7;
	s10 =	sadd.s32 s6, s4;
	s26 =	sshrl.u32 s8, $0x3  }
0xa: {  	s12 =	sshrl.u32 s28, $0x1;
	s11 =	sshrl.u32 s11, $0x2;
	s8 =	sadd.s32 s8, s9  }
0xb: {  	s9 =	ssub.s32 s28, s12;
	s11 =	sadd.s32 s11, s2;
	s31 =	sadd.s32 s30, s10  }
0xc: {  	s12 =	simm.s32 $0x2800;
	s25 =	sadd.s32 s7, s4;
	s7 =	sadd.s32 s26, s4  }
0xd: {  	s8 =	sshrl.u32 s8, $0x3;
	s10 =	sshrl.u32 s11, $0x3;
	s11 =	simm.s32 $0x1  }
0xe: {  	s8 =	sadd.s32 s8, s4;
	s4 =	sadd.s32 $0x559C00, s7;
	s6 =	sadd.s32 $0xF6D400, s25  }
0xf: {  	s7 =	sadd.s32 $0x5D4C00, s8;
	s8 =	smax.u32 s9, $0x1;
	s9 =	sadd.s32 $0xF77400, s31  }
.LBB2_1:
0x10: {  	[spmem:s10], [sflag:s5] =	dma.local [hbm:s4], $0x2780  }
0x11: {  	_ =	swait.ge [sflag:s11], $0x2780  }
0x12: {  	[sflag:s11] =	ssyncset.done $0x0  }
0x13: {  	[sflag:s11] =	ssyncadd.s32 $0xFFFFD880  }
0x14: {  	[tilespmem:s3], [sflag:$0x1] =	stream.linear.gather [hbm4b:s6+s3], $0x2800, $0x38;
	[tilespmem:$0x1A400] =	vst v63  }
0x15: {  	_ =	swait.ge [sflag:s11], $0x2800  }
0x16: {  	[sflag:s11] =	ssyncset.done $0x0  }
0x17: {  	[sflag:s11] =	ssyncadd.s32 $0xFFFFD800  }
0x18: {  	[bflag:$0x0] =	sbarrier.arrive $0xFFFF  }
0x19: {  	[tilespmem:s12], [sflag:$0x1] =	stream.linear.gather [hbm4b:s9+s3], $0x4000, $0x38;
	[tilespmem:$0x1A400] =	vst v63  }
0x1a: {  	_ =	swait.ge [sflag:s11], $0x4000  }
0x1b: {  	[sflag:s11] =	ssyncset.done $0x0  }
0x1c: {  	s15 =	simm.s32 $0x0;
	[sflag:s11] =	ssyncadd.s32 $0xFFFFC000  }
0x1d: {  	[spmem:s2] =	stream.indirect.scatter.add.f32 [tilespmem:s12], [sflag:$0x1], $0x80, s15, s13, $0xb8;
	[tilespmem:$0x1A400] =	vst v63  }
0x1e: {  	_ =	swait.ge [sflag:s11], $0x4000  }
0x1f: {  	s16 =	smov.u32 s9;
	s15 =	simm.s32 $0x200;
	[sflag:s11] =	ssyncset.done $0x0  }
.LBB2_2:
0x20: {  	p0 =	sne.s32 s15, $0x9E00;
	[sflag:s11] =	ssyncadd.s32 $0xFFFFC000;
	s16 =	sadd.s32 $0x800, s16  }
0x21: {  	[tilespmem:s12], [sflag:$0x1] =	stream.linear.gather [hbm4b:s16+s3], $0x4000, $0x38;
	[tilespmem:$0x1A400] =	vst v63  }
0x22: {  	s17 =	smov.u32 s15;
	s15 =	sadd.s32 $0x200, s15;
	_ =	swait.ge [sflag:s11], $0x4000  }
.Ltmp0:
0x23: {  	[sflag:s11] =	ssyncset.done $0x0;
	(pc) =	sbr.rel @p0 .LBB2_2-.Ltmp0, $4  }
0x24: {  	s17 =	sshra.s32 s17, $0x2;
	[sflag:s11] =	ssyncadd.s32 $0xFFFFC000  }
0x25: {  	[spmem:s2] =	stream.indirect.scatter.add.f32 [tilespmem:s12], [sflag:$0x1], $0x80, s17, s13, $0xb8;
	[tilespmem:$0x1A400] =	vst v63  }
0x26: {  	_ =	swait.ge [sflag:s11], $0x4000  }
0x27: {  	[sflag:s11] =	ssyncset.done $0x0  }
0x28: {  	s14 =	sadd.s32 $0x1, s14  }
0x29: {  	[sflag:s11] =	ssyncadd.s32 $0xFFFFC000;
	p0 =	sne.s32 s14, s8  }
.Ltmp1:
0x2a: {  	[bflag:$0x0] =	sbarrier.arrive $0xFFFF;
	(pc) =	sbr.rel @p0 .LBB2_1-.Ltmp1, $4  }
0x2b: {  	[hbm:s7], [sflag:s5] =	dma.local [spmem:s10], $0x2780  }
0x2c: {  	_ =	swait.ge [sflag:s11], $0x2780  }
0x2d: {  	[sflag:s11] =	ssyncset.done $0x0  }
0x2e: {  	[sflag:s11] =	ssyncadd.s32 $0xFFFFD880  }
0x2f: {  	_ =	sfence.sel $0x180000  }
0x30: {  	[bflag:$0x0] =	sbarrier.arrive $0xFFFF  }
0x31: {  	p0 =	sne.s32 s0, $0x0;
	_ =	strace $0x9000005C  }
0x32: {  	s0 =	sadd.s32 @!p0 $0x100000, s1;
	[bflag:$0x2] =	sbarrier.arrive $0xFFFF  }
0x33: {  	[sflag:s0] =	ssyncadd.tile.s32 @!p0 $0x1;
	_ =	shalt  }
.Lfunc_end2:
_tile_overlayer_lowered:
.L_overlay_start_2:
0x34: {  	(tag) =	ssettag $0x2  }
0x35: {  	s0 =	rddreg [dreg:$0x0];
	s2 =	stileid.u32  }
0x36: {  	s1 =	rddreg [dreg:$0x1];
	p0 =	sne.s32 s2, $0x0  }
0x37: {  	s3 =	rddreg [dreg:$0x2];
	[bflag:$0x3] =	sbarrier.arrive $0xFFFF;
	s2 =	simm.s32 @!p0 $0x1C01  }
0x38: {  	[timem:s3], [sflag:s2] =	dma.local @!p0 [hbm:s0], s1  }
0x39: {  	s0 =	simm.s32 @!p0 $0x1  }
0x3a: {  	_ =	swait.ge @!p0 [sflag:s0], s1  }
0x3b: {  	s1 =	ssub.s32 @!p0 $0x0, s1;
	[sflag:s0] =	ssyncset.done @!p0 $0x0  }
0x3c: {  	[sflag:s0] =	ssyncadd.s32 @!p0 s1  }
0x3d: {  	[bflag:$0x3] =	sbarrier.arrive $0xFFFF  }
0x3e: {  	_ =	shalt  }

// kernel: kernel.49.cloned.1.call-start
scs
__scs_entry_jumppad:
0x0: {  	(pc) =	sbr.rel $0x88, $3  }
0x1: {  	(tag) =	ssettag $0x0;
	lr =	simm.s32 $0x1  }
0x2: {  	[smem:$0x3F82] =	sst lr;
	_ =	strace $0xD0000000  }
0x3: {  	_ = 	snop  }
0x4: {  	_ = 	snop  }
0x5: {  	_ = 	snop  }
0x6: {  	_ = 	snop  }
0x7: {  	_ = 	snop  }
__scs_overlays_trampoline_lowered:
0x8: {  	[smem:$0x3F91] =	sst s0  }
0x9: {  	[smem:$0x3F92] =	sst s1  }
0xa: {  	[smem:$0x3F93] =	sst s2  }
0xb: {  	[smem:$0x3F94] =	sst s3  }
0xc: {  	[smem:$0x3F95] =	sst s4  }
0xd: {  	[smem:$0x3F96] =	sst s5  }
0xe: {  	[smem:$0x3F97] =	sst s6  }
0xf: {  	[smem:$0x3F98] =	sst s7  }
0x10: {  	[smem:$0x3F99] =	sst s8  }
0x11: {  	[smem:$0x3F9A] =	sst s9;
	s0 =	simm.s32 @!p0 $0x0  }
0x12: {  	s1 =	sld [smem:$0x3F80];
	s0 =	simm.s32 @p0 $0x1  }
0x13: {  	[smem:$0x3F9B] =	sst s0;
	s0 =	simm.s32 @!p1 $0x0  }
0x14: {  	s2 =	sld [smem:$0x3F7F];
	s0 =	simm.s32 @p1 $0x1  }
0x15: {  	[smem:$0x3F9C] =	sst s0;
	s0 =	simm.s32 @!p2 $0x0  }
0x16: {  	s3 =	sld [smem:$0x3FDB];
	s0 =	simm.s32 @p2 $0x1  }
0x17: {  	s4 =	simm.s32 $0x1BF5;
	[smem:$0x3F9E] =	sst s0  }
0x18: {  	s0 =	sld [smem:$0x3F81];
	_ =	swait.ge [sflag:s4], $0x0  }
0x19: {  	s7 =	sld [smem:$0x3F82]  }
0x1a: {  	s8 =	sadd.s32 $0xFFFFE003, lr  }
0x1b: {  	s9 =	sadd.s32 $0xFFFFFEF7, lr;
	s5 =	simm.s32 $0xFFFFFFFF;
	p2 =	slt.u32 s8, $0xFFFFF086  }
0x1c: {  	p1 =	slt.u32 s9, $0xF7A;
	s5 =	simm.s32 @!p2 $0x0  }
0x1d: {  	s5 =	simm.s32 @p1 $0x1;
	p0 =	seq.s32 s7, s2  }
0x1e: {  	s7 =	smul.u32 @!p0 $0xF7A, s2;
	p2 =	seq.s32 @!p0 s5, $0x0  }
0x1f: {  	s9 =	smul.u32 $0xF7A, s1;
	s8 =	simm.s32 @!p0 $0x1BF5;
	p2 =	por !p2, p0  }
0x20: {  	[sflag:s8] =	ssyncset.s32 @!p0 $0xFFFFF086;
	s6 =	sadd.s32 @!p0 s3, s7;
	s7 =	simm.s32 @!p0 $0x108  }
0x21: {  	s3 =	sadd.s32 s3, s9;
	s6 =	sadd.s32 @!p0 $0x88, s6;
	s7 =	simm.s32 @p2 $0x1082  }
0x22: {  	[simem:s7], [sflag:s8] =	dma.local @!p0 [hbm:s6], $0xF7A  }
0x23: {  	s9 =	sor.u32 $0xD0000000, s2;
	s6 =	simm.s32 $0x108;
	_ =	swait.ge @!p0 [sflag:s8], $0x0  }
0x24: {  	s3 =	sadd.s32 $0x88, s3;
	s6 =	simm.s32 @!p1 $0x1082;
	[sflag:s4] =	ssyncset.s32 $0xFFFFF086  }
0x25: {  	[simem:s6], [sflag:s4] =	dma.local [hbm:s3], $0xF7A  }
0x26: {  	[smem:$0x3F82] =	sst s1;
	(tag) =	ssettag s2;
	_ =	strace s9  }
0x27: {  	s1 =	sld [smem:$0x3F92]  }
0x28: {  	s2 =	sld [smem:$0x3F93]  }
0x29: {  	s4 =	sld [smem:$0x3F95]  }
0x2a: {  	p0 =	seq.s32 s5, $0x0;
	s5 =	sld [smem:$0x3F96]  }
0x2b: {  	s6 =	sld [smem:$0x3F97]  }
0x2c: {  	s7 =	sld [smem:$0x3F98]  }
0x2d: {  	s3 =	simm.s32 $0x108;
	s8 =	sld [smem:$0x3F99]  }
0x2e: {  	s3 =	simm.s32 @!p0 $0x1082;
	s9 =	sld [smem:$0x3F9A]  }
0x2f: {  	lr =	sadd.s32 s0, s3;
	s0 =	sld [smem:$0x3F91]  }
0x30: {  	s3 =	sld [smem:$0x3F94]  }
0x31: {  	[smem:$0x3F9D] =	sst s10  }
0x32: {  	s10 =	sld [smem:$0x3F9B];
	_ =	sdelay $0x3  }
0x33: {  	p0 =	seq.s32 s10, $0x1;
	s10 =	sld [smem:$0x3F9D];
	_ =	sdelay $0x3  }
0x34: {  	[smem:$0x3F9D] =	sst s10  }
0x35: {  	s10 =	sld [smem:$0x3F9C];
	_ =	sdelay $0x3  }
0x36: {  	p1 =	seq.s32 s10, $0x1;
	s10 =	sld [smem:$0x3F9D];
	_ =	sdelay $0x3  }
0x37: {  	[smem:$0x3F9D] =	sst s10  }
0x38: {  	s10 =	sld [smem:$0x3F9E]  }
0x39: {  	_ = 	snop;
	(pc) =	sbr.ind lr, $3  }
0x3a: {  	_ = 	snop  }
0x3b: {  	_ = 	snop  }
0x3c: {  	p2 =	seq.s32 s10, $0x1;
	s10 =	sld [smem:$0x3F9D]  }
0x3d: {  	_ =	shalt  }
0x3e: {  	_ =	shalt  }
0x3f: {  	_ =	shalt  }
0x40: {  	_ =	shalt  }
0x41: {  	_ =	shalt  }
0x42: {  	_ =	shalt  }
0x43: {  	_ =	shalt  }
0x44: {  	_ =	shalt  }
0x45: {  	_ =	shalt  }
0x46: {  	_ =	shalt  }
0x47: {  	_ =	shalt  }
0x48: {  	_ =	shalt  }
0x49: {  	_ =	shalt  }
0x4a: {  	_ =	shalt  }
0x4b: {  	_ =	shalt  }
0x4c: {  	_ =	shalt  }
0x4d: {  	_ =	shalt  }
0x4e: {  	_ =	shalt  }
0x4f: {  	_ =	shalt  }
0x50: {  	_ =	shalt  }
0x51: {  	_ =	shalt  }
0x52: {  	_ =	shalt  }
0x53: {  	_ =	shalt  }
0x54: {  	_ =	shalt  }
0x55: {  	_ =	shalt  }
0x56: {  	_ =	shalt  }
0x57: {  	_ =	shalt  }
0x58: {  	_ =	shalt  }
0x59: {  	_ =	shalt  }
0x5a: {  	_ =	shalt  }
0x5b: {  	_ =	shalt  }
0x5c: {  	_ =	shalt  }
0x5d: {  	_ =	shalt  }
0x5e: {  	_ =	shalt  }
0x5f: {  	_ =	shalt  }
0x60: {  	_ =	shalt  }
0x61: {  	_ =	shalt  }
0x62: {  	_ =	shalt  }
0x63: {  	_ =	shalt  }
0x64: {  	_ =	shalt  }
0x65: {  	_ =	shalt  }
0x66: {  	_ =	shalt  }
0x67: {  	_ =	shalt  }
0x68: {  	_ =	shalt  }
0x69: {  	_ =	shalt  }
0x6a: {  	_ =	shalt  }
0x6b: {  	_ =	shalt  }
0x6c: {  	_ =	shalt  }
0x6d: {  	_ =	shalt  }
0x6e: {  	_ =	shalt  }
0x6f: {  	_ =	shalt  }
0x70: {  	_ =	shalt  }
0x71: {  	_ =	shalt  }
0x72: {  	_ =	shalt  }
0x73: {  	_ =	shalt  }
0x74: {  	_ =	shalt  }
0x75: {  	_ =	shalt  }
0x76: {  	_ =	shalt  }
0x77: {  	_ =	shalt  }
0x78: {  	_ =	shalt  }
0x79: {  	_ =	shalt  }
0x7a: {  	_ =	shalt  }
0x7b: {  	_ =	shalt  }
0x7c: {  	_ =	shalt  }
0x7d: {  	_ =	shalt  }
0x7e: {  	_ =	shalt  }
0x7f: {  	_ =	shalt  }
0x80: {  	_ =	shalt  }
0x81: {  	_ =	shalt  }
0x82: {  	_ =	shalt  }
0x83: {  	_ =	shalt  }
0x84: {  	_ =	shalt  }
0x85: {  	_ =	shalt  }
0x86: {  	_ =	shalt  }
0x87: {  	_ =	shalt  }
.Lfunc_end0:
.L_simem_size_0:
called_computation.8_lowered:
.L_overlay_start_0:
0x88: {  	s2 =	sld [smem:$0x3FD9]  }
0x89: {  	s3 =	sld [smem:$0x3FFE];
	_ =	sdelay $0x1  }
0x8a: {  	s1 =	srdreg.scid  }
0x8b: {  	s0 =	sand.u32 $0x1, s1  }
0x8c: {  	s16 =	sshll.u32 s0, $0xA;
	s2 =	sadd.s32 s3, s2  }
0x8d: {  	s2 =	sadd.s32 s2, s16  }
0x8e: {  	[smem:$0x3FA9] =	sst s2  }
0x8f: {  	_ = 	snop  }
0x90: {  	(tm) =	ssettm $0x1  }
0x91: {  	s17 =	sld [smem:$0x3FFB];
	_ =	sdelay $0x3  }
0x92: {  	_ =	strace s17  }
0x93: {  	s2 =	sld [smem:$0x3FFC];
	_ =	sdelay $0x3  }
0x94: {  	_ =	strace s2  }
0x95: {  	s2 =	sld [smem:$0x3FFD];
	_ =	sdelay $0x3  }
0x96: {  	_ =	strace s2  }
0x97: {  	_ =	strace $0x8FFFFFFF  }
0x98: {  	s18 =	sld [smem:$0x3FDB];
	_ =	sdelay $0x1  }
0x99: {  	s19 =	simm.s32 $_scs_section_size  }
0x9a: {  	s4 =	simm.s32 $_size__tile_overlayer_lowered;
	s5 =	simm.s32 $_tile_overlayer_lowered  }
0x9b: {  	s22 =	simm.s32 $0x1BFF;
	s21 =	sshll.u32 s5, $0x1;
	s2 =	sadd.s32 s19, s18  }
0x9c: {  	s6 =	simm.s32 $0x0;
	s20 =	sshll.u32 s4, $0x1;
	s4 =	sadd.s32 s21, s2  }
0x9d: {  	[timem:s6], [sflag:s22] =	dma.local [hbm:s4], s20  }
0x9e: {  	_ =	swait.ge [sflag:s22], s20  }
0x9f: {  	s3 =	ssub.s32 $0x0, s20;
	[sflag:s22] =	ssyncset.done $0x0  }
0xa0: {  	[sflag:s22] =	ssyncadd.s32 s3;
	_ =	sdelay $0x1  }
0xa1: {  	s23 =	simm.s32 $0x1B8B  }
0xa2: {  	_ =	swait.ge [sflag:s23], $0x1  }
0xa3: {  	[sflag:s23] =	ssyncset.done $0x0  }
0xa4: {  	s25 =	simm.s32 $0x1B8E;
	s24 =	sld [smem:$0x3FFE];
	[sflag:s23] =	ssyncadd.s32 $0xFFFFFFFF  }
0xa5: {  	s26 =	simm.s32 $execute0_lowered;
	[smem:$0x3FD2] =	sst s25  }
0xa6: {  	s4 =	sshll.u32 s26, $0x1;
	_ =	strace $0x8000005E;
	[dreg:$0x1] =	wrdreg $0xFFFFFFFF  }
0xa7: {  	s28 =	simm.s32 $_size_execute0_lowered;
	s2 =	sadd.s32 s2, s4;
	[dreg:$0x0] =	wrdreg $0x0  }
0xa8: {  	s4 =	sshll.u32 s28, $0x1;
	[dreg:$0x2] =	wrdreg s2  }
0xa9: {  	[dreg:$0x3] =	wrdreg s4  }
0xaa: {  	[dreg:$0x4] =	wrdreg $0xC0  }
0xab: {  	_ =	task [dreg:s6], $0x5FFFF  }
0xac: {  	[dreg:$0x1] =	wrdreg $0xFFFFFFFF  }
0xad: {  	[dreg:$0x0] =	wrdreg $0x60  }
0xae: {  	[dreg:$0x2] =	wrdreg s24  }
0xaf: {  	[dreg:$0x3] =	wrdreg $0x9  }
0xb0: {  	_ =	task.clear_ibuf [dreg:s6], $0x4FFFF;
	_ =	strace $0x9000005E  }
0xb1: {  	s29 =	simm.s32 $0x9;
	_ =	strace $0x80000060  }
0xb2: {  	_ =	swait.ge [sflag:s29], $0x1  }
0xb3: {  	[sflag:s29] =	ssyncadd.s32 $0xFFFFFFFF  }
0xb4: {  	_ =	strace $0x90000060  }
0xb5: {  	_ =	sfence  }
0xb6: {  	s30 =	sld [smem:$0x0];
	_ =	sdelay $0x2  }
0xb7: {  	s31 =	sshll.u32 s1, $0xD;
	s1 =	sshrl.u32 s1, $0x2  }
0xb8: {  	s3 =	sand.u32 $0x4000, s31;
	s1 =	sadd.s32 s1, s30  }
0xb9: {  	s0 =	sor.u32 s3, s0;
	s1 =	sshll.u32 s1, $0x11  }
0xba: {  	s0 =	sor.u32 s1, s0  }
0xbb: {  	s0 =	sadd.s32 $0x8F2B, s0  }
0xbc: {  	[sflag:s0] =	ssyncadd.remote.s32 $0x1  }
0xbd: {  	_ =	sfence.sel $0xFFFF  }
0xbe: {  	[dreg:$0x0] =	wrdreg $0xFFFFFFFF;
	(pc) =	sbr.abs _section_cstart, $3  }
0xbf: {  	[dreg:$0x1] =	wrdreg $0xFFFFFFFF  }
0xc0: {  	_ =	task.clear_ibuf [dreg:s6], $0x2FFFF;
	_ =	strace $0x9FFFFFFF  }
0xc1: {  	(tm) =	ssettm $0x7FFFFFFF  }
tec
execute0_lowered:
.L_overlay_start_1:
0x0: {  	(tag) =	ssettag $0x1  }
0x1: {  	s1 =	srdreg.scid  }
0x2: {  	s0 =	stileid.u32;
	s4 =	rddreg [dreg:$0x0];
	s2 =	simm.s32 $0x0  }
0x3: {  	s11 =	simm.s32 $0xD000;
	s12 =	simm.s32 $0x11000;
	s13 =	simm.s32 $0x1  }
0x4: {  	s14 =	simm.s32 $0x0;
	s5 =	sand.u32 $0x1, s1;
	s1 =	rddreg [dreg:$0x1]  }
0x5: {  	s3 =	sshll.u32 s0, $0x1;
	[smem:$0x7FF] =	sst s2;
	s7 =	smul.u32 $0xA0000, s0  }
0x6: {  	s3 =	sor.u32 s5, s3;
	_ =	strace $0x8000005F;
	s10 =	smul.u32 $0x50000, s5  }
0x7: {  	s8 =	ssub.s32 $0x2, s5;
	s6 =	smul.u32 $0xA00, s3;
	s3 =	sadd.s32 $0x581400, s4  }
0x8: {  	s9 =	sshrl.u32 s8, $0x1;
	s30 =	sadd.s32 s7, s4;
	s7 =	simm.s32 $0x2  }
0x9: {  	s31 =	ssub.s32 s8, s9;
	s8 =	simm.s32 $0x80;
	s9 =	simm.s32 $0x5000  }
0xa: {  	s29 =	sadd.s32 s6, s4;
	s5 =	smax.u32 s31, $0x1;
	s6 =	sadd.s32 s10, s30  }
0xb: {  	s10 =	simm.s32 $0x9000;
	s4 =	sadd.s32 $0x1EA00, s29;
	s6 =	sadd.s32 $0xF78C00, s6  }
.LBB2_1:
0xc: {  	[tilespmem:s2], [sflag:$0x2] =	stream.linear.gather [hbm4b:s4+s2], $0x5000, $0x38;
	[tilespmem:$0x15000] =	vst v63  }
0xd: {  	_ =	swait.ge [sflag:s7], $0x5000  }
0xe: {  	[sflag:s7] =	ssyncset.done $0x0  }
0xf: {  	s15 =	simm.s32 $0x0;
	[sflag:s7] =	ssyncadd.s32 $0xFFFFB000  }
0x10: {  	[tilespmem:s9], [sflag:$0x1] =	stream.indirect.gather [hbm4b:s3+s8], $0x80, s15, s8, $0xb8;
	[tilespmem:$0x15000] =	vst v63  }
0x11: {  	s25 =	simm.s32 $0x80  }
0x12: {  	[tilespmem:s10], [sflag:$0x1] =	stream.indirect.gather [hbm4b:s3+s8], $0x80, s25, s8, $0xb8;
	[tilespmem:$0x15000] =	vst v63  }
0x13: {  	s26 =	simm.s32 $0x100  }
0x14: {  	[tilespmem:s11], [sflag:$0x1] =	stream.indirect.gather [hbm4b:s3+s8], $0x80, s26, s8, $0xb8;
	[tilespmem:$0x15000] =	vst v63  }
0x15: {  	s28 =	simm.s32 $0x180  }
0x16: {  	[tilespmem:s12], [sflag:$0x1] =	stream.indirect.gather [hbm4b:s3+s8], $0x80, s28, s8, $0xb8;
	[tilespmem:$0x15000] =	vst v63  }
0x17: {  	_ =	swait.ge [sflag:s13], $0x4000  }
0x18: {  	[sflag:s13] =	ssyncset.done $0x0  }
0x19: {  	s29 =	sadd.s32 $0xFFFFE800, s6;
	[sflag:s13] =	ssyncadd.s32 $0xFFFFC000  }
0x1a: {  	[hbm4b:s29+s2] =	stream.linear.scatter [tilespmem:s9], [sflag:$0x2], $0x4000, $0x38;
	[tilespmem:$0x15000] =	vst v63  }
0x1b: {  	_ =	swait.ge [sflag:s7], $0x4000  }
0x1c: {  	[sflag:s7] =	ssyncset.done $0x0  }
0x1d: {  	[sflag:s7] =	ssyncadd.s32 $0xFFFFC000  }
0x1e: {  	_ =	swait.ge [sflag:s13], $0x4000  }
0x1f: {  	[sflag:s13] =	ssyncset.done $0x0  }
0x20: {  	s30 =	sadd.s32 $0xFFFFF000, s6;
	[sflag:s13] =	ssyncadd.s32 $0xFFFFC000  }
0x21: {  	[hbm4b:s30+s2] =	stream.linear.scatter [tilespmem:s10], [sflag:$0x2], $0x4000, $0x38;
	[tilespmem:$0x15000] =	vst v63  }
0x22: {  	_ =	swait.ge [sflag:s7], $0x4000  }
0x23: {  	[sflag:s7] =	ssyncset.done $0x0  }
0x24: {  	[sflag:s7] =	ssyncadd.s32 $0xFFFFC000  }
0x25: {  	_ =	swait.ge [sflag:s13], $0x4000  }
0x26: {  	[sflag:s13] =	ssyncset.done $0x0  }
0x27: {  	s31 =	sadd.s32 $0xFFFFF800, s6;
	[sflag:s13] =	ssyncadd.s32 $0xFFFFC000  }
0x28: {  	[hbm4b:s31+s2] =	stream.linear.scatter [tilespmem:s11], [sflag:$0x2], $0x4000, $0x38;
	[tilespmem:$0x15000] =	vst v63  }
0x29: {  	_ =	swait.ge [sflag:s7], $0x4000  }
0x2a: {  	[sflag:s7] =	ssyncset.done $0x0  }
0x2b: {  	[sflag:s7] =	ssyncadd.s32 $0xFFFFC000  }
0x2c: {  	_ =	swait.ge [sflag:s13], $0x4000  }
0x2d: {  	[sflag:s13] =	ssyncset.done $0x0  }
0x2e: {  	[sflag:s13] =	ssyncadd.s32 $0xFFFFC000  }
0x2f: {  	[hbm4b:s6+s2] =	stream.linear.scatter [tilespmem:s12], [sflag:$0x2], $0x4000, $0x38;
	[tilespmem:$0x15000] =	vst v63  }
0x30: {  	s16 =	simm.s32 $0x800;
	_ =	swait.ge [sflag:s7], $0x4000  }
0x31: {  	s18 =	simm.s32 $0x1000;
	s15 =	sadd.s32 $0x2000, s6;
	[sflag:s7] =	ssyncset.done $0x0  }
.LBB2_2:
0x32: {  	s19 =	sshra.s32 s16, $0x2  }
0x33: {  	[sflag:s7] =	ssyncadd.s32 $0xFFFFC000;
	s16 =	smov.u32 s18;
	s17 =	sadd.s32 $0x800, s18  }
0x34: {  	[tilespmem:s9], [sflag:$0x1] =	stream.indirect.gather [hbm4b:s3+s8], $0x80, s19, s8, $0xb8;
	[tilespmem:$0x15000] =	vst v63  }
0x35: {  	p0 =	sne.s32 s18, $0x13800;
	s18 =	sadd.s32 $0x80, s19  }
0x36: {  	[tilespmem:s10], [sflag:$0x1] =	stream.indirect.gather [hbm4b:s3+s8], $0x80, s18, s8, $0xb8;
	[tilespmem:$0x15000] =	vst v63  }
0x37: {  	s18 =	sadd.s32 $0x100, s19  }
0x38: {  	[tilespmem:s11], [sflag:$0x1] =	stream.indirect.gather [hbm4b:s3+s8], $0x80, s18, s8, $0xb8;
	[tilespmem:$0x15000] =	vst v63  }
0x39: {  	s18 =	sadd.s32 $0x180, s19  }
0x3a: {  	[tilespmem:s12], [sflag:$0x1] =	stream.indirect.gather [hbm4b:s3+s8], $0x80, s18, s8, $0xb8;
	[tilespmem:$0x15000] =	vst v63  }
0x3b: {  	_ =	swait.ge [sflag:s13], $0x4000  }
0x3c: {  	[sflag:s13] =	ssyncset.done $0x0  }
0x3d: {  	s18 =	sadd.s32 $0xFFFFE800, s15;
	[sflag:s13] =	ssyncadd.s32 $0xFFFFC000  }
0x3e: {  	[hbm4b:s18+s2] =	stream.linear.scatter [tilespmem:s9], [sflag:$0x2], $0x4000, $0x38;
	[tilespmem:$0x15000] =	vst v63  }
0x3f: {  	_ =	swait.ge [sflag:s7], $0x4000  }
0x40: {  	[sflag:s7] =	ssyncset.done $0x0  }
0x41: {  	[sflag:s7] =	ssyncadd.s32 $0xFFFFC000  }
0x42: {  	_ =	swait.ge [sflag:s13], $0x4000  }
0x43: {  	[sflag:s13] =	ssyncset.done $0x0  }
0x44: {  	s18 =	sadd.s32 $0xFFFFF000, s15;
	[sflag:s13] =	ssyncadd.s32 $0xFFFFC000  }
0x45: {  	[hbm4b:s18+s2] =	stream.linear.scatter [tilespmem:s10], [sflag:$0x2], $0x4000, $0x38;
	[tilespmem:$0x15000] =	vst v63  }
0x46: {  	_ =	swait.ge [sflag:s7], $0x4000  }
0x47: {  	[sflag:s7] =	ssyncset.done $0x0  }
0x48: {  	[sflag:s7] =	ssyncadd.s32 $0xFFFFC000  }
0x49: {  	_ =	swait.ge [sflag:s13], $0x4000  }
0x4a: {  	[sflag:s13] =	ssyncset.done $0x0  }
0x4b: {  	s18 =	sadd.s32 $0xFFFFF800, s15;
	[sflag:s13] =	ssyncadd.s32 $0xFFFFC000  }
0x4c: {  	[hbm4b:s18+s2] =	stream.linear.scatter [tilespmem:s11], [sflag:$0x2], $0x4000, $0x38;
	[tilespmem:$0x15000] =	vst v63  }
0x4d: {  	_ =	swait.ge [sflag:s7], $0x4000  }
0x4e: {  	[sflag:s7] =	ssyncset.done $0x0  }
0x4f: {  	[sflag:s7] =	ssyncadd.s32 $0xFFFFC000  }
0x50: {  	_ =	swait.ge [sflag:s13], $0x4000  }
.Ltmp0:
0x51: {  	[sflag:s13] =	ssyncset.done $0x0;
	(pc) =	sbr.rel @p0 .LBB2_2-.Ltmp0, $4  }
0x52: {  	[sflag:s13] =	ssyncadd.s32 $0xFFFFC000  }
0x53: {  	[hbm4b:s15+s2] =	stream.linear.scatter [tilespmem:s12], [sflag:$0x2], $0x4000, $0x38;
	[tilespmem:$0x15000] =	vst v63  }
0x54: {  	_ =	swait.ge [sflag:s7], $0x4000  }
0x55: {  	s18 =	smov.u32 s17;
	s15 =	sadd.s32 $0x2000, s15;
	[sflag:s7] =	ssyncset.done $0x0  }
0x56: {  	s16 =	sshra.s32 s16, $0x2;
	[sflag:s7] =	ssyncadd.s32 $0xFFFFC000  }
0x57: {  	[tilespmem:s9], [sflag:$0x1] =	stream.indirect.gather [hbm4b:s3+s8], $0x80, s16, s8, $0xb8;
	[tilespmem:$0x15000] =	vst v63  }
0x58: {  	s17 =	sadd.s32 $0x80, s16  }
0x59: {  	[tilespmem:s10], [sflag:$0x1] =	stream.indirect.gather [hbm4b:s3+s8], $0x80, s17, s8, $0xb8;
	[tilespmem:$0x15000] =	vst v63  }
0x5a: {  	s28 =	sadd.s32 $0x100, s16  }
0x5b: {  	[tilespmem:s11], [sflag:$0x1] =	stream.indirect.gather [hbm4b:s3+s8], $0x80, s28, s8, $0xb8;
	[tilespmem:$0x15000] =	vst v63  }
0x5c: {  	s16 =	sadd.s32 $0x180, s16  }
0x5d: {  	[tilespmem:s12], [sflag:$0x1] =	stream.indirect.gather [hbm4b:s3+s8], $0x80, s16, s8, $0xb8;
	[tilespmem:$0x15000] =	vst v63  }
0x5e: {  	_ =	swait.ge [sflag:s13], $0x4000  }
0x5f: {  	[sflag:s13] =	ssyncset.done $0x0  }
0x60: {  	s29 =	sadd.s32 $0xFFFFE800, s15;
	[sflag:s13] =	ssyncadd.s32 $0xFFFFC000  }
0x61: {  	[hbm4b:s29+s2] =	stream.linear.scatter [tilespmem:s9], [sflag:$0x2], $0x4000, $0x38;
	[tilespmem:$0x15000] =	vst v63  }
0x62: {  	_ =	swait.ge [sflag:s7], $0x4000  }
0x63: {  	[sflag:s7] =	ssyncset.done $0x0  }
0x64: {  	[sflag:s7] =	ssyncadd.s32 $0xFFFFC000  }
0x65: {  	_ =	swait.ge [sflag:s13], $0x4000  }
0x66: {  	[sflag:s13] =	ssyncset.done $0x0  }
0x67: {  	s30 =	sadd.s32 $0xFFFFF000, s15;
	[sflag:s13] =	ssyncadd.s32 $0xFFFFC000  }
0x68: {  	[hbm4b:s30+s2] =	stream.linear.scatter [tilespmem:s10], [sflag:$0x2], $0x4000, $0x38;
	[tilespmem:$0x15000] =	vst v63  }
0x69: {  	_ =	swait.ge [sflag:s7], $0x4000  }
0x6a: {  	[sflag:s7] =	ssyncset.done $0x0  }
0x6b: {  	[sflag:s7] =	ssyncadd.s32 $0xFFFFC000  }
0x6c: {  	_ =	swait.ge [sflag:s13], $0x4000  }
0x6d: {  	[sflag:s13] =	ssyncset.done $0x0  }
0x6e: {  	s31 =	sadd.s32 $0xFFFFF800, s15;
	[sflag:s13] =	ssyncadd.s32 $0xFFFFC000  }
0x6f: {  	[hbm4b:s31+s2] =	stream.linear.scatter [tilespmem:s11], [sflag:$0x2], $0x4000, $0x38;
	[tilespmem:$0x15000] =	vst v63  }
0x70: {  	_ =	swait.ge [sflag:s7], $0x4000  }
0x71: {  	[sflag:s7] =	ssyncset.done $0x0  }
0x72: {  	[sflag:s7] =	ssyncadd.s32 $0xFFFFC000  }
0x73: {  	s14 =	sadd.s32 $0x1, s14;
	_ =	swait.ge [sflag:s13], $0x4000  }
0x74: {  	p0 =	sne.s32 s14, s5;
	[sflag:s13] =	ssyncset.done $0x0  }
.Ltmp1:
0x75: {  	[sflag:s13] =	ssyncadd.s32 $0xFFFFC000;
	(pc) =	sbr.rel @p0 .LBB2_1-.Ltmp1, $4  }
0x76: {  	[hbm4b:s15+s2] =	stream.linear.scatter [tilespmem:s12], [sflag:$0x2], $0x4000, $0x38;
	[tilespmem:$0x15000] =	vst v63  }
0x77: {  	_ =	swait.ge [sflag:s7], $0x4000  }
0x78: {  	[sflag:s7] =	ssyncset.done $0x0  }
0x79: {  	[sflag:s7] =	ssyncadd.s32 $0xFFFFC000  }
0x7a: {  	_ =	sfence.sel $0x180000  }
0x7b: {  	[bflag:$0x0] =	sbarrier.arrive $0xFFFF  }
0x7c: {  	p0 =	sne.s32 s0, $0x0;
	_ =	strace $0x9000005F  }
0x7d: {  	s0 =	sadd.s32 @!p0 $0x100000, s1;
	[bflag:$0x2] =	sbarrier.arrive $0xFFFF  }
0x7e: {  	[sflag:s0] =	ssyncadd.tile.s32 @!p0 $0x1;
	_ =	shalt  }
.Lfunc_end2:
_tile_overlayer_lowered:
.L_overlay_start_2:
0x7f: {  	(tag) =	ssettag $0x2  }
0x80: {  	s0 =	rddreg [dreg:$0x0];
	s2 =	stileid.u32  }
0x81: {  	s1 =	rddreg [dreg:$0x1];
	p0 =	sne.s32 s2, $0x0  }
0x82: {  	s3 =	rddreg [dreg:$0x2];
	[bflag:$0x3] =	sbarrier.arrive $0xFFFF;
	s2 =	simm.s32 @!p0 $0x1C02  }
0x83: {  	[timem:s3], [sflag:s2] =	dma.local @!p0 [hbm:s0], s1  }
0x84: {  	s0 =	simm.s32 @!p0 $0x2  }
0x85: {  	_ =	swait.ge @!p0 [sflag:s0], s1  }
0x86: {  	s1 =	ssub.s32 @!p0 $0x0, s1;
	[sflag:s0] =	ssyncset.done @!p0 $0x0  }
0x87: {  	[sflag:s0] =	ssyncadd.s32 @!p0 s1  }
0x88: {  	[bflag:$0x3] =	sbarrier.arrive $0xFFFF  }
0x89: {  	_ =	shalt  }

// kernel: kernel.52.cloned.1.call-start
scs
__scs_entry_jumppad:
0x0: {  	(pc) =	sbr.rel $0x88, $3  }
0x1: {  	(tag) =	ssettag $0x0;
	lr =	simm.s32 $0x1  }
0x2: {  	[smem:$0x3F82] =	sst lr;
	_ =	strace $0xD0000000  }
0x3: {  	_ = 	snop  }
0x4: {  	_ = 	snop  }
0x5: {  	_ = 	snop  }
0x6: {  	_ = 	snop  }
0x7: {  	_ = 	snop  }
__scs_overlays_trampoline_lowered:
0x8: {  	[smem:$0x3F91] =	sst s0  }
0x9: {  	[smem:$0x3F92] =	sst s1  }
0xa: {  	[smem:$0x3F93] =	sst s2  }
0xb: {  	[smem:$0x3F94] =	sst s3  }
0xc: {  	[smem:$0x3F95] =	sst s4  }
0xd: {  	[smem:$0x3F96] =	sst s5  }
0xe: {  	[smem:$0x3F97] =	sst s6  }
0xf: {  	[smem:$0x3F98] =	sst s7  }
0x10: {  	[smem:$0x3F99] =	sst s8  }
0x11: {  	[smem:$0x3F9A] =	sst s9;
	s0 =	simm.s32 @!p0 $0x0  }
0x12: {  	s1 =	sld [smem:$0x3F80];
	s0 =	simm.s32 @p0 $0x1  }
0x13: {  	[smem:$0x3F9B] =	sst s0;
	s0 =	simm.s32 @!p1 $0x0  }
0x14: {  	s2 =	sld [smem:$0x3F7F];
	s0 =	simm.s32 @p1 $0x1  }
0x15: {  	[smem:$0x3F9C] =	sst s0;
	s0 =	simm.s32 @!p2 $0x0  }
0x16: {  	s3 =	sld [smem:$0x3FDB];
	s0 =	simm.s32 @p2 $0x1  }
0x17: {  	s4 =	simm.s32 $0x1BF5;
	[smem:$0x3F9E] =	sst s0  }
0x18: {  	s0 =	sld [smem:$0x3F81];
	_ =	swait.ge [sflag:s4], $0x0  }
0x19: {  	s7 =	sld [smem:$0x3F82]  }
0x1a: {  	s8 =	sadd.s32 $0xFFFFE003, lr  }
0x1b: {  	s9 =	sadd.s32 $0xFFFFFEF7, lr;
	s5 =	simm.s32 $0xFFFFFFFF;
	p2 =	slt.u32 s8, $0xFFFFF086  }
0x1c: {  	p1 =	slt.u32 s9, $0xF7A;
	s5 =	simm.s32 @!p2 $0x0  }
0x1d: {  	s5 =	simm.s32 @p1 $0x1;
	p0 =	seq.s32 s7, s2  }
0x1e: {  	s7 =	smul.u32 @!p0 $0xF7A, s2;
	p2 =	seq.s32 @!p0 s5, $0x0  }
0x1f: {  	s9 =	smul.u32 $0xF7A, s1;
	s8 =	simm.s32 @!p0 $0x1BF5;
	p2 =	por !p2, p0  }
0x20: {  	[sflag:s8] =	ssyncset.s32 @!p0 $0xFFFFF086;
	s6 =	sadd.s32 @!p0 s3, s7;
	s7 =	simm.s32 @!p0 $0x108  }
0x21: {  	s3 =	sadd.s32 s3, s9;
	s6 =	sadd.s32 @!p0 $0x88, s6;
	s7 =	simm.s32 @p2 $0x1082  }
0x22: {  	[simem:s7], [sflag:s8] =	dma.local @!p0 [hbm:s6], $0xF7A  }
0x23: {  	s9 =	sor.u32 $0xD0000000, s2;
	s6 =	simm.s32 $0x108;
	_ =	swait.ge @!p0 [sflag:s8], $0x0  }
0x24: {  	s3 =	sadd.s32 $0x88, s3;
	s6 =	simm.s32 @!p1 $0x1082;
	[sflag:s4] =	ssyncset.s32 $0xFFFFF086  }
0x25: {  	[simem:s6], [sflag:s4] =	dma.local [hbm:s3], $0xF7A  }
0x26: {  	[smem:$0x3F82] =	sst s1;
	(tag) =	ssettag s2;
	_ =	strace s9  }
0x27: {  	s1 =	sld [smem:$0x3F92]  }
0x28: {  	s2 =	sld [smem:$0x3F93]  }
0x29: {  	s4 =	sld [smem:$0x3F95]  }
0x2a: {  	p0 =	seq.s32 s5, $0x0;
	s5 =	sld [smem:$0x3F96]  }
0x2b: {  	s6 =	sld [smem:$0x3F97]  }
0x2c: {  	s7 =	sld [smem:$0x3F98]  }
0x2d: {  	s3 =	simm.s32 $0x108;
	s8 =	sld [smem:$0x3F99]  }
0x2e: {  	s3 =	simm.s32 @!p0 $0x1082;
	s9 =	sld [smem:$0x3F9A]  }
0x2f: {  	lr =	sadd.s32 s0, s3;
	s0 =	sld [smem:$0x3F91]  }
0x30: {  	s3 =	sld [smem:$0x3F94]  }
0x31: {  	[smem:$0x3F9D] =	sst s10  }
0x32: {  	s10 =	sld [smem:$0x3F9B];
	_ =	sdelay $0x3  }
0x33: {  	p0 =	seq.s32 s10, $0x1;
	s10 =	sld [smem:$0x3F9D];
	_ =	sdelay $0x3  }
0x34: {  	[smem:$0x3F9D] =	sst s10  }
0x35: {  	s10 =	sld [smem:$0x3F9C];
	_ =	sdelay $0x3  }
0x36: {  	p1 =	seq.s32 s10, $0x1;
	s10 =	sld [smem:$0x3F9D];
	_ =	sdelay $0x3  }
0x37: {  	[smem:$0x3F9D] =	sst s10  }
0x38: {  	s10 =	sld [smem:$0x3F9E]  }
0x39: {  	_ = 	snop;
	(pc) =	sbr.ind lr, $3  }
0x3a: {  	_ = 	snop  }
0x3b: {  	_ = 	snop  }
0x3c: {  	p2 =	seq.s32 s10, $0x1;
	s10 =	sld [smem:$0x3F9D]  }
0x3d: {  	_ =	shalt  }
0x3e: {  	_ =	shalt  }
0x3f: {  	_ =	shalt  }
0x40: {  	_ =	shalt  }
0x41: {  	_ =	shalt  }
0x42: {  	_ =	shalt  }
0x43: {  	_ =	shalt  }
0x44: {  	_ =	shalt  }
0x45: {  	_ =	shalt  }
0x46: {  	_ =	shalt  }
0x47: {  	_ =	shalt  }
0x48: {  	_ =	shalt  }
0x49: {  	_ =	shalt  }
0x4a: {  	_ =	shalt  }
0x4b: {  	_ =	shalt  }
0x4c: {  	_ =	shalt  }
0x4d: {  	_ =	shalt  }
0x4e: {  	_ =	shalt  }
0x4f: {  	_ =	shalt  }
0x50: {  	_ =	shalt  }
0x51: {  	_ =	shalt  }
0x52: {  	_ =	shalt  }
0x53: {  	_ =	shalt  }
0x54: {  	_ =	shalt  }
0x55: {  	_ =	shalt  }
0x56: {  	_ =	shalt  }
0x57: {  	_ =	shalt  }
0x58: {  	_ =	shalt  }
0x59: {  	_ =	shalt  }
0x5a: {  	_ =	shalt  }
0x5b: {  	_ =	shalt  }
0x5c: {  	_ =	shalt  }
0x5d: {  	_ =	shalt  }
0x5e: {  	_ =	shalt  }
0x5f: {  	_ =	shalt  }
0x60: {  	_ =	shalt  }
0x61: {  	_ =	shalt  }
0x62: {  	_ =	shalt  }
0x63: {  	_ =	shalt  }
0x64: {  	_ =	shalt  }
0x65: {  	_ =	shalt  }
0x66: {  	_ =	shalt  }
0x67: {  	_ =	shalt  }
0x68: {  	_ =	shalt  }
0x69: {  	_ =	shalt  }
0x6a: {  	_ =	shalt  }
0x6b: {  	_ =	shalt  }
0x6c: {  	_ =	shalt  }
0x6d: {  	_ =	shalt  }
0x6e: {  	_ =	shalt  }
0x6f: {  	_ =	shalt  }
0x70: {  	_ =	shalt  }
0x71: {  	_ =	shalt  }
0x72: {  	_ =	shalt  }
0x73: {  	_ =	shalt  }
0x74: {  	_ =	shalt  }
0x75: {  	_ =	shalt  }
0x76: {  	_ =	shalt  }
0x77: {  	_ =	shalt  }
0x78: {  	_ =	shalt  }
0x79: {  	_ =	shalt  }
0x7a: {  	_ =	shalt  }
0x7b: {  	_ =	shalt  }
0x7c: {  	_ =	shalt  }
0x7d: {  	_ =	shalt  }
0x7e: {  	_ =	shalt  }
0x7f: {  	_ =	shalt  }
0x80: {  	_ =	shalt  }
0x81: {  	_ =	shalt  }
0x82: {  	_ =	shalt  }
0x83: {  	_ =	shalt  }
0x84: {  	_ =	shalt  }
0x85: {  	_ =	shalt  }
0x86: {  	_ =	shalt  }
0x87: {  	_ =	shalt  }
.Lfunc_end0:
.L_simem_size_0:
called_computation.9_lowered:
.L_overlay_start_0:
0x88: {  	s2 =	sld [smem:$0x3FD9]  }
0x89: {  	s3 =	sld [smem:$0x3FFE];
	_ =	sdelay $0x1  }
0x8a: {  	s1 =	srdreg.scid  }
0x8b: {  	s0 =	sand.u32 $0x1, s1  }
0x8c: {  	s16 =	sshll.u32 s0, $0xA;
	s2 =	sadd.s32 s3, s2  }
0x8d: {  	s2 =	sadd.s32 s2, s16  }
0x8e: {  	[smem:$0x3FA9] =	sst s2  }
0x8f: {  	_ = 	snop  }
0x90: {  	(tm) =	ssettm $0x1  }
0x91: {  	s17 =	sld [smem:$0x3FFB];
	_ =	sdelay $0x3  }
0x92: {  	_ =	strace s17  }
0x93: {  	s2 =	sld [smem:$0x3FFC];
	_ =	sdelay $0x3  }
0x94: {  	_ =	strace s2  }
0x95: {  	s2 =	sld [smem:$0x3FFD];
	_ =	sdelay $0x3  }
0x96: {  	_ =	strace s2  }
0x97: {  	_ =	strace $0x8FFFFFFF  }
0x98: {  	s18 =	sld [smem:$0x3FDB];
	_ =	sdelay $0x1  }
0x99: {  	s19 =	simm.s32 $_scs_section_size  }
0x9a: {  	s4 =	simm.s32 $_size__tile_overlayer_lowered;
	s5 =	simm.s32 $_tile_overlayer_lowered  }
0x9b: {  	s22 =	simm.s32 $0x1BFF;
	s21 =	sshll.u32 s5, $0x1;
	s2 =	sadd.s32 s19, s18  }
0x9c: {  	s6 =	simm.s32 $0x0;
	s20 =	sshll.u32 s4, $0x1;
	s4 =	sadd.s32 s21, s2  }
0x9d: {  	[timem:s6], [sflag:s22] =	dma.local [hbm:s4], s20  }
0x9e: {  	_ =	swait.ge [sflag:s22], s20  }
0x9f: {  	s3 =	ssub.s32 $0x0, s20;
	[sflag:s22] =	ssyncset.done $0x0  }
0xa0: {  	[sflag:s22] =	ssyncadd.s32 s3;
	_ =	sdelay $0x1  }
0xa1: {  	s23 =	simm.s32 $0x1B8B  }
0xa2: {  	_ =	swait.ge [sflag:s23], $0x1  }
0xa3: {  	[sflag:s23] =	ssyncset.done $0x0  }
0xa4: {  	s25 =	simm.s32 $0x1B8E;
	s24 =	sld [smem:$0x3FFE];
	[sflag:s23] =	ssyncadd.s32 $0xFFFFFFFF  }
0xa5: {  	s26 =	simm.s32 $execute0_lowered;
	[smem:$0x3FD2] =	sst s25  }
0xa6: {  	s4 =	sshll.u32 s26, $0x1;
	_ =	strace $0x80000061;
	[dreg:$0x1] =	wrdreg $0xFFFFFFFF  }
0xa7: {  	s28 =	simm.s32 $_size_execute0_lowered;
	s2 =	sadd.s32 s2, s4;
	[dreg:$0x0] =	wrdreg $0x0  }
0xa8: {  	s4 =	sshll.u32 s28, $0x1;
	[dreg:$0x2] =	wrdreg s2  }
0xa9: {  	[dreg:$0x3] =	wrdreg s4  }
0xaa: {  	[dreg:$0x4] =	wrdreg $0xC0  }
0xab: {  	_ =	task [dreg:s6], $0x5FFFF  }
0xac: {  	[dreg:$0x1] =	wrdreg $0xFFFFFFFF  }
0xad: {  	[dreg:$0x0] =	wrdreg $0x60  }
0xae: {  	[dreg:$0x2] =	wrdreg s24  }
0xaf: {  	[dreg:$0x3] =	wrdreg $0x68000  }
0xb0: {  	[dreg:$0x4] =	wrdreg $0x9  }
0xb1: {  	_ =	task.clear_ibuf [dreg:s6], $0x5FFFF;
	_ =	strace $0x90000061  }
0xb2: {  	s29 =	simm.s32 $0x9;
	_ =	strace $0x80000063  }
0xb3: {  	_ =	swait.ge [sflag:s29], $0x1  }
0xb4: {  	[sflag:s29] =	ssyncadd.s32 $0xFFFFFFFF  }
0xb5: {  	_ =	strace $0x90000063  }
0xb6: {  	_ =	sfence  }
0xb7: {  	s30 =	sld [smem:$0x0];
	_ =	sdelay $0x2  }
0xb8: {  	s31 =	sshll.u32 s1, $0xD;
	s1 =	sshrl.u32 s1, $0x2  }
0xb9: {  	s3 =	sand.u32 $0x4000, s31;
	s1 =	sadd.s32 s1, s30  }
0xba: {  	s0 =	sor.u32 s3, s0;
	s1 =	sshll.u32 s1, $0x11  }
0xbb: {  	s0 =	sor.u32 s1, s0  }
0xbc: {  	s0 =	sadd.s32 $0x8F2B, s0  }
0xbd: {  	[sflag:s0] =	ssyncadd.remote.s32 $0x1  }
0xbe: {  	_ =	sfence.sel $0xFFFF  }
0xbf: {  	[dreg:$0x0] =	wrdreg $0xFFFFFFFF;
	(pc) =	sbr.abs _section_cstart, $3  }
0xc0: {  	[dreg:$0x1] =	wrdreg $0xFFFFFFFF  }
0xc1: {  	_ =	task.clear_ibuf [dreg:s6], $0x2FFFF;
	_ =	strace $0x9FFFFFFF  }
0xc2: {  	(tm) =	ssettm $0x7FFFFFFF  }
0xc3: {  	_ =	shalt  }
tec
execute0_lowered:
.L_overlay_start_1:
0x0: {  	(tag) =	ssettag $0x1  }
0x1: {  	s0 =	stileid.u32  }
0x2: {  	s1 =	srdreg.scid;
	s4 =	rddreg [dreg:$0x0]  }
0x3: {  	s2 =	rddreg [dreg:$0x1];
	s3 =	simm.s32 $0x0;
	s13 =	simm.s32 $0x80  }
0x4: {  	s14 =	simm.s32 $0x0;
	s5 =	sand.u32 $0x1, s1;
	s6 =	smul.u32 $0x50000, s0  }
0x5: {  	s24 =	sshll.u32 s0, $0x1;
	s1 =	rddreg [dreg:$0x2];
	s8 =	smul.u32 $0x13C00, s0  }
0x6: {  	[smem:$0x7FF] =	sst s3;
	s11 =	smul.u32 $0x4F000, s0;
	s29 =	sshll.u32 s0, $0x6  }
0x7: {  	s7 =	sor.u32 s5, s24;
	_ =	strace $0x80000062;
	s9 =	smul.u32 $0x13C000, s5  }
0x8: {  	s28 =	ssub.s32 $0x2, s5;
	s30 =	smul.u32 $0x28000, s5;
	s5 =	sor.u32 $0x1C01, s29  }
0x9: {  	s7 =	smul.u32 $0x500, s7;
	s10 =	sadd.s32 s6, s4;
	s26 =	sshrl.u32 s8, $0x3  }
0xa: {  	s12 =	sshrl.u32 s28, $0x1;
	s11 =	sshrl.u32 s11, $0x2;
	s8 =	sadd.s32 s8, s9  }
0xb: {  	s9 =	ssub.s32 s28, s12;
	s11 =	sadd.s32 s11, s2;
	s31 =	sadd.s32 s30, s10  }
0xc: {  	s12 =	simm.s32 $0x2800;
	s25 =	sadd.s32 s7, s4;
	s7 =	sadd.s32 s26, s4  }
0xd: {  	s8 =	sshrl.u32 s8, $0x3;
	s10 =	sshrl.u32 s11, $0x3;
	s11 =	simm.s32 $0x1  }
0xe: {  	s8 =	sadd.s32 s8, s4;
	s4 =	sadd.s32 $0x559C00, s7;
	s6 =	sadd.s32 $0xF6D400, s25  }
0xf: {  	s7 =	sadd.s32 $0x1E800, s8;
	s8 =	smax.u32 s9, $0x1;
	s9 =	sadd.s32 $0xF77400, s31  }
.LBB2_1:
0x10: {  	[spmem:s10], [sflag:s5] =	dma.local [hbm:s4], $0x2780  }
0x11: {  	_ =	swait.ge [sflag:s11], $0x2780  }
0x12: {  	[sflag:s11] =	ssyncset.done $0x0  }
0x13: {  	[sflag:s11] =	ssyncadd.s32 $0xFFFFD880  }
0x14: {  	[tilespmem:s3], [sflag:$0x1] =	stream.linear.gather [hbm4b:s6+s3], $0x2800, $0x38;
	[tilespmem:$0x1A400] =	vst v63  }
0x15: {  	_ =	swait.ge [sflag:s11], $0x2800  }
0x16: {  	[sflag:s11] =	ssyncset.done $0x0  }
0x17: {  	[sflag:s11] =	ssyncadd.s32 $0xFFFFD800  }
0x18: {  	[bflag:$0x0] =	sbarrier.arrive $0xFFFF  }
0x19: {  	[tilespmem:s12], [sflag:$0x1] =	stream.linear.gather [hbm4b:s9+s3], $0x4000, $0x38;
	[tilespmem:$0x1A400] =	vst v63  }
0x1a: {  	_ =	swait.ge [sflag:s11], $0x4000  }
0x1b: {  	[sflag:s11] =	ssyncset.done $0x0  }
0x1c: {  	s15 =	simm.s32 $0x0;
	[sflag:s11] =	ssyncadd.s32 $0xFFFFC000  }
0x1d: {  	[spmem:s2] =	stream.indirect.scatter.add.f32 [tilespmem:s12], [sflag:$0x1], $0x80, s15, s13, $0xb8;
	[tilespmem:$0x1A400] =	vst v63  }
0x1e: {  	_ =	swait.ge [sflag:s11], $0x4000  }
0x1f: {  	s16 =	smov.u32 s9;
	s15 =	simm.s32 $0x200;
	[sflag:s11] =	ssyncset.done $0x0  }
.LBB2_2:
0x20: {  	p0 =	sne.s32 s15, $0x9E00;
	[sflag:s11] =	ssyncadd.s32 $0xFFFFC000;
	s16 =	sadd.s32 $0x800, s16  }
0x21: {  	[tilespmem:s12], [sflag:$0x1] =	stream.linear.gather [hbm4b:s16+s3], $0x4000, $0x38;
	[tilespmem:$0x1A400] =	vst v63  }
0x22: {  	s17 =	smov.u32 s15;
	s15 =	sadd.s32 $0x200, s15;
	_ =	swait.ge [sflag:s11], $0x4000  }
.Ltmp0:
0x23: {  	[sflag:s11] =	ssyncset.done $0x0;
	(pc) =	sbr.rel @p0 .LBB2_2-.Ltmp0, $4  }
0x24: {  	s17 =	sshra.s32 s17, $0x2;
	[sflag:s11] =	ssyncadd.s32 $0xFFFFC000  }
0x25: {  	[spmem:s2] =	stream.indirect.scatter.add.f32 [tilespmem:s12], [sflag:$0x1], $0x80, s17, s13, $0xb8;
	[tilespmem:$0x1A400] =	vst v63  }
0x26: {  	_ =	swait.ge [sflag:s11], $0x4000  }
0x27: {  	[sflag:s11] =	ssyncset.done $0x0  }
0x28: {  	s14 =	sadd.s32 $0x1, s14  }
0x29: {  	[sflag:s11] =	ssyncadd.s32 $0xFFFFC000;
	p0 =	sne.s32 s14, s8  }
.Ltmp1:
0x2a: {  	[bflag:$0x0] =	sbarrier.arrive $0xFFFF;
	(pc) =	sbr.rel @p0 .LBB2_1-.Ltmp1, $4  }
0x2b: {  	[hbm:s7], [sflag:s5] =	dma.local [spmem:s10], $0x2780  }
0x2c: {  	_ =	swait.ge [sflag:s11], $0x2780  }
0x2d: {  	[sflag:s11] =	ssyncset.done $0x0  }
0x2e: {  	[sflag:s11] =	ssyncadd.s32 $0xFFFFD880  }
0x2f: {  	_ =	sfence.sel $0x180000  }
0x30: {  	[bflag:$0x0] =	sbarrier.arrive $0xFFFF  }
0x31: {  	p0 =	sne.s32 s0, $0x0;
	_ =	strace $0x90000062  }
0x32: {  	s0 =	sadd.s32 @!p0 $0x100000, s1;
	[bflag:$0x2] =	sbarrier.arrive $0xFFFF  }
0x33: {  	[sflag:s0] =	ssyncadd.tile.s32 @!p0 $0x1;
	_ =	shalt  }
.Lfunc_end2:
_tile_overlayer_lowered:
.L_overlay_start_2:
0x34: {  	(tag) =	ssettag $0x2  }
0x35: {  	s0 =	rddreg [dreg:$0x0];
	s2 =	stileid.u32  }
0x36: {  	s1 =	rddreg [dreg:$0x1];
	p0 =	sne.s32 s2, $0x0  }
0x37: {  	s3 =	rddreg [dreg:$0x2];
	[bflag:$0x3] =	sbarrier.arrive $0xFFFF;
	s2 =	simm.s32 @!p0 $0x1C01  }
0x38: {  	[timem:s3], [sflag:s2] =	dma.local @!p0 [hbm:s0], s1  }
0x39: {  	s0 =	simm.s32 @!p0 $0x1  }
0x3a: {  	_ =	swait.ge @!p0 [sflag:s0], s1  }
0x3b: {  	s1 =	ssub.s32 @!p0 $0x0, s1;
	[sflag:s0] =	ssyncset.done @!p0 $0x0  }
0x3c: {  	[sflag:s0] =	ssyncadd.s32 @!p0 s1  }
0x3d: {  	[bflag:$0x3] =	sbarrier.arrive $0xFFFF  }
0x3e: {  	_ =	shalt  }

</sc_bundles>
